<compile_context>
chip_gen: v7x
topology: tpu7x:2x2x1
jax: 0.10.2.dev20260603
libtpu: 0.0.44.dev20260713+nightly
codegen_flags: <defaults>
</compile_context>

<pallas_src>
import functools

import jax
import jax.numpy as jnp
from jax import lax
from jax.experimental import pallas as pl
from jax.experimental.pallas import tpu as pltpu
from jax.experimental.pallas import tpu_sc as plsc

B = 16384
NNZ = 65536
SEMD = 32
HID = 128
OUT = 2
NC = 2
NS = 16
CH = 128
ENT_PER_TILE = NNZ // NS
NCH = ENT_PER_TILE // CH
RPT = B // NS
CAT_CH = B // NS // CH

_sc_mesh = plsc.VectorSubcoreMesh(core_axis_name="c", subcore_axis_name="s")


@functools.partial(
    pl.kernel,
    out_type=(
        jax.ShapeDtypeStruct((NC, B, SEMD), jnp.float32),
        jax.ShapeDtypeStruct((NC, B, SEMD), jnp.float32),
    ),
    mesh=_sc_mesh,
    compiler_params=pltpu.CompilerParams(use_tc_tiling_on_sc=False),
    scratch_types=[
        pltpu.VMEM((NCH, CH), jnp.int32),
        pltpu.VMEM((NCH, CH), jnp.int32),
        pltpu.VMEM((NCH, CH), jnp.float32),
        pltpu.VMEM((CH, SEMD), jnp.float32),
        pltpu.VMEM((CAT_CH, CH), jnp.int32),
        pltpu.VMEM((CH, SEMD), jnp.float32),
        pltpu.VMEM_SHARED((B, SEMD), jnp.float32),
        pltpu.SemaphoreType.DMA,
    ],
)
def _sc_embed(hv_col, hv_row, hv_val, hv_top, cat_ixs, cat_table, hvec_table,
              hv_embed, cat_embed,
              col_v, row_v, val_v, rows_v, cidx_v, crows_v, acc, sem):
    c = lax.axis_index("c")
    s = lax.axis_index("s")

    pltpu.sync_copy(hv_top.at[c, pl.ds(s * RPT, RPT)], acc.at[pl.ds(s * RPT, RPT)])
    pltpu.sync_copy(hv_col.at[c, s], col_v)
    pltpu.sync_copy(hv_row.at[c, s], row_v)
    pltpu.sync_copy(hv_val.at[c, s], val_v)
    plsc.subcore_barrier()

    def chunk_body(j, carry):
        pltpu.async_copy(hvec_table.at[col_v.at[j]], rows_v, sem).wait()
        for g in range(CH // 16):
            vv = val_v[j, pl.ds(g * 16, 16)]
            for t in range(16):
                e = g * 16 + t
                rows_v[e, pl.ds(0, 16)] = rows_v[e, pl.ds(0, 16)] * vv[t]
                rows_v[e, pl.ds(16, 16)] = rows_v[e, pl.ds(16, 16)] * vv[t]
        pltpu.sync_copy(rows_v, acc.at[row_v.at[j]], add=True)
        return carry

    lax.fori_loop(0, NCH, chunk_body, 0)

    pltpu.sync_copy(cat_ixs.at[c, s], cidx_v)

    def cat_body(q, carry):
        pltpu.async_copy(cat_table.at[cidx_v.at[q]], crows_v, sem).wait()
        pltpu.sync_copy(crows_v, cat_embed.at[c, pl.ds(s * RPT + q * CH, CH)])
        return carry

    lax.fori_loop(0, CAT_CH, cat_body, 0)

    plsc.subcore_barrier()
    pltpu.sync_copy(acc.at[pl.ds(s * RPT, RPT)], hv_embed.at[c, pl.ds(s * RPT, RPT)])


def _mlp_body(cb, ca, hb, ha, wd, sq, co, w1a, w1b, w1c, w1d, w1s, b1, w2, b2,
              out):
    hp = lax.Precision.HIGHEST
    x = jnp.dot(cb[...], w1a[...], precision=hp, preferred_element_type=jnp.float32)
    x = x + jnp.dot(ca[...], w1b[...], precision=hp, preferred_element_type=jnp.float32)
    x = x + jnp.dot(hb[...], w1c[...], precision=hp, preferred_element_type=jnp.float32)
    x = x + jnp.dot(ha[...], w1d[...], precision=hp, preferred_element_type=jnp.float32)
    w1s_ = w1s[...]
    x = x + wd[...] * w1s_[0:1, :] + sq[...] * w1s_[1:2, :] + co[...] * w1s_[2:3, :]
    x = x + b1[...]
    h = jnp.maximum(x, 0.0)
    z = jnp.dot(h, w2[...], precision=hp, preferred_element_type=jnp.float32) + b2[...]
    m = jnp.max(z, axis=1, keepdims=True)
    lse = m + jnp.log(jnp.sum(jnp.exp(z - m), axis=1, keepdims=True))
    out[...] = z - lse


def _mlp(cb, ca, hb, ha, wd, sq, co, w1a, w1b, w1c, w1d, w1s, b1, w2, b2):
    BLK = 2048
    row_block = lambda i: (i, 0)
    rep = lambda i: (0, 0)
    return pl.pallas_call(
        _mlp_body,
        grid=(B // BLK,),
        in_specs=[
            pl.BlockSpec((BLK, SEMD), row_block),
            pl.BlockSpec((BLK, SEMD), row_block),
            pl.BlockSpec((BLK, SEMD), row_block),
            pl.BlockSpec((BLK, SEMD), row_block),
            pl.BlockSpec((BLK, 1), row_block),
            pl.BlockSpec((BLK, 1), row_block),
            pl.BlockSpec((BLK, 1), row_block),
            pl.BlockSpec((SEMD, HID), rep),
            pl.BlockSpec((SEMD, HID), rep),
            pl.BlockSpec((SEMD, HID), rep),
            pl.BlockSpec((SEMD, HID), rep),
            pl.BlockSpec((3, HID), rep),
            pl.BlockSpec((1, HID), rep),
            pl.BlockSpec((HID, OUT), rep),
            pl.BlockSpec((1, OUT), rep),
        ],
        out_specs=pl.BlockSpec((BLK, OUT), row_block),
        out_shape=jax.ShapeDtypeStruct((B, OUT), jnp.float32),
    )(cb, ca, hb, ha, wd, sq, co, w1a, w1b, w1c, w1d, w1s, b1, w2, b2)


def kernel(cat_base_ixs, cat_ante_ixs, hvb_row, hvb_col, hvb_val, hva_row,
           hva_col, hva_val, hvb_top, hva_top, worddists, sqworddists,
           corefons, cat_table, hvec_table, W1, b1, W2, b2):
    hv_col = jnp.stack([hvb_col, hva_col]).astype(jnp.int32).reshape(NC, NS, NCH, CH)
    hv_row = jnp.stack([hvb_row, hva_row]).astype(jnp.int32).reshape(NC, NS, NCH, CH)
    hv_val = jnp.stack([hvb_val, hva_val]).reshape(NC, NS, NCH, CH)
    hv_top = jnp.stack([hvb_top, hva_top])
    cat_ixs = jnp.stack([cat_base_ixs, cat_ante_ixs]).astype(jnp.int32)
    cat_ixs = cat_ixs.reshape(NC, NS, CAT_CH, CH)

    hv_embed, cat_embed = _sc_embed(hv_col, hv_row, hv_val, hv_top, cat_ixs,
                                    cat_table, hvec_table)

    return _mlp(cat_embed[0], cat_embed[1], hv_embed[0], hv_embed[1],
                worddists.reshape(B, 1), sqworddists.reshape(B, 1),
                corefons.reshape(B, 1),
                W1[0:SEMD], W1[SEMD:2 * SEMD], W1[2 * SEMD:3 * SEMD],
                W1[3 * SEMD:4 * SEMD], W1[4 * SEMD:],
                b1.reshape(1, HID), W2, b2.reshape(1, OUT))

# --- scband reference (transcript-rebuilt; emitter-appended) ---
"""Pipeline reference for scband-nmodel-72962904424733 (READ-ONLY COPY).

The authoritative reference and input builder live on the scoring server;
editing this copy changes nothing except your own understanding.
"""

import jax, jax.numpy as jnp
import numpy as np

B = 16384; NNZ = 65536; CATV = 1000; HV = 100000; SYN = 32; SEM = 32; HID = 128; OUT = 2

def setup_inputs(seed: int = 0) -> dict:
    key = jax.random.key(seed)
    ks = jax.random.split(key, 20)
    inp = {}
    inp["cat_base_ixs"] = jax.random.randint(ks[0], (B,), 0, CATV)
    inp["cat_ante_ixs"] = jax.random.randint(ks[1], (B,), 0, CATV)
    inp["hvb_row"] = jnp.sort(jax.random.randint(ks[2], (NNZ,), 0, B))
    inp["hvb_col"] = jax.random.randint(ks[3], (NNZ,), 0, HV)
    inp["hvb_val"] = jax.random.uniform(ks[4], (NNZ,), dtype=jnp.float32)
    inp["hva_row"] = jnp.sort(jax.random.randint(ks[5], (NNZ,), 0, B))
    inp["hva_col"] = jax.random.randint(ks[6], (NNZ,), 0, HV)
    inp["hva_val"] = jax.random.uniform(ks[7], (NNZ,), dtype=jnp.float32)
    inp["hvb_top"] = jax.random.normal(ks[8], (B, SEM), dtype=jnp.float32)
    inp["hva_top"] = jax.random.normal(ks[9], (B, SEM), dtype=jnp.float32)
    inp["worddists"] = jax.random.uniform(ks[10], (B,), dtype=jnp.float32)
    inp["sqworddists"] = jax.random.uniform(ks[11], (B,), dtype=jnp.float32)
    inp["corefons"] = jax.random.uniform(ks[12], (B,), dtype=jnp.float32)
    inp["cat_table"] = jax.random.normal(ks[13], (CATV, SYN), dtype=jnp.float32) * 0.02
    inp["hvec_table"] = jax.random.normal(ks[14], (HV, SEM), dtype=jnp.float32) * 0.02
    inp["W1"] = jax.random.normal(ks[15], (2 * SYN + 2 * SEM + 3, HID), dtype=jnp.float32) * 0.05
    inp["b1"] = jnp.zeros((HID,), dtype=jnp.float32)
    inp["W2"] = jax.random.normal(ks[16], (HID, OUT), dtype=jnp.float32) * 0.05
    inp["b2"] = jnp.zeros((OUT,), dtype=jnp.float32)
    return inp

def reference(cat_base_ixs, cat_ante_ixs, hvb_row, hvb_col, hvb_val, hva_row, hva_col, hva_val, hvb_top, hva_top, worddists, sqworddists, corefons, cat_table, hvec_table, W1, b1, W2, b2):
    # Embedding lookups (nn.Embedding -> table gather)
    cat_base_embed = jnp.take(cat_table, cat_base_ixs, axis=0)
    cat_ante_embed = jnp.take(cat_table, cat_ante_ixs, axis=0)
    # torch.sparse.mm(hv_mat, hvec_embeds.weight) with hv_mat in COO form:
    # gather rows of hvec_table by col index, scale by val, scatter-add by row index.
    hvb_gather = jnp.take(hvec_table, hvb_col, axis=0) * hvb_val[:, None]
    hvb_embed = jax.ops.segment_sum(hvb_gather, hvb_row, num_segments=cat_base_ixs.shape[0]) + hvb_top
    hva_gather = jnp.take(hvec_table, hva_col, axis=0) * hva_val[:, None]
    hva_embed = jax.ops.segment_sum(hva_gather, hva_row, num_segments=cat_base_ixs.shape[0]) + hva_top
    x = jnp.concatenate([cat_base_embed, cat_ante_embed, hvb_embed, hva_embed, worddists[:, None], sqworddists[:, None], corefons[:, None]], axis=1)
    x = x @ W1 + b1
    # dropout_prob = 0.0 -> identity in eval; relu then fc2
    x = jax.nn.relu(x)
    x = x @ W2 + b2
    return jax.nn.log_softmax(x, axis=1)

if __name__ == "__main__":
    import jax
    _d = setup_inputs()
    print(jax.jit(kernel)(*tuple(_d.values())))

</pallas_src>

<mosaic_0001>
#map = affine_map<(d0, d1) -> (0, 0, 0, 0)>
#map1 = affine_map<(d0, d1) -> (0, 0, 0)>
#map2 = affine_map<(d0, d1) -> (0, 0)>
module attributes {stable_mosaic.version = 14 : i64} {
  func.func @_sc_embed(%arg0: i32, %arg1: i32, %arg2: memref<2x16x32x128xi32, #tpu.memory_space<hbm>>, %arg3: memref<2x16x32x128xi32, #tpu.memory_space<hbm>>, %arg4: memref<2x16x32x128xf32, #tpu.memory_space<hbm>>, %arg5: memref<2x16384x32xf32, #tpu.memory_space<hbm>>, %arg6: memref<2x16x8x128xi32, #tpu.memory_space<hbm>>, %arg7: memref<1000x32xf32, #tpu.memory_space<hbm>>, %arg8: memref<100000x32xf32, #tpu.memory_space<hbm>>, %arg9: memref<2x16384x32xf32, #tpu.memory_space<hbm>>, %arg10: memref<2x16384x32xf32, #tpu.memory_space<hbm>>, %arg11: memref<32x128xi32, #tpu.memory_space<vmem>>, %arg12: memref<32x128xi32, #tpu.memory_space<vmem>>, %arg13: memref<32x128xf32, #tpu.memory_space<vmem>>, %arg14: memref<128x32xf32, #tpu.memory_space<vmem>>, %arg15: memref<8x128xi32, #tpu.memory_space<vmem>>, %arg16: memref<128x32xf32, #tpu.memory_space<vmem>>, %arg17: memref<16384x32xf32, #tpu.memory_space<vmem_shared>>, %arg18: memref<!tpu.dma_semaphore, #tpu.memory_space<semaphore_mem>>) attributes {dimension_semantics = [#tpu.dimension_semantics<core_parallel>, #tpu.dimension_semantics<subcore_parallel>], iteration_bounds = array<i64: 2, 16>, scalar_prefetch = 0 : i64, scratch_operands = 8 : i64, tpu.core_type = #tpu.core_type<sc_vector_subcore>, window_params = [{transform_indices = #map}, {transform_indices = #map}, {transform_indices = #map}, {transform_indices = #map1}, {transform_indices = #map}, {transform_indices = #map2}, {transform_indices = #map2}, {transform_indices = #map1}, {transform_indices = #map1}]} {
    %mul3A = arith.constant 1024 : i32
    %mul3A_0 = arith.muli %arg1, %mul3A : i32
    %mul3A_1 = arith.constant 1024 : i32
    %mul3A_2 = arith.muli %arg1, %mul3A_1 : i32
    "tpu.region"() ({
      %run_scoped3A = tpu.sem_alloc : memref<!tpu.dma_semaphore, #tpu.memory_space<semaphore_mem>>
      %dma_start3A = arith.constant 0 : i32
      %dma_start3A_19 = tpu.memref_slice %arg17[%mul3A_2, %dma_start3A] : memref<16384x32xf32, #tpu.memory_space<vmem_shared>> -> memref<1024x32xf32, #tpu.memory_space<vmem_shared>>
      %dma_start3A_20 = arith.constant 0 : i32
      %dma_start3A_21 = tpu.memref_slice %arg5[%arg0, %mul3A_0, %dma_start3A_20] : memref<2x16384x32xf32, #tpu.memory_space<hbm>> -> memref<1x1024x32xf32, #tpu.memory_space<hbm>>
      %dma_start3A_22 = tpu.memref_squeeze %dma_start3A_21 : memref<1x1024x32xf32, #tpu.memory_space<hbm>> -> memref<1024x32xf32, #tpu.memory_space<hbm>>
      tpu.enqueue_dma source(%dma_start3A_22 : memref<1024x32xf32, #tpu.memory_space<hbm>>) target(%dma_start3A_19 : memref<1024x32xf32, #tpu.memory_space<vmem_shared>>) target_semaphore(%run_scoped3A : memref<!tpu.dma_semaphore, #tpu.memory_space<semaphore_mem>>)
      %dma_wait3A = arith.constant 0 : i32
      %dma_wait3A_23 = tpu.memref_slice %arg17[%mul3A_2, %dma_wait3A] : memref<16384x32xf32, #tpu.memory_space<vmem_shared>> -> memref<1024x32xf32, #tpu.memory_space<vmem_shared>>
      %dma_wait3A_24 = arith.constant 0 : i32
      %dma_wait3A_25 = tpu.memref_slice %arg5[%arg0, %mul3A_0, %dma_wait3A_24] : memref<2x16384x32xf32, #tpu.memory_space<hbm>> -> memref<1x1024x32xf32, #tpu.memory_space<hbm>>
      %dma_wait3A_26 = tpu.memref_squeeze %dma_wait3A_25 : memref<1x1024x32xf32, #tpu.memory_space<hbm>> -> memref<1024x32xf32, #tpu.memory_space<hbm>>
      tpu.wait_dma2 semaphore(%run_scoped3A : memref<!tpu.dma_semaphore, #tpu.memory_space<semaphore_mem>>) src(%dma_wait3A_26 : memref<1024x32xf32, #tpu.memory_space<hbm>>) dst(%dma_wait3A_23 : memref<1024x32xf32, #tpu.memory_space<vmem_shared>>)
      tpu.yield
    }) : () -> ()
    "tpu.region"() ({
      %run_scoped3A = tpu.sem_alloc : memref<!tpu.dma_semaphore, #tpu.memory_space<semaphore_mem>>
      %dma_start3A = arith.constant 0 : i32
      %dma_start3A_19 = arith.constant 0 : i32
      %dma_start3A_20 = tpu.memref_slice %arg2[%arg0, %arg1, %dma_start3A, %dma_start3A_19] : memref<2x16x32x128xi32, #tpu.memory_space<hbm>> -> memref<1x1x32x128xi32, #tpu.memory_space<hbm>>
      %dma_start3A_21 = tpu.memref_squeeze %dma_start3A_20 : memref<1x1x32x128xi32, #tpu.memory_space<hbm>> -> memref<32x128xi32, #tpu.memory_space<hbm>>
      %dma_start3A_22 = arith.constant 0 : i32
      %dma_start3A_23 = arith.constant 0 : i32
      %dma_start3A_24 = tpu.memref_slice %arg2[%arg0, %arg1, %dma_start3A_22, %dma_start3A_23] : memref<2x16x32x128xi32, #tpu.memory_space<hbm>> -> memref<1x1x32x128xi32, #tpu.memory_space<hbm>>
      %dma_start3A_25 = tpu.memref_squeeze %dma_start3A_24 : memref<1x1x32x128xi32, #tpu.memory_space<hbm>> -> memref<32x128xi32, #tpu.memory_space<hbm>>
      tpu.enqueue_dma source(%dma_start3A_25 : memref<32x128xi32, #tpu.memory_space<hbm>>) target(%arg11 : memref<32x128xi32, #tpu.memory_space<vmem>>) target_semaphore(%run_scoped3A : memref<!tpu.dma_semaphore, #tpu.memory_space<semaphore_mem>>)
      %dma_wait3A = arith.constant 0 : i32
      %dma_wait3A_26 = arith.constant 0 : i32
      %dma_wait3A_27 = tpu.memref_slice %arg2[%arg0, %arg1, %dma_wait3A, %dma_wait3A_26] : memref<2x16x32x128xi32, #tpu.memory_space<hbm>> -> memref<1x1x32x128xi32, #tpu.memory_space<hbm>>
      %dma_wait3A_28 = tpu.memref_squeeze %dma_wait3A_27 : memref<1x1x32x128xi32, #tpu.memory_space<hbm>> -> memref<32x128xi32, #tpu.memory_space<hbm>>
      %dma_wait3A_29 = arith.constant 0 : i32
      %dma_wait3A_30 = arith.constant 0 : i32
      %dma_wait3A_31 = tpu.memref_slice %arg2[%arg0, %arg1, %dma_wait3A_29, %dma_wait3A_30] : memref<2x16x32x128xi32, #tpu.memory_space<hbm>> -> memref<1x1x32x128xi32, #tpu.memory_space<hbm>>
      %dma_wait3A_32 = tpu.memref_squeeze %dma_wait3A_31 : memref<1x1x32x128xi32, #tpu.memory_space<hbm>> -> memref<32x128xi32, #tpu.memory_space<hbm>>
      tpu.wait_dma2 semaphore(%run_scoped3A : memref<!tpu.dma_semaphore, #tpu.memory_space<semaphore_mem>>) src(%dma_wait3A_32 : memref<32x128xi32, #tpu.memory_space<hbm>>) dst(%arg11 : memref<32x128xi32, #tpu.memory_space<vmem>>)
      tpu.yield
    }) : () -> ()
    "tpu.region"() ({
      %run_scoped3A = tpu.sem_alloc : memref<!tpu.dma_semaphore, #tpu.memory_space<semaphore_mem>>
      %dma_start3A = arith.constant 0 : i32
      %dma_start3A_19 = arith.constant 0 : i32
      %dma_start3A_20 = tpu.memref_slice %arg3[%arg0, %arg1, %dma_start3A, %dma_start3A_19] : memref<2x16x32x128xi32, #tpu.memory_space<hbm>> -> memref<1x1x32x128xi32, #tpu.memory_space<hbm>>
      %dma_start3A_21 = tpu.memref_squeeze %dma_start3A_20 : memref<1x1x32x128xi32, #tpu.memory_space<hbm>> -> memref<32x128xi32, #tpu.memory_space<hbm>>
      %dma_start3A_22 = arith.constant 0 : i32
      %dma_start3A_23 = arith.constant 0 : i32
      %dma_start3A_24 = tpu.memref_slice %arg3[%arg0, %arg1, %dma_start3A_22, %dma_start3A_23] : memref<2x16x32x128xi32, #tpu.memory_space<hbm>> -> memref<1x1x32x128xi32, #tpu.memory_space<hbm>>
      %dma_start3A_25 = tpu.memref_squeeze %dma_start3A_24 : memref<1x1x32x128xi32, #tpu.memory_space<hbm>> -> memref<32x128xi32, #tpu.memory_space<hbm>>
      tpu.enqueue_dma source(%dma_start3A_25 : memref<32x128xi32, #tpu.memory_space<hbm>>) target(%arg12 : memref<32x128xi32, #tpu.memory_space<vmem>>) target_semaphore(%run_scoped3A : memref<!tpu.dma_semaphore, #tpu.memory_space<semaphore_mem>>)
      %dma_wait3A = arith.constant 0 : i32
      %dma_wait3A_26 = arith.constant 0 : i32
      %dma_wait3A_27 = tpu.memref_slice %arg3[%arg0, %arg1, %dma_wait3A, %dma_wait3A_26] : memref<2x16x32x128xi32, #tpu.memory_space<hbm>> -> memref<1x1x32x128xi32, #tpu.memory_space<hbm>>
      %dma_wait3A_28 = tpu.memref_squeeze %dma_wait3A_27 : memref<1x1x32x128xi32, #tpu.memory_space<hbm>> -> memref<32x128xi32, #tpu.memory_space<hbm>>
      %dma_wait3A_29 = arith.constant 0 : i32
      %dma_wait3A_30 = arith.constant 0 : i32
      %dma_wait3A_31 = tpu.memref_slice %arg3[%arg0, %arg1, %dma_wait3A_29, %dma_wait3A_30] : memref<2x16x32x128xi32, #tpu.memory_space<hbm>> -> memref<1x1x32x128xi32, #tpu.memory_space<hbm>>
      %dma_wait3A_32 = tpu.memref_squeeze %dma_wait3A_31 : memref<1x1x32x128xi32, #tpu.memory_space<hbm>> -> memref<32x128xi32, #tpu.memory_space<hbm>>
      tpu.wait_dma2 semaphore(%run_scoped3A : memref<!tpu.dma_semaphore, #tpu.memory_space<semaphore_mem>>) src(%dma_wait3A_32 : memref<32x128xi32, #tpu.memory_space<hbm>>) dst(%arg12 : memref<32x128xi32, #tpu.memory_space<vmem>>)
      tpu.yield
    }) : () -> ()
    "tpu.region"() ({
      %run_scoped3A = tpu.sem_alloc : memref<!tpu.dma_semaphore, #tpu.memory_space<semaphore_mem>>
      %dma_start3A = arith.constant 0 : i32
      %dma_start3A_19 = arith.constant 0 : i32
      %dma_start3A_20 = tpu.memref_slice %arg4[%arg0, %arg1, %dma_start3A, %dma_start3A_19] : memref<2x16x32x128xf32, #tpu.memory_space<hbm>> -> memref<1x1x32x128xf32, #tpu.memory_space<hbm>>
      %dma_start3A_21 = tpu.memref_squeeze %dma_start3A_20 : memref<1x1x32x128xf32, #tpu.memory_space<hbm>> -> memref<32x128xf32, #tpu.memory_space<hbm>>
      %dma_start3A_22 = arith.constant 0 : i32
      %dma_start3A_23 = arith.constant 0 : i32
      %dma_start3A_24 = tpu.memref_slice %arg4[%arg0, %arg1, %dma_start3A_22, %dma_start3A_23] : memref<2x16x32x128xf32, #tpu.memory_space<hbm>> -> memref<1x1x32x128xf32, #tpu.memory_space<hbm>>
      %dma_start3A_25 = tpu.memref_squeeze %dma_start3A_24 : memref<1x1x32x128xf32, #tpu.memory_space<hbm>> -> memref<32x128xf32, #tpu.memory_space<hbm>>
      tpu.enqueue_dma source(%dma_start3A_25 : memref<32x128xf32, #tpu.memory_space<hbm>>) target(%arg13 : memref<32x128xf32, #tpu.memory_space<vmem>>) target_semaphore(%run_scoped3A : memref<!tpu.dma_semaphore, #tpu.memory_space<semaphore_mem>>)
      %dma_wait3A = arith.constant 0 : i32
      %dma_wait3A_26 = arith.constant 0 : i32
      %dma_wait3A_27 = tpu.memref_slice %arg4[%arg0, %arg1, %dma_wait3A, %dma_wait3A_26] : memref<2x16x32x128xf32, #tpu.memory_space<hbm>> -> memref<1x1x32x128xf32, #tpu.memory_space<hbm>>
      %dma_wait3A_28 = tpu.memref_squeeze %dma_wait3A_27 : memref<1x1x32x128xf32, #tpu.memory_space<hbm>> -> memref<32x128xf32, #tpu.memory_space<hbm>>
      %dma_wait3A_29 = arith.constant 0 : i32
      %dma_wait3A_30 = arith.constant 0 : i32
      %dma_wait3A_31 = tpu.memref_slice %arg4[%arg0, %arg1, %dma_wait3A_29, %dma_wait3A_30] : memref<2x16x32x128xf32, #tpu.memory_space<hbm>> -> memref<1x1x32x128xf32, #tpu.memory_space<hbm>>
      %dma_wait3A_32 = tpu.memref_squeeze %dma_wait3A_31 : memref<1x1x32x128xf32, #tpu.memory_space<hbm>> -> memref<32x128xf32, #tpu.memory_space<hbm>>
      tpu.wait_dma2 semaphore(%run_scoped3A : memref<!tpu.dma_semaphore, #tpu.memory_space<semaphore_mem>>) src(%dma_wait3A_32 : memref<32x128xf32, #tpu.memory_space<hbm>>) dst(%arg13 : memref<32x128xf32, #tpu.memory_space<vmem>>)
      tpu.yield
    }) : () -> ()
    %barrier3A = arith.constant 0 : index
    tpu.barrier barrier_id(%barrier3A)
    %scan3A = arith.constant 0 : i32
    %scan3A_3 = arith.constant 0 : i32
    %scan3A_4 = arith.constant 32 : i32
    %scan3A_5 = arith.addi %scan3A_3, %scan3A_4 : i32
    %scan3A_6 = arith.constant 1 : i32
    scf.for %scan3A_19 = %scan3A_3 to %scan3A_5 step %scan3A_6  : i32 {
      %dma_start3A = arith.constant 0 : i32
      %dma_start3A_20 = tpu.memref_slice %arg11[%scan3A_19, %dma_start3A] : memref<32x128xi32, #tpu.memory_space<vmem>> -> memref<1x128xi32, #tpu.memory_space<vmem>>
      %dma_start3A_21 = tpu.memref_squeeze %dma_start3A_20 : memref<1x128xi32, #tpu.memory_space<vmem>> -> memref<128xi32, #tpu.memory_space<vmem>>
      %dma_start3A_22 = arith.constant 0 : i32
      %dma_start3A_23 = arith.constant 0 : i32
      %dma_start3A_24 = tpu.memref_slice %arg8[%dma_start3A_22, %dma_start3A_23] : memref<100000x32xf32, #tpu.memory_space<hbm>> -> memref<100000x32xf32, #tpu.memory_space<hbm>>
      tpu.enqueue_indirect_dma source(%dma_start3A_24 : memref<100000x32xf32, #tpu.memory_space<hbm>>) target(%arg14 : memref<128x32xf32, #tpu.memory_space<vmem>>) offsets(%dma_start3A_21 : memref<128xi32, #tpu.memory_space<vmem>>) semaphore(%arg18 : memref<!tpu.dma_semaphore, #tpu.memory_space<semaphore_mem>>)
      %dma_wait3A = arith.constant 0 : i32
      %dma_wait3A_25 = tpu.memref_slice %arg11[%scan3A_19, %dma_wait3A] : memref<32x128xi32, #tpu.memory_space<vmem>> -> memref<1x128xi32, #tpu.memory_space<vmem>>
      %dma_wait3A_26 = tpu.memref_squeeze %dma_wait3A_25 : memref<1x128xi32, #tpu.memory_space<vmem>> -> memref<128xi32, #tpu.memory_space<vmem>>
      %dma_wait3A_27 = arith.constant 0 : i32
      %dma_wait3A_28 = arith.constant 0 : i32
      %dma_wait3A_29 = tpu.memref_slice %arg8[%dma_wait3A_27, %dma_wait3A_28] : memref<100000x32xf32, #tpu.memory_space<hbm>> -> memref<100000x32xf32, #tpu.memory_space<hbm>>
      tpu.wait_indirect_dma semaphore(%arg18 : memref<!tpu.dma_semaphore, #tpu.memory_space<semaphore_mem>>) src(%dma_wait3A_29 : memref<100000x32xf32, #tpu.memory_space<hbm>>) dst(%arg14 : memref<128x32xf32, #tpu.memory_space<vmem>>)
      %get3A = arith.index_cast %scan3A_19 : i32 to index
      %get3A_30 = arith.constant 0 : index
      %get3A_31 = tpu.vector_load %arg13[%get3A, %get3A_30] {strides = array<i32>} : memref<32x128xf32, #tpu.memory_space<vmem>>, vector<1x16xf32>,
      %get3A_32 = vector.shape_cast %get3A_31 : vector<1x16xf32> to vector<16xf32>
      %get3A_33 = arith.constant 0 : i32
      %get3A_34 = arith.index_cast %get3A_33 : i32 to index
      %get3A_35 = arith.constant 0 : index
      %get3A_36 = tpu.vector_load %arg14[%get3A_34, %get3A_35] {strides = array<i32>} : memref<128x32xf32, #tpu.memory_space<vmem>>, vector<1x16xf32>,
      %get3A_37 = vector.shape_cast %get3A_36 : vector<1x16xf32> to vector<16xf32>
      %slice3A = vector.extract_strided_slice %get3A_32 {offsets = [0], sizes = [1], strides = [1]} : vector<16xf32> to vector<1xf32>
      %squeeze3A = vector.extract %slice3A[0] : f32 from vector<1xf32>
      %mul3A_38 = vector.broadcast %squeeze3A : f32 to vector<16xf32>
      %mul3A_39 = arith.mulf %get3A_37, %mul3A_38 : vector<16xf32>
      %swap3A = arith.constant 0 : i32
      %swap3A_40 = arith.index_cast %swap3A : i32 to index
      %swap3A_41 = arith.constant 0 : index
      %swap3A_42 = tpu.vector_load %arg14[%swap3A_40, %swap3A_41] {strides = array<i32>} : memref<128x32xf32, #tpu.memory_space<vmem>>, vector<1x16xf32>,
      %swap3A_43 = vector.shape_cast %swap3A_42 : vector<1x16xf32> to vector<16xf32>
      %swap3A_44 = vector.shape_cast %mul3A_39 : vector<16xf32> to vector<1x16xf32>
      tpu.vector_store %arg14[%swap3A_40, %swap3A_41], %swap3A_44 {strides = array<i32>} : memref<128x32xf32, #tpu.memory_space<vmem>>, vector<1x16xf32>,
      %get3A_45 = arith.constant 0 : i32
      %get3A_46 = arith.index_cast %get3A_45 : i32 to index
      %get3A_47 = arith.constant 16 : index
      %get3A_48 = tpu.vector_load %arg14[%get3A_46, %get3A_47] {strides = array<i32>} : memref<128x32xf32, #tpu.memory_space<vmem>>, vector<1x16xf32>,
      %get3A_49 = vector.shape_cast %get3A_48 : vector<1x16xf32> to vector<16xf32>
      %slice3A_50 = vector.extract_strided_slice %get3A_32 {offsets = [0], sizes = [1], strides = [1]} : vector<16xf32> to vector<1xf32>
      %squeeze3A_51 = vector.extract %slice3A_50[0] : f32 from vector<1xf32>
      %mul3A_52 = vector.broadcast %squeeze3A_51 : f32 to vector<16xf32>
      %mul3A_53 = arith.mulf %get3A_49, %mul3A_52 : vector<16xf32>
      %swap3A_54 = arith.constant 0 : i32
      %swap3A_55 = arith.index_cast %swap3A_54 : i32 to index
      %swap3A_56 = arith.constant 16 : index
      %swap3A_57 = tpu.vector_load %arg14[%swap3A_55, %swap3A_56] {strides = array<i32>} : memref<128x32xf32, #tpu.memory_space<vmem>>, vector<1x16xf32>,
      %swap3A_58 = vector.shape_cast %swap3A_57 : vector<1x16xf32> to vector<16xf32>
      %swap3A_59 = vector.shape_cast %mul3A_53 : vector<16xf32> to vector<1x16xf32>
      tpu.vector_store %arg14[%swap3A_55, %swap3A_56], %swap3A_59 {strides = array<i32>} : memref<128x32xf32, #tpu.memory_space<vmem>>, vector<1x16xf32>,
      %get3A_60 = arith.constant 1 : i32
      %get3A_61 = arith.index_cast %get3A_60 : i32 to index
      %get3A_62 = arith.constant 0 : index
      %get3A_63 = tpu.vector_load %arg14[%get3A_61, %get3A_62] {strides = array<i32>} : memref<128x32xf32, #tpu.memory_space<vmem>>, vector<1x16xf32>,
      %get3A_64 = vector.shape_cast %get3A_63 : vector<1x16xf32> to vector<16xf32>
      %slice3A_65 = vector.extract_strided_slice %get3A_32 {offsets = [1], sizes = [1], strides = [1]} : vector<16xf32> to vector<1xf32>
      %squeeze3A_66 = vector.extract %slice3A_65[0] : f32 from vector<1xf32>
      %mul3A_67 = vector.broadcast %squeeze3A_66 : f32 to vector<16xf32>
      %mul3A_68 = arith.mulf %get3A_64, %mul3A_67 : vector<16xf32>
      %swap3A_69 = arith.constant 1 : i32
      %swap3A_70 = arith.index_cast %swap3A_69 : i32 to index
      %swap3A_71 = arith.constant 0 : index
      %swap3A_72 = tpu.vector_load %arg14[%swap3A_70, %swap3A_71] {strides = array<i32>} : memref<128x32xf32, #tpu.memory_space<vmem>>, vector<1x16xf32>,
      %swap3A_73 = vector.shape_cast %swap3A_72 : vector<1x16xf32> to vector<16xf32>
      %swap3A_74 = vector.shape_cast %mul3A_68 : vector<16xf32> to vector<1x16xf32>
      tpu.vector_store %arg14[%swap3A_70, %swap3A_71], %swap3A_74 {strides = array<i32>} : memref<128x32xf32, #tpu.memory_space<vmem>>, vector<1x16xf32>,
      %get3A_75 = arith.constant 1 : i32
      %get3A_76 = arith.index_cast %get3A_75 : i32 to index
      %get3A_77 = arith.constant 16 : index
      %get3A_78 = tpu.vector_load %arg14[%get3A_76, %get3A_77] {strides = array<i32>} : memref<128x32xf32, #tpu.memory_space<vmem>>, vector<1x16xf32>,
      %get3A_79 = vector.shape_cast %get3A_78 : vector<1x16xf32> to vector<16xf32>
      %slice3A_80 = vector.extract_strided_slice %get3A_32 {offsets = [1], sizes = [1], strides = [1]} : vector<16xf32> to vector<1xf32>
      %squeeze3A_81 = vector.extract %slice3A_80[0] : f32 from vector<1xf32>
      %mul3A_82 = vector.broadcast %squeeze3A_81 : f32 to vector<16xf32>
      %mul3A_83 = arith.mulf %get3A_79, %mul3A_82 : vector<16xf32>
      %swap3A_84 = arith.constant 1 : i32
      %swap3A_85 = arith.index_cast %swap3A_84 : i32 to index
      %swap3A_86 = arith.constant 16 : index
      %swap3A_87 = tpu.vector_load %arg14[%swap3A_85, %swap3A_86] {strides = array<i32>} : memref<128x32xf32, #tpu.memory_space<vmem>>, vector<1x16xf32>,
      %swap3A_88 = vector.shape_cast %swap3A_87 : vector<1x16xf32> to vector<16xf32>
      %swap3A_89 = vector.shape_cast %mul3A_83 : vector<16xf32> to vector<1x16xf32>
      tpu.vector_store %arg14[%swap3A_85, %swap3A_86], %swap3A_89 {strides = array<i32>} : memref<128x32xf32, #tpu.memory_space<vmem>>, vector<1x16xf32>,
      %get3A_90 = arith.constant 2 : i32
      %get3A_91 = arith.index_cast %get3A_90 : i32 to index
      %get3A_92 = arith.constant 0 : index
      %get3A_93 = tpu.vector_load %arg14[%get3A_91, %get3A_92] {strides = array<i32>} : memref<128x32xf32, #tpu.memory_space<vmem>>, vector<1x16xf32>,
      %get3A_94 = vector.shape_cast %get3A_93 : vector<1x16xf32> to vector<16xf32>
      %slice3A_95 = vector.extract_strided_slice %get3A_32 {offsets = [2], sizes = [1], strides = [1]} : vector<16xf32> to vector<1xf32>
      %squeeze3A_96 = vector.extract %slice3A_95[0] : f32 from vector<1xf32>
      %mul3A_97 = vector.broadcast %squeeze3A_96 : f32 to vector<16xf32>
      %mul3A_98 = arith.mulf %get3A_94, %mul3A_97 : vector<16xf32>
      %swap3A_99 = arith.constant 2 : i32
      %swap3A_100 = arith.index_cast %swap3A_99 : i32 to index
      %swap3A_101 = arith.constant 0 : index
      %swap3A_102 = tpu.vector_load %arg14[%swap3A_100, %swap3A_101] {strides = array<i32>} : memref<128x32xf32, #tpu.memory_space<vmem>>, vector<1x16xf32>,
      %swap3A_103 = vector.shape_cast %swap3A_102 : vector<1x16xf32> to vector<16xf32>
      %swap3A_104 = vector.shape_cast %mul3A_98 : vector<16xf32> to vector<1x16xf32>
      tpu.vector_store %arg14[%swap3A_100, %swap3A_101], %swap3A_104 {strides = array<i32>} : memref<128x32xf32, #tpu.memory_space<vmem>>, vector<1x16xf32>,
      %get3A_105 = arith.constant 2 : i32
      %get3A_106 = arith.index_cast %get3A_105 : i32 to index
      %get3A_107 = arith.constant 16 : index
      %get3A_108 = tpu.vector_load %arg14[%get3A_106, %get3A_107] {strides = array<i32>} : memref<128x32xf32, #tpu.memory_space<vmem>>, vector<1x16xf32>,
      %get3A_109 = vector.shape_cast %get3A_108 : vector<1x16xf32> to vector<16xf32>
      %slice3A_110 = vector.extract_strided_slice %get3A_32 {offsets = [2], sizes = [1], strides = [1]} : vector<16xf32> to vector<1xf32>
      %squeeze3A_111 = vector.extract %slice3A_110[0] : f32 from vector<1xf32>
      %mul3A_112 = vector.broadcast %squeeze3A_111 : f32 to vector<16xf32>
      %mul3A_113 = arith.mulf %get3A_109, %mul3A_112 : vector<16xf32>
      %swap3A_114 = arith.constant 2 : i32
      %swap3A_115 = arith.index_cast %swap3A_114 : i32 to index
      %swap3A_116 = arith.constant 16 : index
      %swap3A_117 = tpu.vector_load %arg14[%swap3A_115, %swap3A_116] {strides = array<i32>} : memref<128x32xf32, #tpu.memory_space<vmem>>, vector<1x16xf32>,
      %swap3A_118 = vector.shape_cast %swap3A_117 : vector<1x16xf32> to vector<16xf32>
      %swap3A_119 = vector.shape_cast %mul3A_113 : vector<16xf32> to vector<1x16xf32>
      tpu.vector_store %arg14[%swap3A_115, %swap3A_116], %swap3A_119 {strides = array<i32>} : memref<128x32xf32, #tpu.memory_space<vmem>>, vector<1x16xf32>,
      %get3A_120 = arith.constant 3 : i32
      %get3A_121 = arith.index_cast %get3A_120 : i32 to index
      %get3A_122 = arith.constant 0 : index
      %get3A_123 = tpu.vector_load %arg14[%get3A_121, %get3A_122] {strides = array<i32>} : memref<128x32xf32, #tpu.memory_space<vmem>>, vector<1x16xf32>,
      %get3A_124 = vector.shape_cast %get3A_123 : vector<1x16xf32> to vector<16xf32>
      %slice3A_125 = vector.extract_strided_slice %get3A_32 {offsets = [3], sizes = [1], strides = [1]} : vector<16xf32> to vector<1xf32>
      %squeeze3A_126 = vector.extract %slice3A_125[0] : f32 from vector<1xf32>
      %mul3A_127 = vector.broadcast %squeeze3A_126 : f32 to vector<16xf32>
      %mul3A_128 = arith.mulf %get3A_124, %mul3A_127 : vector<16xf32>
      %swap3A_129 = arith.constant 3 : i32
      %swap3A_130 = arith.index_cast %swap3A_129 : i32 to index
      %swap3A_131 = arith.constant 0 : index
      %swap3A_132 = tpu.vector_load %arg14[%swap3A_130, %swap3A_131] {strides = array<i32>} : memref<128x32xf32, #tpu.memory_space<vmem>>, vector<1x16xf32>,
      %swap3A_133 = vector.shape_cast %swap3A_132 : vector<1x16xf32> to vector<16xf32>
      %swap3A_134 = vector.shape_cast %mul3A_128 : vector<16xf32> to vector<1x16xf32>
      tpu.vector_store %arg14[%swap3A_130, %swap3A_131], %swap3A_134 {strides = array<i32>} : memref<128x32xf32, #tpu.memory_space<vmem>>, vector<1x16xf32>,
      %get3A_135 = arith.constant 3 : i32
      %get3A_136 = arith.index_cast %get3A_135 : i32 to index
      %get3A_137 = arith.constant 16 : index
      %get3A_138 = tpu.vector_load %arg14[%get3A_136, %get3A_137] {strides = array<i32>} : memref<128x32xf32, #tpu.memory_space<vmem>>, vector<1x16xf32>,
      %get3A_139 = vector.shape_cast %get3A_138 : vector<1x16xf32> to vector<16xf32>
      %slice3A_140 = vector.extract_strided_slice %get3A_32 {offsets = [3], sizes = [1], strides = [1]} : vector<16xf32> to vector<1xf32>
      %squeeze3A_141 = vector.extract %slice3A_140[0] : f32 from vector<1xf32>
      %mul3A_142 = vector.broadcast %squeeze3A_141 : f32 to vector<16xf32>
      %mul3A_143 = arith.mulf %get3A_139, %mul3A_142 : vector<16xf32>
      %swap3A_144 = arith.constant 3 : i32
      %swap3A_145 = arith.index_cast %swap3A_144 : i32 to index
      %swap3A_146 = arith.constant 16 : index
      %swap3A_147 = tpu.vector_load %arg14[%swap3A_145, %swap3A_146] {strides = array<i32>} : memref<128x32xf32, #tpu.memory_space<vmem>>, vector<1x16xf32>,
      %swap3A_148 = vector.shape_cast %swap3A_147 : vector<1x16xf32> to vector<16xf32>
      %swap3A_149 = vector.shape_cast %mul3A_143 : vector<16xf32> to vector<1x16xf32>
      tpu.vector_store %arg14[%swap3A_145, %swap3A_146], %swap3A_149 {strides = array<i32>} : memref<128x32xf32, #tpu.memory_space<vmem>>, vector<1x16xf32>,
      %get3A_150 = arith.constant 4 : i32
      %get3A_151 = arith.index_cast %get3A_150 : i32 to index
      %get3A_152 = arith.constant 0 : index
      %get3A_153 = tpu.vector_load %arg14[%get3A_151, %get3A_152] {strides = array<i32>} : memref<128x32xf32, #tpu.memory_space<vmem>>, vector<1x16xf32>,
      %get3A_154 = vector.shape_cast %get3A_153 : vector<1x16xf32> to vector<16xf32>
      %slice3A_155 = vector.extract_strided_slice %get3A_32 {offsets = [4], sizes = [1], strides = [1]} : vector<16xf32> to vector<1xf32>
      %squeeze3A_156 = vector.extract %slice3A_155[0] : f32 from vector<1xf32>
      %mul3A_157 = vector.broadcast %squeeze3A_156 : f32 to vector<16xf32>
      %mul3A_158 = arith.mulf %get3A_154, %mul3A_157 : vector<16xf32>
      %swap3A_159 = arith.constant 4 : i32
      %swap3A_160 = arith.index_cast %swap3A_159 : i32 to index
      %swap3A_161 = arith.constant 0 : index
      %swap3A_162 = tpu.vector_load %arg14[%swap3A_160, %swap3A_161] {strides = array<i32>} : memref<128x32xf32, #tpu.memory_space<vmem>>, vector<1x16xf32>,
      %swap3A_163 = vector.shape_cast %swap3A_162 : vector<1x16xf32> to vector<16xf32>
      %swap3A_164 = vector.shape_cast %mul3A_158 : vector<16xf32> to vector<1x16xf32>
      tpu.vector_store %arg14[%swap3A_160, %swap3A_161], %swap3A_164 {strides = array<i32>} : memref<128x32xf32, #tpu.memory_space<vmem>>, vector<1x16xf32>,
      %get3A_165 = arith.constant 4 : i32
      %get3A_166 = arith.index_cast %get3A_165 : i32 to index
      %get3A_167 = arith.constant 16 : index
      %get3A_168 = tpu.vector_load %arg14[%get3A_166, %get3A_167] {strides = array<i32>} : memref<128x32xf32, #tpu.memory_space<vmem>>, vector<1x16xf32>,
      %get3A_169 = vector.shape_cast %get3A_168 : vector<1x16xf32> to vector<16xf32>
      %slice3A_170 = vector.extract_strided_slice %get3A_32 {offsets = [4], sizes = [1], strides = [1]} : vector<16xf32> to vector<1xf32>
      %squeeze3A_171 = vector.extract %slice3A_170[0] : f32 from vector<1xf32>
      %mul3A_172 = vector.broadcast %squeeze3A_171 : f32 to vector<16xf32>
      %mul3A_173 = arith.mulf %get3A_169, %mul3A_172 : vector<16xf32>
      %swap3A_174 = arith.constant 4 : i32
      %swap3A_175 = arith.index_cast %swap3A_174 : i32 to index
      %swap3A_176 = arith.constant 16 : index
      %swap3A_177 = tpu.vector_load %arg14[%swap3A_175, %swap3A_176] {strides = array<i32>} : memref<128x32xf32, #tpu.memory_space<vmem>>, vector<1x16xf32>,
      %swap3A_178 = vector.shape_cast %swap3A_177 : vector<1x16xf32> to vector<16xf32>
      %swap3A_179 = vector.shape_cast %mul3A_173 : vector<16xf32> to vector<1x16xf32>
      tpu.vector_store %arg14[%swap3A_175, %swap3A_176], %swap3A_179 {strides = array<i32>} : memref<128x32xf32, #tpu.memory_space<vmem>>, vector<1x16xf32>,
      %get3A_180 = arith.constant 5 : i32
      %get3A_181 = arith.index_cast %get3A_180 : i32 to index
      %get3A_182 = arith.constant 0 : index
      %get3A_183 = tpu.vector_load %arg14[%get3A_181, %get3A_182] {strides = array<i32>} : memref<128x32xf32, #tpu.memory_space<vmem>>, vector<1x16xf32>,
      %get3A_184 = vector.shape_cast %get3A_183 : vector<1x16xf32> to vector<16xf32>
      %slice3A_185 = vector.extract_strided_slice %get3A_32 {offsets = [5], sizes = [1], strides = [1]} : vector<16xf32> to vector<1xf32>
      %squeeze3A_186 = vector.extract %slice3A_185[0] : f32 from vector<1xf32>
      %mul3A_187 = vector.broadcast %squeeze3A_186 : f32 to vector<16xf32>
      %mul3A_188 = arith.mulf %get3A_184, %mul3A_187 : vector<16xf32>
      %swap3A_189 = arith.constant 5 : i32
      %swap3A_190 = arith.index_cast %swap3A_189 : i32 to index
      %swap3A_191 = arith.constant 0 : index
      %swap3A_192 = tpu.vector_load %arg14[%swap3A_190, %swap3A_191] {strides = array<i32>} : memref<128x32xf32, #tpu.memory_space<vmem>>, vector<1x16xf32>,
      %swap3A_193 = vector.shape_cast %swap3A_192 : vector<1x16xf32> to vector<16xf32>
      %swap3A_194 = vector.shape_cast %mul3A_188 : vector<16xf32> to vector<1x16xf32>
      tpu.vector_store %arg14[%swap3A_190, %swap3A_191], %swap3A_194 {strides = array<i32>} : memref<128x32xf32, #tpu.memory_space<vmem>>, vector<1x16xf32>,
      %get3A_195 = arith.constant 5 : i32
      %get3A_196 = arith.index_cast %get3A_195 : i32 to index
      %get3A_197 = arith.constant 16 : index
      %get3A_198 = tpu.vector_load %arg14[%get3A_196, %get3A_197] {strides = array<i32>} : memref<128x32xf32, #tpu.memory_space<vmem>>, vector<1x16xf32>,
      %get3A_199 = vector.shape_cast %get3A_198 : vector<1x16xf32> to vector<16xf32>
      %slice3A_200 = vector.extract_strided_slice %get3A_32 {offsets = [5], sizes = [1], strides = [1]} : vector<16xf32> to vector<1xf32>
      %squeeze3A_201 = vector.extract %slice3A_200[0] : f32 from vector<1xf32>
      %mul3A_202 = vector.broadcast %squeeze3A_201 : f32 to vector<16xf32>
      %mul3A_203 = arith.mulf %get3A_199, %mul3A_202 : vector<16xf32>
      %swap3A_204 = arith.constant 5 : i32
      %swap3A_205 = arith.index_cast %swap3A_204 : i32 to index
      %swap3A_206 = arith.constant 16 : index
      %swap3A_207 = tpu.vector_load %arg14[%swap3A_205, %swap3A_206] {strides = array<i32>} : memref<128x32xf32, #tpu.memory_space<vmem>>, vector<1x16xf32>,
      %swap3A_208 = vector.shape_cast %swap3A_207 : vector<1x16xf32> to vector<16xf32>
      %swap3A_209 = vector.shape_cast %mul3A_203 : vector<16xf32> to vector<1x16xf32>
      tpu.vector_store %arg14[%swap3A_205, %swap3A_206], %swap3A_209 {strides = array<i32>} : memref<128x32xf32, #tpu.memory_space<vmem>>, vector<1x16xf32>,
      %get3A_210 = arith.constant 6 : i32
      %get3A_211 = arith.index_cast %get3A_210 : i32 to index
      %get3A_212 = arith.constant 0 : index
      %get3A_213 = tpu.vector_load %arg14[%get3A_211, %get3A_212] {strides = array<i32>} : memref<128x32xf32, #tpu.memory_space<vmem>>, vector<1x16xf32>,
      %get3A_214 = vector.shape_cast %get3A_213 : vector<1x16xf32> to vector<16xf32>
      %slice3A_215 = vector.extract_strided_slice %get3A_32 {offsets = [6], sizes = [1], strides = [1]} : vector<16xf32> to vector<1xf32>
      %squeeze3A_216 = vector.extract %slice3A_215[0] : f32 from vector<1xf32>
      %mul3A_217 = vector.broadcast %squeeze3A_216 : f32 to vector<16xf32>
      %mul3A_218 = arith.mulf %get3A_214, %mul3A_217 : vector<16xf32>
      %swap3A_219 = arith.constant 6 : i32
      %swap3A_220 = arith.index_cast %swap3A_219 : i32 to index
      %swap3A_221 = arith.constant 0 : index
      %swap3A_222 = tpu.vector_load %arg14[%swap3A_220, %swap3A_221] {strides = array<i32>} : memref<128x32xf32, #tpu.memory_space<vmem>>, vector<1x16xf32>,
      %swap3A_223 = vector.shape_cast %swap3A_222 : vector<1x16xf32> to vector<16xf32>
      %swap3A_224 = vector.shape_cast %mul3A_218 : vector<16xf32> to vector<1x16xf32>
      tpu.vector_store %arg14[%swap3A_220, %swap3A_221], %swap3A_224 {strides = array<i32>} : memref<128x32xf32, #tpu.memory_space<vmem>>, vector<1x16xf32>,
      %get3A_225 = arith.constant 6 : i32
      %get3A_226 = arith.index_cast %get3A_225 : i32 to index
      %get3A_227 = arith.constant 16 : index
      %get3A_228 = tpu.vector_load %arg14[%get3A_226, %get3A_227] {strides = array<i32>} : memref<128x32xf32, #tpu.memory_space<vmem>>, vector<1x16xf32>,
      %get3A_229 = vector.shape_cast %get3A_228 : vector<1x16xf32> to vector<16xf32>
      %slice3A_230 = vector.extract_strided_slice %get3A_32 {offsets = [6], sizes = [1], strides = [1]} : vector<16xf32> to vector<1xf32>
      %squeeze3A_231 = vector.extract %slice3A_230[0] : f32 from vector<1xf32>
      %mul3A_232 = vector.broadcast %squeeze3A_231 : f32 to vector<16xf32>
      %mul3A_233 = arith.mulf %get3A_229, %mul3A_232 : vector<16xf32>
      %swap3A_234 = arith.constant 6 : i32
      %swap3A_235 = arith.index_cast %swap3A_234 : i32 to index
      %swap3A_236 = arith.constant 16 : index
      %swap3A_237 = tpu.vector_load %arg14[%swap3A_235, %swap3A_236] {strides = array<i32>} : memref<128x32xf32, #tpu.memory_space<vmem>>, vector<1x16xf32>,
      %swap3A_238 = vector.shape_cast %swap3A_237 : vector<1x16xf32> to vector<16xf32>
      %swap3A_239 = vector.shape_cast %mul3A_233 : vector<16xf32> to vector<1x16xf32>
      tpu.vector_store %arg14[%swap3A_235, %swap3A_236], %swap3A_239 {strides = array<i32>} : memref<128x32xf32, #tpu.memory_space<vmem>>, vector<1x16xf32>,
      %get3A_240 = arith.constant 7 : i32
      %get3A_241 = arith.index_cast %get3A_240 : i32 to index
      %get3A_242 = arith.constant 0 : index
      %get3A_243 = tpu.vector_load %arg14[%get3A_241, %get3A_242] {strides = array<i32>} : memref<128x32xf32, #tpu.memory_space<vmem>>, vector<1x16xf32>,
      %get3A_244 = vector.shape_cast %get3A_243 : vector<1x16xf32> to vector<16xf32>
      %slice3A_245 = vector.extract_strided_slice %get3A_32 {offsets = [7], sizes = [1], strides = [1]} : vector<16xf32> to vector<1xf32>
      %squeeze3A_246 = vector.extract %slice3A_245[0] : f32 from vector<1xf32>
      %mul3A_247 = vector.broadcast %squeeze3A_246 : f32 to vector<16xf32>
      %mul3A_248 = arith.mulf %get3A_244, %mul3A_247 : vector<16xf32>
      %swap3A_249 = arith.constant 7 : i32
      %swap3A_250 = arith.index_cast %swap3A_249 : i32 to index
      %swap3A_251 = arith.constant 0 : index
      %swap3A_252 = tpu.vector_load %arg14[%swap3A_250, %swap3A_251] {strides = array<i32>} : memref<128x32xf32, #tpu.memory_space<vmem>>, vector<1x16xf32>,
      %swap3A_253 = vector.shape_cast %swap3A_252 : vector<1x16xf32> to vector<16xf32>
      %swap3A_254 = vector.shape_cast %mul3A_248 : vector<16xf32> to vector<1x16xf32>
      tpu.vector_store %arg14[%swap3A_250, %swap3A_251], %swap3A_254 {strides = array<i32>} : memref<128x32xf32, #tpu.memory_space<vmem>>, vector<1x16xf32>,
      %get3A_255 = arith.constant 7 : i32
      %get3A_256 = arith.index_cast %get3A_255 : i32 to index
      %get3A_257 = arith.constant 16 : index
      %get3A_258 = tpu.vector_load %arg14[%get3A_256, %get3A_257] {strides = array<i32>} : memref<128x32xf32, #tpu.memory_space<vmem>>, vector<1x16xf32>,
      %get3A_259 = vector.shape_cast %get3A_258 : vector<1x16xf32> to vector<16xf32>
      %slice3A_260 = vector.extract_strided_slice %get3A_32 {offsets = [7], sizes = [1], strides = [1]} : vector<16xf32> to vector<1xf32>
      %squeeze3A_261 = vector.extract %slice3A_260[0] : f32 from vector<1xf32>
      %mul3A_262 = vector.broadcast %squeeze3A_261 : f32 to vector<16xf32>
      %mul3A_263 = arith.mulf %get3A_259, %mul3A_262 : vector<16xf32>
      %swap3A_264 = arith.constant 7 : i32
      %swap3A_265 = arith.index_cast %swap3A_264 : i32 to index
      %swap3A_266 = arith.constant 16 : index
      %swap3A_267 = tpu.vector_load %arg14[%swap3A_265, %swap3A_266] {strides = array<i32>} : memref<128x32xf32, #tpu.memory_space<vmem>>, vector<1x16xf32>,
      %swap3A_268 = vector.shape_cast %swap3A_267 : vector<1x16xf32> to vector<16xf32>
      %swap3A_269 = vector.shape_cast %mul3A_263 : vector<16xf32> to vector<1x16xf32>
      tpu.vector_store %arg14[%swap3A_265, %swap3A_266], %swap3A_269 {strides = array<i32>} : memref<128x32xf32, #tpu.memory_space<vmem>>, vector<1x16xf32>,
      %get3A_270 = arith.constant 8 : i32
      %get3A_271 = arith.index_cast %get3A_270 : i32 to index
      %get3A_272 = arith.constant 0 : index
      %get3A_273 = tpu.vector_load %arg14[%get3A_271, %get3A_272] {strides = array<i32>} : memref<128x32xf32, #tpu.memory_space<vmem>>, vector<1x16xf32>,
      %get3A_274 = vector.shape_cast %get3A_273 : vector<1x16xf32> to vector<16xf32>
      %slice3A_275 = vector.extract_strided_slice %get3A_32 {offsets = [8], sizes = [1], strides = [1]} : vector<16xf32> to vector<1xf32>
      %squeeze3A_276 = vector.extract %slice3A_275[0] : f32 from vector<1xf32>
      %mul3A_277 = vector.broadcast %squeeze3A_276 : f32 to vector<16xf32>
      %mul3A_278 = arith.mulf %get3A_274, %mul3A_277 : vector<16xf32>
      %swap3A_279 = arith.constant 8 : i32
      %swap3A_280 = arith.index_cast %swap3A_279 : i32 to index
      %swap3A_281 = arith.constant 0 : index
      %swap3A_282 = tpu.vector_load %arg14[%swap3A_280, %swap3A_281] {strides = array<i32>} : memref<128x32xf32, #tpu.memory_space<vmem>>, vector<1x16xf32>,
      %swap3A_283 = vector.shape_cast %swap3A_282 : vector<1x16xf32> to vector<16xf32>
      %swap3A_284 = vector.shape_cast %mul3A_278 : vector<16xf32> to vector<1x16xf32>
      tpu.vector_store %arg14[%swap3A_280, %swap3A_281], %swap3A_284 {strides = array<i32>} : memref<128x32xf32, #tpu.memory_space<vmem>>, vector<1x16xf32>,
      %get3A_285 = arith.constant 8 : i32
      %get3A_286 = arith.index_cast %get3A_285 : i32 to index
      %get3A_287 = arith.constant 16 : index
      %get3A_288 = tpu.vector_load %arg14[%get3A_286, %get3A_287] {strides = array<i32>} : memref<128x32xf32, #tpu.memory_space<vmem>>, vector<1x16xf32>,
      %get3A_289 = vector.shape_cast %get3A_288 : vector<1x16xf32> to vector<16xf32>
      %slice3A_290 = vector.extract_strided_slice %get3A_32 {offsets = [8], sizes = [1], strides = [1]} : vector<16xf32> to vector<1xf32>
      %squeeze3A_291 = vector.extract %slice3A_290[0] : f32 from vector<1xf32>
      %mul3A_292 = vector.broadcast %squeeze3A_291 : f32 to vector<16xf32>
      %mul3A_293 = arith.mulf %get3A_289, %mul3A_292 : vector<16xf32>
      %swap3A_294 = arith.constant 8 : i32
      %swap3A_295 = arith.index_cast %swap3A_294 : i32 to index
      %swap3A_296 = arith.constant 16 : index
      %swap3A_297 = tpu.vector_load %arg14[%swap3A_295, %swap3A_296] {strides = array<i32>} : memref<128x32xf32, #tpu.memory_space<vmem>>, vector<1x16xf32>,
      %swap3A_298 = vector.shape_cast %swap3A_297 : vector<1x16xf32> to vector<16xf32>
      %swap3A_299 = vector.shape_cast %mul3A_293 : vector<16xf32> to vector<1x16xf32>
      tpu.vector_store %arg14[%swap3A_295, %swap3A_296], %swap3A_299 {strides = array<i32>} : memref<128x32xf32, #tpu.memory_space<vmem>>, vector<1x16xf32>,
      %get3A_300 = arith.constant 9 : i32
      %get3A_301 = arith.index_cast %get3A_300 : i32 to index
      %get3A_302 = arith.constant 0 : index
      %get3A_303 = tpu.vector_load %arg14[%get3A_301, %get3A_302] {strides = array<i32>} : memref<128x32xf32, #tpu.memory_space<vmem>>, vector<1x16xf32>,
      %get3A_304 = vector.shape_cast %get3A_303 : vector<1x16xf32> to vector<16xf32>
      %slice3A_305 = vector.extract_strided_slice %get3A_32 {offsets = [9], sizes = [1], strides = [1]} : vector<16xf32> to vector<1xf32>
      %squeeze3A_306 = vector.extract %slice3A_305[0] : f32 from vector<1xf32>
      %mul3A_307 = vector.broadcast %squeeze3A_306 : f32 to vector<16xf32>
      %mul3A_308 = arith.mulf %get3A_304, %mul3A_307 : vector<16xf32>
      %swap3A_309 = arith.constant 9 : i32
      %swap3A_310 = arith.index_cast %swap3A_309 : i32 to index
      %swap3A_311 = arith.constant 0 : index
      %swap3A_312 = tpu.vector_load %arg14[%swap3A_310, %swap3A_311] {strides = array<i32>} : memref<128x32xf32, #tpu.memory_space<vmem>>, vector<1x16xf32>,
      %swap3A_313 = vector.shape_cast %swap3A_312 : vector<1x16xf32> to vector<16xf32>
      %swap3A_314 = vector.shape_cast %mul3A_308 : vector<16xf32> to vector<1x16xf32>
      tpu.vector_store %arg14[%swap3A_310, %swap3A_311], %swap3A_314 {strides = array<i32>} : memref<128x32xf32, #tpu.memory_space<vmem>>, vector<1x16xf32>,
      %get3A_315 = arith.constant 9 : i32
      %get3A_316 = arith.index_cast %get3A_315 : i32 to index
      %get3A_317 = arith.constant 16 : index
      %get3A_318 = tpu.vector_load %arg14[%get3A_316, %get3A_317] {strides = array<i32>} : memref<128x32xf32, #tpu.memory_space<vmem>>, vector<1x16xf32>,
      %get3A_319 = vector.shape_cast %get3A_318 : vector<1x16xf32> to vector<16xf32>
      %slice3A_320 = vector.extract_strided_slice %get3A_32 {offsets = [9], sizes = [1], strides = [1]} : vector<16xf32> to vector<1xf32>
      %squeeze3A_321 = vector.extract %slice3A_320[0] : f32 from vector<1xf32>
      %mul3A_322 = vector.broadcast %squeeze3A_321 : f32 to vector<16xf32>
      %mul3A_323 = arith.mulf %get3A_319, %mul3A_322 : vector<16xf32>
      %swap3A_324 = arith.constant 9 : i32
      %swap3A_325 = arith.index_cast %swap3A_324 : i32 to index
      %swap3A_326 = arith.constant 16 : index
      %swap3A_327 = tpu.vector_load %arg14[%swap3A_325, %swap3A_326] {strides = array<i32>} : memref<128x32xf32, #tpu.memory_space<vmem>>, vector<1x16xf32>,
      %swap3A_328 = vector.shape_cast %swap3A_327 : vector<1x16xf32> to vector<16xf32>
      %swap3A_329 = vector.shape_cast %mul3A_323 : vector<16xf32> to vector<1x16xf32>
      tpu.vector_store %arg14[%swap3A_325, %swap3A_326], %swap3A_329 {strides = array<i32>} : memref<128x32xf32, #tpu.memory_space<vmem>>, vector<1x16xf32>,
      %get3A_330 = arith.constant 10 : i32
      %get3A_331 = arith.index_cast %get3A_330 : i32 to index
      %get3A_332 = arith.constant 0 : index
      %get3A_333 = tpu.vector_load %arg14[%get3A_331, %get3A_332] {strides = array<i32>} : memref<128x32xf32, #tpu.memory_space<vmem>>, vector<1x16xf32>,
      %get3A_334 = vector.shape_cast %get3A_333 : vector<1x16xf32> to vector<16xf32>
      %slice3A_335 = vector.extract_strided_slice %get3A_32 {offsets = [10], sizes = [1], strides = [1]} : vector<16xf32> to vector<1xf32>
      %squeeze3A_336 = vector.extract %slice3A_335[0] : f32 from vector<1xf32>
      %mul3A_337 = vector.broadcast %squeeze3A_336 : f32 to vector<16xf32>
      %mul3A_338 = arith.mulf %get3A_334, %mul3A_337 : vector<16xf32>
      %swap3A_339 = arith.constant 10 : i32
      %swap3A_340 = arith.index_cast %swap3A_339 : i32 to index
      %swap3A_341 = arith.constant 0 : index
      %swap3A_342 = tpu.vector_load %arg14[%swap3A_340, %swap3A_341] {strides = array<i32>} : memref<128x32xf32, #tpu.memory_space<vmem>>, vector<1x16xf32>,
      %swap3A_343 = vector.shape_cast %swap3A_342 : vector<1x16xf32> to vector<16xf32>
      %swap3A_344 = vector.shape_cast %mul3A_338 : vector<16xf32> to vector<1x16xf32>
      tpu.vector_store %arg14[%swap3A_340, %swap3A_341], %swap3A_344 {strides = array<i32>} : memref<128x32xf32, #tpu.memory_space<vmem>>, vector<1x16xf32>,
      %get3A_345 = arith.constant 10 : i32
      %get3A_346 = arith.index_cast %get3A_345 : i32 to index
      %get3A_347 = arith.constant 16 : index
      %get3A_348 = tpu.vector_load %arg14[%get3A_346, %get3A_347] {strides = array<i32>} : memref<128x32xf32, #tpu.memory_space<vmem>>, vector<1x16xf32>,
      %get3A_349 = vector.shape_cast %get3A_348 : vector<1x16xf32> to vector<16xf32>
      %slice3A_350 = vector.extract_strided_slice %get3A_32 {offsets = [10], sizes = [1], strides = [1]} : vector<16xf32> to vector<1xf32>
      %squeeze3A_351 = vector.extract %slice3A_350[0] : f32 from vector<1xf32>
      %mul3A_352 = vector.broadcast %squeeze3A_351 : f32 to vector<16xf32>
      %mul3A_353 = arith.mulf %get3A_349, %mul3A_352 : vector<16xf32>
      %swap3A_354 = arith.constant 10 : i32
      %swap3A_355 = arith.index_cast %swap3A_354 : i32 to index
      %swap3A_356 = arith.constant 16 : index
      %swap3A_357 = tpu.vector_load %arg14[%swap3A_355, %swap3A_356] {strides = array<i32>} : memref<128x32xf32, #tpu.memory_space<vmem>>, vector<1x16xf32>,
      %swap3A_358 = vector.shape_cast %swap3A_357 : vector<1x16xf32> to vector<16xf32>
      %swap3A_359 = vector.shape_cast %mul3A_353 : vector<16xf32> to vector<1x16xf32>
      tpu.vector_store %arg14[%swap3A_355, %swap3A_356], %swap3A_359 {strides = array<i32>} : memref<128x32xf32, #tpu.memory_space<vmem>>, vector<1x16xf32>,
      %get3A_360 = arith.constant 11 : i32
      %get3A_361 = arith.index_cast %get3A_360 : i32 to index
      %get3A_362 = arith.constant 0 : index
      %get3A_363 = tpu.vector_load %arg14[%get3A_361, %get3A_362] {strides = array<i32>} : memref<128x32xf32, #tpu.memory_space<vmem>>, vector<1x16xf32>,
      %get3A_364 = vector.shape_cast %get3A_363 : vector<1x16xf32> to vector<16xf32>
      %slice3A_365 = vector.extract_strided_slice %get3A_32 {offsets = [11], sizes = [1], strides = [1]} : vector<16xf32> to vector<1xf32>
      %squeeze3A_366 = vector.extract %slice3A_365[0] : f32 from vector<1xf32>
      %mul3A_367 = vector.broadcast %squeeze3A_366 : f32 to vector<16xf32>
      %mul3A_368 = arith.mulf %get3A_364, %mul3A_367 : vector<16xf32>
      %swap3A_369 = arith.constant 11 : i32
      %swap3A_370 = arith.index_cast %swap3A_369 : i32 to index
      %swap3A_371 = arith.constant 0 : index
      %swap3A_372 = tpu.vector_load %arg14[%swap3A_370, %swap3A_371] {strides = array<i32>} : memref<128x32xf32, #tpu.memory_space<vmem>>, vector<1x16xf32>,
      %swap3A_373 = vector.shape_cast %swap3A_372 : vector<1x16xf32> to vector<16xf32>
      %swap3A_374 = vector.shape_cast %mul3A_368 : vector<16xf32> to vector<1x16xf32>
      tpu.vector_store %arg14[%swap3A_370, %swap3A_371], %swap3A_374 {strides = array<i32>} : memref<128x32xf32, #tpu.memory_space<vmem>>, vector<1x16xf32>,
      %get3A_375 = arith.constant 11 : i32
      %get3A_376 = arith.index_cast %get3A_375 : i32 to index
      %get3A_377 = arith.constant 16 : index
      %get3A_378 = tpu.vector_load %arg14[%get3A_376, %get3A_377] {strides = array<i32>} : memref<128x32xf32, #tpu.memory_space<vmem>>, vector<1x16xf32>,
      %get3A_379 = vector.shape_cast %get3A_378 : vector<1x16xf32> to vector<16xf32>
      %slice3A_380 = vector.extract_strided_slice %get3A_32 {offsets = [11], sizes = [1], strides = [1]} : vector<16xf32> to vector<1xf32>
      %squeeze3A_381 = vector.extract %slice3A_380[0] : f32 from vector<1xf32>
      %mul3A_382 = vector.broadcast %squeeze3A_381 : f32 to vector<16xf32>
      %mul3A_383 = arith.mulf %get3A_379, %mul3A_382 : vector<16xf32>
      %swap3A_384 = arith.constant 11 : i32
      %swap3A_385 = arith.index_cast %swap3A_384 : i32 to index
      %swap3A_386 = arith.constant 16 : index
      %swap3A_387 = tpu.vector_load %arg14[%swap3A_385, %swap3A_386] {strides = array<i32>} : memref<128x32xf32, #tpu.memory_space<vmem>>, vector<1x16xf32>,
      %swap3A_388 = vector.shape_cast %swap3A_387 : vector<1x16xf32> to vector<16xf32>
      %swap3A_389 = vector.shape_cast %mul3A_383 : vector<16xf32> to vector<1x16xf32>
      tpu.vector_store %arg14[%swap3A_385, %swap3A_386], %swap3A_389 {strides = array<i32>} : memref<128x32xf32, #tpu.memory_space<vmem>>, vector<1x16xf32>,
      %get3A_390 = arith.constant 12 : i32
      %get3A_391 = arith.index_cast %get3A_390 : i32 to index
      %get3A_392 = arith.constant 0 : index
      %get3A_393 = tpu.vector_load %arg14[%get3A_391, %get3A_392] {strides = array<i32>} : memref<128x32xf32, #tpu.memory_space<vmem>>, vector<1x16xf32>,
      %get3A_394 = vector.shape_cast %get3A_393 : vector<1x16xf32> to vector<16xf32>
      %slice3A_395 = vector.extract_strided_slice %get3A_32 {offsets = [12], sizes = [1], strides = [1]} : vector<16xf32> to vector<1xf32>
      %squeeze3A_396 = vector.extract %slice3A_395[0] : f32 from vector<1xf32>
      %mul3A_397 = vector.broadcast %squeeze3A_396 : f32 to vector<16xf32>
      %mul3A_398 = arith.mulf %get3A_394, %mul3A_397 : vector<16xf32>
      %swap3A_399 = arith.constant 12 : i32
      %swap3A_400 = arith.index_cast %swap3A_399 : i32 to index
      %swap3A_401 = arith.constant 0 : index
      %swap3A_402 = tpu.vector_load %arg14[%swap3A_400, %swap3A_401] {strides = array<i32>} : memref<128x32xf32, #tpu.memory_space<vmem>>, vector<1x16xf32>,
      %swap3A_403 = vector.shape_cast %swap3A_402 : vector<1x16xf32> to vector<16xf32>
      %swap3A_404 = vector.shape_cast %mul3A_398 : vector<16xf32> to vector<1x16xf32>
      tpu.vector_store %arg14[%swap3A_400, %swap3A_401], %swap3A_404 {strides = array<i32>} : memref<128x32xf32, #tpu.memory_space<vmem>>, vector<1x16xf32>,
      %get3A_405 = arith.constant 12 : i32
      %get3A_406 = arith.index_cast %get3A_405 : i32 to index
      %get3A_407 = arith.constant 16 : index
      %get3A_408 = tpu.vector_load %arg14[%get3A_406, %get3A_407] {strides = array<i32>} : memref<128x32xf32, #tpu.memory_space<vmem>>, vector<1x16xf32>,
      %get3A_409 = vector.shape_cast %get3A_408 : vector<1x16xf32> to vector<16xf32>
      %slice3A_410 = vector.extract_strided_slice %get3A_32 {offsets = [12], sizes = [1], strides = [1]} : vector<16xf32> to vector<1xf32>
      %squeeze3A_411 = vector.extract %slice3A_410[0] : f32 from vector<1xf32>
      %mul3A_412 = vector.broadcast %squeeze3A_411 : f32 to vector<16xf32>
      %mul3A_413 = arith.mulf %get3A_409, %mul3A_412 : vector<16xf32>
      %swap3A_414 = arith.constant 12 : i32
      %swap3A_415 = arith.index_cast %swap3A_414 : i32 to index
      %swap3A_416 = arith.constant 16 : index
      %swap3A_417 = tpu.vector_load %arg14[%swap3A_415, %swap3A_416] {strides = array<i32>} : memref<128x32xf32, #tpu.memory_space<vmem>>, vector<1x16xf32>,
      %swap3A_418 = vector.shape_cast %swap3A_417 : vector<1x16xf32> to vector<16xf32>
      %swap3A_419 = vector.shape_cast %mul3A_413 : vector<16xf32> to vector<1x16xf32>
      tpu.vector_store %arg14[%swap3A_415, %swap3A_416], %swap3A_419 {strides = array<i32>} : memref<128x32xf32, #tpu.memory_space<vmem>>, vector<1x16xf32>,
      %get3A_420 = arith.constant 13 : i32
      %get3A_421 = arith.index_cast %get3A_420 : i32 to index
      %get3A_422 = arith.constant 0 : index
      %get3A_423 = tpu.vector_load %arg14[%get3A_421, %get3A_422] {strides = array<i32>} : memref<128x32xf32, #tpu.memory_space<vmem>>, vector<1x16xf32>,
      %get3A_424 = vector.shape_cast %get3A_423 : vector<1x16xf32> to vector<16xf32>
      %slice3A_425 = vector.extract_strided_slice %get3A_32 {offsets = [13], sizes = [1], strides = [1]} : vector<16xf32> to vector<1xf32>
      %squeeze3A_426 = vector.extract %slice3A_425[0] : f32 from vector<1xf32>
      %mul3A_427 = vector.broadcast %squeeze3A_426 : f32 to vector<16xf32>
      %mul3A_428 = arith.mulf %get3A_424, %mul3A_427 : vector<16xf32>
      %swap3A_429 = arith.constant 13 : i32
      %swap3A_430 = arith.index_cast %swap3A_429 : i32 to index
      %swap3A_431 = arith.constant 0 : index
      %swap3A_432 = tpu.vector_load %arg14[%swap3A_430, %swap3A_431] {strides = array<i32>} : memref<128x32xf32, #tpu.memory_space<vmem>>, vector<1x16xf32>,
      %swap3A_433 = vector.shape_cast %swap3A_432 : vector<1x16xf32> to vector<16xf32>
      %swap3A_434 = vector.shape_cast %mul3A_428 : vector<16xf32> to vector<1x16xf32>
      tpu.vector_store %arg14[%swap3A_430, %swap3A_431], %swap3A_434 {strides = array<i32>} : memref<128x32xf32, #tpu.memory_space<vmem>>, vector<1x16xf32>,
      %get3A_435 = arith.constant 13 : i32
      %get3A_436 = arith.index_cast %get3A_435 : i32 to index
      %get3A_437 = arith.constant 16 : index
      %get3A_438 = tpu.vector_load %arg14[%get3A_436, %get3A_437] {strides = array<i32>} : memref<128x32xf32, #tpu.memory_space<vmem>>, vector<1x16xf32>,
      %get3A_439 = vector.shape_cast %get3A_438 : vector<1x16xf32> to vector<16xf32>
      %slice3A_440 = vector.extract_strided_slice %get3A_32 {offsets = [13], sizes = [1], strides = [1]} : vector<16xf32> to vector<1xf32>
      %squeeze3A_441 = vector.extract %slice3A_440[0] : f32 from vector<1xf32>
      %mul3A_442 = vector.broadcast %squeeze3A_441 : f32 to vector<16xf32>
      %mul3A_443 = arith.mulf %get3A_439, %mul3A_442 : vector<16xf32>
      %swap3A_444 = arith.constant 13 : i32
      %swap3A_445 = arith.index_cast %swap3A_444 : i32 to index
      %swap3A_446 = arith.constant 16 : index
      %swap3A_447 = tpu.vector_load %arg14[%swap3A_445, %swap3A_446] {strides = array<i32>} : memref<128x32xf32, #tpu.memory_space<vmem>>, vector<1x16xf32>,
      %swap3A_448 = vector.shape_cast %swap3A_447 : vector<1x16xf32> to vector<16xf32>
      %swap3A_449 = vector.shape_cast %mul3A_443 : vector<16xf32> to vector<1x16xf32>
      tpu.vector_store %arg14[%swap3A_445, %swap3A_446], %swap3A_449 {strides = array<i32>} : memref<128x32xf32, #tpu.memory_space<vmem>>, vector<1x16xf32>,
      %get3A_450 = arith.constant 14 : i32
      %get3A_451 = arith.index_cast %get3A_450 : i32 to index
      %get3A_452 = arith.constant 0 : index
      %get3A_453 = tpu.vector_load %arg14[%get3A_451, %get3A_452] {strides = array<i32>} : memref<128x32xf32, #tpu.memory_space<vmem>>, vector<1x16xf32>,
      %get3A_454 = vector.shape_cast %get3A_453 : vector<1x16xf32> to vector<16xf32>
      %slice3A_455 = vector.extract_strided_slice %get3A_32 {offsets = [14], sizes = [1], strides = [1]} : vector<16xf32> to vector<1xf32>
      %squeeze3A_456 = vector.extract %slice3A_455[0] : f32 from vector<1xf32>
      %mul3A_457 = vector.broadcast %squeeze3A_456 : f32 to vector<16xf32>
      %mul3A_458 = arith.mulf %get3A_454, %mul3A_457 : vector<16xf32>
      %swap3A_459 = arith.constant 14 : i32
      %swap3A_460 = arith.index_cast %swap3A_459 : i32 to index
      %swap3A_461 = arith.constant 0 : index
      %swap3A_462 = tpu.vector_load %arg14[%swap3A_460, %swap3A_461] {strides = array<i32>} : memref<128x32xf32, #tpu.memory_space<vmem>>, vector<1x16xf32>,
      %swap3A_463 = vector.shape_cast %swap3A_462 : vector<1x16xf32> to vector<16xf32>
      %swap3A_464 = vector.shape_cast %mul3A_458 : vector<16xf32> to vector<1x16xf32>
      tpu.vector_store %arg14[%swap3A_460, %swap3A_461], %swap3A_464 {strides = array<i32>} : memref<128x32xf32, #tpu.memory_space<vmem>>, vector<1x16xf32>,
      %get3A_465 = arith.constant 14 : i32
      %get3A_466 = arith.index_cast %get3A_465 : i32 to index
      %get3A_467 = arith.constant 16 : index
      %get3A_468 = tpu.vector_load %arg14[%get3A_466, %get3A_467] {strides = array<i32>} : memref<128x32xf32, #tpu.memory_space<vmem>>, vector<1x16xf32>,
      %get3A_469 = vector.shape_cast %get3A_468 : vector<1x16xf32> to vector<16xf32>
      %slice3A_470 = vector.extract_strided_slice %get3A_32 {offsets = [14], sizes = [1], strides = [1]} : vector<16xf32> to vector<1xf32>
      %squeeze3A_471 = vector.extract %slice3A_470[0] : f32 from vector<1xf32>
      %mul3A_472 = vector.broadcast %squeeze3A_471 : f32 to vector<16xf32>
      %mul3A_473 = arith.mulf %get3A_469, %mul3A_472 : vector<16xf32>
      %swap3A_474 = arith.constant 14 : i32
      %swap3A_475 = arith.index_cast %swap3A_474 : i32 to index
      %swap3A_476 = arith.constant 16 : index
      %swap3A_477 = tpu.vector_load %arg14[%swap3A_475, %swap3A_476] {strides = array<i32>} : memref<128x32xf32, #tpu.memory_space<vmem>>, vector<1x16xf32>,
      %swap3A_478 = vector.shape_cast %swap3A_477 : vector<1x16xf32> to vector<16xf32>
      %swap3A_479 = vector.shape_cast %mul3A_473 : vector<16xf32> to vector<1x16xf32>
      tpu.vector_store %arg14[%swap3A_475, %swap3A_476], %swap3A_479 {strides = array<i32>} : memref<128x32xf32, #tpu.memory_space<vmem>>, vector<1x16xf32>,
      %get3A_480 = arith.constant 15 : i32
      %get3A_481 = arith.index_cast %get3A_480 : i32 to index
      %get3A_482 = arith.constant 0 : index
      %get3A_483 = tpu.vector_load %arg14[%get3A_481, %get3A_482] {strides = array<i32>} : memref<128x32xf32, #tpu.memory_space<vmem>>, vector<1x16xf32>,
      %get3A_484 = vector.shape_cast %get3A_483 : vector<1x16xf32> to vector<16xf32>
      %slice3A_485 = vector.extract_strided_slice %get3A_32 {offsets = [15], sizes = [1], strides = [1]} : vector<16xf32> to vector<1xf32>
      %squeeze3A_486 = vector.extract %slice3A_485[0] : f32 from vector<1xf32>
      %mul3A_487 = vector.broadcast %squeeze3A_486 : f32 to vector<16xf32>
      %mul3A_488 = arith.mulf %get3A_484, %mul3A_487 : vector<16xf32>
      %swap3A_489 = arith.constant 15 : i32
      %swap3A_490 = arith.index_cast %swap3A_489 : i32 to index
      %swap3A_491 = arith.constant 0 : index
      %swap3A_492 = tpu.vector_load %arg14[%swap3A_490, %swap3A_491] {strides = array<i32>} : memref<128x32xf32, #tpu.memory_space<vmem>>, vector<1x16xf32>,
      %swap3A_493 = vector.shape_cast %swap3A_492 : vector<1x16xf32> to vector<16xf32>
      %swap3A_494 = vector.shape_cast %mul3A_488 : vector<16xf32> to vector<1x16xf32>
      tpu.vector_store %arg14[%swap3A_490, %swap3A_491], %swap3A_494 {strides = array<i32>} : memref<128x32xf32, #tpu.memory_space<vmem>>, vector<1x16xf32>,
      %get3A_495 = arith.constant 15 : i32
      %get3A_496 = arith.index_cast %get3A_495 : i32 to index
      %get3A_497 = arith.constant 16 : index
      %get3A_498 = tpu.vector_load %arg14[%get3A_496, %get3A_497] {strides = array<i32>} : memref<128x32xf32, #tpu.memory_space<vmem>>, vector<1x16xf32>,
      %get3A_499 = vector.shape_cast %get3A_498 : vector<1x16xf32> to vector<16xf32>
      %slice3A_500 = vector.extract_strided_slice %get3A_32 {offsets = [15], sizes = [1], strides = [1]} : vector<16xf32> to vector<1xf32>
      %squeeze3A_501 = vector.extract %slice3A_500[0] : f32 from vector<1xf32>
      %mul3A_502 = vector.broadcast %squeeze3A_501 : f32 to vector<16xf32>
      %mul3A_503 = arith.mulf %get3A_499, %mul3A_502 : vector<16xf32>
      %swap3A_504 = arith.constant 15 : i32
      %swap3A_505 = arith.index_cast %swap3A_504 : i32 to index
      %swap3A_506 = arith.constant 16 : index
      %swap3A_507 = tpu.vector_load %arg14[%swap3A_505, %swap3A_506] {strides = array<i32>} : memref<128x32xf32, #tpu.memory_space<vmem>>, vector<1x16xf32>,
      %swap3A_508 = vector.shape_cast %swap3A_507 : vector<1x16xf32> to vector<16xf32>
      %swap3A_509 = vector.shape_cast %mul3A_503 : vector<16xf32> to vector<1x16xf32>
      tpu.vector_store %arg14[%swap3A_505, %swap3A_506], %swap3A_509 {strides = array<i32>} : memref<128x32xf32, #tpu.memory_space<vmem>>, vector<1x16xf32>,
      %get3A_510 = arith.index_cast %scan3A_19 : i32 to index
      %get3A_511 = arith.constant 16 : index
      %get3A_512 = tpu.vector_load %arg13[%get3A_510, %get3A_511] {strides = array<i32>} : memref<32x128xf32, #tpu.memory_space<vmem>>, vector<1x16xf32>,
      %get3A_513 = vector.shape_cast %get3A_512 : vector<1x16xf32> to vector<16xf32>
      %get3A_514 = arith.constant 16 : i32
      %get3A_515 = arith.index_cast %get3A_514 : i32 to index
      %get3A_516 = arith.constant 0 : index
      %get3A_517 = tpu.vector_load %arg14[%get3A_515, %get3A_516] {strides = array<i32>} : memref<128x32xf32, #tpu.memory_space<vmem>>, vector<1x16xf32>,
      %get3A_518 = vector.shape_cast %get3A_517 : vector<1x16xf32> to vector<16xf32>
      %slice3A_519 = vector.extract_strided_slice %get3A_513 {offsets = [0], sizes = [1], strides = [1]} : vector<16xf32> to vector<1xf32>
      %squeeze3A_520 = vector.extract %slice3A_519[0] : f32 from vector<1xf32>
      %mul3A_521 = vector.broadcast %squeeze3A_520 : f32 to vector<16xf32>
      %mul3A_522 = arith.mulf %get3A_518, %mul3A_521 : vector<16xf32>
      %swap3A_523 = arith.constant 16 : i32
      %swap3A_524 = arith.index_cast %swap3A_523 : i32 to index
      %swap3A_525 = arith.constant 0 : index
      %swap3A_526 = tpu.vector_load %arg14[%swap3A_524, %swap3A_525] {strides = array<i32>} : memref<128x32xf32, #tpu.memory_space<vmem>>, vector<1x16xf32>,
      %swap3A_527 = vector.shape_cast %swap3A_526 : vector<1x16xf32> to vector<16xf32>
      %swap3A_528 = vector.shape_cast %mul3A_522 : vector<16xf32> to vector<1x16xf32>
      tpu.vector_store %arg14[%swap3A_524, %swap3A_525], %swap3A_528 {strides = array<i32>} : memref<128x32xf32, #tpu.memory_space<vmem>>, vector<1x16xf32>,
      %get3A_529 = arith.constant 16 : i32
      %get3A_530 = arith.index_cast %get3A_529 : i32 to index
      %get3A_531 = arith.constant 16 : index
      %get3A_532 = tpu.vector_load %arg14[%get3A_530, %get3A_531] {strides = array<i32>} : memref<128x32xf32, #tpu.memory_space<vmem>>, vector<1x16xf32>,
      %get3A_533 = vector.shape_cast %get3A_532 : vector<1x16xf32> to vector<16xf32>
      %slice3A_534 = vector.extract_strided_slice %get3A_513 {offsets = [0], sizes = [1], strides = [1]} : vector<16xf32> to vector<1xf32>
      %squeeze3A_535 = vector.extract %slice3A_534[0] : f32 from vector<1xf32>
      %mul3A_536 = vector.broadcast %squeeze3A_535 : f32 to vector<16xf32>
      %mul3A_537 = arith.mulf %get3A_533, %mul3A_536 : vector<16xf32>
      %swap3A_538 = arith.constant 16 : i32
      %swap3A_539 = arith.index_cast %swap3A_538 : i32 to index
      %swap3A_540 = arith.constant 16 : index
      %swap3A_541 = tpu.vector_load %arg14[%swap3A_539, %swap3A_540] {strides = array<i32>} : memref<128x32xf32, #tpu.memory_space<vmem>>, vector<1x16xf32>,
      %swap3A_542 = vector.shape_cast %swap3A_541 : vector<1x16xf32> to vector<16xf32>
      %swap3A_543 = vector.shape_cast %mul3A_537 : vector<16xf32> to vector<1x16xf32>
      tpu.vector_store %arg14[%swap3A_539, %swap3A_540], %swap3A_543 {strides = array<i32>} : memref<128x32xf32, #tpu.memory_space<vmem>>, vector<1x16xf32>,
      %get3A_544 = arith.constant 17 : i32
      %get3A_545 = arith.index_cast %get3A_544 : i32 to index
      %get3A_546 = arith.constant 0 : index
      %get3A_547 = tpu.vector_load %arg14[%get3A_545, %get3A_546] {strides = array<i32>} : memref<128x32xf32, #tpu.memory_space<vmem>>, vector<1x16xf32>,
      %get3A_548 = vector.shape_cast %get3A_547 : vector<1x16xf32> to vector<16xf32>
      %slice3A_549 = vector.extract_strided_slice %get3A_513 {offsets = [1], sizes = [1], strides = [1]} : vector<16xf32> to vector<1xf32>
      %squeeze3A_550 = vector.extract %slice3A_549[0] : f32 from vector<1xf32>
      %mul3A_551 = vector.broadcast %squeeze3A_550 : f32 to vector<16xf32>
      %mul3A_552 = arith.mulf %get3A_548, %mul3A_551 : vector<16xf32>
      %swap3A_553 = arith.constant 17 : i32
      %swap3A_554 = arith.index_cast %swap3A_553 : i32 to index
      %swap3A_555 = arith.constant 0 : index
      %swap3A_556 = tpu.vector_load %arg14[%swap3A_554, %swap3A_555] {strides = array<i32>} : memref<128x32xf32, #tpu.memory_space<vmem>>, vector<1x16xf32>,
      %swap3A_557 = vector.shape_cast %swap3A_556 : vector<1x16xf32> to vector<16xf32>
      %swap3A_558 = vector.shape_cast %mul3A_552 : vector<16xf32> to vector<1x16xf32>
      tpu.vector_store %arg14[%swap3A_554, %swap3A_555], %swap3A_558 {strides = array<i32>} : memref<128x32xf32, #tpu.memory_space<vmem>>, vector<1x16xf32>,
      %get3A_559 = arith.constant 17 : i32
      %get3A_560 = arith.index_cast %get3A_559 : i32 to index
      %get3A_561 = arith.constant 16 : index
      %get3A_562 = tpu.vector_load %arg14[%get3A_560, %get3A_561] {strides = array<i32>} : memref<128x32xf32, #tpu.memory_space<vmem>>, vector<1x16xf32>,
      %get3A_563 = vector.shape_cast %get3A_562 : vector<1x16xf32> to vector<16xf32>
      %slice3A_564 = vector.extract_strided_slice %get3A_513 {offsets = [1], sizes = [1], strides = [1]} : vector<16xf32> to vector<1xf32>
      %squeeze3A_565 = vector.extract %slice3A_564[0] : f32 from vector<1xf32>
      %mul3A_566 = vector.broadcast %squeeze3A_565 : f32 to vector<16xf32>
      %mul3A_567 = arith.mulf %get3A_563, %mul3A_566 : vector<16xf32>
      %swap3A_568 = arith.constant 17 : i32
      %swap3A_569 = arith.index_cast %swap3A_568 : i32 to index
      %swap3A_570 = arith.constant 16 : index
      %swap3A_571 = tpu.vector_load %arg14[%swap3A_569, %swap3A_570] {strides = array<i32>} : memref<128x32xf32, #tpu.memory_space<vmem>>, vector<1x16xf32>,
      %swap3A_572 = vector.shape_cast %swap3A_571 : vector<1x16xf32> to vector<16xf32>
      %swap3A_573 = vector.shape_cast %mul3A_567 : vector<16xf32> to vector<1x16xf32>
      tpu.vector_store %arg14[%swap3A_569, %swap3A_570], %swap3A_573 {strides = array<i32>} : memref<128x32xf32, #tpu.memory_space<vmem>>, vector<1x16xf32>,
      %get3A_574 = arith.constant 18 : i32
      %get3A_575 = arith.index_cast %get3A_574 : i32 to index
      %get3A_576 = arith.constant 0 : index
      %get3A_577 = tpu.vector_load %arg14[%get3A_575, %get3A_576] {strides = array<i32>} : memref<128x32xf32, #tpu.memory_space<vmem>>, vector<1x16xf32>,
      %get3A_578 = vector.shape_cast %get3A_577 : vector<1x16xf32> to vector<16xf32>
      %slice3A_579 = vector.extract_strided_slice %get3A_513 {offsets = [2], sizes = [1], strides = [1]} : vector<16xf32> to vector<1xf32>
      %squeeze3A_580 = vector.extract %slice3A_579[0] : f32 from vector<1xf32>
      %mul3A_581 = vector.broadcast %squeeze3A_580 : f32 to vector<16xf32>
      %mul3A_582 = arith.mulf %get3A_578, %mul3A_581 : vector<16xf32>
      %swap3A_583 = arith.constant 18 : i32
      %swap3A_584 = arith.index_cast %swap3A_583 : i32 to index
      %swap3A_585 = arith.constant 0 : index
      %swap3A_586 = tpu.vector_load %arg14[%swap3A_584, %swap3A_585] {strides = array<i32>} : memref<128x32xf32, #tpu.memory_space<vmem>>, vector<1x16xf32>,
      %swap3A_587 = vector.shape_cast %swap3A_586 : vector<1x16xf32> to vector<16xf32>
      %swap3A_588 = vector.shape_cast %mul3A_582 : vector<16xf32> to vector<1x16xf32>
      tpu.vector_store %arg14[%swap3A_584, %swap3A_585], %swap3A_588 {strides = array<i32>} : memref<128x32xf32, #tpu.memory_space<vmem>>, vector<1x16xf32>,
      %get3A_589 = arith.constant 18 : i32
      %get3A_590 = arith.index_cast %get3A_589 : i32 to index
      %get3A_591 = arith.constant 16 : index
      %get3A_592 = tpu.vector_load %arg14[%get3A_590, %get3A_591] {strides = array<i32>} : memref<128x32xf32, #tpu.memory_space<vmem>>, vector<1x16xf32>,
      %get3A_593 = vector.shape_cast %get3A_592 : vector<1x16xf32> to vector<16xf32>
      %slice3A_594 = vector.extract_strided_slice %get3A_513 {offsets = [2], sizes = [1], strides = [1]} : vector<16xf32> to vector<1xf32>
      %squeeze3A_595 = vector.extract %slice3A_594[0] : f32 from vector<1xf32>
      %mul3A_596 = vector.broadcast %squeeze3A_595 : f32 to vector<16xf32>
      %mul3A_597 = arith.mulf %get3A_593, %mul3A_596 : vector<16xf32>
      %swap3A_598 = arith.constant 18 : i32
      %swap3A_599 = arith.index_cast %swap3A_598 : i32 to index
      %swap3A_600 = arith.constant 16 : index
      %swap3A_601 = tpu.vector_load %arg14[%swap3A_599, %swap3A_600] {strides = array<i32>} : memref<128x32xf32, #tpu.memory_space<vmem>>, vector<1x16xf32>,
      %swap3A_602 = vector.shape_cast %swap3A_601 : vector<1x16xf32> to vector<16xf32>
      %swap3A_603 = vector.shape_cast %mul3A_597 : vector<16xf32> to vector<1x16xf32>
      tpu.vector_store %arg14[%swap3A_599, %swap3A_600], %swap3A_603 {strides = array<i32>} : memref<128x32xf32, #tpu.memory_space<vmem>>, vector<1x16xf32>,
      %get3A_604 = arith.constant 19 : i32
      %get3A_605 = arith.index_cast %get3A_604 : i32 to index
      %get3A_606 = arith.constant 0 : index
      %get3A_607 = tpu.vector_load %arg14[%get3A_605, %get3A_606] {strides = array<i32>} : memref<128x32xf32, #tpu.memory_space<vmem>>, vector<1x16xf32>,
      %get3A_608 = vector.shape_cast %get3A_607 : vector<1x16xf32> to vector<16xf32>
      %slice3A_609 = vector.extract_strided_slice %get3A_513 {offsets = [3], sizes = [1], strides = [1]} : vector<16xf32> to vector<1xf32>
      %squeeze3A_610 = vector.extract %slice3A_609[0] : f32 from vector<1xf32>
      %mul3A_611 = vector.broadcast %squeeze3A_610 : f32 to vector<16xf32>
      %mul3A_612 = arith.mulf %get3A_608, %mul3A_611 : vector<16xf32>
      %swap3A_613 = arith.constant 19 : i32
      %swap3A_614 = arith.index_cast %swap3A_613 : i32 to index
      %swap3A_615 = arith.constant 0 : index
      %swap3A_616 = tpu.vector_load %arg14[%swap3A_614, %swap3A_615] {strides = array<i32>} : memref<128x32xf32, #tpu.memory_space<vmem>>, vector<1x16xf32>,
      %swap3A_617 = vector.shape_cast %swap3A_616 : vector<1x16xf32> to vector<16xf32>
      %swap3A_618 = vector.shape_cast %mul3A_612 : vector<16xf32> to vector<1x16xf32>
      tpu.vector_store %arg14[%swap3A_614, %swap3A_615], %swap3A_618 {strides = array<i32>} : memref<128x32xf32, #tpu.memory_space<vmem>>, vector<1x16xf32>,
      %get3A_619 = arith.constant 19 : i32
      %get3A_620 = arith.index_cast %get3A_619 : i32 to index
      %get3A_621 = arith.constant 16 : index
      %get3A_622 = tpu.vector_load %arg14[%get3A_620, %get3A_621] {strides = array<i32>} : memref<128x32xf32, #tpu.memory_space<vmem>>, vector<1x16xf32>,
      %get3A_623 = vector.shape_cast %get3A_622 : vector<1x16xf32> to vector<16xf32>
      %slice3A_624 = vector.extract_strided_slice %get3A_513 {offsets = [3], sizes = [1], strides = [1]} : vector<16xf32> to vector<1xf32>
      %squeeze3A_625 = vector.extract %slice3A_624[0] : f32 from vector<1xf32>
      %mul3A_626 = vector.broadcast %squeeze3A_625 : f32 to vector<16xf32>
      %mul3A_627 = arith.mulf %get3A_623, %mul3A_626 : vector<16xf32>
      %swap3A_628 = arith.constant 19 : i32
      %swap3A_629 = arith.index_cast %swap3A_628 : i32 to index
      %swap3A_630 = arith.constant 16 : index
      %swap3A_631 = tpu.vector_load %arg14[%swap3A_629, %swap3A_630] {strides = array<i32>} : memref<128x32xf32, #tpu.memory_space<vmem>>, vector<1x16xf32>,
      %swap3A_632 = vector.shape_cast %swap3A_631 : vector<1x16xf32> to vector<16xf32>
      %swap3A_633 = vector.shape_cast %mul3A_627 : vector<16xf32> to vector<1x16xf32>
      tpu.vector_store %arg14[%swap3A_629, %swap3A_630], %swap3A_633 {strides = array<i32>} : memref<128x32xf32, #tpu.memory_space<vmem>>, vector<1x16xf32>,
      %get3A_634 = arith.constant 20 : i32
      %get3A_635 = arith.index_cast %get3A_634 : i32 to index
      %get3A_636 = arith.constant 0 : index
      %get3A_637 = tpu.vector_load %arg14[%get3A_635, %get3A_636] {strides = array<i32>} : memref<128x32xf32, #tpu.memory_space<vmem>>, vector<1x16xf32>,
      %get3A_638 = vector.shape_cast %get3A_637 : vector<1x16xf32> to vector<16xf32>
      %slice3A_639 = vector.extract_strided_slice %get3A_513 {offsets = [4], sizes = [1], strides = [1]} : vector<16xf32> to vector<1xf32>
      %squeeze3A_640 = vector.extract %slice3A_639[0] : f32 from vector<1xf32>
      %mul3A_641 = vector.broadcast %squeeze3A_640 : f32 to vector<16xf32>
      %mul3A_642 = arith.mulf %get3A_638, %mul3A_641 : vector<16xf32>
      %swap3A_643 = arith.constant 20 : i32
      %swap3A_644 = arith.index_cast %swap3A_643 : i32 to index
      %swap3A_645 = arith.constant 0 : index
      %swap3A_646 = tpu.vector_load %arg14[%swap3A_644, %swap3A_645] {strides = array<i32>} : memref<128x32xf32, #tpu.memory_space<vmem>>, vector<1x16xf32>,
      %swap3A_647 = vector.shape_cast %swap3A_646 : vector<1x16xf32> to vector<16xf32>
      %swap3A_648 = vector.shape_cast %mul3A_642 : vector<16xf32> to vector<1x16xf32>
      tpu.vector_store %arg14[%swap3A_644, %swap3A_645], %swap3A_648 {strides = array<i32>} : memref<128x32xf32, #tpu.memory_space<vmem>>, vector<1x16xf32>,
      %get3A_649 = arith.constant 20 : i32
      %get3A_650 = arith.index_cast %get3A_649 : i32 to index
      %get3A_651 = arith.constant 16 : index
      %get3A_652 = tpu.vector_load %arg14[%get3A_650, %get3A_651] {strides = array<i32>} : memref<128x32xf32, #tpu.memory_space<vmem>>, vector<1x16xf32>,
      %get3A_653 = vector.shape_cast %get3A_652 : vector<1x16xf32> to vector<16xf32>
      %slice3A_654 = vector.extract_strided_slice %get3A_513 {offsets = [4], sizes = [1], strides = [1]} : vector<16xf32> to vector<1xf32>
      %squeeze3A_655 = vector.extract %slice3A_654[0] : f32 from vector<1xf32>
      %mul3A_656 = vector.broadcast %squeeze3A_655 : f32 to vector<16xf32>
      %mul3A_657 = arith.mulf %get3A_653, %mul3A_656 : vector<16xf32>
      %swap3A_658 = arith.constant 20 : i32
      %swap3A_659 = arith.index_cast %swap3A_658 : i32 to index
      %swap3A_660 = arith.constant 16 : index
      %swap3A_661 = tpu.vector_load %arg14[%swap3A_659, %swap3A_660] {strides = array<i32>} : memref<128x32xf32, #tpu.memory_space<vmem>>, vector<1x16xf32>,
      %swap3A_662 = vector.shape_cast %swap3A_661 : vector<1x16xf32> to vector<16xf32>
      %swap3A_663 = vector.shape_cast %mul3A_657 : vector<16xf32> to vector<1x16xf32>
      tpu.vector_store %arg14[%swap3A_659, %swap3A_660], %swap3A_663 {strides = array<i32>} : memref<128x32xf32, #tpu.memory_space<vmem>>, vector<1x16xf32>,
      %get3A_664 = arith.constant 21 : i32
      %get3A_665 = arith.index_cast %get3A_664 : i32 to index
      %get3A_666 = arith.constant 0 : index
      %get3A_667 = tpu.vector_load %arg14[%get3A_665, %get3A_666] {strides = array<i32>} : memref<128x32xf32, #tpu.memory_space<vmem>>, vector<1x16xf32>,
      %get3A_668 = vector.shape_cast %get3A_667 : vector<1x16xf32> to vector<16xf32>
      %slice3A_669 = vector.extract_strided_slice %get3A_513 {offsets = [5], sizes = [1], strides = [1]} : vector<16xf32> to vector<1xf32>
      %squeeze3A_670 = vector.extract %slice3A_669[0] : f32 from vector<1xf32>
      %mul3A_671 = vector.broadcast %squeeze3A_670 : f32 to vector<16xf32>
      %mul3A_672 = arith.mulf %get3A_668, %mul3A_671 : vector<16xf32>
      %swap3A_673 = arith.constant 21 : i32
      %swap3A_674 = arith.index_cast %swap3A_673 : i32 to index
      %swap3A_675 = arith.constant 0 : index
      %swap3A_676 = tpu.vector_load %arg14[%swap3A_674, %swap3A_675] {strides = array<i32>} : memref<128x32xf32, #tpu.memory_space<vmem>>, vector<1x16xf32>,
      %swap3A_677 = vector.shape_cast %swap3A_676 : vector<1x16xf32> to vector<16xf32>
      %swap3A_678 = vector.shape_cast %mul3A_672 : vector<16xf32> to vector<1x16xf32>
      tpu.vector_store %arg14[%swap3A_674, %swap3A_675], %swap3A_678 {strides = array<i32>} : memref<128x32xf32, #tpu.memory_space<vmem>>, vector<1x16xf32>,
      %get3A_679 = arith.constant 21 : i32
      %get3A_680 = arith.index_cast %get3A_679 : i32 to index
      %get3A_681 = arith.constant 16 : index
      %get3A_682 = tpu.vector_load %arg14[%get3A_680, %get3A_681] {strides = array<i32>} : memref<128x32xf32, #tpu.memory_space<vmem>>, vector<1x16xf32>,
      %get3A_683 = vector.shape_cast %get3A_682 : vector<1x16xf32> to vector<16xf32>
      %slice3A_684 = vector.extract_strided_slice %get3A_513 {offsets = [5], sizes = [1], strides = [1]} : vector<16xf32> to vector<1xf32>
      %squeeze3A_685 = vector.extract %slice3A_684[0] : f32 from vector<1xf32>
      %mul3A_686 = vector.broadcast %squeeze3A_685 : f32 to vector<16xf32>
      %mul3A_687 = arith.mulf %get3A_683, %mul3A_686 : vector<16xf32>
      %swap3A_688 = arith.constant 21 : i32
      %swap3A_689 = arith.index_cast %swap3A_688 : i32 to index
      %swap3A_690 = arith.constant 16 : index
      %swap3A_691 = tpu.vector_load %arg14[%swap3A_689, %swap3A_690] {strides = array<i32>} : memref<128x32xf32, #tpu.memory_space<vmem>>, vector<1x16xf32>,
      %swap3A_692 = vector.shape_cast %swap3A_691 : vector<1x16xf32> to vector<16xf32>
      %swap3A_693 = vector.shape_cast %mul3A_687 : vector<16xf32> to vector<1x16xf32>
      tpu.vector_store %arg14[%swap3A_689, %swap3A_690], %swap3A_693 {strides = array<i32>} : memref<128x32xf32, #tpu.memory_space<vmem>>, vector<1x16xf32>,
      %get3A_694 = arith.constant 22 : i32
      %get3A_695 = arith.index_cast %get3A_694 : i32 to index
      %get3A_696 = arith.constant 0 : index
      %get3A_697 = tpu.vector_load %arg14[%get3A_695, %get3A_696] {strides = array<i32>} : memref<128x32xf32, #tpu.memory_space<vmem>>, vector<1x16xf32>,
      %get3A_698 = vector.shape_cast %get3A_697 : vector<1x16xf32> to vector<16xf32>
      %slice3A_699 = vector.extract_strided_slice %get3A_513 {offsets = [6], sizes = [1], strides = [1]} : vector<16xf32> to vector<1xf32>
      %squeeze3A_700 = vector.extract %slice3A_699[0] : f32 from vector<1xf32>
      %mul3A_701 = vector.broadcast %squeeze3A_700 : f32 to vector<16xf32>
      %mul3A_702 = arith.mulf %get3A_698, %mul3A_701 : vector<16xf32>
      %swap3A_703 = arith.constant 22 : i32
      %swap3A_704 = arith.index_cast %swap3A_703 : i32 to index
      %swap3A_705 = arith.constant 0 : index
      %swap3A_706 = tpu.vector_load %arg14[%swap3A_704, %swap3A_705] {strides = array<i32>} : memref<128x32xf32, #tpu.memory_space<vmem>>, vector<1x16xf32>,
      %swap3A_707 = vector.shape_cast %swap3A_706 : vector<1x16xf32> to vector<16xf32>
      %swap3A_708 = vector.shape_cast %mul3A_702 : vector<16xf32> to vector<1x16xf32>
      tpu.vector_store %arg14[%swap3A_704, %swap3A_705], %swap3A_708 {strides = array<i32>} : memref<128x32xf32, #tpu.memory_space<vmem>>, vector<1x16xf32>,
      %get3A_709 = arith.constant 22 : i32
      %get3A_710 = arith.index_cast %get3A_709 : i32 to index
      %get3A_711 = arith.constant 16 : index
      %get3A_712 = tpu.vector_load %arg14[%get3A_710, %get3A_711] {strides = array<i32>} : memref<128x32xf32, #tpu.memory_space<vmem>>, vector<1x16xf32>,
      %get3A_713 = vector.shape_cast %get3A_712 : vector<1x16xf32> to vector<16xf32>
      %slice3A_714 = vector.extract_strided_slice %get3A_513 {offsets = [6], sizes = [1], strides = [1]} : vector<16xf32> to vector<1xf32>
      %squeeze3A_715 = vector.extract %slice3A_714[0] : f32 from vector<1xf32>
      %mul3A_716 = vector.broadcast %squeeze3A_715 : f32 to vector<16xf32>
      %mul3A_717 = arith.mulf %get3A_713, %mul3A_716 : vector<16xf32>
      %swap3A_718 = arith.constant 22 : i32
      %swap3A_719 = arith.index_cast %swap3A_718 : i32 to index
      %swap3A_720 = arith.constant 16 : index
      %swap3A_721 = tpu.vector_load %arg14[%swap3A_719, %swap3A_720] {strides = array<i32>} : memref<128x32xf32, #tpu.memory_space<vmem>>, vector<1x16xf32>,
      %swap3A_722 = vector.shape_cast %swap3A_721 : vector<1x16xf32> to vector<16xf32>
      %swap3A_723 = vector.shape_cast %mul3A_717 : vector<16xf32> to vector<1x16xf32>
      tpu.vector_store %arg14[%swap3A_719, %swap3A_720], %swap3A_723 {strides = array<i32>} : memref<128x32xf32, #tpu.memory_space<vmem>>, vector<1x16xf32>,
      %get3A_724 = arith.constant 23 : i32
      %get3A_725 = arith.index_cast %get3A_724 : i32 to index
      %get3A_726 = arith.constant 0 : index
      %get3A_727 = tpu.vector_load %arg14[%get3A_725, %get3A_726] {strides = array<i32>} : memref<128x32xf32, #tpu.memory_space<vmem>>, vector<1x16xf32>,
      %get3A_728 = vector.shape_cast %get3A_727 : vector<1x16xf32> to vector<16xf32>
      %slice3A_729 = vector.extract_strided_slice %get3A_513 {offsets = [7], sizes = [1], strides = [1]} : vector<16xf32> to vector<1xf32>
      %squeeze3A_730 = vector.extract %slice3A_729[0] : f32 from vector<1xf32>
      %mul3A_731 = vector.broadcast %squeeze3A_730 : f32 to vector<16xf32>
      %mul3A_732 = arith.mulf %get3A_728, %mul3A_731 : vector<16xf32>
      %swap3A_733 = arith.constant 23 : i32
      %swap3A_734 = arith.index_cast %swap3A_733 : i32 to index
      %swap3A_735 = arith.constant 0 : index
      %swap3A_736 = tpu.vector_load %arg14[%swap3A_734, %swap3A_735] {strides = array<i32>} : memref<128x32xf32, #tpu.memory_space<vmem>>, vector<1x16xf32>,
      %swap3A_737 = vector.shape_cast %swap3A_736 : vector<1x16xf32> to vector<16xf32>
      %swap3A_738 = vector.shape_cast %mul3A_732 : vector<16xf32> to vector<1x16xf32>
      tpu.vector_store %arg14[%swap3A_734, %swap3A_735], %swap3A_738 {strides = array<i32>} : memref<128x32xf32, #tpu.memory_space<vmem>>, vector<1x16xf32>,
      %get3A_739 = arith.constant 23 : i32
      %get3A_740 = arith.index_cast %get3A_739 : i32 to index
      %get3A_741 = arith.constant 16 : index
      %get3A_742 = tpu.vector_load %arg14[%get3A_740, %get3A_741] {strides = array<i32>} : memref<128x32xf32, #tpu.memory_space<vmem>>, vector<1x16xf32>,
      %get3A_743 = vector.shape_cast %get3A_742 : vector<1x16xf32> to vector<16xf32>
      %slice3A_744 = vector.extract_strided_slice %get3A_513 {offsets = [7], sizes = [1], strides = [1]} : vector<16xf32> to vector<1xf32>
      %squeeze3A_745 = vector.extract %slice3A_744[0] : f32 from vector<1xf32>
      %mul3A_746 = vector.broadcast %squeeze3A_745 : f32 to vector<16xf32>
      %mul3A_747 = arith.mulf %get3A_743, %mul3A_746 : vector<16xf32>
      %swap3A_748 = arith.constant 23 : i32
      %swap3A_749 = arith.index_cast %swap3A_748 : i32 to index
      %swap3A_750 = arith.constant 16 : index
      %swap3A_751 = tpu.vector_load %arg14[%swap3A_749, %swap3A_750] {strides = array<i32>} : memref<128x32xf32, #tpu.memory_space<vmem>>, vector<1x16xf32>,
      %swap3A_752 = vector.shape_cast %swap3A_751 : vector<1x16xf32> to vector<16xf32>
      %swap3A_753 = vector.shape_cast %mul3A_747 : vector<16xf32> to vector<1x16xf32>
      tpu.vector_store %arg14[%swap3A_749, %swap3A_750], %swap3A_753 {strides = array<i32>} : memref<128x32xf32, #tpu.memory_space<vmem>>, vector<1x16xf32>,
      %get3A_754 = arith.constant 24 : i32
      %get3A_755 = arith.index_cast %get3A_754 : i32 to index
      %get3A_756 = arith.constant 0 : index
      %get3A_757 = tpu.vector_load %arg14[%get3A_755, %get3A_756] {strides = array<i32>} : memref<128x32xf32, #tpu.memory_space<vmem>>, vector<1x16xf32>,
      %get3A_758 = vector.shape_cast %get3A_757 : vector<1x16xf32> to vector<16xf32>
      %slice3A_759 = vector.extract_strided_slice %get3A_513 {offsets = [8], sizes = [1], strides = [1]} : vector<16xf32> to vector<1xf32>
      %squeeze3A_760 = vector.extract %slice3A_759[0] : f32 from vector<1xf32>
      %mul3A_761 = vector.broadcast %squeeze3A_760 : f32 to vector<16xf32>
      %mul3A_762 = arith.mulf %get3A_758, %mul3A_761 : vector<16xf32>
      %swap3A_763 = arith.constant 24 : i32
      %swap3A_764 = arith.index_cast %swap3A_763 : i32 to index
      %swap3A_765 = arith.constant 0 : index
      %swap3A_766 = tpu.vector_load %arg14[%swap3A_764, %swap3A_765] {strides = array<i32>} : memref<128x32xf32, #tpu.memory_space<vmem>>, vector<1x16xf32>,
      %swap3A_767 = vector.shape_cast %swap3A_766 : vector<1x16xf32> to vector<16xf32>
      %swap3A_768 = vector.shape_cast %mul3A_762 : vector<16xf32> to vector<1x16xf32>
      tpu.vector_store %arg14[%swap3A_764, %swap3A_765], %swap3A_768 {strides = array<i32>} : memref<128x32xf32, #tpu.memory_space<vmem>>, vector<1x16xf32>,
      %get3A_769 = arith.constant 24 : i32
      %get3A_770 = arith.index_cast %get3A_769 : i32 to index
      %get3A_771 = arith.constant 16 : index
      %get3A_772 = tpu.vector_load %arg14[%get3A_770, %get3A_771] {strides = array<i32>} : memref<128x32xf32, #tpu.memory_space<vmem>>, vector<1x16xf32>,
      %get3A_773 = vector.shape_cast %get3A_772 : vector<1x16xf32> to vector<16xf32>
      %slice3A_774 = vector.extract_strided_slice %get3A_513 {offsets = [8], sizes = [1], strides = [1]} : vector<16xf32> to vector<1xf32>
      %squeeze3A_775 = vector.extract %slice3A_774[0] : f32 from vector<1xf32>
      %mul3A_776 = vector.broadcast %squeeze3A_775 : f32 to vector<16xf32>
      %mul3A_777 = arith.mulf %get3A_773, %mul3A_776 : vector<16xf32>
      %swap3A_778 = arith.constant 24 : i32
      %swap3A_779 = arith.index_cast %swap3A_778 : i32 to index
      %swap3A_780 = arith.constant 16 : index
      %swap3A_781 = tpu.vector_load %arg14[%swap3A_779, %swap3A_780] {strides = array<i32>} : memref<128x32xf32, #tpu.memory_space<vmem>>, vector<1x16xf32>,
      %swap3A_782 = vector.shape_cast %swap3A_781 : vector<1x16xf32> to vector<16xf32>
      %swap3A_783 = vector.shape_cast %mul3A_777 : vector<16xf32> to vector<1x16xf32>
      tpu.vector_store %arg14[%swap3A_779, %swap3A_780], %swap3A_783 {strides = array<i32>} : memref<128x32xf32, #tpu.memory_space<vmem>>, vector<1x16xf32>,
      %get3A_784 = arith.constant 25 : i32
      %get3A_785 = arith.index_cast %get3A_784 : i32 to index
      %get3A_786 = arith.constant 0 : index
      %get3A_787 = tpu.vector_load %arg14[%get3A_785, %get3A_786] {strides = array<i32>} : memref<128x32xf32, #tpu.memory_space<vmem>>, vector<1x16xf32>,
      %get3A_788 = vector.shape_cast %get3A_787 : vector<1x16xf32> to vector<16xf32>
      %slice3A_789 = vector.extract_strided_slice %get3A_513 {offsets = [9], sizes = [1], strides = [1]} : vector<16xf32> to vector<1xf32>
      %squeeze3A_790 = vector.extract %slice3A_789[0] : f32 from vector<1xf32>
      %mul3A_791 = vector.broadcast %squeeze3A_790 : f32 to vector<16xf32>
      %mul3A_792 = arith.mulf %get3A_788, %mul3A_791 : vector<16xf32>
      %swap3A_793 = arith.constant 25 : i32
      %swap3A_794 = arith.index_cast %swap3A_793 : i32 to index
      %swap3A_795 = arith.constant 0 : index
      %swap3A_796 = tpu.vector_load %arg14[%swap3A_794, %swap3A_795] {strides = array<i32>} : memref<128x32xf32, #tpu.memory_space<vmem>>, vector<1x16xf32>,
      %swap3A_797 = vector.shape_cast %swap3A_796 : vector<1x16xf32> to vector<16xf32>
      %swap3A_798 = vector.shape_cast %mul3A_792 : vector<16xf32> to vector<1x16xf32>
      tpu.vector_store %arg14[%swap3A_794, %swap3A_795], %swap3A_798 {strides = array<i32>} : memref<128x32xf32, #tpu.memory_space<vmem>>, vector<1x16xf32>,
      %get3A_799 = arith.constant 25 : i32
      %get3A_800 = arith.index_cast %get3A_799 : i32 to index
      %get3A_801 = arith.constant 16 : index
      %get3A_802 = tpu.vector_load %arg14[%get3A_800, %get3A_801] {strides = array<i32>} : memref<128x32xf32, #tpu.memory_space<vmem>>, vector<1x16xf32>,
      %get3A_803 = vector.shape_cast %get3A_802 : vector<1x16xf32> to vector<16xf32>
      %slice3A_804 = vector.extract_strided_slice %get3A_513 {offsets = [9], sizes = [1], strides = [1]} : vector<16xf32> to vector<1xf32>
      %squeeze3A_805 = vector.extract %slice3A_804[0] : f32 from vector<1xf32>
      %mul3A_806 = vector.broadcast %squeeze3A_805 : f32 to vector<16xf32>
      %mul3A_807 = arith.mulf %get3A_803, %mul3A_806 : vector<16xf32>
      %swap3A_808 = arith.constant 25 : i32
      %swap3A_809 = arith.index_cast %swap3A_808 : i32 to index
      %swap3A_810 = arith.constant 16 : index
      %swap3A_811 = tpu.vector_load %arg14[%swap3A_809, %swap3A_810] {strides = array<i32>} : memref<128x32xf32, #tpu.memory_space<vmem>>, vector<1x16xf32>,
      %swap3A_812 = vector.shape_cast %swap3A_811 : vector<1x16xf32> to vector<16xf32>
      %swap3A_813 = vector.shape_cast %mul3A_807 : vector<16xf32> to vector<1x16xf32>
      tpu.vector_store %arg14[%swap3A_809, %swap3A_810], %swap3A_813 {strides = array<i32>} : memref<128x32xf32, #tpu.memory_space<vmem>>, vector<1x16xf32>,
      %get3A_814 = arith.constant 26 : i32
      %get3A_815 = arith.index_cast %get3A_814 : i32 to index
      %get3A_816 = arith.constant 0 : index
      %get3A_817 = tpu.vector_load %arg14[%get3A_815, %get3A_816] {strides = array<i32>} : memref<128x32xf32, #tpu.memory_space<vmem>>, vector<1x16xf32>,
      %get3A_818 = vector.shape_cast %get3A_817 : vector<1x16xf32> to vector<16xf32>
      %slice3A_819 = vector.extract_strided_slice %get3A_513 {offsets = [10], sizes = [1], strides = [1]} : vector<16xf32> to vector<1xf32>
      %squeeze3A_820 = vector.extract %slice3A_819[0] : f32 from vector<1xf32>
      %mul3A_821 = vector.broadcast %squeeze3A_820 : f32 to vector<16xf32>
      %mul3A_822 = arith.mulf %get3A_818, %mul3A_821 : vector<16xf32>
      %swap3A_823 = arith.constant 26 : i32
      %swap3A_824 = arith.index_cast %swap3A_823 : i32 to index
      %swap3A_825 = arith.constant 0 : index
      %swap3A_826 = tpu.vector_load %arg14[%swap3A_824, %swap3A_825] {strides = array<i32>} : memref<128x32xf32, #tpu.memory_space<vmem>>, vector<1x16xf32>,
      %swap3A_827 = vector.shape_cast %swap3A_826 : vector<1x16xf32> to vector<16xf32>
      %swap3A_828 = vector.shape_cast %mul3A_822 : vector<16xf32> to vector<1x16xf32>
      tpu.vector_store %arg14[%swap3A_824, %swap3A_825], %swap3A_828 {strides = array<i32>} : memref<128x32xf32, #tpu.memory_space<vmem>>, vector<1x16xf32>,
      %get3A_829 = arith.constant 26 : i32
      %get3A_830 = arith.index_cast %get3A_829 : i32 to index
      %get3A_831 = arith.constant 16 : index
      %get3A_832 = tpu.vector_load %arg14[%get3A_830, %get3A_831] {strides = array<i32>} : memref<128x32xf32, #tpu.memory_space<vmem>>, vector<1x16xf32>,
      %get3A_833 = vector.shape_cast %get3A_832 : vector<1x16xf32> to vector<16xf32>
      %slice3A_834 = vector.extract_strided_slice %get3A_513 {offsets = [10], sizes = [1], strides = [1]} : vector<16xf32> to vector<1xf32>
      %squeeze3A_835 = vector.extract %slice3A_834[0] : f32 from vector<1xf32>
      %mul3A_836 = vector.broadcast %squeeze3A_835 : f32 to vector<16xf32>
      %mul3A_837 = arith.mulf %get3A_833, %mul3A_836 : vector<16xf32>
      %swap3A_838 = arith.constant 26 : i32
      %swap3A_839 = arith.index_cast %swap3A_838 : i32 to index
      %swap3A_840 = arith.constant 16 : index
      %swap3A_841 = tpu.vector_load %arg14[%swap3A_839, %swap3A_840] {strides = array<i32>} : memref<128x32xf32, #tpu.memory_space<vmem>>, vector<1x16xf32>,
      %swap3A_842 = vector.shape_cast %swap3A_841 : vector<1x16xf32> to vector<16xf32>
      %swap3A_843 = vector.shape_cast %mul3A_837 : vector<16xf32> to vector<1x16xf32>
      tpu.vector_store %arg14[%swap3A_839, %swap3A_840], %swap3A_843 {strides = array<i32>} : memref<128x32xf32, #tpu.memory_space<vmem>>, vector<1x16xf32>,
      %get3A_844 = arith.constant 27 : i32
      %get3A_845 = arith.index_cast %get3A_844 : i32 to index
      %get3A_846 = arith.constant 0 : index
      %get3A_847 = tpu.vector_load %arg14[%get3A_845, %get3A_846] {strides = array<i32>} : memref<128x32xf32, #tpu.memory_space<vmem>>, vector<1x16xf32>,
      %get3A_848 = vector.shape_cast %get3A_847 : vector<1x16xf32> to vector<16xf32>
      %slice3A_849 = vector.extract_strided_slice %get3A_513 {offsets = [11], sizes = [1], strides = [1]} : vector<16xf32> to vector<1xf32>
      %squeeze3A_850 = vector.extract %slice3A_849[0] : f32 from vector<1xf32>
      %mul3A_851 = vector.broadcast %squeeze3A_850 : f32 to vector<16xf32>
      %mul3A_852 = arith.mulf %get3A_848, %mul3A_851 : vector<16xf32>
      %swap3A_853 = arith.constant 27 : i32
      %swap3A_854 = arith.index_cast %swap3A_853 : i32 to index
      %swap3A_855 = arith.constant 0 : index
      %swap3A_856 = tpu.vector_load %arg14[%swap3A_854, %swap3A_855] {strides = array<i32>} : memref<128x32xf32, #tpu.memory_space<vmem>>, vector<1x16xf32>,
      %swap3A_857 = vector.shape_cast %swap3A_856 : vector<1x16xf32> to vector<16xf32>
      %swap3A_858 = vector.shape_cast %mul3A_852 : vector<16xf32> to vector<1x16xf32>
      tpu.vector_store %arg14[%swap3A_854, %swap3A_855], %swap3A_858 {strides = array<i32>} : memref<128x32xf32, #tpu.memory_space<vmem>>, vector<1x16xf32>,
      %get3A_859 = arith.constant 27 : i32
      %get3A_860 = arith.index_cast %get3A_859 : i32 to index
      %get3A_861 = arith.constant 16 : index
      %get3A_862 = tpu.vector_load %arg14[%get3A_860, %get3A_861] {strides = array<i32>} : memref<128x32xf32, #tpu.memory_space<vmem>>, vector<1x16xf32>,
      %get3A_863 = vector.shape_cast %get3A_862 : vector<1x16xf32> to vector<16xf32>
      %slice3A_864 = vector.extract_strided_slice %get3A_513 {offsets = [11], sizes = [1], strides = [1]} : vector<16xf32> to vector<1xf32>
      %squeeze3A_865 = vector.extract %slice3A_864[0] : f32 from vector<1xf32>
      %mul3A_866 = vector.broadcast %squeeze3A_865 : f32 to vector<16xf32>
      %mul3A_867 = arith.mulf %get3A_863, %mul3A_866 : vector<16xf32>
      %swap3A_868 = arith.constant 27 : i32
      %swap3A_869 = arith.index_cast %swap3A_868 : i32 to index
      %swap3A_870 = arith.constant 16 : index
      %swap3A_871 = tpu.vector_load %arg14[%swap3A_869, %swap3A_870] {strides = array<i32>} : memref<128x32xf32, #tpu.memory_space<vmem>>, vector<1x16xf32>,
      %swap3A_872 = vector.shape_cast %swap3A_871 : vector<1x16xf32> to vector<16xf32>
      %swap3A_873 = vector.shape_cast %mul3A_867 : vector<16xf32> to vector<1x16xf32>
      tpu.vector_store %arg14[%swap3A_869, %swap3A_870], %swap3A_873 {strides = array<i32>} : memref<128x32xf32, #tpu.memory_space<vmem>>, vector<1x16xf32>,
      %get3A_874 = arith.constant 28 : i32
      %get3A_875 = arith.index_cast %get3A_874 : i32 to index
      %get3A_876 = arith.constant 0 : index
      %get3A_877 = tpu.vector_load %arg14[%get3A_875, %get3A_876] {strides = array<i32>} : memref<128x32xf32, #tpu.memory_space<vmem>>, vector<1x16xf32>,
      %get3A_878 = vector.shape_cast %get3A_877 : vector<1x16xf32> to vector<16xf32>
      %slice3A_879 = vector.extract_strided_slice %get3A_513 {offsets = [12], sizes = [1], strides = [1]} : vector<16xf32> to vector<1xf32>
      %squeeze3A_880 = vector.extract %slice3A_879[0] : f32 from vector<1xf32>
      %mul3A_881 = vector.broadcast %squeeze3A_880 : f32 to vector<16xf32>
      %mul3A_882 = arith.mulf %get3A_878, %mul3A_881 : vector<16xf32>
      %swap3A_883 = arith.constant 28 : i32
      %swap3A_884 = arith.index_cast %swap3A_883 : i32 to index
      %swap3A_885 = arith.constant 0 : index
      %swap3A_886 = tpu.vector_load %arg14[%swap3A_884, %swap3A_885] {strides = array<i32>} : memref<128x32xf32, #tpu.memory_space<vmem>>, vector<1x16xf32>,
      %swap3A_887 = vector.shape_cast %swap3A_886 : vector<1x16xf32> to vector<16xf32>
      %swap3A_888 = vector.shape_cast %mul3A_882 : vector<16xf32> to vector<1x16xf32>
      tpu.vector_store %arg14[%swap3A_884, %swap3A_885], %swap3A_888 {strides = array<i32>} : memref<128x32xf32, #tpu.memory_space<vmem>>, vector<1x16xf32>,
      %get3A_889 = arith.constant 28 : i32
      %get3A_890 = arith.index_cast %get3A_889 : i32 to index
      %get3A_891 = arith.constant 16 : index
      %get3A_892 = tpu.vector_load %arg14[%get3A_890, %get3A_891] {strides = array<i32>} : memref<128x32xf32, #tpu.memory_space<vmem>>, vector<1x16xf32>,
      %get3A_893 = vector.shape_cast %get3A_892 : vector<1x16xf32> to vector<16xf32>
      %slice3A_894 = vector.extract_strided_slice %get3A_513 {offsets = [12], sizes = [1], strides = [1]} : vector<16xf32> to vector<1xf32>
      %squeeze3A_895 = vector.extract %slice3A_894[0] : f32 from vector<1xf32>
      %mul3A_896 = vector.broadcast %squeeze3A_895 : f32 to vector<16xf32>
      %mul3A_897 = arith.mulf %get3A_893, %mul3A_896 : vector<16xf32>
      %swap3A_898 = arith.constant 28 : i32
      %swap3A_899 = arith.index_cast %swap3A_898 : i32 to index
      %swap3A_900 = arith.constant 16 : index
      %swap3A_901 = tpu.vector_load %arg14[%swap3A_899, %swap3A_900] {strides = array<i32>} : memref<128x32xf32, #tpu.memory_space<vmem>>, vector<1x16xf32>,
      %swap3A_902 = vector.shape_cast %swap3A_901 : vector<1x16xf32> to vector<16xf32>
      %swap3A_903 = vector.shape_cast %mul3A_897 : vector<16xf32> to vector<1x16xf32>
      tpu.vector_store %arg14[%swap3A_899, %swap3A_900], %swap3A_903 {strides = array<i32>} : memref<128x32xf32, #tpu.memory_space<vmem>>, vector<1x16xf32>,
      %get3A_904 = arith.constant 29 : i32
      %get3A_905 = arith.index_cast %get3A_904 : i32 to index
      %get3A_906 = arith.constant 0 : index
      %get3A_907 = tpu.vector_load %arg14[%get3A_905, %get3A_906] {strides = array<i32>} : memref<128x32xf32, #tpu.memory_space<vmem>>, vector<1x16xf32>,
      %get3A_908 = vector.shape_cast %get3A_907 : vector<1x16xf32> to vector<16xf32>
      %slice3A_909 = vector.extract_strided_slice %get3A_513 {offsets = [13], sizes = [1], strides = [1]} : vector<16xf32> to vector<1xf32>
      %squeeze3A_910 = vector.extract %slice3A_909[0] : f32 from vector<1xf32>
      %mul3A_911 = vector.broadcast %squeeze3A_910 : f32 to vector<16xf32>
      %mul3A_912 = arith.mulf %get3A_908, %mul3A_911 : vector<16xf32>
      %swap3A_913 = arith.constant 29 : i32
      %swap3A_914 = arith.index_cast %swap3A_913 : i32 to index
      %swap3A_915 = arith.constant 0 : index
      %swap3A_916 = tpu.vector_load %arg14[%swap3A_914, %swap3A_915] {strides = array<i32>} : memref<128x32xf32, #tpu.memory_space<vmem>>, vector<1x16xf32>,
      %swap3A_917 = vector.shape_cast %swap3A_916 : vector<1x16xf32> to vector<16xf32>
      %swap3A_918 = vector.shape_cast %mul3A_912 : vector<16xf32> to vector<1x16xf32>
      tpu.vector_store %arg14[%swap3A_914, %swap3A_915], %swap3A_918 {strides = array<i32>} : memref<128x32xf32, #tpu.memory_space<vmem>>, vector<1x16xf32>,
      %get3A_919 = arith.constant 29 : i32
      %get3A_920 = arith.index_cast %get3A_919 : i32 to index
      %get3A_921 = arith.constant 16 : index
      %get3A_922 = tpu.vector_load %arg14[%get3A_920, %get3A_921] {strides = array<i32>} : memref<128x32xf32, #tpu.memory_space<vmem>>, vector<1x16xf32>,
      %get3A_923 = vector.shape_cast %get3A_922 : vector<1x16xf32> to vector<16xf32>
      %slice3A_924 = vector.extract_strided_slice %get3A_513 {offsets = [13], sizes = [1], strides = [1]} : vector<16xf32> to vector<1xf32>
      %squeeze3A_925 = vector.extract %slice3A_924[0] : f32 from vector<1xf32>
      %mul3A_926 = vector.broadcast %squeeze3A_925 : f32 to vector<16xf32>
      %mul3A_927 = arith.mulf %get3A_923, %mul3A_926 : vector<16xf32>
      %swap3A_928 = arith.constant 29 : i32
      %swap3A_929 = arith.index_cast %swap3A_928 : i32 to index
      %swap3A_930 = arith.constant 16 : index
      %swap3A_931 = tpu.vector_load %arg14[%swap3A_929, %swap3A_930] {strides = array<i32>} : memref<128x32xf32, #tpu.memory_space<vmem>>, vector<1x16xf32>,
      %swap3A_932 = vector.shape_cast %swap3A_931 : vector<1x16xf32> to vector<16xf32>
      %swap3A_933 = vector.shape_cast %mul3A_927 : vector<16xf32> to vector<1x16xf32>
      tpu.vector_store %arg14[%swap3A_929, %swap3A_930], %swap3A_933 {strides = array<i32>} : memref<128x32xf32, #tpu.memory_space<vmem>>, vector<1x16xf32>,
      %get3A_934 = arith.constant 30 : i32
      %get3A_935 = arith.index_cast %get3A_934 : i32 to index
      %get3A_936 = arith.constant 0 : index
      %get3A_937 = tpu.vector_load %arg14[%get3A_935, %get3A_936] {strides = array<i32>} : memref<128x32xf32, #tpu.memory_space<vmem>>, vector<1x16xf32>,
      %get3A_938 = vector.shape_cast %get3A_937 : vector<1x16xf32> to vector<16xf32>
      %slice3A_939 = vector.extract_strided_slice %get3A_513 {offsets = [14], sizes = [1], strides = [1]} : vector<16xf32> to vector<1xf32>
      %squeeze3A_940 = vector.extract %slice3A_939[0] : f32 from vector<1xf32>
      %mul3A_941 = vector.broadcast %squeeze3A_940 : f32 to vector<16xf32>
      %mul3A_942 = arith.mulf %get3A_938, %mul3A_941 : vector<16xf32>
      %swap3A_943 = arith.constant 30 : i32
      %swap3A_944 = arith.index_cast %swap3A_943 : i32 to index
      %swap3A_945 = arith.constant 0 : index
      %swap3A_946 = tpu.vector_load %arg14[%swap3A_944, %swap3A_945] {strides = array<i32>} : memref<128x32xf32, #tpu.memory_space<vmem>>, vector<1x16xf32>,
      %swap3A_947 = vector.shape_cast %swap3A_946 : vector<1x16xf32> to vector<16xf32>
      %swap3A_948 = vector.shape_cast %mul3A_942 : vector<16xf32> to vector<1x16xf32>
      tpu.vector_store %arg14[%swap3A_944, %swap3A_945], %swap3A_948 {strides = array<i32>} : memref<128x32xf32, #tpu.memory_space<vmem>>, vector<1x16xf32>,
      %get3A_949 = arith.constant 30 : i32
      %get3A_950 = arith.index_cast %get3A_949 : i32 to index
      %get3A_951 = arith.constant 16 : index
      %get3A_952 = tpu.vector_load %arg14[%get3A_950, %get3A_951] {strides = array<i32>} : memref<128x32xf32, #tpu.memory_space<vmem>>, vector<1x16xf32>,
      %get3A_953 = vector.shape_cast %get3A_952 : vector<1x16xf32> to vector<16xf32>
      %slice3A_954 = vector.extract_strided_slice %get3A_513 {offsets = [14], sizes = [1], strides = [1]} : vector<16xf32> to vector<1xf32>
      %squeeze3A_955 = vector.extract %slice3A_954[0] : f32 from vector<1xf32>
      %mul3A_956 = vector.broadcast %squeeze3A_955 : f32 to vector<16xf32>
      %mul3A_957 = arith.mulf %get3A_953, %mul3A_956 : vector<16xf32>
      %swap3A_958 = arith.constant 30 : i32
      %swap3A_959 = arith.index_cast %swap3A_958 : i32 to index
      %swap3A_960 = arith.constant 16 : index
      %swap3A_961 = tpu.vector_load %arg14[%swap3A_959, %swap3A_960] {strides = array<i32>} : memref<128x32xf32, #tpu.memory_space<vmem>>, vector<1x16xf32>,
      %swap3A_962 = vector.shape_cast %swap3A_961 : vector<1x16xf32> to vector<16xf32>
      %swap3A_963 = vector.shape_cast %mul3A_957 : vector<16xf32> to vector<1x16xf32>
      tpu.vector_store %arg14[%swap3A_959, %swap3A_960], %swap3A_963 {strides = array<i32>} : memref<128x32xf32, #tpu.memory_space<vmem>>, vector<1x16xf32>,
      %get3A_964 = arith.constant 31 : i32
      %get3A_965 = arith.index_cast %get3A_964 : i32 to index
      %get3A_966 = arith.constant 0 : index
      %get3A_967 = tpu.vector_load %arg14[%get3A_965, %get3A_966] {strides = array<i32>} : memref<128x32xf32, #tpu.memory_space<vmem>>, vector<1x16xf32>,
      %get3A_968 = vector.shape_cast %get3A_967 : vector<1x16xf32> to vector<16xf32>
      %slice3A_969 = vector.extract_strided_slice %get3A_513 {offsets = [15], sizes = [1], strides = [1]} : vector<16xf32> to vector<1xf32>
      %squeeze3A_970 = vector.extract %slice3A_969[0] : f32 from vector<1xf32>
      %mul3A_971 = vector.broadcast %squeeze3A_970 : f32 to vector<16xf32>
      %mul3A_972 = arith.mulf %get3A_968, %mul3A_971 : vector<16xf32>
      %swap3A_973 = arith.constant 31 : i32
      %swap3A_974 = arith.index_cast %swap3A_973 : i32 to index
      %swap3A_975 = arith.constant 0 : index
      %swap3A_976 = tpu.vector_load %arg14[%swap3A_974, %swap3A_975] {strides = array<i32>} : memref<128x32xf32, #tpu.memory_space<vmem>>, vector<1x16xf32>,
      %swap3A_977 = vector.shape_cast %swap3A_976 : vector<1x16xf32> to vector<16xf32>
      %swap3A_978 = vector.shape_cast %mul3A_972 : vector<16xf32> to vector<1x16xf32>
      tpu.vector_store %arg14[%swap3A_974, %swap3A_975], %swap3A_978 {strides = array<i32>} : memref<128x32xf32, #tpu.memory_space<vmem>>, vector<1x16xf32>,
      %get3A_979 = arith.constant 31 : i32
      %get3A_980 = arith.index_cast %get3A_979 : i32 to index
      %get3A_981 = arith.constant 16 : index
      %get3A_982 = tpu.vector_load %arg14[%get3A_980, %get3A_981] {strides = array<i32>} : memref<128x32xf32, #tpu.memory_space<vmem>>, vector<1x16xf32>,
      %get3A_983 = vector.shape_cast %get3A_982 : vector<1x16xf32> to vector<16xf32>
      %slice3A_984 = vector.extract_strided_slice %get3A_513 {offsets = [15], sizes = [1], strides = [1]} : vector<16xf32> to vector<1xf32>
      %squeeze3A_985 = vector.extract %slice3A_984[0] : f32 from vector<1xf32>
      %mul3A_986 = vector.broadcast %squeeze3A_985 : f32 to vector<16xf32>
      %mul3A_987 = arith.mulf %get3A_983, %mul3A_986 : vector<16xf32>
      %swap3A_988 = arith.constant 31 : i32
      %swap3A_989 = arith.index_cast %swap3A_988 : i32 to index
      %swap3A_990 = arith.constant 16 : index
      %swap3A_991 = tpu.vector_load %arg14[%swap3A_989, %swap3A_990] {strides = array<i32>} : memref<128x32xf32, #tpu.memory_space<vmem>>, vector<1x16xf32>,
      %swap3A_992 = vector.shape_cast %swap3A_991 : vector<1x16xf32> to vector<16xf32>
      %swap3A_993 = vector.shape_cast %mul3A_987 : vector<16xf32> to vector<1x16xf32>
      tpu.vector_store %arg14[%swap3A_989, %swap3A_990], %swap3A_993 {strides = array<i32>} : memref<128x32xf32, #tpu.memory_space<vmem>>, vector<1x16xf32>,
      %get3A_994 = arith.index_cast %scan3A_19 : i32 to index
      %get3A_995 = arith.constant 32 : index
      %get3A_996 = tpu.vector_load %arg13[%get3A_994, %get3A_995] {strides = array<i32>} : memref<32x128xf32, #tpu.memory_space<vmem>>, vector<1x16xf32>,
      %get3A_997 = vector.shape_cast %get3A_996 : vector<1x16xf32> to vector<16xf32>
      %get3A_998 = arith.constant 32 : i32
      %get3A_999 = arith.index_cast %get3A_998 : i32 to index
      %get3A_1000 = arith.constant 0 : index
      %get3A_1001 = tpu.vector_load %arg14[%get3A_999, %get3A_1000] {strides = array<i32>} : memref<128x32xf32, #tpu.memory_space<vmem>>, vector<1x16xf32>,
      %get3A_1002 = vector.shape_cast %get3A_1001 : vector<1x16xf32> to vector<16xf32>
      %slice3A_1003 = vector.extract_strided_slice %get3A_997 {offsets = [0], sizes = [1], strides = [1]} : vector<16xf32> to vector<1xf32>
      %squeeze3A_1004 = vector.extract %slice3A_1003[0] : f32 from vector<1xf32>
      %mul3A_1005 = vector.broadcast %squeeze3A_1004 : f32 to vector<16xf32>
      %mul3A_1006 = arith.mulf %get3A_1002, %mul3A_1005 : vector<16xf32>
      %swap3A_1007 = arith.constant 32 : i32
      %swap3A_1008 = arith.index_cast %swap3A_1007 : i32 to index
      %swap3A_1009 = arith.constant 0 : index
      %swap3A_1010 = tpu.vector_load %arg14[%swap3A_1008, %swap3A_1009] {strides = array<i32>} : memref<128x32xf32, #tpu.memory_space<vmem>>, vector<1x16xf32>,
      %swap3A_1011 = vector.shape_cast %swap3A_1010 : vector<1x16xf32> to vector<16xf32>
      %swap3A_1012 = vector.shape_cast %mul3A_1006 : vector<16xf32> to vector<1x16xf32>
      tpu.vector_store %arg14[%swap3A_1008, %swap3A_1009], %swap3A_1012 {strides = array<i32>} : memref<128x32xf32, #tpu.memory_space<vmem>>, vector<1x16xf32>,
      %get3A_1013 = arith.constant 32 : i32
      %get3A_1014 = arith.index_cast %get3A_1013 : i32 to index
      %get3A_1015 = arith.constant 16 : index
      %get3A_1016 = tpu.vector_load %arg14[%get3A_1014, %get3A_1015] {strides = array<i32>} : memref<128x32xf32, #tpu.memory_space<vmem>>, vector<1x16xf32>,
      %get3A_1017 = vector.shape_cast %get3A_1016 : vector<1x16xf32> to vector<16xf32>
      %slice3A_1018 = vector.extract_strided_slice %get3A_997 {offsets = [0], sizes = [1], strides = [1]} : vector<16xf32> to vector<1xf32>
      %squeeze3A_1019 = vector.extract %slice3A_1018[0] : f32 from vector<1xf32>
      %mul3A_1020 = vector.broadcast %squeeze3A_1019 : f32 to vector<16xf32>
      %mul3A_1021 = arith.mulf %get3A_1017, %mul3A_1020 : vector<16xf32>
      %swap3A_1022 = arith.constant 32 : i32
      %swap3A_1023 = arith.index_cast %swap3A_1022 : i32 to index
      %swap3A_1024 = arith.constant 16 : index
      %swap3A_1025 = tpu.vector_load %arg14[%swap3A_1023, %swap3A_1024] {strides = array<i32>} : memref<128x32xf32, #tpu.memory_space<vmem>>, vector<1x16xf32>,
      %swap3A_1026 = vector.shape_cast %swap3A_1025 : vector<1x16xf32> to vector<16xf32>
      %swap3A_1027 = vector.shape_cast %mul3A_1021 : vector<16xf32> to vector<1x16xf32>
      tpu.vector_store %arg14[%swap3A_1023, %swap3A_1024], %swap3A_1027 {strides = array<i32>} : memref<128x32xf32, #tpu.memory_space<vmem>>, vector<1x16xf32>,
      %get3A_1028 = arith.constant 33 : i32
      %get3A_1029 = arith.index_cast %get3A_1028 : i32 to index
      %get3A_1030 = arith.constant 0 : index
      %get3A_1031 = tpu.vector_load %arg14[%get3A_1029, %get3A_1030] {strides = array<i32>} : memref<128x32xf32, #tpu.memory_space<vmem>>, vector<1x16xf32>,
      %get3A_1032 = vector.shape_cast %get3A_1031 : vector<1x16xf32> to vector<16xf32>
      %slice3A_1033 = vector.extract_strided_slice %get3A_997 {offsets = [1], sizes = [1], strides = [1]} : vector<16xf32> to vector<1xf32>
      %squeeze3A_1034 = vector.extract %slice3A_1033[0] : f32 from vector<1xf32>
      %mul3A_1035 = vector.broadcast %squeeze3A_1034 : f32 to vector<16xf32>
      %mul3A_1036 = arith.mulf %get3A_1032, %mul3A_1035 : vector<16xf32>
      %swap3A_1037 = arith.constant 33 : i32
      %swap3A_1038 = arith.index_cast %swap3A_1037 : i32 to index
      %swap3A_1039 = arith.constant 0 : index
      %swap3A_1040 = tpu.vector_load %arg14[%swap3A_1038, %swap3A_1039] {strides = array<i32>} : memref<128x32xf32, #tpu.memory_space<vmem>>, vector<1x16xf32>,
      %swap3A_1041 = vector.shape_cast %swap3A_1040 : vector<1x16xf32> to vector<16xf32>
      %swap3A_1042 = vector.shape_cast %mul3A_1036 : vector<16xf32> to vector<1x16xf32>
      tpu.vector_store %arg14[%swap3A_1038, %swap3A_1039], %swap3A_1042 {strides = array<i32>} : memref<128x32xf32, #tpu.memory_space<vmem>>, vector<1x16xf32>,
      %get3A_1043 = arith.constant 33 : i32
      %get3A_1044 = arith.index_cast %get3A_1043 : i32 to index
      %get3A_1045 = arith.constant 16 : index
      %get3A_1046 = tpu.vector_load %arg14[%get3A_1044, %get3A_1045] {strides = array<i32>} : memref<128x32xf32, #tpu.memory_space<vmem>>, vector<1x16xf32>,
      %get3A_1047 = vector.shape_cast %get3A_1046 : vector<1x16xf32> to vector<16xf32>
      %slice3A_1048 = vector.extract_strided_slice %get3A_997 {offsets = [1], sizes = [1], strides = [1]} : vector<16xf32> to vector<1xf32>
      %squeeze3A_1049 = vector.extract %slice3A_1048[0] : f32 from vector<1xf32>
      %mul3A_1050 = vector.broadcast %squeeze3A_1049 : f32 to vector<16xf32>
      %mul3A_1051 = arith.mulf %get3A_1047, %mul3A_1050 : vector<16xf32>
      %swap3A_1052 = arith.constant 33 : i32
      %swap3A_1053 = arith.index_cast %swap3A_1052 : i32 to index
      %swap3A_1054 = arith.constant 16 : index
      %swap3A_1055 = tpu.vector_load %arg14[%swap3A_1053, %swap3A_1054] {strides = array<i32>} : memref<128x32xf32, #tpu.memory_space<vmem>>, vector<1x16xf32>,
      %swap3A_1056 = vector.shape_cast %swap3A_1055 : vector<1x16xf32> to vector<16xf32>
      %swap3A_1057 = vector.shape_cast %mul3A_1051 : vector<16xf32> to vector<1x16xf32>
      tpu.vector_store %arg14[%swap3A_1053, %swap3A_1054], %swap3A_1057 {strides = array<i32>} : memref<128x32xf32, #tpu.memory_space<vmem>>, vector<1x16xf32>,
      %get3A_1058 = arith.constant 34 : i32
      %get3A_1059 = arith.index_cast %get3A_1058 : i32 to index
      %get3A_1060 = arith.constant 0 : index
      %get3A_1061 = tpu.vector_load %arg14[%get3A_1059, %get3A_1060] {strides = array<i32>} : memref<128x32xf32, #tpu.memory_space<vmem>>, vector<1x16xf32>,
      %get3A_1062 = vector.shape_cast %get3A_1061 : vector<1x16xf32> to vector<16xf32>
      %slice3A_1063 = vector.extract_strided_slice %get3A_997 {offsets = [2], sizes = [1], strides = [1]} : vector<16xf32> to vector<1xf32>
      %squeeze3A_1064 = vector.extract %slice3A_1063[0] : f32 from vector<1xf32>
      %mul3A_1065 = vector.broadcast %squeeze3A_1064 : f32 to vector<16xf32>
      %mul3A_1066 = arith.mulf %get3A_1062, %mul3A_1065 : vector<16xf32>
      %swap3A_1067 = arith.constant 34 : i32
      %swap3A_1068 = arith.index_cast %swap3A_1067 : i32 to index
      %swap3A_1069 = arith.constant 0 : index
      %swap3A_1070 = tpu.vector_load %arg14[%swap3A_1068, %swap3A_1069] {strides = array<i32>} : memref<128x32xf32, #tpu.memory_space<vmem>>, vector<1x16xf32>,
      %swap3A_1071 = vector.shape_cast %swap3A_1070 : vector<1x16xf32> to vector<16xf32>
      %swap3A_1072 = vector.shape_cast %mul3A_1066 : vector<16xf32> to vector<1x16xf32>
      tpu.vector_store %arg14[%swap3A_1068, %swap3A_1069], %swap3A_1072 {strides = array<i32>} : memref<128x32xf32, #tpu.memory_space<vmem>>, vector<1x16xf32>,
      %get3A_1073 = arith.constant 34 : i32
      %get3A_1074 = arith.index_cast %get3A_1073 : i32 to index
      %get3A_1075 = arith.constant 16 : index
      %get3A_1076 = tpu.vector_load %arg14[%get3A_1074, %get3A_1075] {strides = array<i32>} : memref<128x32xf32, #tpu.memory_space<vmem>>, vector<1x16xf32>,
      %get3A_1077 = vector.shape_cast %get3A_1076 : vector<1x16xf32> to vector<16xf32>
      %slice3A_1078 = vector.extract_strided_slice %get3A_997 {offsets = [2], sizes = [1], strides = [1]} : vector<16xf32> to vector<1xf32>
      %squeeze3A_1079 = vector.extract %slice3A_1078[0] : f32 from vector<1xf32>
      %mul3A_1080 = vector.broadcast %squeeze3A_1079 : f32 to vector<16xf32>
      %mul3A_1081 = arith.mulf %get3A_1077, %mul3A_1080 : vector<16xf32>
      %swap3A_1082 = arith.constant 34 : i32
      %swap3A_1083 = arith.index_cast %swap3A_1082 : i32 to index
      %swap3A_1084 = arith.constant 16 : index
      %swap3A_1085 = tpu.vector_load %arg14[%swap3A_1083, %swap3A_1084] {strides = array<i32>} : memref<128x32xf32, #tpu.memory_space<vmem>>, vector<1x16xf32>,
      %swap3A_1086 = vector.shape_cast %swap3A_1085 : vector<1x16xf32> to vector<16xf32>
      %swap3A_1087 = vector.shape_cast %mul3A_1081 : vector<16xf32> to vector<1x16xf32>
      tpu.vector_store %arg14[%swap3A_1083, %swap3A_1084], %swap3A_1087 {strides = array<i32>} : memref<128x32xf32, #tpu.memory_space<vmem>>, vector<1x16xf32>,
      %get3A_1088 = arith.constant 35 : i32
      %get3A_1089 = arith.index_cast %get3A_1088 : i32 to index
      %get3A_1090 = arith.constant 0 : index
      %get3A_1091 = tpu.vector_load %arg14[%get3A_1089, %get3A_1090] {strides = array<i32>} : memref<128x32xf32, #tpu.memory_space<vmem>>, vector<1x16xf32>,
      %get3A_1092 = vector.shape_cast %get3A_1091 : vector<1x16xf32> to vector<16xf32>
      %slice3A_1093 = vector.extract_strided_slice %get3A_997 {offsets = [3], sizes = [1], strides = [1]} : vector<16xf32> to vector<1xf32>
      %squeeze3A_1094 = vector.extract %slice3A_1093[0] : f32 from vector<1xf32>
      %mul3A_1095 = vector.broadcast %squeeze3A_1094 : f32 to vector<16xf32>
      %mul3A_1096 = arith.mulf %get3A_1092, %mul3A_1095 : vector<16xf32>
      %swap3A_1097 = arith.constant 35 : i32
      %swap3A_1098 = arith.index_cast %swap3A_1097 : i32 to index
      %swap3A_1099 = arith.constant 0 : index
      %swap3A_1100 = tpu.vector_load %arg14[%swap3A_1098, %swap3A_1099] {strides = array<i32>} : memref<128x32xf32, #tpu.memory_space<vmem>>, vector<1x16xf32>,
      %swap3A_1101 = vector.shape_cast %swap3A_1100 : vector<1x16xf32> to vector<16xf32>
      %swap3A_1102 = vector.shape_cast %mul3A_1096 : vector<16xf32> to vector<1x16xf32>
      tpu.vector_store %arg14[%swap3A_1098, %swap3A_1099], %swap3A_1102 {strides = array<i32>} : memref<128x32xf32, #tpu.memory_space<vmem>>, vector<1x16xf32>,
      %get3A_1103 = arith.constant 35 : i32
      %get3A_1104 = arith.index_cast %get3A_1103 : i32 to index
      %get3A_1105 = arith.constant 16 : index
      %get3A_1106 = tpu.vector_load %arg14[%get3A_1104, %get3A_1105] {strides = array<i32>} : memref<128x32xf32, #tpu.memory_space<vmem>>, vector<1x16xf32>,
      %get3A_1107 = vector.shape_cast %get3A_1106 : vector<1x16xf32> to vector<16xf32>
      %slice3A_1108 = vector.extract_strided_slice %get3A_997 {offsets = [3], sizes = [1], strides = [1]} : vector<16xf32> to vector<1xf32>
      %squeeze3A_1109 = vector.extract %slice3A_1108[0] : f32 from vector<1xf32>
      %mul3A_1110 = vector.broadcast %squeeze3A_1109 : f32 to vector<16xf32>
      %mul3A_1111 = arith.mulf %get3A_1107, %mul3A_1110 : vector<16xf32>
      %swap3A_1112 = arith.constant 35 : i32
      %swap3A_1113 = arith.index_cast %swap3A_1112 : i32 to index
      %swap3A_1114 = arith.constant 16 : index
      %swap3A_1115 = tpu.vector_load %arg14[%swap3A_1113, %swap3A_1114] {strides = array<i32>} : memref<128x32xf32, #tpu.memory_space<vmem>>, vector<1x16xf32>,
      %swap3A_1116 = vector.shape_cast %swap3A_1115 : vector<1x16xf32> to vector<16xf32>
      %swap3A_1117 = vector.shape_cast %mul3A_1111 : vector<16xf32> to vector<1x16xf32>
      tpu.vector_store %arg14[%swap3A_1113, %swap3A_1114], %swap3A_1117 {strides = array<i32>} : memref<128x32xf32, #tpu.memory_space<vmem>>, vector<1x16xf32>,
      %get3A_1118 = arith.constant 36 : i32
      %get3A_1119 = arith.index_cast %get3A_1118 : i32 to index
      %get3A_1120 = arith.constant 0 : index
      %get3A_1121 = tpu.vector_load %arg14[%get3A_1119, %get3A_1120] {strides = array<i32>} : memref<128x32xf32, #tpu.memory_space<vmem>>, vector<1x16xf32>,
      %get3A_1122 = vector.shape_cast %get3A_1121 : vector<1x16xf32> to vector<16xf32>
      %slice3A_1123 = vector.extract_strided_slice %get3A_997 {offsets = [4], sizes = [1], strides = [1]} : vector<16xf32> to vector<1xf32>
      %squeeze3A_1124 = vector.extract %slice3A_1123[0] : f32 from vector<1xf32>
      %mul3A_1125 = vector.broadcast %squeeze3A_1124 : f32 to vector<16xf32>
      %mul3A_1126 = arith.mulf %get3A_1122, %mul3A_1125 : vector<16xf32>
      %swap3A_1127 = arith.constant 36 : i32
      %swap3A_1128 = arith.index_cast %swap3A_1127 : i32 to index
      %swap3A_1129 = arith.constant 0 : index
      %swap3A_1130 = tpu.vector_load %arg14[%swap3A_1128, %swap3A_1129] {strides = array<i32>} : memref<128x32xf32, #tpu.memory_space<vmem>>, vector<1x16xf32>,
      %swap3A_1131 = vector.shape_cast %swap3A_1130 : vector<1x16xf32> to vector<16xf32>
      %swap3A_1132 = vector.shape_cast %mul3A_1126 : vector<16xf32> to vector<1x16xf32>
      tpu.vector_store %arg14[%swap3A_1128, %swap3A_1129], %swap3A_1132 {strides = array<i32>} : memref<128x32xf32, #tpu.memory_space<vmem>>, vector<1x16xf32>,
      %get3A_1133 = arith.constant 36 : i32
      %get3A_1134 = arith.index_cast %get3A_1133 : i32 to index
      %get3A_1135 = arith.constant 16 : index
      %get3A_1136 = tpu.vector_load %arg14[%get3A_1134, %get3A_1135] {strides = array<i32>} : memref<128x32xf32, #tpu.memory_space<vmem>>, vector<1x16xf32>,
      %get3A_1137 = vector.shape_cast %get3A_1136 : vector<1x16xf32> to vector<16xf32>
      %slice3A_1138 = vector.extract_strided_slice %get3A_997 {offsets = [4], sizes = [1], strides = [1]} : vector<16xf32> to vector<1xf32>
      %squeeze3A_1139 = vector.extract %slice3A_1138[0] : f32 from vector<1xf32>
      %mul3A_1140 = vector.broadcast %squeeze3A_1139 : f32 to vector<16xf32>
      %mul3A_1141 = arith.mulf %get3A_1137, %mul3A_1140 : vector<16xf32>
      %swap3A_1142 = arith.constant 36 : i32
      %swap3A_1143 = arith.index_cast %swap3A_1142 : i32 to index
      %swap3A_1144 = arith.constant 16 : index
      %swap3A_1145 = tpu.vector_load %arg14[%swap3A_1143, %swap3A_1144] {strides = array<i32>} : memref<128x32xf32, #tpu.memory_space<vmem>>, vector<1x16xf32>,
      %swap3A_1146 = vector.shape_cast %swap3A_1145 : vector<1x16xf32> to vector<16xf32>
      %swap3A_1147 = vector.shape_cast %mul3A_1141 : vector<16xf32> to vector<1x16xf32>
      tpu.vector_store %arg14[%swap3A_1143, %swap3A_1144], %swap3A_1147 {strides = array<i32>} : memref<128x32xf32, #tpu.memory_space<vmem>>, vector<1x16xf32>,
      %get3A_1148 = arith.constant 37 : i32
      %get3A_1149 = arith.index_cast %get3A_1148 : i32 to index
      %get3A_1150 = arith.constant 0 : index
      %get3A_1151 = tpu.vector_load %arg14[%get3A_1149, %get3A_1150] {strides = array<i32>} : memref<128x32xf32, #tpu.memory_space<vmem>>, vector<1x16xf32>,
      %get3A_1152 = vector.shape_cast %get3A_1151 : vector<1x16xf32> to vector<16xf32>
      %slice3A_1153 = vector.extract_strided_slice %get3A_997 {offsets = [5], sizes = [1], strides = [1]} : vector<16xf32> to vector<1xf32>
      %squeeze3A_1154 = vector.extract %slice3A_1153[0] : f32 from vector<1xf32>
      %mul3A_1155 = vector.broadcast %squeeze3A_1154 : f32 to vector<16xf32>
      %mul3A_1156 = arith.mulf %get3A_1152, %mul3A_1155 : vector<16xf32>
      %swap3A_1157 = arith.constant 37 : i32
      %swap3A_1158 = arith.index_cast %swap3A_1157 : i32 to index
      %swap3A_1159 = arith.constant 0 : index
      %swap3A_1160 = tpu.vector_load %arg14[%swap3A_1158, %swap3A_1159] {strides = array<i32>} : memref<128x32xf32, #tpu.memory_space<vmem>>, vector<1x16xf32>,
      %swap3A_1161 = vector.shape_cast %swap3A_1160 : vector<1x16xf32> to vector<16xf32>
      %swap3A_1162 = vector.shape_cast %mul3A_1156 : vector<16xf32> to vector<1x16xf32>
      tpu.vector_store %arg14[%swap3A_1158, %swap3A_1159], %swap3A_1162 {strides = array<i32>} : memref<128x32xf32, #tpu.memory_space<vmem>>, vector<1x16xf32>,
      %get3A_1163 = arith.constant 37 : i32
      %get3A_1164 = arith.index_cast %get3A_1163 : i32 to index
      %get3A_1165 = arith.constant 16 : index
      %get3A_1166 = tpu.vector_load %arg14[%get3A_1164, %get3A_1165] {strides = array<i32>} : memref<128x32xf32, #tpu.memory_space<vmem>>, vector<1x16xf32>,
      %get3A_1167 = vector.shape_cast %get3A_1166 : vector<1x16xf32> to vector<16xf32>
      %slice3A_1168 = vector.extract_strided_slice %get3A_997 {offsets = [5], sizes = [1], strides = [1]} : vector<16xf32> to vector<1xf32>
      %squeeze3A_1169 = vector.extract %slice3A_1168[0] : f32 from vector<1xf32>
      %mul3A_1170 = vector.broadcast %squeeze3A_1169 : f32 to vector<16xf32>
      %mul3A_1171 = arith.mulf %get3A_1167, %mul3A_1170 : vector<16xf32>
      %swap3A_1172 = arith.constant 37 : i32
      %swap3A_1173 = arith.index_cast %swap3A_1172 : i32 to index
      %swap3A_1174 = arith.constant 16 : index
      %swap3A_1175 = tpu.vector_load %arg14[%swap3A_1173, %swap3A_1174] {strides = array<i32>} : memref<128x32xf32, #tpu.memory_space<vmem>>, vector<1x16xf32>,
      %swap3A_1176 = vector.shape_cast %swap3A_1175 : vector<1x16xf32> to vector<16xf32>
      %swap3A_1177 = vector.shape_cast %mul3A_1171 : vector<16xf32> to vector<1x16xf32>
      tpu.vector_store %arg14[%swap3A_1173, %swap3A_1174], %swap3A_1177 {strides = array<i32>} : memref<128x32xf32, #tpu.memory_space<vmem>>, vector<1x16xf32>,
      %get3A_1178 = arith.constant 38 : i32
      %get3A_1179 = arith.index_cast %get3A_1178 : i32 to index
      %get3A_1180 = arith.constant 0 : index
      %get3A_1181 = tpu.vector_load %arg14[%get3A_1179, %get3A_1180] {strides = array<i32>} : memref<128x32xf32, #tpu.memory_space<vmem>>, vector<1x16xf32>,
      %get3A_1182 = vector.shape_cast %get3A_1181 : vector<1x16xf32> to vector<16xf32>
      %slice3A_1183 = vector.extract_strided_slice %get3A_997 {offsets = [6], sizes = [1], strides = [1]} : vector<16xf32> to vector<1xf32>
      %squeeze3A_1184 = vector.extract %slice3A_1183[0] : f32 from vector<1xf32>
      %mul3A_1185 = vector.broadcast %squeeze3A_1184 : f32 to vector<16xf32>
      %mul3A_1186 = arith.mulf %get3A_1182, %mul3A_1185 : vector<16xf32>
      %swap3A_1187 = arith.constant 38 : i32
      %swap3A_1188 = arith.index_cast %swap3A_1187 : i32 to index
      %swap3A_1189 = arith.constant 0 : index
      %swap3A_1190 = tpu.vector_load %arg14[%swap3A_1188, %swap3A_1189] {strides = array<i32>} : memref<128x32xf32, #tpu.memory_space<vmem>>, vector<1x16xf32>,
      %swap3A_1191 = vector.shape_cast %swap3A_1190 : vector<1x16xf32> to vector<16xf32>
      %swap3A_1192 = vector.shape_cast %mul3A_1186 : vector<16xf32> to vector<1x16xf32>
      tpu.vector_store %arg14[%swap3A_1188, %swap3A_1189], %swap3A_1192 {strides = array<i32>} : memref<128x32xf32, #tpu.memory_space<vmem>>, vector<1x16xf32>,
      %get3A_1193 = arith.constant 38 : i32
      %get3A_1194 = arith.index_cast %get3A_1193 : i32 to index
      %get3A_1195 = arith.constant 16 : index
      %get3A_1196 = tpu.vector_load %arg14[%get3A_1194, %get3A_1195] {strides = array<i32>} : memref<128x32xf32, #tpu.memory_space<vmem>>, vector<1x16xf32>,
      %get3A_1197 = vector.shape_cast %get3A_1196 : vector<1x16xf32> to vector<16xf32>
      %slice3A_1198 = vector.extract_strided_slice %get3A_997 {offsets = [6], sizes = [1], strides = [1]} : vector<16xf32> to vector<1xf32>
      %squeeze3A_1199 = vector.extract %slice3A_1198[0] : f32 from vector<1xf32>
      %mul3A_1200 = vector.broadcast %squeeze3A_1199 : f32 to vector<16xf32>
      %mul3A_1201 = arith.mulf %get3A_1197, %mul3A_1200 : vector<16xf32>
      %swap3A_1202 = arith.constant 38 : i32
      %swap3A_1203 = arith.index_cast %swap3A_1202 : i32 to index
      %swap3A_1204 = arith.constant 16 : index
      %swap3A_1205 = tpu.vector_load %arg14[%swap3A_1203, %swap3A_1204] {strides = array<i32>} : memref<128x32xf32, #tpu.memory_space<vmem>>, vector<1x16xf32>,
      %swap3A_1206 = vector.shape_cast %swap3A_1205 : vector<1x16xf32> to vector<16xf32>
      %swap3A_1207 = vector.shape_cast %mul3A_1201 : vector<16xf32> to vector<1x16xf32>
      tpu.vector_store %arg14[%swap3A_1203, %swap3A_1204], %swap3A_1207 {strides = array<i32>} : memref<128x32xf32, #tpu.memory_space<vmem>>, vector<1x16xf32>,
      %get3A_1208 = arith.constant 39 : i32
      %get3A_1209 = arith.index_cast %get3A_1208 : i32 to index
      %get3A_1210 = arith.constant 0 : index
      %get3A_1211 = tpu.vector_load %arg14[%get3A_1209, %get3A_1210] {strides = array<i32>} : memref<128x32xf32, #tpu.memory_space<vmem>>, vector<1x16xf32>,
      %get3A_1212 = vector.shape_cast %get3A_1211 : vector<1x16xf32> to vector<16xf32>
      %slice3A_1213 = vector.extract_strided_slice %get3A_997 {offsets = [7], sizes = [1], strides = [1]} : vector<16xf32> to vector<1xf32>
      %squeeze3A_1214 = vector.extract %slice3A_1213[0] : f32 from vector<1xf32>
      %mul3A_1215 = vector.broadcast %squeeze3A_1214 : f32 to vector<16xf32>
      %mul3A_1216 = arith.mulf %get3A_1212, %mul3A_1215 : vector<16xf32>
      %swap3A_1217 = arith.constant 39 : i32
      %swap3A_1218 = arith.index_cast %swap3A_1217 : i32 to index
      %swap3A_1219 = arith.constant 0 : index
      %swap3A_1220 = tpu.vector_load %arg14[%swap3A_1218, %swap3A_1219] {strides = array<i32>} : memref<128x32xf32, #tpu.memory_space<vmem>>, vector<1x16xf32>,
      %swap3A_1221 = vector.shape_cast %swap3A_1220 : vector<1x16xf32> to vector<16xf32>
      %swap3A_1222 = vector.shape_cast %mul3A_1216 : vector<16xf32> to vector<1x16xf32>
      tpu.vector_store %arg14[%swap3A_1218, %swap3A_1219], %swap3A_1222 {strides = array<i32>} : memref<128x32xf32, #tpu.memory_space<vmem>>, vector<1x16xf32>,
      %get3A_1223 = arith.constant 39 : i32
      %get3A_1224 = arith.index_cast %get3A_1223 : i32 to index
      %get3A_1225 = arith.constant 16 : index
      %get3A_1226 = tpu.vector_load %arg14[%get3A_1224, %get3A_1225] {strides = array<i32>} : memref<128x32xf32, #tpu.memory_space<vmem>>, vector<1x16xf32>,
      %get3A_1227 = vector.shape_cast %get3A_1226 : vector<1x16xf32> to vector<16xf32>
      %slice3A_1228 = vector.extract_strided_slice %get3A_997 {offsets = [7], sizes = [1], strides = [1]} : vector<16xf32> to vector<1xf32>
      %squeeze3A_1229 = vector.extract %slice3A_1228[0] : f32 from vector<1xf32>
      %mul3A_1230 = vector.broadcast %squeeze3A_1229 : f32 to vector<16xf32>
      %mul3A_1231 = arith.mulf %get3A_1227, %mul3A_1230 : vector<16xf32>
      %swap3A_1232 = arith.constant 39 : i32
      %swap3A_1233 = arith.index_cast %swap3A_1232 : i32 to index
      %swap3A_1234 = arith.constant 16 : index
      %swap3A_1235 = tpu.vector_load %arg14[%swap3A_1233, %swap3A_1234] {strides = array<i32>} : memref<128x32xf32, #tpu.memory_space<vmem>>, vector<1x16xf32>,
      %swap3A_1236 = vector.shape_cast %swap3A_1235 : vector<1x16xf32> to vector<16xf32>
      %swap3A_1237 = vector.shape_cast %mul3A_1231 : vector<16xf32> to vector<1x16xf32>
      tpu.vector_store %arg14[%swap3A_1233, %swap3A_1234], %swap3A_1237 {strides = array<i32>} : memref<128x32xf32, #tpu.memory_space<vmem>>, vector<1x16xf32>,
      %get3A_1238 = arith.constant 40 : i32
      %get3A_1239 = arith.index_cast %get3A_1238 : i32 to index
      %get3A_1240 = arith.constant 0 : index
      %get3A_1241 = tpu.vector_load %arg14[%get3A_1239, %get3A_1240] {strides = array<i32>} : memref<128x32xf32, #tpu.memory_space<vmem>>, vector<1x16xf32>,
      %get3A_1242 = vector.shape_cast %get3A_1241 : vector<1x16xf32> to vector<16xf32>
      %slice3A_1243 = vector.extract_strided_slice %get3A_997 {offsets = [8], sizes = [1], strides = [1]} : vector<16xf32> to vector<1xf32>
      %squeeze3A_1244 = vector.extract %slice3A_1243[0] : f32 from vector<1xf32>
      %mul3A_1245 = vector.broadcast %squeeze3A_1244 : f32 to vector<16xf32>
      %mul3A_1246 = arith.mulf %get3A_1242, %mul3A_1245 : vector<16xf32>
      %swap3A_1247 = arith.constant 40 : i32
      %swap3A_1248 = arith.index_cast %swap3A_1247 : i32 to index
      %swap3A_1249 = arith.constant 0 : index
      %swap3A_1250 = tpu.vector_load %arg14[%swap3A_1248, %swap3A_1249] {strides = array<i32>} : memref<128x32xf32, #tpu.memory_space<vmem>>, vector<1x16xf32>,
      %swap3A_1251 = vector.shape_cast %swap3A_1250 : vector<1x16xf32> to vector<16xf32>
      %swap3A_1252 = vector.shape_cast %mul3A_1246 : vector<16xf32> to vector<1x16xf32>
      tpu.vector_store %arg14[%swap3A_1248, %swap3A_1249], %swap3A_1252 {strides = array<i32>} : memref<128x32xf32, #tpu.memory_space<vmem>>, vector<1x16xf32>,
      %get3A_1253 = arith.constant 40 : i32
      %get3A_1254 = arith.index_cast %get3A_1253 : i32 to index
      %get3A_1255 = arith.constant 16 : index
      %get3A_1256 = tpu.vector_load %arg14[%get3A_1254, %get3A_1255] {strides = array<i32>} : memref<128x32xf32, #tpu.memory_space<vmem>>, vector<1x16xf32>,
      %get3A_1257 = vector.shape_cast %get3A_1256 : vector<1x16xf32> to vector<16xf32>
      %slice3A_1258 = vector.extract_strided_slice %get3A_997 {offsets = [8], sizes = [1], strides = [1]} : vector<16xf32> to vector<1xf32>
      %squeeze3A_1259 = vector.extract %slice3A_1258[0] : f32 from vector<1xf32>
      %mul3A_1260 = vector.broadcast %squeeze3A_1259 : f32 to vector<16xf32>
      %mul3A_1261 = arith.mulf %get3A_1257, %mul3A_1260 : vector<16xf32>
      %swap3A_1262 = arith.constant 40 : i32
      %swap3A_1263 = arith.index_cast %swap3A_1262 : i32 to index
      %swap3A_1264 = arith.constant 16 : index
      %swap3A_1265 = tpu.vector_load %arg14[%swap3A_1263, %swap3A_1264] {strides = array<i32>} : memref<128x32xf32, #tpu.memory_space<vmem>>, vector<1x16xf32>,
      %swap3A_1266 = vector.shape_cast %swap3A_1265 : vector<1x16xf32> to vector<16xf32>
      %swap3A_1267 = vector.shape_cast %mul3A_1261 : vector<16xf32> to vector<1x16xf32>
      tpu.vector_store %arg14[%swap3A_1263, %swap3A_1264], %swap3A_1267 {strides = array<i32>} : memref<128x32xf32, #tpu.memory_space<vmem>>, vector<1x16xf32>,
      %get3A_1268 = arith.constant 41 : i32
      %get3A_1269 = arith.index_cast %get3A_1268 : i32 to index
      %get3A_1270 = arith.constant 0 : index
      %get3A_1271 = tpu.vector_load %arg14[%get3A_1269, %get3A_1270] {strides = array<i32>} : memref<128x32xf32, #tpu.memory_space<vmem>>, vector<1x16xf32>,
      %get3A_1272 = vector.shape_cast %get3A_1271 : vector<1x16xf32> to vector<16xf32>
      %slice3A_1273 = vector.extract_strided_slice %get3A_997 {offsets = [9], sizes = [1], strides = [1]} : vector<16xf32> to vector<1xf32>
      %squeeze3A_1274 = vector.extract %slice3A_1273[0] : f32 from vector<1xf32>
      %mul3A_1275 = vector.broadcast %squeeze3A_1274 : f32 to vector<16xf32>
      %mul3A_1276 = arith.mulf %get3A_1272, %mul3A_1275 : vector<16xf32>
      %swap3A_1277 = arith.constant 41 : i32
      %swap3A_1278 = arith.index_cast %swap3A_1277 : i32 to index
      %swap3A_1279 = arith.constant 0 : index
      %swap3A_1280 = tpu.vector_load %arg14[%swap3A_1278, %swap3A_1279] {strides = array<i32>} : memref<128x32xf32, #tpu.memory_space<vmem>>, vector<1x16xf32>,
      %swap3A_1281 = vector.shape_cast %swap3A_1280 : vector<1x16xf32> to vector<16xf32>
      %swap3A_1282 = vector.shape_cast %mul3A_1276 : vector<16xf32> to vector<1x16xf32>
      tpu.vector_store %arg14[%swap3A_1278, %swap3A_1279], %swap3A_1282 {strides = array<i32>} : memref<128x32xf32, #tpu.memory_space<vmem>>, vector<1x16xf32>,
      %get3A_1283 = arith.constant 41 : i32
      %get3A_1284 = arith.index_cast %get3A_1283 : i32 to index
      %get3A_1285 = arith.constant 16 : index
      %get3A_1286 = tpu.vector_load %arg14[%get3A_1284, %get3A_1285] {strides = array<i32>} : memref<128x32xf32, #tpu.memory_space<vmem>>, vector<1x16xf32>,
      %get3A_1287 = vector.shape_cast %get3A_1286 : vector<1x16xf32> to vector<16xf32>
      %slice3A_1288 = vector.extract_strided_slice %get3A_997 {offsets = [9], sizes = [1], strides = [1]} : vector<16xf32> to vector<1xf32>
      %squeeze3A_1289 = vector.extract %slice3A_1288[0] : f32 from vector<1xf32>
      %mul3A_1290 = vector.broadcast %squeeze3A_1289 : f32 to vector<16xf32>
      %mul3A_1291 = arith.mulf %get3A_1287, %mul3A_1290 : vector<16xf32>
      %swap3A_1292 = arith.constant 41 : i32
      %swap3A_1293 = arith.index_cast %swap3A_1292 : i32 to index
      %swap3A_1294 = arith.constant 16 : index
      %swap3A_1295 = tpu.vector_load %arg14[%swap3A_1293, %swap3A_1294] {strides = array<i32>} : memref<128x32xf32, #tpu.memory_space<vmem>>, vector<1x16xf32>,
      %swap3A_1296 = vector.shape_cast %swap3A_1295 : vector<1x16xf32> to vector<16xf32>
      %swap3A_1297 = vector.shape_cast %mul3A_1291 : vector<16xf32> to vector<1x16xf32>
      tpu.vector_store %arg14[%swap3A_1293, %swap3A_1294], %swap3A_1297 {strides = array<i32>} : memref<128x32xf32, #tpu.memory_space<vmem>>, vector<1x16xf32>,
      %get3A_1298 = arith.constant 42 : i32
      %get3A_1299 = arith.index_cast %get3A_1298 : i32 to index
      %get3A_1300 = arith.constant 0 : index
      %get3A_1301 = tpu.vector_load %arg14[%get3A_1299, %get3A_1300] {strides = array<i32>} : memref<128x32xf32, #tpu.memory_space<vmem>>, vector<1x16xf32>,
      %get3A_1302 = vector.shape_cast %get3A_1301 : vector<1x16xf32> to vector<16xf32>
      %slice3A_1303 = vector.extract_strided_slice %get3A_997 {offsets = [10], sizes = [1], strides = [1]} : vector<16xf32> to vector<1xf32>
      %squeeze3A_1304 = vector.extract %slice3A_1303[0] : f32 from vector<1xf32>
      %mul3A_1305 = vector.broadcast %squeeze3A_1304 : f32 to vector<16xf32>
      %mul3A_1306 = arith.mulf %get3A_1302, %mul3A_1305 : vector<16xf32>
      %swap3A_1307 = arith.constant 42 : i32
      %swap3A_1308 = arith.index_cast %swap3A_1307 : i32 to index
      %swap3A_1309 = arith.constant 0 : index
      %swap3A_1310 = tpu.vector_load %arg14[%swap3A_1308, %swap3A_1309] {strides = array<i32>} : memref<128x32xf32, #tpu.memory_space<vmem>>, vector<1x16xf32>,
      %swap3A_1311 = vector.shape_cast %swap3A_1310 : vector<1x16xf32> to vector<16xf32>
      %swap3A_1312 = vector.shape_cast %mul3A_1306 : vector<16xf32> to vector<1x16xf32>
      tpu.vector_store %arg14[%swap3A_1308, %swap3A_1309], %swap3A_1312 {strides = array<i32>} : memref<128x32xf32, #tpu.memory_space<vmem>>, vector<1x16xf32>,
      %get3A_1313 = arith.constant 42 : i32
      %get3A_1314 = arith.index_cast %get3A_1313 : i32 to index
      %get3A_1315 = arith.constant 16 : index
      %get3A_1316 = tpu.vector_load %arg14[%get3A_1314, %get3A_1315] {strides = array<i32>} : memref<128x32xf32, #tpu.memory_space<vmem>>, vector<1x16xf32>,
      %get3A_1317 = vector.shape_cast %get3A_1316 : vector<1x16xf32> to vector<16xf32>
      %slice3A_1318 = vector.extract_strided_slice %get3A_997 {offsets = [10], sizes = [1], strides = [1]} : vector<16xf32> to vector<1xf32>
      %squeeze3A_1319 = vector.extract %slice3A_1318[0] : f32 from vector<1xf32>
      %mul3A_1320 = vector.broadcast %squeeze3A_1319 : f32 to vector<16xf32>
      %mul3A_1321 = arith.mulf %get3A_1317, %mul3A_1320 : vector<16xf32>
      %swap3A_1322 = arith.constant 42 : i32
      %swap3A_1323 = arith.index_cast %swap3A_1322 : i32 to index
      %swap3A_1324 = arith.constant 16 : index
      %swap3A_1325 = tpu.vector_load %arg14[%swap3A_1323, %swap3A_1324] {strides = array<i32>} : memref<128x32xf32, #tpu.memory_space<vmem>>, vector<1x16xf32>,
      %swap3A_1326 = vector.shape_cast %swap3A_1325 : vector<1x16xf32> to vector<16xf32>
      %swap3A_1327 = vector.shape_cast %mul3A_1321 : vector<16xf32> to vector<1x16xf32>
      tpu.vector_store %arg14[%swap3A_1323, %swap3A_1324], %swap3A_1327 {strides = array<i32>} : memref<128x32xf32, #tpu.memory_space<vmem>>, vector<1x16xf32>,
      %get3A_1328 = arith.constant 43 : i32
      %get3A_1329 = arith.index_cast %get3A_1328 : i32 to index
      %get3A_1330 = arith.constant 0 : index
      %get3A_1331 = tpu.vector_load %arg14[%get3A_1329, %get3A_1330] {strides = array<i32>} : memref<128x32xf32, #tpu.memory_space<vmem>>, vector<1x16xf32>,
      %get3A_1332 = vector.shape_cast %get3A_1331 : vector<1x16xf32> to vector<16xf32>
      %slice3A_1333 = vector.extract_strided_slice %get3A_997 {offsets = [11], sizes = [1], strides = [1]} : vector<16xf32> to vector<1xf32>
      %squeeze3A_1334 = vector.extract %slice3A_1333[0] : f32 from vector<1xf32>
      %mul3A_1335 = vector.broadcast %squeeze3A_1334 : f32 to vector<16xf32>
      %mul3A_1336 = arith.mulf %get3A_1332, %mul3A_1335 : vector<16xf32>
      %swap3A_1337 = arith.constant 43 : i32
      %swap3A_1338 = arith.index_cast %swap3A_1337 : i32 to index
      %swap3A_1339 = arith.constant 0 : index
      %swap3A_1340 = tpu.vector_load %arg14[%swap3A_1338, %swap3A_1339] {strides = array<i32>} : memref<128x32xf32, #tpu.memory_space<vmem>>, vector<1x16xf32>,
      %swap3A_1341 = vector.shape_cast %swap3A_1340 : vector<1x16xf32> to vector<16xf32>
      %swap3A_1342 = vector.shape_cast %mul3A_1336 : vector<16xf32> to vector<1x16xf32>
      tpu.vector_store %arg14[%swap3A_1338, %swap3A_1339], %swap3A_1342 {strides = array<i32>} : memref<128x32xf32, #tpu.memory_space<vmem>>, vector<1x16xf32>,
      %get3A_1343 = arith.constant 43 : i32
      %get3A_1344 = arith.index_cast %get3A_1343 : i32 to index
      %get3A_1345 = arith.constant 16 : index
      %get3A_1346 = tpu.vector_load %arg14[%get3A_1344, %get3A_1345] {strides = array<i32>} : memref<128x32xf32, #tpu.memory_space<vmem>>, vector<1x16xf32>,
      %get3A_1347 = vector.shape_cast %get3A_1346 : vector<1x16xf32> to vector<16xf32>
      %slice3A_1348 = vector.extract_strided_slice %get3A_997 {offsets = [11], sizes = [1], strides = [1]} : vector<16xf32> to vector<1xf32>
      %squeeze3A_1349 = vector.extract %slice3A_1348[0] : f32 from vector<1xf32>
      %mul3A_1350 = vector.broadcast %squeeze3A_1349 : f32 to vector<16xf32>
      %mul3A_1351 = arith.mulf %get3A_1347, %mul3A_1350 : vector<16xf32>
      %swap3A_1352 = arith.constant 43 : i32
      %swap3A_1353 = arith.index_cast %swap3A_1352 : i32 to index
      %swap3A_1354 = arith.constant 16 : index
      %swap3A_1355 = tpu.vector_load %arg14[%swap3A_1353, %swap3A_1354] {strides = array<i32>} : memref<128x32xf32, #tpu.memory_space<vmem>>, vector<1x16xf32>,
      %swap3A_1356 = vector.shape_cast %swap3A_1355 : vector<1x16xf32> to vector<16xf32>
      %swap3A_1357 = vector.shape_cast %mul3A_1351 : vector<16xf32> to vector<1x16xf32>
      tpu.vector_store %arg14[%swap3A_1353, %swap3A_1354], %swap3A_1357 {strides = array<i32>} : memref<128x32xf32, #tpu.memory_space<vmem>>, vector<1x16xf32>,
      %get3A_1358 = arith.constant 44 : i32
      %get3A_1359 = arith.index_cast %get3A_1358 : i32 to index
      %get3A_1360 = arith.constant 0 : index
      %get3A_1361 = tpu.vector_load %arg14[%get3A_1359, %get3A_1360] {strides = array<i32>} : memref<128x32xf32, #tpu.memory_space<vmem>>, vector<1x16xf32>,
      %get3A_1362 = vector.shape_cast %get3A_1361 : vector<1x16xf32> to vector<16xf32>
      %slice3A_1363 = vector.extract_strided_slice %get3A_997 {offsets = [12], sizes = [1], strides = [1]} : vector<16xf32> to vector<1xf32>
      %squeeze3A_1364 = vector.extract %slice3A_1363[0] : f32 from vector<1xf32>
      %mul3A_1365 = vector.broadcast %squeeze3A_1364 : f32 to vector<16xf32>
      %mul3A_1366 = arith.mulf %get3A_1362, %mul3A_1365 : vector<16xf32>
      %swap3A_1367 = arith.constant 44 : i32
      %swap3A_1368 = arith.index_cast %swap3A_1367 : i32 to index
      %swap3A_1369 = arith.constant 0 : index
      %swap3A_1370 = tpu.vector_load %arg14[%swap3A_1368, %swap3A_1369] {strides = array<i32>} : memref<128x32xf32, #tpu.memory_space<vmem>>, vector<1x16xf32>,
      %swap3A_1371 = vector.shape_cast %swap3A_1370 : vector<1x16xf32> to vector<16xf32>
      %swap3A_1372 = vector.shape_cast %mul3A_1366 : vector<16xf32> to vector<1x16xf32>
      tpu.vector_store %arg14[%swap3A_1368, %swap3A_1369], %swap3A_1372 {strides = array<i32>} : memref<128x32xf32, #tpu.memory_space<vmem>>, vector<1x16xf32>,
      %get3A_1373 = arith.constant 44 : i32
      %get3A_1374 = arith.index_cast %get3A_1373 : i32 to index
      %get3A_1375 = arith.constant 16 : index
      %get3A_1376 = tpu.vector_load %arg14[%get3A_1374, %get3A_1375] {strides = array<i32>} : memref<128x32xf32, #tpu.memory_space<vmem>>, vector<1x16xf32>,
      %get3A_1377 = vector.shape_cast %get3A_1376 : vector<1x16xf32> to vector<16xf32>
      %slice3A_1378 = vector.extract_strided_slice %get3A_997 {offsets = [12], sizes = [1], strides = [1]} : vector<16xf32> to vector<1xf32>
      %squeeze3A_1379 = vector.extract %slice3A_1378[0] : f32 from vector<1xf32>
      %mul3A_1380 = vector.broadcast %squeeze3A_1379 : f32 to vector<16xf32>
      %mul3A_1381 = arith.mulf %get3A_1377, %mul3A_1380 : vector<16xf32>
      %swap3A_1382 = arith.constant 44 : i32
      %swap3A_1383 = arith.index_cast %swap3A_1382 : i32 to index
      %swap3A_1384 = arith.constant 16 : index
      %swap3A_1385 = tpu.vector_load %arg14[%swap3A_1383, %swap3A_1384] {strides = array<i32>} : memref<128x32xf32, #tpu.memory_space<vmem>>, vector<1x16xf32>,
      %swap3A_1386 = vector.shape_cast %swap3A_1385 : vector<1x16xf32> to vector<16xf32>
      %swap3A_1387 = vector.shape_cast %mul3A_1381 : vector<16xf32> to vector<1x16xf32>
      tpu.vector_store %arg14[%swap3A_1383, %swap3A_1384], %swap3A_1387 {strides = array<i32>} : memref<128x32xf32, #tpu.memory_space<vmem>>, vector<1x16xf32>,
      %get3A_1388 = arith.constant 45 : i32
      %get3A_1389 = arith.index_cast %get3A_1388 : i32 to index
      %get3A_1390 = arith.constant 0 : index
      %get3A_1391 = tpu.vector_load %arg14[%get3A_1389, %get3A_1390] {strides = array<i32>} : memref<128x32xf32, #tpu.memory_space<vmem>>, vector<1x16xf32>,
      %get3A_1392 = vector.shape_cast %get3A_1391 : vector<1x16xf32> to vector<16xf32>
      %slice3A_1393 = vector.extract_strided_slice %get3A_997 {offsets = [13], sizes = [1], strides = [1]} : vector<16xf32> to vector<1xf32>
      %squeeze3A_1394 = vector.extract %slice3A_1393[0] : f32 from vector<1xf32>
      %mul3A_1395 = vector.broadcast %squeeze3A_1394 : f32 to vector<16xf32>
      %mul3A_1396 = arith.mulf %get3A_1392, %mul3A_1395 : vector<16xf32>
      %swap3A_1397 = arith.constant 45 : i32
      %swap3A_1398 = arith.index_cast %swap3A_1397 : i32 to index
      %swap3A_1399 = arith.constant 0 : index
      %swap3A_1400 = tpu.vector_load %arg14[%swap3A_1398, %swap3A_1399] {strides = array<i32>} : memref<128x32xf32, #tpu.memory_space<vmem>>, vector<1x16xf32>,
      %swap3A_1401 = vector.shape_cast %swap3A_1400 : vector<1x16xf32> to vector<16xf32>
      %swap3A_1402 = vector.shape_cast %mul3A_1396 : vector<16xf32> to vector<1x16xf32>
      tpu.vector_store %arg14[%swap3A_1398, %swap3A_1399], %swap3A_1402 {strides = array<i32>} : memref<128x32xf32, #tpu.memory_space<vmem>>, vector<1x16xf32>,
      %get3A_1403 = arith.constant 45 : i32
      %get3A_1404 = arith.index_cast %get3A_1403 : i32 to index
      %get3A_1405 = arith.constant 16 : index
      %get3A_1406 = tpu.vector_load %arg14[%get3A_1404, %get3A_1405] {strides = array<i32>} : memref<128x32xf32, #tpu.memory_space<vmem>>, vector<1x16xf32>,
      %get3A_1407 = vector.shape_cast %get3A_1406 : vector<1x16xf32> to vector<16xf32>
      %slice3A_1408 = vector.extract_strided_slice %get3A_997 {offsets = [13], sizes = [1], strides = [1]} : vector<16xf32> to vector<1xf32>
      %squeeze3A_1409 = vector.extract %slice3A_1408[0] : f32 from vector<1xf32>
      %mul3A_1410 = vector.broadcast %squeeze3A_1409 : f32 to vector<16xf32>
      %mul3A_1411 = arith.mulf %get3A_1407, %mul3A_1410 : vector<16xf32>
      %swap3A_1412 = arith.constant 45 : i32
      %swap3A_1413 = arith.index_cast %swap3A_1412 : i32 to index
      %swap3A_1414 = arith.constant 16 : index
      %swap3A_1415 = tpu.vector_load %arg14[%swap3A_1413, %swap3A_1414] {strides = array<i32>} : memref<128x32xf32, #tpu.memory_space<vmem>>, vector<1x16xf32>,
      %swap3A_1416 = vector.shape_cast %swap3A_1415 : vector<1x16xf32> to vector<16xf32>
      %swap3A_1417 = vector.shape_cast %mul3A_1411 : vector<16xf32> to vector<1x16xf32>
      tpu.vector_store %arg14[%swap3A_1413, %swap3A_1414], %swap3A_1417 {strides = array<i32>} : memref<128x32xf32, #tpu.memory_space<vmem>>, vector<1x16xf32>,
      %get3A_1418 = arith.constant 46 : i32
      %get3A_1419 = arith.index_cast %get3A_1418 : i32 to index
      %get3A_1420 = arith.constant 0 : index
      %get3A_1421 = tpu.vector_load %arg14[%get3A_1419, %get3A_1420] {strides = array<i32>} : memref<128x32xf32, #tpu.memory_space<vmem>>, vector<1x16xf32>,
      %get3A_1422 = vector.shape_cast %get3A_1421 : vector<1x16xf32> to vector<16xf32>
      %slice3A_1423 = vector.extract_strided_slice %get3A_997 {offsets = [14], sizes = [1], strides = [1]} : vector<16xf32> to vector<1xf32>
      %squeeze3A_1424 = vector.extract %slice3A_1423[0] : f32 from vector<1xf32>
      %mul3A_1425 = vector.broadcast %squeeze3A_1424 : f32 to vector<16xf32>
      %mul3A_1426 = arith.mulf %get3A_1422, %mul3A_1425 : vector<16xf32>
      %swap3A_1427 = arith.constant 46 : i32
      %swap3A_1428 = arith.index_cast %swap3A_1427 : i32 to index
      %swap3A_1429 = arith.constant 0 : index
      %swap3A_1430 = tpu.vector_load %arg14[%swap3A_1428, %swap3A_1429] {strides = array<i32>} : memref<128x32xf32, #tpu.memory_space<vmem>>, vector<1x16xf32>,
      %swap3A_1431 = vector.shape_cast %swap3A_1430 : vector<1x16xf32> to vector<16xf32>
      %swap3A_1432 = vector.shape_cast %mul3A_1426 : vector<16xf32> to vector<1x16xf32>
      tpu.vector_store %arg14[%swap3A_1428, %swap3A_1429], %swap3A_1432 {strides = array<i32>} : memref<128x32xf32, #tpu.memory_space<vmem>>, vector<1x16xf32>,
      %get3A_1433 = arith.constant 46 : i32
      %get3A_1434 = arith.index_cast %get3A_1433 : i32 to index
      %get3A_1435 = arith.constant 16 : index
      %get3A_1436 = tpu.vector_load %arg14[%get3A_1434, %get3A_1435] {strides = array<i32>} : memref<128x32xf32, #tpu.memory_space<vmem>>, vector<1x16xf32>,
      %get3A_1437 = vector.shape_cast %get3A_1436 : vector<1x16xf32> to vector<16xf32>
      %slice3A_1438 = vector.extract_strided_slice %get3A_997 {offsets = [14], sizes = [1], strides = [1]} : vector<16xf32> to vector<1xf32>
      %squeeze3A_1439 = vector.extract %slice3A_1438[0] : f32 from vector<1xf32>
      %mul3A_1440 = vector.broadcast %squeeze3A_1439 : f32 to vector<16xf32>
      %mul3A_1441 = arith.mulf %get3A_1437, %mul3A_1440 : vector<16xf32>
      %swap3A_1442 = arith.constant 46 : i32
      %swap3A_1443 = arith.index_cast %swap3A_1442 : i32 to index
      %swap3A_1444 = arith.constant 16 : index
      %swap3A_1445 = tpu.vector_load %arg14[%swap3A_1443, %swap3A_1444] {strides = array<i32>} : memref<128x32xf32, #tpu.memory_space<vmem>>, vector<1x16xf32>,
      %swap3A_1446 = vector.shape_cast %swap3A_1445 : vector<1x16xf32> to vector<16xf32>
      %swap3A_1447 = vector.shape_cast %mul3A_1441 : vector<16xf32> to vector<1x16xf32>
      tpu.vector_store %arg14[%swap3A_1443, %swap3A_1444], %swap3A_1447 {strides = array<i32>} : memref<128x32xf32, #tpu.memory_space<vmem>>, vector<1x16xf32>,
      %get3A_1448 = arith.constant 47 : i32
      %get3A_1449 = arith.index_cast %get3A_1448 : i32 to index
      %get3A_1450 = arith.constant 0 : index
      %get3A_1451 = tpu.vector_load %arg14[%get3A_1449, %get3A_1450] {strides = array<i32>} : memref<128x32xf32, #tpu.memory_space<vmem>>, vector<1x16xf32>,
      %get3A_1452 = vector.shape_cast %get3A_1451 : vector<1x16xf32> to vector<16xf32>
      %slice3A_1453 = vector.extract_strided_slice %get3A_997 {offsets = [15], sizes = [1], strides = [1]} : vector<16xf32> to vector<1xf32>
      %squeeze3A_1454 = vector.extract %slice3A_1453[0] : f32 from vector<1xf32>
      %mul3A_1455 = vector.broadcast %squeeze3A_1454 : f32 to vector<16xf32>
      %mul3A_1456 = arith.mulf %get3A_1452, %mul3A_1455 : vector<16xf32>
      %swap3A_1457 = arith.constant 47 : i32
      %swap3A_1458 = arith.index_cast %swap3A_1457 : i32 to index
      %swap3A_1459 = arith.constant 0 : index
      %swap3A_1460 = tpu.vector_load %arg14[%swap3A_1458, %swap3A_1459] {strides = array<i32>} : memref<128x32xf32, #tpu.memory_space<vmem>>, vector<1x16xf32>,
      %swap3A_1461 = vector.shape_cast %swap3A_1460 : vector<1x16xf32> to vector<16xf32>
      %swap3A_1462 = vector.shape_cast %mul3A_1456 : vector<16xf32> to vector<1x16xf32>
      tpu.vector_store %arg14[%swap3A_1458, %swap3A_1459], %swap3A_1462 {strides = array<i32>} : memref<128x32xf32, #tpu.memory_space<vmem>>, vector<1x16xf32>,
      %get3A_1463 = arith.constant 47 : i32
      %get3A_1464 = arith.index_cast %get3A_1463 : i32 to index
      %get3A_1465 = arith.constant 16 : index
      %get3A_1466 = tpu.vector_load %arg14[%get3A_1464, %get3A_1465] {strides = array<i32>} : memref<128x32xf32, #tpu.memory_space<vmem>>, vector<1x16xf32>,
      %get3A_1467 = vector.shape_cast %get3A_1466 : vector<1x16xf32> to vector<16xf32>
      %slice3A_1468 = vector.extract_strided_slice %get3A_997 {offsets = [15], sizes = [1], strides = [1]} : vector<16xf32> to vector<1xf32>
      %squeeze3A_1469 = vector.extract %slice3A_1468[0] : f32 from vector<1xf32>
      %mul3A_1470 = vector.broadcast %squeeze3A_1469 : f32 to vector<16xf32>
      %mul3A_1471 = arith.mulf %get3A_1467, %mul3A_1470 : vector<16xf32>
      %swap3A_1472 = arith.constant 47 : i32
      %swap3A_1473 = arith.index_cast %swap3A_1472 : i32 to index
      %swap3A_1474 = arith.constant 16 : index
      %swap3A_1475 = tpu.vector_load %arg14[%swap3A_1473, %swap3A_1474] {strides = array<i32>} : memref<128x32xf32, #tpu.memory_space<vmem>>, vector<1x16xf32>,
      %swap3A_1476 = vector.shape_cast %swap3A_1475 : vector<1x16xf32> to vector<16xf32>
      %swap3A_1477 = vector.shape_cast %mul3A_1471 : vector<16xf32> to vector<1x16xf32>
      tpu.vector_store %arg14[%swap3A_1473, %swap3A_1474], %swap3A_1477 {strides = array<i32>} : memref<128x32xf32, #tpu.memory_space<vmem>>, vector<1x16xf32>,
      %get3A_1478 = arith.index_cast %scan3A_19 : i32 to index
      %get3A_1479 = arith.constant 48 : index
      %get3A_1480 = tpu.vector_load %arg13[%get3A_1478, %get3A_1479] {strides = array<i32>} : memref<32x128xf32, #tpu.memory_space<vmem>>, vector<1x16xf32>,
      %get3A_1481 = vector.shape_cast %get3A_1480 : vector<1x16xf32> to vector<16xf32>
      %get3A_1482 = arith.constant 48 : i32
      %get3A_1483 = arith.index_cast %get3A_1482 : i32 to index
      %get3A_1484 = arith.constant 0 : index
      %get3A_1485 = tpu.vector_load %arg14[%get3A_1483, %get3A_1484] {strides = array<i32>} : memref<128x32xf32, #tpu.memory_space<vmem>>, vector<1x16xf32>,
      %get3A_1486 = vector.shape_cast %get3A_1485 : vector<1x16xf32> to vector<16xf32>
      %slice3A_1487 = vector.extract_strided_slice %get3A_1481 {offsets = [0], sizes = [1], strides = [1]} : vector<16xf32> to vector<1xf32>
      %squeeze3A_1488 = vector.extract %slice3A_1487[0] : f32 from vector<1xf32>
      %mul3A_1489 = vector.broadcast %squeeze3A_1488 : f32 to vector<16xf32>
      %mul3A_1490 = arith.mulf %get3A_1486, %mul3A_1489 : vector<16xf32>
      %swap3A_1491 = arith.constant 48 : i32
      %swap3A_1492 = arith.index_cast %swap3A_1491 : i32 to index
      %swap3A_1493 = arith.constant 0 : index
      %swap3A_1494 = tpu.vector_load %arg14[%swap3A_1492, %swap3A_1493] {strides = array<i32>} : memref<128x32xf32, #tpu.memory_space<vmem>>, vector<1x16xf32>,
      %swap3A_1495 = vector.shape_cast %swap3A_1494 : vector<1x16xf32> to vector<16xf32>
      %swap3A_1496 = vector.shape_cast %mul3A_1490 : vector<16xf32> to vector<1x16xf32>
      tpu.vector_store %arg14[%swap3A_1492, %swap3A_1493], %swap3A_1496 {strides = array<i32>} : memref<128x32xf32, #tpu.memory_space<vmem>>, vector<1x16xf32>,
      %get3A_1497 = arith.constant 48 : i32
      %get3A_1498 = arith.index_cast %get3A_1497 : i32 to index
      %get3A_1499 = arith.constant 16 : index
      %get3A_1500 = tpu.vector_load %arg14[%get3A_1498, %get3A_1499] {strides = array<i32>} : memref<128x32xf32, #tpu.memory_space<vmem>>, vector<1x16xf32>,
      %get3A_1501 = vector.shape_cast %get3A_1500 : vector<1x16xf32> to vector<16xf32>
      %slice3A_1502 = vector.extract_strided_slice %get3A_1481 {offsets = [0], sizes = [1], strides = [1]} : vector<16xf32> to vector<1xf32>
      %squeeze3A_1503 = vector.extract %slice3A_1502[0] : f32 from vector<1xf32>
      %mul3A_1504 = vector.broadcast %squeeze3A_1503 : f32 to vector<16xf32>
      %mul3A_1505 = arith.mulf %get3A_1501, %mul3A_1504 : vector<16xf32>
      %swap3A_1506 = arith.constant 48 : i32
      %swap3A_1507 = arith.index_cast %swap3A_1506 : i32 to index
      %swap3A_1508 = arith.constant 16 : index
      %swap3A_1509 = tpu.vector_load %arg14[%swap3A_1507, %swap3A_1508] {strides = array<i32>} : memref<128x32xf32, #tpu.memory_space<vmem>>, vector<1x16xf32>,
      %swap3A_1510 = vector.shape_cast %swap3A_1509 : vector<1x16xf32> to vector<16xf32>
      %swap3A_1511 = vector.shape_cast %mul3A_1505 : vector<16xf32> to vector<1x16xf32>
      tpu.vector_store %arg14[%swap3A_1507, %swap3A_1508], %swap3A_1511 {strides = array<i32>} : memref<128x32xf32, #tpu.memory_space<vmem>>, vector<1x16xf32>,
      %get3A_1512 = arith.constant 49 : i32
      %get3A_1513 = arith.index_cast %get3A_1512 : i32 to index
      %get3A_1514 = arith.constant 0 : index
      %get3A_1515 = tpu.vector_load %arg14[%get3A_1513, %get3A_1514] {strides = array<i32>} : memref<128x32xf32, #tpu.memory_space<vmem>>, vector<1x16xf32>,
      %get3A_1516 = vector.shape_cast %get3A_1515 : vector<1x16xf32> to vector<16xf32>
      %slice3A_1517 = vector.extract_strided_slice %get3A_1481 {offsets = [1], sizes = [1], strides = [1]} : vector<16xf32> to vector<1xf32>
      %squeeze3A_1518 = vector.extract %slice3A_1517[0] : f32 from vector<1xf32>
      %mul3A_1519 = vector.broadcast %squeeze3A_1518 : f32 to vector<16xf32>
      %mul3A_1520 = arith.mulf %get3A_1516, %mul3A_1519 : vector<16xf32>
      %swap3A_1521 = arith.constant 49 : i32
      %swap3A_1522 = arith.index_cast %swap3A_1521 : i32 to index
      %swap3A_1523 = arith.constant 0 : index
      %swap3A_1524 = tpu.vector_load %arg14[%swap3A_1522, %swap3A_1523] {strides = array<i32>} : memref<128x32xf32, #tpu.memory_space<vmem>>, vector<1x16xf32>,
      %swap3A_1525 = vector.shape_cast %swap3A_1524 : vector<1x16xf32> to vector<16xf32>
      %swap3A_1526 = vector.shape_cast %mul3A_1520 : vector<16xf32> to vector<1x16xf32>
      tpu.vector_store %arg14[%swap3A_1522, %swap3A_1523], %swap3A_1526 {strides = array<i32>} : memref<128x32xf32, #tpu.memory_space<vmem>>, vector<1x16xf32>,
      %get3A_1527 = arith.constant 49 : i32
      %get3A_1528 = arith.index_cast %get3A_1527 : i32 to index
      %get3A_1529 = arith.constant 16 : index
      %get3A_1530 = tpu.vector_load %arg14[%get3A_1528, %get3A_1529] {strides = array<i32>} : memref<128x32xf32, #tpu.memory_space<vmem>>, vector<1x16xf32>,
      %get3A_1531 = vector.shape_cast %get3A_1530 : vector<1x16xf32> to vector<16xf32>
      %slice3A_1532 = vector.extract_strided_slice %get3A_1481 {offsets = [1], sizes = [1], strides = [1]} : vector<16xf32> to vector<1xf32>
      %squeeze3A_1533 = vector.extract %slice3A_1532[0] : f32 from vector<1xf32>
      %mul3A_1534 = vector.broadcast %squeeze3A_1533 : f32 to vector<16xf32>
      %mul3A_1535 = arith.mulf %get3A_1531, %mul3A_1534 : vector<16xf32>
      %swap3A_1536 = arith.constant 49 : i32
      %swap3A_1537 = arith.index_cast %swap3A_1536 : i32 to index
      %swap3A_1538 = arith.constant 16 : index
      %swap3A_1539 = tpu.vector_load %arg14[%swap3A_1537, %swap3A_1538] {strides = array<i32>} : memref<128x32xf32, #tpu.memory_space<vmem>>, vector<1x16xf32>,
      %swap3A_1540 = vector.shape_cast %swap3A_1539 : vector<1x16xf32> to vector<16xf32>
      %swap3A_1541 = vector.shape_cast %mul3A_1535 : vector<16xf32> to vector<1x16xf32>
      tpu.vector_store %arg14[%swap3A_1537, %swap3A_1538], %swap3A_1541 {strides = array<i32>} : memref<128x32xf32, #tpu.memory_space<vmem>>, vector<1x16xf32>,
      %get3A_1542 = arith.constant 50 : i32
      %get3A_1543 = arith.index_cast %get3A_1542 : i32 to index
      %get3A_1544 = arith.constant 0 : index
      %get3A_1545 = tpu.vector_load %arg14[%get3A_1543, %get3A_1544] {strides = array<i32>} : memref<128x32xf32, #tpu.memory_space<vmem>>, vector<1x16xf32>,
      %get3A_1546 = vector.shape_cast %get3A_1545 : vector<1x16xf32> to vector<16xf32>
      %slice3A_1547 = vector.extract_strided_slice %get3A_1481 {offsets = [2], sizes = [1], strides = [1]} : vector<16xf32> to vector<1xf32>
      %squeeze3A_1548 = vector.extract %slice3A_1547[0] : f32 from vector<1xf32>
      %mul3A_1549 = vector.broadcast %squeeze3A_1548 : f32 to vector<16xf32>
      %mul3A_1550 = arith.mulf %get3A_1546, %mul3A_1549 : vector<16xf32>
      %swap3A_1551 = arith.constant 50 : i32
      %swap3A_1552 = arith.index_cast %swap3A_1551 : i32 to index
      %swap3A_1553 = arith.constant 0 : index
      %swap3A_1554 = tpu.vector_load %arg14[%swap3A_1552, %swap3A_1553] {strides = array<i32>} : memref<128x32xf32, #tpu.memory_space<vmem>>, vector<1x16xf32>,
      %swap3A_1555 = vector.shape_cast %swap3A_1554 : vector<1x16xf32> to vector<16xf32>
      %swap3A_1556 = vector.shape_cast %mul3A_1550 : vector<16xf32> to vector<1x16xf32>
      tpu.vector_store %arg14[%swap3A_1552, %swap3A_1553], %swap3A_1556 {strides = array<i32>} : memref<128x32xf32, #tpu.memory_space<vmem>>, vector<1x16xf32>,
      %get3A_1557 = arith.constant 50 : i32
      %get3A_1558 = arith.index_cast %get3A_1557 : i32 to index
      %get3A_1559 = arith.constant 16 : index
      %get3A_1560 = tpu.vector_load %arg14[%get3A_1558, %get3A_1559] {strides = array<i32>} : memref<128x32xf32, #tpu.memory_space<vmem>>, vector<1x16xf32>,
      %get3A_1561 = vector.shape_cast %get3A_1560 : vector<1x16xf32> to vector<16xf32>
      %slice3A_1562 = vector.extract_strided_slice %get3A_1481 {offsets = [2], sizes = [1], strides = [1]} : vector<16xf32> to vector<1xf32>
      %squeeze3A_1563 = vector.extract %slice3A_1562[0] : f32 from vector<1xf32>
      %mul3A_1564 = vector.broadcast %squeeze3A_1563 : f32 to vector<16xf32>
      %mul3A_1565 = arith.mulf %get3A_1561, %mul3A_1564 : vector<16xf32>
      %swap3A_1566 = arith.constant 50 : i32
      %swap3A_1567 = arith.index_cast %swap3A_1566 : i32 to index
      %swap3A_1568 = arith.constant 16 : index
      %swap3A_1569 = tpu.vector_load %arg14[%swap3A_1567, %swap3A_1568] {strides = array<i32>} : memref<128x32xf32, #tpu.memory_space<vmem>>, vector<1x16xf32>,
      %swap3A_1570 = vector.shape_cast %swap3A_1569 : vector<1x16xf32> to vector<16xf32>
      %swap3A_1571 = vector.shape_cast %mul3A_1565 : vector<16xf32> to vector<1x16xf32>
      tpu.vector_store %arg14[%swap3A_1567, %swap3A_1568], %swap3A_1571 {strides = array<i32>} : memref<128x32xf32, #tpu.memory_space<vmem>>, vector<1x16xf32>,
      %get3A_1572 = arith.constant 51 : i32
      %get3A_1573 = arith.index_cast %get3A_1572 : i32 to index
      %get3A_1574 = arith.constant 0 : index
      %get3A_1575 = tpu.vector_load %arg14[%get3A_1573, %get3A_1574] {strides = array<i32>} : memref<128x32xf32, #tpu.memory_space<vmem>>, vector<1x16xf32>,
      %get3A_1576 = vector.shape_cast %get3A_1575 : vector<1x16xf32> to vector<16xf32>
      %slice3A_1577 = vector.extract_strided_slice %get3A_1481 {offsets = [3], sizes = [1], strides = [1]} : vector<16xf32> to vector<1xf32>
      %squeeze3A_1578 = vector.extract %slice3A_1577[0] : f32 from vector<1xf32>
      %mul3A_1579 = vector.broadcast %squeeze3A_1578 : f32 to vector<16xf32>
      %mul3A_1580 = arith.mulf %get3A_1576, %mul3A_1579 : vector<16xf32>
      %swap3A_1581 = arith.constant 51 : i32
      %swap3A_1582 = arith.index_cast %swap3A_1581 : i32 to index
      %swap3A_1583 = arith.constant 0 : index
      %swap3A_1584 = tpu.vector_load %arg14[%swap3A_1582, %swap3A_1583] {strides = array<i32>} : memref<128x32xf32, #tpu.memory_space<vmem>>, vector<1x16xf32>,
      %swap3A_1585 = vector.shape_cast %swap3A_1584 : vector<1x16xf32> to vector<16xf32>
      %swap3A_1586 = vector.shape_cast %mul3A_1580 : vector<16xf32> to vector<1x16xf32>
      tpu.vector_store %arg14[%swap3A_1582, %swap3A_1583], %swap3A_1586 {strides = array<i32>} : memref<128x32xf32, #tpu.memory_space<vmem>>, vector<1x16xf32>,
      %get3A_1587 = arith.constant 51 : i32
      %get3A_1588 = arith.index_cast %get3A_1587 : i32 to index
      %get3A_1589 = arith.constant 16 : index
      %get3A_1590 = tpu.vector_load %arg14[%get3A_1588, %get3A_1589] {strides = array<i32>} : memref<128x32xf32, #tpu.memory_space<vmem>>, vector<1x16xf32>,
      %get3A_1591 = vector.shape_cast %get3A_1590 : vector<1x16xf32> to vector<16xf32>
      %slice3A_1592 = vector.extract_strided_slice %get3A_1481 {offsets = [3], sizes = [1], strides = [1]} : vector<16xf32> to vector<1xf32>
      %squeeze3A_1593 = vector.extract %slice3A_1592[0] : f32 from vector<1xf32>
      %mul3A_1594 = vector.broadcast %squeeze3A_1593 : f32 to vector<16xf32>
      %mul3A_1595 = arith.mulf %get3A_1591, %mul3A_1594 : vector<16xf32>
      %swap3A_1596 = arith.constant 51 : i32
      %swap3A_1597 = arith.index_cast %swap3A_1596 : i32 to index
      %swap3A_1598 = arith.constant 16 : index
      %swap3A_1599 = tpu.vector_load %arg14[%swap3A_1597, %swap3A_1598] {strides = array<i32>} : memref<128x32xf32, #tpu.memory_space<vmem>>, vector<1x16xf32>,
      %swap3A_1600 = vector.shape_cast %swap3A_1599 : vector<1x16xf32> to vector<16xf32>
      %swap3A_1601 = vector.shape_cast %mul3A_1595 : vector<16xf32> to vector<1x16xf32>
      tpu.vector_store %arg14[%swap3A_1597, %swap3A_1598], %swap3A_1601 {strides = array<i32>} : memref<128x32xf32, #tpu.memory_space<vmem>>, vector<1x16xf32>,
      %get3A_1602 = arith.constant 52 : i32
      %get3A_1603 = arith.index_cast %get3A_1602 : i32 to index
      %get3A_1604 = arith.constant 0 : index
      %get3A_1605 = tpu.vector_load %arg14[%get3A_1603, %get3A_1604] {strides = array<i32>} : memref<128x32xf32, #tpu.memory_space<vmem>>, vector<1x16xf32>,
      %get3A_1606 = vector.shape_cast %get3A_1605 : vector<1x16xf32> to vector<16xf32>
      %slice3A_1607 = vector.extract_strided_slice %get3A_1481 {offsets = [4], sizes = [1], strides = [1]} : vector<16xf32> to vector<1xf32>
      %squeeze3A_1608 = vector.extract %slice3A_1607[0] : f32 from vector<1xf32>
      %mul3A_1609 = vector.broadcast %squeeze3A_1608 : f32 to vector<16xf32>
      %mul3A_1610 = arith.mulf %get3A_1606, %mul3A_1609 : vector<16xf32>
      %swap3A_1611 = arith.constant 52 : i32
      %swap3A_1612 = arith.index_cast %swap3A_1611 : i32 to index
      %swap3A_1613 = arith.constant 0 : index
      %swap3A_1614 = tpu.vector_load %arg14[%swap3A_1612, %swap3A_1613] {strides = array<i32>} : memref<128x32xf32, #tpu.memory_space<vmem>>, vector<1x16xf32>,
      %swap3A_1615 = vector.shape_cast %swap3A_1614 : vector<1x16xf32> to vector<16xf32>
      %swap3A_1616 = vector.shape_cast %mul3A_1610 : vector<16xf32> to vector<1x16xf32>
      tpu.vector_store %arg14[%swap3A_1612, %swap3A_1613], %swap3A_1616 {strides = array<i32>} : memref<128x32xf32, #tpu.memory_space<vmem>>, vector<1x16xf32>,
      %get3A_1617 = arith.constant 52 : i32
      %get3A_1618 = arith.index_cast %get3A_1617 : i32 to index
      %get3A_1619 = arith.constant 16 : index
      %get3A_1620 = tpu.vector_load %arg14[%get3A_1618, %get3A_1619] {strides = array<i32>} : memref<128x32xf32, #tpu.memory_space<vmem>>, vector<1x16xf32>,
      %get3A_1621 = vector.shape_cast %get3A_1620 : vector<1x16xf32> to vector<16xf32>
      %slice3A_1622 = vector.extract_strided_slice %get3A_1481 {offsets = [4], sizes = [1], strides = [1]} : vector<16xf32> to vector<1xf32>
      %squeeze3A_1623 = vector.extract %slice3A_1622[0] : f32 from vector<1xf32>
      %mul3A_1624 = vector.broadcast %squeeze3A_1623 : f32 to vector<16xf32>
      %mul3A_1625 = arith.mulf %get3A_1621, %mul3A_1624 : vector<16xf32>
      %swap3A_1626 = arith.constant 52 : i32
      %swap3A_1627 = arith.index_cast %swap3A_1626 : i32 to index
      %swap3A_1628 = arith.constant 16 : index
      %swap3A_1629 = tpu.vector_load %arg14[%swap3A_1627, %swap3A_1628] {strides = array<i32>} : memref<128x32xf32, #tpu.memory_space<vmem>>, vector<1x16xf32>,
      %swap3A_1630 = vector.shape_cast %swap3A_1629 : vector<1x16xf32> to vector<16xf32>
      %swap3A_1631 = vector.shape_cast %mul3A_1625 : vector<16xf32> to vector<1x16xf32>
      tpu.vector_store %arg14[%swap3A_1627, %swap3A_1628], %swap3A_1631 {strides = array<i32>} : memref<128x32xf32, #tpu.memory_space<vmem>>, vector<1x16xf32>,
      %get3A_1632 = arith.constant 53 : i32
      %get3A_1633 = arith.index_cast %get3A_1632 : i32 to index
      %get3A_1634 = arith.constant 0 : index
      %get3A_1635 = tpu.vector_load %arg14[%get3A_1633, %get3A_1634] {strides = array<i32>} : memref<128x32xf32, #tpu.memory_space<vmem>>, vector<1x16xf32>,
      %get3A_1636 = vector.shape_cast %get3A_1635 : vector<1x16xf32> to vector<16xf32>
      %slice3A_1637 = vector.extract_strided_slice %get3A_1481 {offsets = [5], sizes = [1], strides = [1]} : vector<16xf32> to vector<1xf32>
      %squeeze3A_1638 = vector.extract %slice3A_1637[0] : f32 from vector<1xf32>
      %mul3A_1639 = vector.broadcast %squeeze3A_1638 : f32 to vector<16xf32>
      %mul3A_1640 = arith.mulf %get3A_1636, %mul3A_1639 : vector<16xf32>
      %swap3A_1641 = arith.constant 53 : i32
      %swap3A_1642 = arith.index_cast %swap3A_1641 : i32 to index
      %swap3A_1643 = arith.constant 0 : index
      %swap3A_1644 = tpu.vector_load %arg14[%swap3A_1642, %swap3A_1643] {strides = array<i32>} : memref<128x32xf32, #tpu.memory_space<vmem>>, vector<1x16xf32>,
      %swap3A_1645 = vector.shape_cast %swap3A_1644 : vector<1x16xf32> to vector<16xf32>
      %swap3A_1646 = vector.shape_cast %mul3A_1640 : vector<16xf32> to vector<1x16xf32>
      tpu.vector_store %arg14[%swap3A_1642, %swap3A_1643], %swap3A_1646 {strides = array<i32>} : memref<128x32xf32, #tpu.memory_space<vmem>>, vector<1x16xf32>,
      %get3A_1647 = arith.constant 53 : i32
      %get3A_1648 = arith.index_cast %get3A_1647 : i32 to index
      %get3A_1649 = arith.constant 16 : index
      %get3A_1650 = tpu.vector_load %arg14[%get3A_1648, %get3A_1649] {strides = array<i32>} : memref<128x32xf32, #tpu.memory_space<vmem>>, vector<1x16xf32>,
      %get3A_1651 = vector.shape_cast %get3A_1650 : vector<1x16xf32> to vector<16xf32>
      %slice3A_1652 = vector.extract_strided_slice %get3A_1481 {offsets = [5], sizes = [1], strides = [1]} : vector<16xf32> to vector<1xf32>
      %squeeze3A_1653 = vector.extract %slice3A_1652[0] : f32 from vector<1xf32>
      %mul3A_1654 = vector.broadcast %squeeze3A_1653 : f32 to vector<16xf32>
      %mul3A_1655 = arith.mulf %get3A_1651, %mul3A_1654 : vector<16xf32>
      %swap3A_1656 = arith.constant 53 : i32
      %swap3A_1657 = arith.index_cast %swap3A_1656 : i32 to index
      %swap3A_1658 = arith.constant 16 : index
      %swap3A_1659 = tpu.vector_load %arg14[%swap3A_1657, %swap3A_1658] {strides = array<i32>} : memref<128x32xf32, #tpu.memory_space<vmem>>, vector<1x16xf32>,
      %swap3A_1660 = vector.shape_cast %swap3A_1659 : vector<1x16xf32> to vector<16xf32>
      %swap3A_1661 = vector.shape_cast %mul3A_1655 : vector<16xf32> to vector<1x16xf32>
      tpu.vector_store %arg14[%swap3A_1657, %swap3A_1658], %swap3A_1661 {strides = array<i32>} : memref<128x32xf32, #tpu.memory_space<vmem>>, vector<1x16xf32>,
      %get3A_1662 = arith.constant 54 : i32
      %get3A_1663 = arith.index_cast %get3A_1662 : i32 to index
      %get3A_1664 = arith.constant 0 : index
      %get3A_1665 = tpu.vector_load %arg14[%get3A_1663, %get3A_1664] {strides = array<i32>} : memref<128x32xf32, #tpu.memory_space<vmem>>, vector<1x16xf32>,
      %get3A_1666 = vector.shape_cast %get3A_1665 : vector<1x16xf32> to vector<16xf32>
      %slice3A_1667 = vector.extract_strided_slice %get3A_1481 {offsets = [6], sizes = [1], strides = [1]} : vector<16xf32> to vector<1xf32>
      %squeeze3A_1668 = vector.extract %slice3A_1667[0] : f32 from vector<1xf32>
      %mul3A_1669 = vector.broadcast %squeeze3A_1668 : f32 to vector<16xf32>
      %mul3A_1670 = arith.mulf %get3A_1666, %mul3A_1669 : vector<16xf32>
      %swap3A_1671 = arith.constant 54 : i32
      %swap3A_1672 = arith.index_cast %swap3A_1671 : i32 to index
      %swap3A_1673 = arith.constant 0 : index
      %swap3A_1674 = tpu.vector_load %arg14[%swap3A_1672, %swap3A_1673] {strides = array<i32>} : memref<128x32xf32, #tpu.memory_space<vmem>>, vector<1x16xf32>,
      %swap3A_1675 = vector.shape_cast %swap3A_1674 : vector<1x16xf32> to vector<16xf32>
      %swap3A_1676 = vector.shape_cast %mul3A_1670 : vector<16xf32> to vector<1x16xf32>
      tpu.vector_store %arg14[%swap3A_1672, %swap3A_1673], %swap3A_1676 {strides = array<i32>} : memref<128x32xf32, #tpu.memory_space<vmem>>, vector<1x16xf32>,
      %get3A_1677 = arith.constant 54 : i32
      %get3A_1678 = arith.index_cast %get3A_1677 : i32 to index
      %get3A_1679 = arith.constant 16 : index
      %get3A_1680 = tpu.vector_load %arg14[%get3A_1678, %get3A_1679] {strides = array<i32>} : memref<128x32xf32, #tpu.memory_space<vmem>>, vector<1x16xf32>,
      %get3A_1681 = vector.shape_cast %get3A_1680 : vector<1x16xf32> to vector<16xf32>
      %slice3A_1682 = vector.extract_strided_slice %get3A_1481 {offsets = [6], sizes = [1], strides = [1]} : vector<16xf32> to vector<1xf32>
      %squeeze3A_1683 = vector.extract %slice3A_1682[0] : f32 from vector<1xf32>
      %mul3A_1684 = vector.broadcast %squeeze3A_1683 : f32 to vector<16xf32>
      %mul3A_1685 = arith.mulf %get3A_1681, %mul3A_1684 : vector<16xf32>
      %swap3A_1686 = arith.constant 54 : i32
      %swap3A_1687 = arith.index_cast %swap3A_1686 : i32 to index
      %swap3A_1688 = arith.constant 16 : index
      %swap3A_1689 = tpu.vector_load %arg14[%swap3A_1687, %swap3A_1688] {strides = array<i32>} : memref<128x32xf32, #tpu.memory_space<vmem>>, vector<1x16xf32>,
      %swap3A_1690 = vector.shape_cast %swap3A_1689 : vector<1x16xf32> to vector<16xf32>
      %swap3A_1691 = vector.shape_cast %mul3A_1685 : vector<16xf32> to vector<1x16xf32>
      tpu.vector_store %arg14[%swap3A_1687, %swap3A_1688], %swap3A_1691 {strides = array<i32>} : memref<128x32xf32, #tpu.memory_space<vmem>>, vector<1x16xf32>,
      %get3A_1692 = arith.constant 55 : i32
      %get3A_1693 = arith.index_cast %get3A_1692 : i32 to index
      %get3A_1694 = arith.constant 0 : index
      %get3A_1695 = tpu.vector_load %arg14[%get3A_1693, %get3A_1694] {strides = array<i32>} : memref<128x32xf32, #tpu.memory_space<vmem>>, vector<1x16xf32>,
      %get3A_1696 = vector.shape_cast %get3A_1695 : vector<1x16xf32> to vector<16xf32>
      %slice3A_1697 = vector.extract_strided_slice %get3A_1481 {offsets = [7], sizes = [1], strides = [1]} : vector<16xf32> to vector<1xf32>
      %squeeze3A_1698 = vector.extract %slice3A_1697[0] : f32 from vector<1xf32>
      %mul3A_1699 = vector.broadcast %squeeze3A_1698 : f32 to vector<16xf32>
      %mul3A_1700 = arith.mulf %get3A_1696, %mul3A_1699 : vector<16xf32>
      %swap3A_1701 = arith.constant 55 : i32
      %swap3A_1702 = arith.index_cast %swap3A_1701 : i32 to index
      %swap3A_1703 = arith.constant 0 : index
      %swap3A_1704 = tpu.vector_load %arg14[%swap3A_1702, %swap3A_1703] {strides = array<i32>} : memref<128x32xf32, #tpu.memory_space<vmem>>, vector<1x16xf32>,
      %swap3A_1705 = vector.shape_cast %swap3A_1704 : vector<1x16xf32> to vector<16xf32>
      %swap3A_1706 = vector.shape_cast %mul3A_1700 : vector<16xf32> to vector<1x16xf32>
      tpu.vector_store %arg14[%swap3A_1702, %swap3A_1703], %swap3A_1706 {strides = array<i32>} : memref<128x32xf32, #tpu.memory_space<vmem>>, vector<1x16xf32>,
      %get3A_1707 = arith.constant 55 : i32
      %get3A_1708 = arith.index_cast %get3A_1707 : i32 to index
      %get3A_1709 = arith.constant 16 : index
      %get3A_1710 = tpu.vector_load %arg14[%get3A_1708, %get3A_1709] {strides = array<i32>} : memref<128x32xf32, #tpu.memory_space<vmem>>, vector<1x16xf32>,
      %get3A_1711 = vector.shape_cast %get3A_1710 : vector<1x16xf32> to vector<16xf32>
      %slice3A_1712 = vector.extract_strided_slice %get3A_1481 {offsets = [7], sizes = [1], strides = [1]} : vector<16xf32> to vector<1xf32>
      %squeeze3A_1713 = vector.extract %slice3A_1712[0] : f32 from vector<1xf32>
      %mul3A_1714 = vector.broadcast %squeeze3A_1713 : f32 to vector<16xf32>
      %mul3A_1715 = arith.mulf %get3A_1711, %mul3A_1714 : vector<16xf32>
      %swap3A_1716 = arith.constant 55 : i32
      %swap3A_1717 = arith.index_cast %swap3A_1716 : i32 to index
      %swap3A_1718 = arith.constant 16 : index
      %swap3A_1719 = tpu.vector_load %arg14[%swap3A_1717, %swap3A_1718] {strides = array<i32>} : memref<128x32xf32, #tpu.memory_space<vmem>>, vector<1x16xf32>,
      %swap3A_1720 = vector.shape_cast %swap3A_1719 : vector<1x16xf32> to vector<16xf32>
      %swap3A_1721 = vector.shape_cast %mul3A_1715 : vector<16xf32> to vector<1x16xf32>
      tpu.vector_store %arg14[%swap3A_1717, %swap3A_1718], %swap3A_1721 {strides = array<i32>} : memref<128x32xf32, #tpu.memory_space<vmem>>, vector<1x16xf32>,
      %get3A_1722 = arith.constant 56 : i32
      %get3A_1723 = arith.index_cast %get3A_1722 : i32 to index
      %get3A_1724 = arith.constant 0 : index
      %get3A_1725 = tpu.vector_load %arg14[%get3A_1723, %get3A_1724] {strides = array<i32>} : memref<128x32xf32, #tpu.memory_space<vmem>>, vector<1x16xf32>,
      %get3A_1726 = vector.shape_cast %get3A_1725 : vector<1x16xf32> to vector<16xf32>
      %slice3A_1727 = vector.extract_strided_slice %get3A_1481 {offsets = [8], sizes = [1], strides = [1]} : vector<16xf32> to vector<1xf32>
      %squeeze3A_1728 = vector.extract %slice3A_1727[0] : f32 from vector<1xf32>
      %mul3A_1729 = vector.broadcast %squeeze3A_1728 : f32 to vector<16xf32>
      %mul3A_1730 = arith.mulf %get3A_1726, %mul3A_1729 : vector<16xf32>
      %swap3A_1731 = arith.constant 56 : i32
      %swap3A_1732 = arith.index_cast %swap3A_1731 : i32 to index
      %swap3A_1733 = arith.constant 0 : index
      %swap3A_1734 = tpu.vector_load %arg14[%swap3A_1732, %swap3A_1733] {strides = array<i32>} : memref<128x32xf32, #tpu.memory_space<vmem>>, vector<1x16xf32>,
      %swap3A_1735 = vector.shape_cast %swap3A_1734 : vector<1x16xf32> to vector<16xf32>
      %swap3A_1736 = vector.shape_cast %mul3A_1730 : vector<16xf32> to vector<1x16xf32>
      tpu.vector_store %arg14[%swap3A_1732, %swap3A_1733], %swap3A_1736 {strides = array<i32>} : memref<128x32xf32, #tpu.memory_space<vmem>>, vector<1x16xf32>,
      %get3A_1737 = arith.constant 56 : i32
      %get3A_1738 = arith.index_cast %get3A_1737 : i32 to index
      %get3A_1739 = arith.constant 16 : index
      %get3A_1740 = tpu.vector_load %arg14[%get3A_1738, %get3A_1739] {strides = array<i32>} : memref<128x32xf32, #tpu.memory_space<vmem>>, vector<1x16xf32>,
      %get3A_1741 = vector.shape_cast %get3A_1740 : vector<1x16xf32> to vector<16xf32>
      %slice3A_1742 = vector.extract_strided_slice %get3A_1481 {offsets = [8], sizes = [1], strides = [1]} : vector<16xf32> to vector<1xf32>
      %squeeze3A_1743 = vector.extract %slice3A_1742[0] : f32 from vector<1xf32>
      %mul3A_1744 = vector.broadcast %squeeze3A_1743 : f32 to vector<16xf32>
      %mul3A_1745 = arith.mulf %get3A_1741, %mul3A_1744 : vector<16xf32>
      %swap3A_1746 = arith.constant 56 : i32
      %swap3A_1747 = arith.index_cast %swap3A_1746 : i32 to index
      %swap3A_1748 = arith.constant 16 : index
      %swap3A_1749 = tpu.vector_load %arg14[%swap3A_1747, %swap3A_1748] {strides = array<i32>} : memref<128x32xf32, #tpu.memory_space<vmem>>, vector<1x16xf32>,
      %swap3A_1750 = vector.shape_cast %swap3A_1749 : vector<1x16xf32> to vector<16xf32>
      %swap3A_1751 = vector.shape_cast %mul3A_1745 : vector<16xf32> to vector<1x16xf32>
      tpu.vector_store %arg14[%swap3A_1747, %swap3A_1748], %swap3A_1751 {strides = array<i32>} : memref<128x32xf32, #tpu.memory_space<vmem>>, vector<1x16xf32>,
      %get3A_1752 = arith.constant 57 : i32
      %get3A_1753 = arith.index_cast %get3A_1752 : i32 to index
      %get3A_1754 = arith.constant 0 : index
      %get3A_1755 = tpu.vector_load %arg14[%get3A_1753, %get3A_1754] {strides = array<i32>} : memref<128x32xf32, #tpu.memory_space<vmem>>, vector<1x16xf32>,
      %get3A_1756 = vector.shape_cast %get3A_1755 : vector<1x16xf32> to vector<16xf32>
      %slice3A_1757 = vector.extract_strided_slice %get3A_1481 {offsets = [9], sizes = [1], strides = [1]} : vector<16xf32> to vector<1xf32>
      %squeeze3A_1758 = vector.extract %slice3A_1757[0] : f32 from vector<1xf32>
      %mul3A_1759 = vector.broadcast %squeeze3A_1758 : f32 to vector<16xf32>
      %mul3A_1760 = arith.mulf %get3A_1756, %mul3A_1759 : vector<16xf32>
      %swap3A_1761 = arith.constant 57 : i32
      %swap3A_1762 = arith.index_cast %swap3A_1761 : i32 to index
      %swap3A_1763 = arith.constant 0 : index
      %swap3A_1764 = tpu.vector_load %arg14[%swap3A_1762, %swap3A_1763] {strides = array<i32>} : memref<128x32xf32, #tpu.memory_space<vmem>>, vector<1x16xf32>,
      %swap3A_1765 = vector.shape_cast %swap3A_1764 : vector<1x16xf32> to vector<16xf32>
      %swap3A_1766 = vector.shape_cast %mul3A_1760 : vector<16xf32> to vector<1x16xf32>
      tpu.vector_store %arg14[%swap3A_1762, %swap3A_1763], %swap3A_1766 {strides = array<i32>} : memref<128x32xf32, #tpu.memory_space<vmem>>, vector<1x16xf32>,
      %get3A_1767 = arith.constant 57 : i32
      %get3A_1768 = arith.index_cast %get3A_1767 : i32 to index
      %get3A_1769 = arith.constant 16 : index
      %get3A_1770 = tpu.vector_load %arg14[%get3A_1768, %get3A_1769] {strides = array<i32>} : memref<128x32xf32, #tpu.memory_space<vmem>>, vector<1x16xf32>,
      %get3A_1771 = vector.shape_cast %get3A_1770 : vector<1x16xf32> to vector<16xf32>
      %slice3A_1772 = vector.extract_strided_slice %get3A_1481 {offsets = [9], sizes = [1], strides = [1]} : vector<16xf32> to vector<1xf32>
      %squeeze3A_1773 = vector.extract %slice3A_1772[0] : f32 from vector<1xf32>
      %mul3A_1774 = vector.broadcast %squeeze3A_1773 : f32 to vector<16xf32>
      %mul3A_1775 = arith.mulf %get3A_1771, %mul3A_1774 : vector<16xf32>
      %swap3A_1776 = arith.constant 57 : i32
      %swap3A_1777 = arith.index_cast %swap3A_1776 : i32 to index
      %swap3A_1778 = arith.constant 16 : index
      %swap3A_1779 = tpu.vector_load %arg14[%swap3A_1777, %swap3A_1778] {strides = array<i32>} : memref<128x32xf32, #tpu.memory_space<vmem>>, vector<1x16xf32>,
      %swap3A_1780 = vector.shape_cast %swap3A_1779 : vector<1x16xf32> to vector<16xf32>
      %swap3A_1781 = vector.shape_cast %mul3A_1775 : vector<16xf32> to vector<1x16xf32>
      tpu.vector_store %arg14[%swap3A_1777, %swap3A_1778], %swap3A_1781 {strides = array<i32>} : memref<128x32xf32, #tpu.memory_space<vmem>>, vector<1x16xf32>,
      %get3A_1782 = arith.constant 58 : i32
      %get3A_1783 = arith.index_cast %get3A_1782 : i32 to index
      %get3A_1784 = arith.constant 0 : index
      %get3A_1785 = tpu.vector_load %arg14[%get3A_1783, %get3A_1784] {strides = array<i32>} : memref<128x32xf32, #tpu.memory_space<vmem>>, vector<1x16xf32>,
      %get3A_1786 = vector.shape_cast %get3A_1785 : vector<1x16xf32> to vector<16xf32>
      %slice3A_1787 = vector.extract_strided_slice %get3A_1481 {offsets = [10], sizes = [1], strides = [1]} : vector<16xf32> to vector<1xf32>
      %squeeze3A_1788 = vector.extract %slice3A_1787[0] : f32 from vector<1xf32>
      %mul3A_1789 = vector.broadcast %squeeze3A_1788 : f32 to vector<16xf32>
      %mul3A_1790 = arith.mulf %get3A_1786, %mul3A_1789 : vector<16xf32>
      %swap3A_1791 = arith.constant 58 : i32
      %swap3A_1792 = arith.index_cast %swap3A_1791 : i32 to index
      %swap3A_1793 = arith.constant 0 : index
      %swap3A_1794 = tpu.vector_load %arg14[%swap3A_1792, %swap3A_1793] {strides = array<i32>} : memref<128x32xf32, #tpu.memory_space<vmem>>, vector<1x16xf32>,
      %swap3A_1795 = vector.shape_cast %swap3A_1794 : vector<1x16xf32> to vector<16xf32>
      %swap3A_1796 = vector.shape_cast %mul3A_1790 : vector<16xf32> to vector<1x16xf32>
      tpu.vector_store %arg14[%swap3A_1792, %swap3A_1793], %swap3A_1796 {strides = array<i32>} : memref<128x32xf32, #tpu.memory_space<vmem>>, vector<1x16xf32>,
      %get3A_1797 = arith.constant 58 : i32
      %get3A_1798 = arith.index_cast %get3A_1797 : i32 to index
      %get3A_1799 = arith.constant 16 : index
      %get3A_1800 = tpu.vector_load %arg14[%get3A_1798, %get3A_1799] {strides = array<i32>} : memref<128x32xf32, #tpu.memory_space<vmem>>, vector<1x16xf32>,
      %get3A_1801 = vector.shape_cast %get3A_1800 : vector<1x16xf32> to vector<16xf32>
      %slice3A_1802 = vector.extract_strided_slice %get3A_1481 {offsets = [10], sizes = [1], strides = [1]} : vector<16xf32> to vector<1xf32>
      %squeeze3A_1803 = vector.extract %slice3A_1802[0] : f32 from vector<1xf32>
      %mul3A_1804 = vector.broadcast %squeeze3A_1803 : f32 to vector<16xf32>
      %mul3A_1805 = arith.mulf %get3A_1801, %mul3A_1804 : vector<16xf32>
      %swap3A_1806 = arith.constant 58 : i32
      %swap3A_1807 = arith.index_cast %swap3A_1806 : i32 to index
      %swap3A_1808 = arith.constant 16 : index
      %swap3A_1809 = tpu.vector_load %arg14[%swap3A_1807, %swap3A_1808] {strides = array<i32>} : memref<128x32xf32, #tpu.memory_space<vmem>>, vector<1x16xf32>,
      %swap3A_1810 = vector.shape_cast %swap3A_1809 : vector<1x16xf32> to vector<16xf32>
      %swap3A_1811 = vector.shape_cast %mul3A_1805 : vector<16xf32> to vector<1x16xf32>
      tpu.vector_store %arg14[%swap3A_1807, %swap3A_1808], %swap3A_1811 {strides = array<i32>} : memref<128x32xf32, #tpu.memory_space<vmem>>, vector<1x16xf32>,
      %get3A_1812 = arith.constant 59 : i32
      %get3A_1813 = arith.index_cast %get3A_1812 : i32 to index
      %get3A_1814 = arith.constant 0 : index
      %get3A_1815 = tpu.vector_load %arg14[%get3A_1813, %get3A_1814] {strides = array<i32>} : memref<128x32xf32, #tpu.memory_space<vmem>>, vector<1x16xf32>,
      %get3A_1816 = vector.shape_cast %get3A_1815 : vector<1x16xf32> to vector<16xf32>
      %slice3A_1817 = vector.extract_strided_slice %get3A_1481 {offsets = [11], sizes = [1], strides = [1]} : vector<16xf32> to vector<1xf32>
      %squeeze3A_1818 = vector.extract %slice3A_1817[0] : f32 from vector<1xf32>
      %mul3A_1819 = vector.broadcast %squeeze3A_1818 : f32 to vector<16xf32>
      %mul3A_1820 = arith.mulf %get3A_1816, %mul3A_1819 : vector<16xf32>
      %swap3A_1821 = arith.constant 59 : i32
      %swap3A_1822 = arith.index_cast %swap3A_1821 : i32 to index
      %swap3A_1823 = arith.constant 0 : index
      %swap3A_1824 = tpu.vector_load %arg14[%swap3A_1822, %swap3A_1823] {strides = array<i32>} : memref<128x32xf32, #tpu.memory_space<vmem>>, vector<1x16xf32>,
      %swap3A_1825 = vector.shape_cast %swap3A_1824 : vector<1x16xf32> to vector<16xf32>
      %swap3A_1826 = vector.shape_cast %mul3A_1820 : vector<16xf32> to vector<1x16xf32>
      tpu.vector_store %arg14[%swap3A_1822, %swap3A_1823], %swap3A_1826 {strides = array<i32>} : memref<128x32xf32, #tpu.memory_space<vmem>>, vector<1x16xf32>,
      %get3A_1827 = arith.constant 59 : i32
      %get3A_1828 = arith.index_cast %get3A_1827 : i32 to index
      %get3A_1829 = arith.constant 16 : index
      %get3A_1830 = tpu.vector_load %arg14[%get3A_1828, %get3A_1829] {strides = array<i32>} : memref<128x32xf32, #tpu.memory_space<vmem>>, vector<1x16xf32>,
      %get3A_1831 = vector.shape_cast %get3A_1830 : vector<1x16xf32> to vector<16xf32>
      %slice3A_1832 = vector.extract_strided_slice %get3A_1481 {offsets = [11], sizes = [1], strides = [1]} : vector<16xf32> to vector<1xf32>
      %squeeze3A_1833 = vector.extract %slice3A_1832[0] : f32 from vector<1xf32>
      %mul3A_1834 = vector.broadcast %squeeze3A_1833 : f32 to vector<16xf32>
      %mul3A_1835 = arith.mulf %get3A_1831, %mul3A_1834 : vector<16xf32>
      %swap3A_1836 = arith.constant 59 : i32
      %swap3A_1837 = arith.index_cast %swap3A_1836 : i32 to index
      %swap3A_1838 = arith.constant 16 : index
      %swap3A_1839 = tpu.vector_load %arg14[%swap3A_1837, %swap3A_1838] {strides = array<i32>} : memref<128x32xf32, #tpu.memory_space<vmem>>, vector<1x16xf32>,
      %swap3A_1840 = vector.shape_cast %swap3A_1839 : vector<1x16xf32> to vector<16xf32>
      %swap3A_1841 = vector.shape_cast %mul3A_1835 : vector<16xf32> to vector<1x16xf32>
      tpu.vector_store %arg14[%swap3A_1837, %swap3A_1838], %swap3A_1841 {strides = array<i32>} : memref<128x32xf32, #tpu.memory_space<vmem>>, vector<1x16xf32>,
      %get3A_1842 = arith.constant 60 : i32
      %get3A_1843 = arith.index_cast %get3A_1842 : i32 to index
      %get3A_1844 = arith.constant 0 : index
      %get3A_1845 = tpu.vector_load %arg14[%get3A_1843, %get3A_1844] {strides = array<i32>} : memref<128x32xf32, #tpu.memory_space<vmem>>, vector<1x16xf32>,
      %get3A_1846 = vector.shape_cast %get3A_1845 : vector<1x16xf32> to vector<16xf32>
      %slice3A_1847 = vector.extract_strided_slice %get3A_1481 {offsets = [12], sizes = [1], strides = [1]} : vector<16xf32> to vector<1xf32>
      %squeeze3A_1848 = vector.extract %slice3A_1847[0] : f32 from vector<1xf32>
      %mul3A_1849 = vector.broadcast %squeeze3A_1848 : f32 to vector<16xf32>
      %mul3A_1850 = arith.mulf %get3A_1846, %mul3A_1849 : vector<16xf32>
      %swap3A_1851 = arith.constant 60 : i32
      %swap3A_1852 = arith.index_cast %swap3A_1851 : i32 to index
      %swap3A_1853 = arith.constant 0 : index
      %swap3A_1854 = tpu.vector_load %arg14[%swap3A_1852, %swap3A_1853] {strides = array<i32>} : memref<128x32xf32, #tpu.memory_space<vmem>>, vector<1x16xf32>,
      %swap3A_1855 = vector.shape_cast %swap3A_1854 : vector<1x16xf32> to vector<16xf32>
      %swap3A_1856 = vector.shape_cast %mul3A_1850 : vector<16xf32> to vector<1x16xf32>
      tpu.vector_store %arg14[%swap3A_1852, %swap3A_1853], %swap3A_1856 {strides = array<i32>} : memref<128x32xf32, #tpu.memory_space<vmem>>, vector<1x16xf32>,
      %get3A_1857 = arith.constant 60 : i32
      %get3A_1858 = arith.index_cast %get3A_1857 : i32 to index
      %get3A_1859 = arith.constant 16 : index
      %get3A_1860 = tpu.vector_load %arg14[%get3A_1858, %get3A_1859] {strides = array<i32>} : memref<128x32xf32, #tpu.memory_space<vmem>>, vector<1x16xf32>,
      %get3A_1861 = vector.shape_cast %get3A_1860 : vector<1x16xf32> to vector<16xf32>
      %slice3A_1862 = vector.extract_strided_slice %get3A_1481 {offsets = [12], sizes = [1], strides = [1]} : vector<16xf32> to vector<1xf32>
      %squeeze3A_1863 = vector.extract %slice3A_1862[0] : f32 from vector<1xf32>
      %mul3A_1864 = vector.broadcast %squeeze3A_1863 : f32 to vector<16xf32>
      %mul3A_1865 = arith.mulf %get3A_1861, %mul3A_1864 : vector<16xf32>
      %swap3A_1866 = arith.constant 60 : i32
      %swap3A_1867 = arith.index_cast %swap3A_1866 : i32 to index
      %swap3A_1868 = arith.constant 16 : index
      %swap3A_1869 = tpu.vector_load %arg14[%swap3A_1867, %swap3A_1868] {strides = array<i32>} : memref<128x32xf32, #tpu.memory_space<vmem>>, vector<1x16xf32>,
      %swap3A_1870 = vector.shape_cast %swap3A_1869 : vector<1x16xf32> to vector<16xf32>
      %swap3A_1871 = vector.shape_cast %mul3A_1865 : vector<16xf32> to vector<1x16xf32>
      tpu.vector_store %arg14[%swap3A_1867, %swap3A_1868], %swap3A_1871 {strides = array<i32>} : memref<128x32xf32, #tpu.memory_space<vmem>>, vector<1x16xf32>,
      %get3A_1872 = arith.constant 61 : i32
      %get3A_1873 = arith.index_cast %get3A_1872 : i32 to index
      %get3A_1874 = arith.constant 0 : index
      %get3A_1875 = tpu.vector_load %arg14[%get3A_1873, %get3A_1874] {strides = array<i32>} : memref<128x32xf32, #tpu.memory_space<vmem>>, vector<1x16xf32>,
      %get3A_1876 = vector.shape_cast %get3A_1875 : vector<1x16xf32> to vector<16xf32>
      %slice3A_1877 = vector.extract_strided_slice %get3A_1481 {offsets = [13], sizes = [1], strides = [1]} : vector<16xf32> to vector<1xf32>
      %squeeze3A_1878 = vector.extract %slice3A_1877[0] : f32 from vector<1xf32>
      %mul3A_1879 = vector.broadcast %squeeze3A_1878 : f32 to vector<16xf32>
      %mul3A_1880 = arith.mulf %get3A_1876, %mul3A_1879 : vector<16xf32>
      %swap3A_1881 = arith.constant 61 : i32
      %swap3A_1882 = arith.index_cast %swap3A_1881 : i32 to index
      %swap3A_1883 = arith.constant 0 : index
      %swap3A_1884 = tpu.vector_load %arg14[%swap3A_1882, %swap3A_1883] {strides = array<i32>} : memref<128x32xf32, #tpu.memory_space<vmem>>, vector<1x16xf32>,
      %swap3A_1885 = vector.shape_cast %swap3A_1884 : vector<1x16xf32> to vector<16xf32>
      %swap3A_1886 = vector.shape_cast %mul3A_1880 : vector<16xf32> to vector<1x16xf32>
      tpu.vector_store %arg14[%swap3A_1882, %swap3A_1883], %swap3A_1886 {strides = array<i32>} : memref<128x32xf32, #tpu.memory_space<vmem>>, vector<1x16xf32>,
      %get3A_1887 = arith.constant 61 : i32
      %get3A_1888 = arith.index_cast %get3A_1887 : i32 to index
      %get3A_1889 = arith.constant 16 : index
      %get3A_1890 = tpu.vector_load %arg14[%get3A_1888, %get3A_1889] {strides = array<i32>} : memref<128x32xf32, #tpu.memory_space<vmem>>, vector<1x16xf32>,
      %get3A_1891 = vector.shape_cast %get3A_1890 : vector<1x16xf32> to vector<16xf32>
      %slice3A_1892 = vector.extract_strided_slice %get3A_1481 {offsets = [13], sizes = [1], strides = [1]} : vector<16xf32> to vector<1xf32>
      %squeeze3A_1893 = vector.extract %slice3A_1892[0] : f32 from vector<1xf32>
      %mul3A_1894 = vector.broadcast %squeeze3A_1893 : f32 to vector<16xf32>
      %mul3A_1895 = arith.mulf %get3A_1891, %mul3A_1894 : vector<16xf32>
      %swap3A_1896 = arith.constant 61 : i32
      %swap3A_1897 = arith.index_cast %swap3A_1896 : i32 to index
      %swap3A_1898 = arith.constant 16 : index
      %swap3A_1899 = tpu.vector_load %arg14[%swap3A_1897, %swap3A_1898] {strides = array<i32>} : memref<128x32xf32, #tpu.memory_space<vmem>>, vector<1x16xf32>,
      %swap3A_1900 = vector.shape_cast %swap3A_1899 : vector<1x16xf32> to vector<16xf32>
      %swap3A_1901 = vector.shape_cast %mul3A_1895 : vector<16xf32> to vector<1x16xf32>
      tpu.vector_store %arg14[%swap3A_1897, %swap3A_1898], %swap3A_1901 {strides = array<i32>} : memref<128x32xf32, #tpu.memory_space<vmem>>, vector<1x16xf32>,
      %get3A_1902 = arith.constant 62 : i32
      %get3A_1903 = arith.index_cast %get3A_1902 : i32 to index
      %get3A_1904 = arith.constant 0 : index
      %get3A_1905 = tpu.vector_load %arg14[%get3A_1903, %get3A_1904] {strides = array<i32>} : memref<128x32xf32, #tpu.memory_space<vmem>>, vector<1x16xf32>,
      %get3A_1906 = vector.shape_cast %get3A_1905 : vector<1x16xf32> to vector<16xf32>
      %slice3A_1907 = vector.extract_strided_slice %get3A_1481 {offsets = [14], sizes = [1], strides = [1]} : vector<16xf32> to vector<1xf32>
      %squeeze3A_1908 = vector.extract %slice3A_1907[0] : f32 from vector<1xf32>
      %mul3A_1909 = vector.broadcast %squeeze3A_1908 : f32 to vector<16xf32>
      %mul3A_1910 = arith.mulf %get3A_1906, %mul3A_1909 : vector<16xf32>
      %swap3A_1911 = arith.constant 62 : i32
      %swap3A_1912 = arith.index_cast %swap3A_1911 : i32 to index
      %swap3A_1913 = arith.constant 0 : index
      %swap3A_1914 = tpu.vector_load %arg14[%swap3A_1912, %swap3A_1913] {strides = array<i32>} : memref<128x32xf32, #tpu.memory_space<vmem>>, vector<1x16xf32>,
      %swap3A_1915 = vector.shape_cast %swap3A_1914 : vector<1x16xf32> to vector<16xf32>
      %swap3A_1916 = vector.shape_cast %mul3A_1910 : vector<16xf32> to vector<1x16xf32>
      tpu.vector_store %arg14[%swap3A_1912, %swap3A_1913], %swap3A_1916 {strides = array<i32>} : memref<128x32xf32, #tpu.memory_space<vmem>>, vector<1x16xf32>,
      %get3A_1917 = arith.constant 62 : i32
      %get3A_1918 = arith.index_cast %get3A_1917 : i32 to index
      %get3A_1919 = arith.constant 16 : index
      %get3A_1920 = tpu.vector_load %arg14[%get3A_1918, %get3A_1919] {strides = array<i32>} : memref<128x32xf32, #tpu.memory_space<vmem>>, vector<1x16xf32>,
      %get3A_1921 = vector.shape_cast %get3A_1920 : vector<1x16xf32> to vector<16xf32>
      %slice3A_1922 = vector.extract_strided_slice %get3A_1481 {offsets = [14], sizes = [1], strides = [1]} : vector<16xf32> to vector<1xf32>
      %squeeze3A_1923 = vector.extract %slice3A_1922[0] : f32 from vector<1xf32>
      %mul3A_1924 = vector.broadcast %squeeze3A_1923 : f32 to vector<16xf32>
      %mul3A_1925 = arith.mulf %get3A_1921, %mul3A_1924 : vector<16xf32>
      %swap3A_1926 = arith.constant 62 : i32
      %swap3A_1927 = arith.index_cast %swap3A_1926 : i32 to index
      %swap3A_1928 = arith.constant 16 : index
      %swap3A_1929 = tpu.vector_load %arg14[%swap3A_1927, %swap3A_1928] {strides = array<i32>} : memref<128x32xf32, #tpu.memory_space<vmem>>, vector<1x16xf32>,
      %swap3A_1930 = vector.shape_cast %swap3A_1929 : vector<1x16xf32> to vector<16xf32>
      %swap3A_1931 = vector.shape_cast %mul3A_1925 : vector<16xf32> to vector<1x16xf32>
      tpu.vector_store %arg14[%swap3A_1927, %swap3A_1928], %swap3A_1931 {strides = array<i32>} : memref<128x32xf32, #tpu.memory_space<vmem>>, vector<1x16xf32>,
      %get3A_1932 = arith.constant 63 : i32
      %get3A_1933 = arith.index_cast %get3A_1932 : i32 to index
      %get3A_1934 = arith.constant 0 : index
      %get3A_1935 = tpu.vector_load %arg14[%get3A_1933, %get3A_1934] {strides = array<i32>} : memref<128x32xf32, #tpu.memory_space<vmem>>, vector<1x16xf32>,
      %get3A_1936 = vector.shape_cast %get3A_1935 : vector<1x16xf32> to vector<16xf32>
      %slice3A_1937 = vector.extract_strided_slice %get3A_1481 {offsets = [15], sizes = [1], strides = [1]} : vector<16xf32> to vector<1xf32>
      %squeeze3A_1938 = vector.extract %slice3A_1937[0] : f32 from vector<1xf32>
      %mul3A_1939 = vector.broadcast %squeeze3A_1938 : f32 to vector<16xf32>
      %mul3A_1940 = arith.mulf %get3A_1936, %mul3A_1939 : vector<16xf32>
      %swap3A_1941 = arith.constant 63 : i32
      %swap3A_1942 = arith.index_cast %swap3A_1941 : i32 to index
      %swap3A_1943 = arith.constant 0 : index
      %swap3A_1944 = tpu.vector_load %arg14[%swap3A_1942, %swap3A_1943] {strides = array<i32>} : memref<128x32xf32, #tpu.memory_space<vmem>>, vector<1x16xf32>,
      %swap3A_1945 = vector.shape_cast %swap3A_1944 : vector<1x16xf32> to vector<16xf32>
      %swap3A_1946 = vector.shape_cast %mul3A_1940 : vector<16xf32> to vector<1x16xf32>
      tpu.vector_store %arg14[%swap3A_1942, %swap3A_1943], %swap3A_1946 {strides = array<i32>} : memref<128x32xf32, #tpu.memory_space<vmem>>, vector<1x16xf32>,
      %get3A_1947 = arith.constant 63 : i32
      %get3A_1948 = arith.index_cast %get3A_1947 : i32 to index
      %get3A_1949 = arith.constant 16 : index
      %get3A_1950 = tpu.vector_load %arg14[%get3A_1948, %get3A_1949] {strides = array<i32>} : memref<128x32xf32, #tpu.memory_space<vmem>>, vector<1x16xf32>,
      %get3A_1951 = vector.shape_cast %get3A_1950 : vector<1x16xf32> to vector<16xf32>
      %slice3A_1952 = vector.extract_strided_slice %get3A_1481 {offsets = [15], sizes = [1], strides = [1]} : vector<16xf32> to vector<1xf32>
      %squeeze3A_1953 = vector.extract %slice3A_1952[0] : f32 from vector<1xf32>
      %mul3A_1954 = vector.broadcast %squeeze3A_1953 : f32 to vector<16xf32>
      %mul3A_1955 = arith.mulf %get3A_1951, %mul3A_1954 : vector<16xf32>
      %swap3A_1956 = arith.constant 63 : i32
      %swap3A_1957 = arith.index_cast %swap3A_1956 : i32 to index
      %swap3A_1958 = arith.constant 16 : index
      %swap3A_1959 = tpu.vector_load %arg14[%swap3A_1957, %swap3A_1958] {strides = array<i32>} : memref<128x32xf32, #tpu.memory_space<vmem>>, vector<1x16xf32>,
      %swap3A_1960 = vector.shape_cast %swap3A_1959 : vector<1x16xf32> to vector<16xf32>
      %swap3A_1961 = vector.shape_cast %mul3A_1955 : vector<16xf32> to vector<1x16xf32>
      tpu.vector_store %arg14[%swap3A_1957, %swap3A_1958], %swap3A_1961 {strides = array<i32>} : memref<128x32xf32, #tpu.memory_space<vmem>>, vector<1x16xf32>,
      %get3A_1962 = arith.index_cast %scan3A_19 : i32 to index
      %get3A_1963 = arith.constant 64 : index
      %get3A_1964 = tpu.vector_load %arg13[%get3A_1962, %get3A_1963] {strides = array<i32>} : memref<32x128xf32, #tpu.memory_space<vmem>>, vector<1x16xf32>,
      %get3A_1965 = vector.shape_cast %get3A_1964 : vector<1x16xf32> to vector<16xf32>
      %get3A_1966 = arith.constant 64 : i32
      %get3A_1967 = arith.index_cast %get3A_1966 : i32 to index
      %get3A_1968 = arith.constant 0 : index
      %get3A_1969 = tpu.vector_load %arg14[%get3A_1967, %get3A_1968] {strides = array<i32>} : memref<128x32xf32, #tpu.memory_space<vmem>>, vector<1x16xf32>,
      %get3A_1970 = vector.shape_cast %get3A_1969 : vector<1x16xf32> to vector<16xf32>
      %slice3A_1971 = vector.extract_strided_slice %get3A_1965 {offsets = [0], sizes = [1], strides = [1]} : vector<16xf32> to vector<1xf32>
      %squeeze3A_1972 = vector.extract %slice3A_1971[0] : f32 from vector<1xf32>
      %mul3A_1973 = vector.broadcast %squeeze3A_1972 : f32 to vector<16xf32>
      %mul3A_1974 = arith.mulf %get3A_1970, %mul3A_1973 : vector<16xf32>
      %swap3A_1975 = arith.constant 64 : i32
      %swap3A_1976 = arith.index_cast %swap3A_1975 : i32 to index
      %swap3A_1977 = arith.constant 0 : index
      %swap3A_1978 = tpu.vector_load %arg14[%swap3A_1976, %swap3A_1977] {strides = array<i32>} : memref<128x32xf32, #tpu.memory_space<vmem>>, vector<1x16xf32>,
      %swap3A_1979 = vector.shape_cast %swap3A_1978 : vector<1x16xf32> to vector<16xf32>
      %swap3A_1980 = vector.shape_cast %mul3A_1974 : vector<16xf32> to vector<1x16xf32>
      tpu.vector_store %arg14[%swap3A_1976, %swap3A_1977], %swap3A_1980 {strides = array<i32>} : memref<128x32xf32, #tpu.memory_space<vmem>>, vector<1x16xf32>,
      %get3A_1981 = arith.constant 64 : i32
      %get3A_1982 = arith.index_cast %get3A_1981 : i32 to index
      %get3A_1983 = arith.constant 16 : index
      %get3A_1984 = tpu.vector_load %arg14[%get3A_1982, %get3A_1983] {strides = array<i32>} : memref<128x32xf32, #tpu.memory_space<vmem>>, vector<1x16xf32>,
      %get3A_1985 = vector.shape_cast %get3A_1984 : vector<1x16xf32> to vector<16xf32>
      %slice3A_1986 = vector.extract_strided_slice %get3A_1965 {offsets = [0], sizes = [1], strides = [1]} : vector<16xf32> to vector<1xf32>
      %squeeze3A_1987 = vector.extract %slice3A_1986[0] : f32 from vector<1xf32>
      %mul3A_1988 = vector.broadcast %squeeze3A_1987 : f32 to vector<16xf32>
      %mul3A_1989 = arith.mulf %get3A_1985, %mul3A_1988 : vector<16xf32>
      %swap3A_1990 = arith.constant 64 : i32
      %swap3A_1991 = arith.index_cast %swap3A_1990 : i32 to index
      %swap3A_1992 = arith.constant 16 : index
      %swap3A_1993 = tpu.vector_load %arg14[%swap3A_1991, %swap3A_1992] {strides = array<i32>} : memref<128x32xf32, #tpu.memory_space<vmem>>, vector<1x16xf32>,
      %swap3A_1994 = vector.shape_cast %swap3A_1993 : vector<1x16xf32> to vector<16xf32>
      %swap3A_1995 = vector.shape_cast %mul3A_1989 : vector<16xf32> to vector<1x16xf32>
      tpu.vector_store %arg14[%swap3A_1991, %swap3A_1992], %swap3A_1995 {strides = array<i32>} : memref<128x32xf32, #tpu.memory_space<vmem>>, vector<1x16xf32>,
      %get3A_1996 = arith.constant 65 : i32
      %get3A_1997 = arith.index_cast %get3A_1996 : i32 to index
      %get3A_1998 = arith.constant 0 : index
      %get3A_1999 = tpu.vector_load %arg14[%get3A_1997, %get3A_1998] {strides = array<i32>} : memref<128x32xf32, #tpu.memory_space<vmem>>, vector<1x16xf32>,
      %get3A_2000 = vector.shape_cast %get3A_1999 : vector<1x16xf32> to vector<16xf32>
      %slice3A_2001 = vector.extract_strided_slice %get3A_1965 {offsets = [1], sizes = [1], strides = [1]} : vector<16xf32> to vector<1xf32>
      %squeeze3A_2002 = vector.extract %slice3A_2001[0] : f32 from vector<1xf32>
      %mul3A_2003 = vector.broadcast %squeeze3A_2002 : f32 to vector<16xf32>
      %mul3A_2004 = arith.mulf %get3A_2000, %mul3A_2003 : vector<16xf32>
      %swap3A_2005 = arith.constant 65 : i32
      %swap3A_2006 = arith.index_cast %swap3A_2005 : i32 to index
      %swap3A_2007 = arith.constant 0 : index
      %swap3A_2008 = tpu.vector_load %arg14[%swap3A_2006, %swap3A_2007] {strides = array<i32>} : memref<128x32xf32, #tpu.memory_space<vmem>>, vector<1x16xf32>,
      %swap3A_2009 = vector.shape_cast %swap3A_2008 : vector<1x16xf32> to vector<16xf32>
      %swap3A_2010 = vector.shape_cast %mul3A_2004 : vector<16xf32> to vector<1x16xf32>
      tpu.vector_store %arg14[%swap3A_2006, %swap3A_2007], %swap3A_2010 {strides = array<i32>} : memref<128x32xf32, #tpu.memory_space<vmem>>, vector<1x16xf32>,
      %get3A_2011 = arith.constant 65 : i32
      %get3A_2012 = arith.index_cast %get3A_2011 : i32 to index
      %get3A_2013 = arith.constant 16 : index
      %get3A_2014 = tpu.vector_load %arg14[%get3A_2012, %get3A_2013] {strides = array<i32>} : memref<128x32xf32, #tpu.memory_space<vmem>>, vector<1x16xf32>,
      %get3A_2015 = vector.shape_cast %get3A_2014 : vector<1x16xf32> to vector<16xf32>
      %slice3A_2016 = vector.extract_strided_slice %get3A_1965 {offsets = [1], sizes = [1], strides = [1]} : vector<16xf32> to vector<1xf32>
      %squeeze3A_2017 = vector.extract %slice3A_2016[0] : f32 from vector<1xf32>
      %mul3A_2018 = vector.broadcast %squeeze3A_2017 : f32 to vector<16xf32>
      %mul3A_2019 = arith.mulf %get3A_2015, %mul3A_2018 : vector<16xf32>
      %swap3A_2020 = arith.constant 65 : i32
      %swap3A_2021 = arith.index_cast %swap3A_2020 : i32 to index
      %swap3A_2022 = arith.constant 16 : index
      %swap3A_2023 = tpu.vector_load %arg14[%swap3A_2021, %swap3A_2022] {strides = array<i32>} : memref<128x32xf32, #tpu.memory_space<vmem>>, vector<1x16xf32>,
      %swap3A_2024 = vector.shape_cast %swap3A_2023 : vector<1x16xf32> to vector<16xf32>
      %swap3A_2025 = vector.shape_cast %mul3A_2019 : vector<16xf32> to vector<1x16xf32>
      tpu.vector_store %arg14[%swap3A_2021, %swap3A_2022], %swap3A_2025 {strides = array<i32>} : memref<128x32xf32, #tpu.memory_space<vmem>>, vector<1x16xf32>,
      %get3A_2026 = arith.constant 66 : i32
      %get3A_2027 = arith.index_cast %get3A_2026 : i32 to index
      %get3A_2028 = arith.constant 0 : index
      %get3A_2029 = tpu.vector_load %arg14[%get3A_2027, %get3A_2028] {strides = array<i32>} : memref<128x32xf32, #tpu.memory_space<vmem>>, vector<1x16xf32>,
      %get3A_2030 = vector.shape_cast %get3A_2029 : vector<1x16xf32> to vector<16xf32>
      %slice3A_2031 = vector.extract_strided_slice %get3A_1965 {offsets = [2], sizes = [1], strides = [1]} : vector<16xf32> to vector<1xf32>
      %squeeze3A_2032 = vector.extract %slice3A_2031[0] : f32 from vector<1xf32>
      %mul3A_2033 = vector.broadcast %squeeze3A_2032 : f32 to vector<16xf32>
      %mul3A_2034 = arith.mulf %get3A_2030, %mul3A_2033 : vector<16xf32>
      %swap3A_2035 = arith.constant 66 : i32
      %swap3A_2036 = arith.index_cast %swap3A_2035 : i32 to index
      %swap3A_2037 = arith.constant 0 : index
      %swap3A_2038 = tpu.vector_load %arg14[%swap3A_2036, %swap3A_2037] {strides = array<i32>} : memref<128x32xf32, #tpu.memory_space<vmem>>, vector<1x16xf32>,
      %swap3A_2039 = vector.shape_cast %swap3A_2038 : vector<1x16xf32> to vector<16xf32>
      %swap3A_2040 = vector.shape_cast %mul3A_2034 : vector<16xf32> to vector<1x16xf32>
      tpu.vector_store %arg14[%swap3A_2036, %swap3A_2037], %swap3A_2040 {strides = array<i32>} : memref<128x32xf32, #tpu.memory_space<vmem>>, vector<1x16xf32>,
      %get3A_2041 = arith.constant 66 : i32
      %get3A_2042 = arith.index_cast %get3A_2041 : i32 to index
      %get3A_2043 = arith.constant 16 : index
      %get3A_2044 = tpu.vector_load %arg14[%get3A_2042, %get3A_2043] {strides = array<i32>} : memref<128x32xf32, #tpu.memory_space<vmem>>, vector<1x16xf32>,
      %get3A_2045 = vector.shape_cast %get3A_2044 : vector<1x16xf32> to vector<16xf32>
      %slice3A_2046 = vector.extract_strided_slice %get3A_1965 {offsets = [2], sizes = [1], strides = [1]} : vector<16xf32> to vector<1xf32>
      %squeeze3A_2047 = vector.extract %slice3A_2046[0] : f32 from vector<1xf32>
      %mul3A_2048 = vector.broadcast %squeeze3A_2047 : f32 to vector<16xf32>
      %mul3A_2049 = arith.mulf %get3A_2045, %mul3A_2048 : vector<16xf32>
      %swap3A_2050 = arith.constant 66 : i32
      %swap3A_2051 = arith.index_cast %swap3A_2050 : i32 to index
      %swap3A_2052 = arith.constant 16 : index
      %swap3A_2053 = tpu.vector_load %arg14[%swap3A_2051, %swap3A_2052] {strides = array<i32>} : memref<128x32xf32, #tpu.memory_space<vmem>>, vector<1x16xf32>,
      %swap3A_2054 = vector.shape_cast %swap3A_2053 : vector<1x16xf32> to vector<16xf32>
      %swap3A_2055 = vector.shape_cast %mul3A_2049 : vector<16xf32> to vector<1x16xf32>
      tpu.vector_store %arg14[%swap3A_2051, %swap3A_2052], %swap3A_2055 {strides = array<i32>} : memref<128x32xf32, #tpu.memory_space<vmem>>, vector<1x16xf32>,
      %get3A_2056 = arith.constant 67 : i32
      %get3A_2057 = arith.index_cast %get3A_2056 : i32 to index
      %get3A_2058 = arith.constant 0 : index
      %get3A_2059 = tpu.vector_load %arg14[%get3A_2057, %get3A_2058] {strides = array<i32>} : memref<128x32xf32, #tpu.memory_space<vmem>>, vector<1x16xf32>,
      %get3A_2060 = vector.shape_cast %get3A_2059 : vector<1x16xf32> to vector<16xf32>
      %slice3A_2061 = vector.extract_strided_slice %get3A_1965 {offsets = [3], sizes = [1], strides = [1]} : vector<16xf32> to vector<1xf32>
      %squeeze3A_2062 = vector.extract %slice3A_2061[0] : f32 from vector<1xf32>
      %mul3A_2063 = vector.broadcast %squeeze3A_2062 : f32 to vector<16xf32>
      %mul3A_2064 = arith.mulf %get3A_2060, %mul3A_2063 : vector<16xf32>
      %swap3A_2065 = arith.constant 67 : i32
      %swap3A_2066 = arith.index_cast %swap3A_2065 : i32 to index
      %swap3A_2067 = arith.constant 0 : index
      %swap3A_2068 = tpu.vector_load %arg14[%swap3A_2066, %swap3A_2067] {strides = array<i32>} : memref<128x32xf32, #tpu.memory_space<vmem>>, vector<1x16xf32>,
      %swap3A_2069 = vector.shape_cast %swap3A_2068 : vector<1x16xf32> to vector<16xf32>
      %swap3A_2070 = vector.shape_cast %mul3A_2064 : vector<16xf32> to vector<1x16xf32>
      tpu.vector_store %arg14[%swap3A_2066, %swap3A_2067], %swap3A_2070 {strides = array<i32>} : memref<128x32xf32, #tpu.memory_space<vmem>>, vector<1x16xf32>,
      %get3A_2071 = arith.constant 67 : i32
      %get3A_2072 = arith.index_cast %get3A_2071 : i32 to index
      %get3A_2073 = arith.constant 16 : index
      %get3A_2074 = tpu.vector_load %arg14[%get3A_2072, %get3A_2073] {strides = array<i32>} : memref<128x32xf32, #tpu.memory_space<vmem>>, vector<1x16xf32>,
      %get3A_2075 = vector.shape_cast %get3A_2074 : vector<1x16xf32> to vector<16xf32>
      %slice3A_2076 = vector.extract_strided_slice %get3A_1965 {offsets = [3], sizes = [1], strides = [1]} : vector<16xf32> to vector<1xf32>
      %squeeze3A_2077 = vector.extract %slice3A_2076[0] : f32 from vector<1xf32>
      %mul3A_2078 = vector.broadcast %squeeze3A_2077 : f32 to vector<16xf32>
      %mul3A_2079 = arith.mulf %get3A_2075, %mul3A_2078 : vector<16xf32>
      %swap3A_2080 = arith.constant 67 : i32
      %swap3A_2081 = arith.index_cast %swap3A_2080 : i32 to index
      %swap3A_2082 = arith.constant 16 : index
      %swap3A_2083 = tpu.vector_load %arg14[%swap3A_2081, %swap3A_2082] {strides = array<i32>} : memref<128x32xf32, #tpu.memory_space<vmem>>, vector<1x16xf32>,
      %swap3A_2084 = vector.shape_cast %swap3A_2083 : vector<1x16xf32> to vector<16xf32>
      %swap3A_2085 = vector.shape_cast %mul3A_2079 : vector<16xf32> to vector<1x16xf32>
      tpu.vector_store %arg14[%swap3A_2081, %swap3A_2082], %swap3A_2085 {strides = array<i32>} : memref<128x32xf32, #tpu.memory_space<vmem>>, vector<1x16xf32>,
      %get3A_2086 = arith.constant 68 : i32
      %get3A_2087 = arith.index_cast %get3A_2086 : i32 to index
      %get3A_2088 = arith.constant 0 : index
      %get3A_2089 = tpu.vector_load %arg14[%get3A_2087, %get3A_2088] {strides = array<i32>} : memref<128x32xf32, #tpu.memory_space<vmem>>, vector<1x16xf32>,
      %get3A_2090 = vector.shape_cast %get3A_2089 : vector<1x16xf32> to vector<16xf32>
      %slice3A_2091 = vector.extract_strided_slice %get3A_1965 {offsets = [4], sizes = [1], strides = [1]} : vector<16xf32> to vector<1xf32>
      %squeeze3A_2092 = vector.extract %slice3A_2091[0] : f32 from vector<1xf32>
      %mul3A_2093 = vector.broadcast %squeeze3A_2092 : f32 to vector<16xf32>
      %mul3A_2094 = arith.mulf %get3A_2090, %mul3A_2093 : vector<16xf32>
      %swap3A_2095 = arith.constant 68 : i32
      %swap3A_2096 = arith.index_cast %swap3A_2095 : i32 to index
      %swap3A_2097 = arith.constant 0 : index
      %swap3A_2098 = tpu.vector_load %arg14[%swap3A_2096, %swap3A_2097] {strides = array<i32>} : memref<128x32xf32, #tpu.memory_space<vmem>>, vector<1x16xf32>,
      %swap3A_2099 = vector.shape_cast %swap3A_2098 : vector<1x16xf32> to vector<16xf32>
      %swap3A_2100 = vector.shape_cast %mul3A_2094 : vector<16xf32> to vector<1x16xf32>
      tpu.vector_store %arg14[%swap3A_2096, %swap3A_2097], %swap3A_2100 {strides = array<i32>} : memref<128x32xf32, #tpu.memory_space<vmem>>, vector<1x16xf32>,
      %get3A_2101 = arith.constant 68 : i32
      %get3A_2102 = arith.index_cast %get3A_2101 : i32 to index
      %get3A_2103 = arith.constant 16 : index
      %get3A_2104 = tpu.vector_load %arg14[%get3A_2102, %get3A_2103] {strides = array<i32>} : memref<128x32xf32, #tpu.memory_space<vmem>>, vector<1x16xf32>,
      %get3A_2105 = vector.shape_cast %get3A_2104 : vector<1x16xf32> to vector<16xf32>
      %slice3A_2106 = vector.extract_strided_slice %get3A_1965 {offsets = [4], sizes = [1], strides = [1]} : vector<16xf32> to vector<1xf32>
      %squeeze3A_2107 = vector.extract %slice3A_2106[0] : f32 from vector<1xf32>
      %mul3A_2108 = vector.broadcast %squeeze3A_2107 : f32 to vector<16xf32>
      %mul3A_2109 = arith.mulf %get3A_2105, %mul3A_2108 : vector<16xf32>
      %swap3A_2110 = arith.constant 68 : i32
      %swap3A_2111 = arith.index_cast %swap3A_2110 : i32 to index
      %swap3A_2112 = arith.constant 16 : index
      %swap3A_2113 = tpu.vector_load %arg14[%swap3A_2111, %swap3A_2112] {strides = array<i32>} : memref<128x32xf32, #tpu.memory_space<vmem>>, vector<1x16xf32>,
      %swap3A_2114 = vector.shape_cast %swap3A_2113 : vector<1x16xf32> to vector<16xf32>
      %swap3A_2115 = vector.shape_cast %mul3A_2109 : vector<16xf32> to vector<1x16xf32>
      tpu.vector_store %arg14[%swap3A_2111, %swap3A_2112], %swap3A_2115 {strides = array<i32>} : memref<128x32xf32, #tpu.memory_space<vmem>>, vector<1x16xf32>,
      %get3A_2116 = arith.constant 69 : i32
      %get3A_2117 = arith.index_cast %get3A_2116 : i32 to index
      %get3A_2118 = arith.constant 0 : index
      %get3A_2119 = tpu.vector_load %arg14[%get3A_2117, %get3A_2118] {strides = array<i32>} : memref<128x32xf32, #tpu.memory_space<vmem>>, vector<1x16xf32>,
      %get3A_2120 = vector.shape_cast %get3A_2119 : vector<1x16xf32> to vector<16xf32>
      %slice3A_2121 = vector.extract_strided_slice %get3A_1965 {offsets = [5], sizes = [1], strides = [1]} : vector<16xf32> to vector<1xf32>
      %squeeze3A_2122 = vector.extract %slice3A_2121[0] : f32 from vector<1xf32>
      %mul3A_2123 = vector.broadcast %squeeze3A_2122 : f32 to vector<16xf32>
      %mul3A_2124 = arith.mulf %get3A_2120, %mul3A_2123 : vector<16xf32>
      %swap3A_2125 = arith.constant 69 : i32
      %swap3A_2126 = arith.index_cast %swap3A_2125 : i32 to index
      %swap3A_2127 = arith.constant 0 : index
      %swap3A_2128 = tpu.vector_load %arg14[%swap3A_2126, %swap3A_2127] {strides = array<i32>} : memref<128x32xf32, #tpu.memory_space<vmem>>, vector<1x16xf32>,
      %swap3A_2129 = vector.shape_cast %swap3A_2128 : vector<1x16xf32> to vector<16xf32>
      %swap3A_2130 = vector.shape_cast %mul3A_2124 : vector<16xf32> to vector<1x16xf32>
      tpu.vector_store %arg14[%swap3A_2126, %swap3A_2127], %swap3A_2130 {strides = array<i32>} : memref<128x32xf32, #tpu.memory_space<vmem>>, vector<1x16xf32>,
      %get3A_2131 = arith.constant 69 : i32
      %get3A_2132 = arith.index_cast %get3A_2131 : i32 to index
      %get3A_2133 = arith.constant 16 : index
      %get3A_2134 = tpu.vector_load %arg14[%get3A_2132, %get3A_2133] {strides = array<i32>} : memref<128x32xf32, #tpu.memory_space<vmem>>, vector<1x16xf32>,
      %get3A_2135 = vector.shape_cast %get3A_2134 : vector<1x16xf32> to vector<16xf32>
      %slice3A_2136 = vector.extract_strided_slice %get3A_1965 {offsets = [5], sizes = [1], strides = [1]} : vector<16xf32> to vector<1xf32>
      %squeeze3A_2137 = vector.extract %slice3A_2136[0] : f32 from vector<1xf32>
      %mul3A_2138 = vector.broadcast %squeeze3A_2137 : f32 to vector<16xf32>
      %mul3A_2139 = arith.mulf %get3A_2135, %mul3A_2138 : vector<16xf32>
      %swap3A_2140 = arith.constant 69 : i32
      %swap3A_2141 = arith.index_cast %swap3A_2140 : i32 to index
      %swap3A_2142 = arith.constant 16 : index
      %swap3A_2143 = tpu.vector_load %arg14[%swap3A_2141, %swap3A_2142] {strides = array<i32>} : memref<128x32xf32, #tpu.memory_space<vmem>>, vector<1x16xf32>,
      %swap3A_2144 = vector.shape_cast %swap3A_2143 : vector<1x16xf32> to vector<16xf32>
      %swap3A_2145 = vector.shape_cast %mul3A_2139 : vector<16xf32> to vector<1x16xf32>
      tpu.vector_store %arg14[%swap3A_2141, %swap3A_2142], %swap3A_2145 {strides = array<i32>} : memref<128x32xf32, #tpu.memory_space<vmem>>, vector<1x16xf32>,
      %get3A_2146 = arith.constant 70 : i32
      %get3A_2147 = arith.index_cast %get3A_2146 : i32 to index
      %get3A_2148 = arith.constant 0 : index
      %get3A_2149 = tpu.vector_load %arg14[%get3A_2147, %get3A_2148] {strides = array<i32>} : memref<128x32xf32, #tpu.memory_space<vmem>>, vector<1x16xf32>,
      %get3A_2150 = vector.shape_cast %get3A_2149 : vector<1x16xf32> to vector<16xf32>
      %slice3A_2151 = vector.extract_strided_slice %get3A_1965 {offsets = [6], sizes = [1], strides = [1]} : vector<16xf32> to vector<1xf32>
      %squeeze3A_2152 = vector.extract %slice3A_2151[0] : f32 from vector<1xf32>
      %mul3A_2153 = vector.broadcast %squeeze3A_2152 : f32 to vector<16xf32>
      %mul3A_2154 = arith.mulf %get3A_2150, %mul3A_2153 : vector<16xf32>
      %swap3A_2155 = arith.constant 70 : i32
      %swap3A_2156 = arith.index_cast %swap3A_2155 : i32 to index
      %swap3A_2157 = arith.constant 0 : index
      %swap3A_2158 = tpu.vector_load %arg14[%swap3A_2156, %swap3A_2157] {strides = array<i32>} : memref<128x32xf32, #tpu.memory_space<vmem>>, vector<1x16xf32>,
      %swap3A_2159 = vector.shape_cast %swap3A_2158 : vector<1x16xf32> to vector<16xf32>
      %swap3A_2160 = vector.shape_cast %mul3A_2154 : vector<16xf32> to vector<1x16xf32>
      tpu.vector_store %arg14[%swap3A_2156, %swap3A_2157], %swap3A_2160 {strides = array<i32>} : memref<128x32xf32, #tpu.memory_space<vmem>>, vector<1x16xf32>,
      %get3A_2161 = arith.constant 70 : i32
      %get3A_2162 = arith.index_cast %get3A_2161 : i32 to index
      %get3A_2163 = arith.constant 16 : index
      %get3A_2164 = tpu.vector_load %arg14[%get3A_2162, %get3A_2163] {strides = array<i32>} : memref<128x32xf32, #tpu.memory_space<vmem>>, vector<1x16xf32>,
      %get3A_2165 = vector.shape_cast %get3A_2164 : vector<1x16xf32> to vector<16xf32>
      %slice3A_2166 = vector.extract_strided_slice %get3A_1965 {offsets = [6], sizes = [1], strides = [1]} : vector<16xf32> to vector<1xf32>
      %squeeze3A_2167 = vector.extract %slice3A_2166[0] : f32 from vector<1xf32>
      %mul3A_2168 = vector.broadcast %squeeze3A_2167 : f32 to vector<16xf32>
      %mul3A_2169 = arith.mulf %get3A_2165, %mul3A_2168 : vector<16xf32>
      %swap3A_2170 = arith.constant 70 : i32
      %swap3A_2171 = arith.index_cast %swap3A_2170 : i32 to index
      %swap3A_2172 = arith.constant 16 : index
      %swap3A_2173 = tpu.vector_load %arg14[%swap3A_2171, %swap3A_2172] {strides = array<i32>} : memref<128x32xf32, #tpu.memory_space<vmem>>, vector<1x16xf32>,
      %swap3A_2174 = vector.shape_cast %swap3A_2173 : vector<1x16xf32> to vector<16xf32>
      %swap3A_2175 = vector.shape_cast %mul3A_2169 : vector<16xf32> to vector<1x16xf32>
      tpu.vector_store %arg14[%swap3A_2171, %swap3A_2172], %swap3A_2175 {strides = array<i32>} : memref<128x32xf32, #tpu.memory_space<vmem>>, vector<1x16xf32>,
      %get3A_2176 = arith.constant 71 : i32
      %get3A_2177 = arith.index_cast %get3A_2176 : i32 to index
      %get3A_2178 = arith.constant 0 : index
      %get3A_2179 = tpu.vector_load %arg14[%get3A_2177, %get3A_2178] {strides = array<i32>} : memref<128x32xf32, #tpu.memory_space<vmem>>, vector<1x16xf32>,
      %get3A_2180 = vector.shape_cast %get3A_2179 : vector<1x16xf32> to vector<16xf32>
      %slice3A_2181 = vector.extract_strided_slice %get3A_1965 {offsets = [7], sizes = [1], strides = [1]} : vector<16xf32> to vector<1xf32>
      %squeeze3A_2182 = vector.extract %slice3A_2181[0] : f32 from vector<1xf32>
      %mul3A_2183 = vector.broadcast %squeeze3A_2182 : f32 to vector<16xf32>
      %mul3A_2184 = arith.mulf %get3A_2180, %mul3A_2183 : vector<16xf32>
      %swap3A_2185 = arith.constant 71 : i32
      %swap3A_2186 = arith.index_cast %swap3A_2185 : i32 to index
      %swap3A_2187 = arith.constant 0 : index
      %swap3A_2188 = tpu.vector_load %arg14[%swap3A_2186, %swap3A_2187] {strides = array<i32>} : memref<128x32xf32, #tpu.memory_space<vmem>>, vector<1x16xf32>,
      %swap3A_2189 = vector.shape_cast %swap3A_2188 : vector<1x16xf32> to vector<16xf32>
      %swap3A_2190 = vector.shape_cast %mul3A_2184 : vector<16xf32> to vector<1x16xf32>
      tpu.vector_store %arg14[%swap3A_2186, %swap3A_2187], %swap3A_2190 {strides = array<i32>} : memref<128x32xf32, #tpu.memory_space<vmem>>, vector<1x16xf32>,
      %get3A_2191 = arith.constant 71 : i32
      %get3A_2192 = arith.index_cast %get3A_2191 : i32 to index
      %get3A_2193 = arith.constant 16 : index
      %get3A_2194 = tpu.vector_load %arg14[%get3A_2192, %get3A_2193] {strides = array<i32>} : memref<128x32xf32, #tpu.memory_space<vmem>>, vector<1x16xf32>,
      %get3A_2195 = vector.shape_cast %get3A_2194 : vector<1x16xf32> to vector<16xf32>
      %slice3A_2196 = vector.extract_strided_slice %get3A_1965 {offsets = [7], sizes = [1], strides = [1]} : vector<16xf32> to vector<1xf32>
      %squeeze3A_2197 = vector.extract %slice3A_2196[0] : f32 from vector<1xf32>
      %mul3A_2198 = vector.broadcast %squeeze3A_2197 : f32 to vector<16xf32>
      %mul3A_2199 = arith.mulf %get3A_2195, %mul3A_2198 : vector<16xf32>
      %swap3A_2200 = arith.constant 71 : i32
      %swap3A_2201 = arith.index_cast %swap3A_2200 : i32 to index
      %swap3A_2202 = arith.constant 16 : index
      %swap3A_2203 = tpu.vector_load %arg14[%swap3A_2201, %swap3A_2202] {strides = array<i32>} : memref<128x32xf32, #tpu.memory_space<vmem>>, vector<1x16xf32>,
      %swap3A_2204 = vector.shape_cast %swap3A_2203 : vector<1x16xf32> to vector<16xf32>
      %swap3A_2205 = vector.shape_cast %mul3A_2199 : vector<16xf32> to vector<1x16xf32>
      tpu.vector_store %arg14[%swap3A_2201, %swap3A_2202], %swap3A_2205 {strides = array<i32>} : memref<128x32xf32, #tpu.memory_space<vmem>>, vector<1x16xf32>,
      %get3A_2206 = arith.constant 72 : i32
      %get3A_2207 = arith.index_cast %get3A_2206 : i32 to index
      %get3A_2208 = arith.constant 0 : index
      %get3A_2209 = tpu.vector_load %arg14[%get3A_2207, %get3A_2208] {strides = array<i32>} : memref<128x32xf32, #tpu.memory_space<vmem>>, vector<1x16xf32>,
      %get3A_2210 = vector.shape_cast %get3A_2209 : vector<1x16xf32> to vector<16xf32>
      %slice3A_2211 = vector.extract_strided_slice %get3A_1965 {offsets = [8], sizes = [1], strides = [1]} : vector<16xf32> to vector<1xf32>
      %squeeze3A_2212 = vector.extract %slice3A_2211[0] : f32 from vector<1xf32>
      %mul3A_2213 = vector.broadcast %squeeze3A_2212 : f32 to vector<16xf32>
      %mul3A_2214 = arith.mulf %get3A_2210, %mul3A_2213 : vector<16xf32>
      %swap3A_2215 = arith.constant 72 : i32
      %swap3A_2216 = arith.index_cast %swap3A_2215 : i32 to index
      %swap3A_2217 = arith.constant 0 : index
      %swap3A_2218 = tpu.vector_load %arg14[%swap3A_2216, %swap3A_2217] {strides = array<i32>} : memref<128x32xf32, #tpu.memory_space<vmem>>, vector<1x16xf32>,
      %swap3A_2219 = vector.shape_cast %swap3A_2218 : vector<1x16xf32> to vector<16xf32>
      %swap3A_2220 = vector.shape_cast %mul3A_2214 : vector<16xf32> to vector<1x16xf32>
      tpu.vector_store %arg14[%swap3A_2216, %swap3A_2217], %swap3A_2220 {strides = array<i32>} : memref<128x32xf32, #tpu.memory_space<vmem>>, vector<1x16xf32>,
      %get3A_2221 = arith.constant 72 : i32
      %get3A_2222 = arith.index_cast %get3A_2221 : i32 to index
      %get3A_2223 = arith.constant 16 : index
      %get3A_2224 = tpu.vector_load %arg14[%get3A_2222, %get3A_2223] {strides = array<i32>} : memref<128x32xf32, #tpu.memory_space<vmem>>, vector<1x16xf32>,
      %get3A_2225 = vector.shape_cast %get3A_2224 : vector<1x16xf32> to vector<16xf32>
      %slice3A_2226 = vector.extract_strided_slice %get3A_1965 {offsets = [8], sizes = [1], strides = [1]} : vector<16xf32> to vector<1xf32>
      %squeeze3A_2227 = vector.extract %slice3A_2226[0] : f32 from vector<1xf32>
      %mul3A_2228 = vector.broadcast %squeeze3A_2227 : f32 to vector<16xf32>
      %mul3A_2229 = arith.mulf %get3A_2225, %mul3A_2228 : vector<16xf32>
      %swap3A_2230 = arith.constant 72 : i32
      %swap3A_2231 = arith.index_cast %swap3A_2230 : i32 to index
      %swap3A_2232 = arith.constant 16 : index
      %swap3A_2233 = tpu.vector_load %arg14[%swap3A_2231, %swap3A_2232] {strides = array<i32>} : memref<128x32xf32, #tpu.memory_space<vmem>>, vector<1x16xf32>,
      %swap3A_2234 = vector.shape_cast %swap3A_2233 : vector<1x16xf32> to vector<16xf32>
      %swap3A_2235 = vector.shape_cast %mul3A_2229 : vector<16xf32> to vector<1x16xf32>
      tpu.vector_store %arg14[%swap3A_2231, %swap3A_2232], %swap3A_2235 {strides = array<i32>} : memref<128x32xf32, #tpu.memory_space<vmem>>, vector<1x16xf32>,
      %get3A_2236 = arith.constant 73 : i32
      %get3A_2237 = arith.index_cast %get3A_2236 : i32 to index
      %get3A_2238 = arith.constant 0 : index
      %get3A_2239 = tpu.vector_load %arg14[%get3A_2237, %get3A_2238] {strides = array<i32>} : memref<128x32xf32, #tpu.memory_space<vmem>>, vector<1x16xf32>,
      %get3A_2240 = vector.shape_cast %get3A_2239 : vector<1x16xf32> to vector<16xf32>
      %slice3A_2241 = vector.extract_strided_slice %get3A_1965 {offsets = [9], sizes = [1], strides = [1]} : vector<16xf32> to vector<1xf32>
      %squeeze3A_2242 = vector.extract %slice3A_2241[0] : f32 from vector<1xf32>
      %mul3A_2243 = vector.broadcast %squeeze3A_2242 : f32 to vector<16xf32>
      %mul3A_2244 = arith.mulf %get3A_2240, %mul3A_2243 : vector<16xf32>
      %swap3A_2245 = arith.constant 73 : i32
      %swap3A_2246 = arith.index_cast %swap3A_2245 : i32 to index
      %swap3A_2247 = arith.constant 0 : index
      %swap3A_2248 = tpu.vector_load %arg14[%swap3A_2246, %swap3A_2247] {strides = array<i32>} : memref<128x32xf32, #tpu.memory_space<vmem>>, vector<1x16xf32>,
      %swap3A_2249 = vector.shape_cast %swap3A_2248 : vector<1x16xf32> to vector<16xf32>
      %swap3A_2250 = vector.shape_cast %mul3A_2244 : vector<16xf32> to vector<1x16xf32>
      tpu.vector_store %arg14[%swap3A_2246, %swap3A_2247], %swap3A_2250 {strides = array<i32>} : memref<128x32xf32, #tpu.memory_space<vmem>>, vector<1x16xf32>,
      %get3A_2251 = arith.constant 73 : i32
      %get3A_2252 = arith.index_cast %get3A_2251 : i32 to index
      %get3A_2253 = arith.constant 16 : index
      %get3A_2254 = tpu.vector_load %arg14[%get3A_2252, %get3A_2253] {strides = array<i32>} : memref<128x32xf32, #tpu.memory_space<vmem>>, vector<1x16xf32>,
      %get3A_2255 = vector.shape_cast %get3A_2254 : vector<1x16xf32> to vector<16xf32>
      %slice3A_2256 = vector.extract_strided_slice %get3A_1965 {offsets = [9], sizes = [1], strides = [1]} : vector<16xf32> to vector<1xf32>
      %squeeze3A_2257 = vector.extract %slice3A_2256[0] : f32 from vector<1xf32>
      %mul3A_2258 = vector.broadcast %squeeze3A_2257 : f32 to vector<16xf32>
      %mul3A_2259 = arith.mulf %get3A_2255, %mul3A_2258 : vector<16xf32>
      %swap3A_2260 = arith.constant 73 : i32
      %swap3A_2261 = arith.index_cast %swap3A_2260 : i32 to index
      %swap3A_2262 = arith.constant 16 : index
      %swap3A_2263 = tpu.vector_load %arg14[%swap3A_2261, %swap3A_2262] {strides = array<i32>} : memref<128x32xf32, #tpu.memory_space<vmem>>, vector<1x16xf32>,
      %swap3A_2264 = vector.shape_cast %swap3A_2263 : vector<1x16xf32> to vector<16xf32>
      %swap3A_2265 = vector.shape_cast %mul3A_2259 : vector<16xf32> to vector<1x16xf32>
      tpu.vector_store %arg14[%swap3A_2261, %swap3A_2262], %swap3A_2265 {strides = array<i32>} : memref<128x32xf32, #tpu.memory_space<vmem>>, vector<1x16xf32>,
      %get3A_2266 = arith.constant 74 : i32
      %get3A_2267 = arith.index_cast %get3A_2266 : i32 to index
      %get3A_2268 = arith.constant 0 : index
      %get3A_2269 = tpu.vector_load %arg14[%get3A_2267, %get3A_2268] {strides = array<i32>} : memref<128x32xf32, #tpu.memory_space<vmem>>, vector<1x16xf32>,
      %get3A_2270 = vector.shape_cast %get3A_2269 : vector<1x16xf32> to vector<16xf32>
      %slice3A_2271 = vector.extract_strided_slice %get3A_1965 {offsets = [10], sizes = [1], strides = [1]} : vector<16xf32> to vector<1xf32>
      %squeeze3A_2272 = vector.extract %slice3A_2271[0] : f32 from vector<1xf32>
      %mul3A_2273 = vector.broadcast %squeeze3A_2272 : f32 to vector<16xf32>
      %mul3A_2274 = arith.mulf %get3A_2270, %mul3A_2273 : vector<16xf32>
      %swap3A_2275 = arith.constant 74 : i32
      %swap3A_2276 = arith.index_cast %swap3A_2275 : i32 to index
      %swap3A_2277 = arith.constant 0 : index
      %swap3A_2278 = tpu.vector_load %arg14[%swap3A_2276, %swap3A_2277] {strides = array<i32>} : memref<128x32xf32, #tpu.memory_space<vmem>>, vector<1x16xf32>,
      %swap3A_2279 = vector.shape_cast %swap3A_2278 : vector<1x16xf32> to vector<16xf32>
      %swap3A_2280 = vector.shape_cast %mul3A_2274 : vector<16xf32> to vector<1x16xf32>
      tpu.vector_store %arg14[%swap3A_2276, %swap3A_2277], %swap3A_2280 {strides = array<i32>} : memref<128x32xf32, #tpu.memory_space<vmem>>, vector<1x16xf32>,
      %get3A_2281 = arith.constant 74 : i32
      %get3A_2282 = arith.index_cast %get3A_2281 : i32 to index
      %get3A_2283 = arith.constant 16 : index
      %get3A_2284 = tpu.vector_load %arg14[%get3A_2282, %get3A_2283] {strides = array<i32>} : memref<128x32xf32, #tpu.memory_space<vmem>>, vector<1x16xf32>,
      %get3A_2285 = vector.shape_cast %get3A_2284 : vector<1x16xf32> to vector<16xf32>
      %slice3A_2286 = vector.extract_strided_slice %get3A_1965 {offsets = [10], sizes = [1], strides = [1]} : vector<16xf32> to vector<1xf32>
      %squeeze3A_2287 = vector.extract %slice3A_2286[0] : f32 from vector<1xf32>
      %mul3A_2288 = vector.broadcast %squeeze3A_2287 : f32 to vector<16xf32>
      %mul3A_2289 = arith.mulf %get3A_2285, %mul3A_2288 : vector<16xf32>
      %swap3A_2290 = arith.constant 74 : i32
      %swap3A_2291 = arith.index_cast %swap3A_2290 : i32 to index
      %swap3A_2292 = arith.constant 16 : index
      %swap3A_2293 = tpu.vector_load %arg14[%swap3A_2291, %swap3A_2292] {strides = array<i32>} : memref<128x32xf32, #tpu.memory_space<vmem>>, vector<1x16xf32>,
      %swap3A_2294 = vector.shape_cast %swap3A_2293 : vector<1x16xf32> to vector<16xf32>
      %swap3A_2295 = vector.shape_cast %mul3A_2289 : vector<16xf32> to vector<1x16xf32>
      tpu.vector_store %arg14[%swap3A_2291, %swap3A_2292], %swap3A_2295 {strides = array<i32>} : memref<128x32xf32, #tpu.memory_space<vmem>>, vector<1x16xf32>,
      %get3A_2296 = arith.constant 75 : i32
      %get3A_2297 = arith.index_cast %get3A_2296 : i32 to index
      %get3A_2298 = arith.constant 0 : index
      %get3A_2299 = tpu.vector_load %arg14[%get3A_2297, %get3A_2298] {strides = array<i32>} : memref<128x32xf32, #tpu.memory_space<vmem>>, vector<1x16xf32>,
      %get3A_2300 = vector.shape_cast %get3A_2299 : vector<1x16xf32> to vector<16xf32>
      %slice3A_2301 = vector.extract_strided_slice %get3A_1965 {offsets = [11], sizes = [1], strides = [1]} : vector<16xf32> to vector<1xf32>
      %squeeze3A_2302 = vector.extract %slice3A_2301[0] : f32 from vector<1xf32>
      %mul3A_2303 = vector.broadcast %squeeze3A_2302 : f32 to vector<16xf32>
      %mul3A_2304 = arith.mulf %get3A_2300, %mul3A_2303 : vector<16xf32>
      %swap3A_2305 = arith.constant 75 : i32
      %swap3A_2306 = arith.index_cast %swap3A_2305 : i32 to index
      %swap3A_2307 = arith.constant 0 : index
      %swap3A_2308 = tpu.vector_load %arg14[%swap3A_2306, %swap3A_2307] {strides = array<i32>} : memref<128x32xf32, #tpu.memory_space<vmem>>, vector<1x16xf32>,
      %swap3A_2309 = vector.shape_cast %swap3A_2308 : vector<1x16xf32> to vector<16xf32>
      %swap3A_2310 = vector.shape_cast %mul3A_2304 : vector<16xf32> to vector<1x16xf32>
      tpu.vector_store %arg14[%swap3A_2306, %swap3A_2307], %swap3A_2310 {strides = array<i32>} : memref<128x32xf32, #tpu.memory_space<vmem>>, vector<1x16xf32>,
      %get3A_2311 = arith.constant 75 : i32
      %get3A_2312 = arith.index_cast %get3A_2311 : i32 to index
      %get3A_2313 = arith.constant 16 : index
      %get3A_2314 = tpu.vector_load %arg14[%get3A_2312, %get3A_2313] {strides = array<i32>} : memref<128x32xf32, #tpu.memory_space<vmem>>, vector<1x16xf32>,
      %get3A_2315 = vector.shape_cast %get3A_2314 : vector<1x16xf32> to vector<16xf32>
      %slice3A_2316 = vector.extract_strided_slice %get3A_1965 {offsets = [11], sizes = [1], strides = [1]} : vector<16xf32> to vector<1xf32>
      %squeeze3A_2317 = vector.extract %slice3A_2316[0] : f32 from vector<1xf32>
      %mul3A_2318 = vector.broadcast %squeeze3A_2317 : f32 to vector<16xf32>
      %mul3A_2319 = arith.mulf %get3A_2315, %mul3A_2318 : vector<16xf32>
      %swap3A_2320 = arith.constant 75 : i32
      %swap3A_2321 = arith.index_cast %swap3A_2320 : i32 to index
      %swap3A_2322 = arith.constant 16 : index
      %swap3A_2323 = tpu.vector_load %arg14[%swap3A_2321, %swap3A_2322] {strides = array<i32>} : memref<128x32xf32, #tpu.memory_space<vmem>>, vector<1x16xf32>,
      %swap3A_2324 = vector.shape_cast %swap3A_2323 : vector<1x16xf32> to vector<16xf32>
      %swap3A_2325 = vector.shape_cast %mul3A_2319 : vector<16xf32> to vector<1x16xf32>
      tpu.vector_store %arg14[%swap3A_2321, %swap3A_2322], %swap3A_2325 {strides = array<i32>} : memref<128x32xf32, #tpu.memory_space<vmem>>, vector<1x16xf32>,
      %get3A_2326 = arith.constant 76 : i32
      %get3A_2327 = arith.index_cast %get3A_2326 : i32 to index
      %get3A_2328 = arith.constant 0 : index
      %get3A_2329 = tpu.vector_load %arg14[%get3A_2327, %get3A_2328] {strides = array<i32>} : memref<128x32xf32, #tpu.memory_space<vmem>>, vector<1x16xf32>,
      %get3A_2330 = vector.shape_cast %get3A_2329 : vector<1x16xf32> to vector<16xf32>
      %slice3A_2331 = vector.extract_strided_slice %get3A_1965 {offsets = [12], sizes = [1], strides = [1]} : vector<16xf32> to vector<1xf32>
      %squeeze3A_2332 = vector.extract %slice3A_2331[0] : f32 from vector<1xf32>
      %mul3A_2333 = vector.broadcast %squeeze3A_2332 : f32 to vector<16xf32>
      %mul3A_2334 = arith.mulf %get3A_2330, %mul3A_2333 : vector<16xf32>
      %swap3A_2335 = arith.constant 76 : i32
      %swap3A_2336 = arith.index_cast %swap3A_2335 : i32 to index
      %swap3A_2337 = arith.constant 0 : index
      %swap3A_2338 = tpu.vector_load %arg14[%swap3A_2336, %swap3A_2337] {strides = array<i32>} : memref<128x32xf32, #tpu.memory_space<vmem>>, vector<1x16xf32>,
      %swap3A_2339 = vector.shape_cast %swap3A_2338 : vector<1x16xf32> to vector<16xf32>
      %swap3A_2340 = vector.shape_cast %mul3A_2334 : vector<16xf32> to vector<1x16xf32>
      tpu.vector_store %arg14[%swap3A_2336, %swap3A_2337], %swap3A_2340 {strides = array<i32>} : memref<128x32xf32, #tpu.memory_space<vmem>>, vector<1x16xf32>,
      %get3A_2341 = arith.constant 76 : i32
      %get3A_2342 = arith.index_cast %get3A_2341 : i32 to index
      %get3A_2343 = arith.constant 16 : index
      %get3A_2344 = tpu.vector_load %arg14[%get3A_2342, %get3A_2343] {strides = array<i32>} : memref<128x32xf32, #tpu.memory_space<vmem>>, vector<1x16xf32>,
      %get3A_2345 = vector.shape_cast %get3A_2344 : vector<1x16xf32> to vector<16xf32>
      %slice3A_2346 = vector.extract_strided_slice %get3A_1965 {offsets = [12], sizes = [1], strides = [1]} : vector<16xf32> to vector<1xf32>
      %squeeze3A_2347 = vector.extract %slice3A_2346[0] : f32 from vector<1xf32>
      %mul3A_2348 = vector.broadcast %squeeze3A_2347 : f32 to vector<16xf32>
      %mul3A_2349 = arith.mulf %get3A_2345, %mul3A_2348 : vector<16xf32>
      %swap3A_2350 = arith.constant 76 : i32
      %swap3A_2351 = arith.index_cast %swap3A_2350 : i32 to index
      %swap3A_2352 = arith.constant 16 : index
      %swap3A_2353 = tpu.vector_load %arg14[%swap3A_2351, %swap3A_2352] {strides = array<i32>} : memref<128x32xf32, #tpu.memory_space<vmem>>, vector<1x16xf32>,
      %swap3A_2354 = vector.shape_cast %swap3A_2353 : vector<1x16xf32> to vector<16xf32>
      %swap3A_2355 = vector.shape_cast %mul3A_2349 : vector<16xf32> to vector<1x16xf32>
      tpu.vector_store %arg14[%swap3A_2351, %swap3A_2352], %swap3A_2355 {strides = array<i32>} : memref<128x32xf32, #tpu.memory_space<vmem>>, vector<1x16xf32>,
      %get3A_2356 = arith.constant 77 : i32
      %get3A_2357 = arith.index_cast %get3A_2356 : i32 to index
      %get3A_2358 = arith.constant 0 : index
      %get3A_2359 = tpu.vector_load %arg14[%get3A_2357, %get3A_2358] {strides = array<i32>} : memref<128x32xf32, #tpu.memory_space<vmem>>, vector<1x16xf32>,
      %get3A_2360 = vector.shape_cast %get3A_2359 : vector<1x16xf32> to vector<16xf32>
      %slice3A_2361 = vector.extract_strided_slice %get3A_1965 {offsets = [13], sizes = [1], strides = [1]} : vector<16xf32> to vector<1xf32>
      %squeeze3A_2362 = vector.extract %slice3A_2361[0] : f32 from vector<1xf32>
      %mul3A_2363 = vector.broadcast %squeeze3A_2362 : f32 to vector<16xf32>
      %mul3A_2364 = arith.mulf %get3A_2360, %mul3A_2363 : vector<16xf32>
      %swap3A_2365 = arith.constant 77 : i32
      %swap3A_2366 = arith.index_cast %swap3A_2365 : i32 to index
      %swap3A_2367 = arith.constant 0 : index
      %swap3A_2368 = tpu.vector_load %arg14[%swap3A_2366, %swap3A_2367] {strides = array<i32>} : memref<128x32xf32, #tpu.memory_space<vmem>>, vector<1x16xf32>,
      %swap3A_2369 = vector.shape_cast %swap3A_2368 : vector<1x16xf32> to vector<16xf32>
      %swap3A_2370 = vector.shape_cast %mul3A_2364 : vector<16xf32> to vector<1x16xf32>
      tpu.vector_store %arg14[%swap3A_2366, %swap3A_2367], %swap3A_2370 {strides = array<i32>} : memref<128x32xf32, #tpu.memory_space<vmem>>, vector<1x16xf32>,
      %get3A_2371 = arith.constant 77 : i32
      %get3A_2372 = arith.index_cast %get3A_2371 : i32 to index
      %get3A_2373 = arith.constant 16 : index
      %get3A_2374 = tpu.vector_load %arg14[%get3A_2372, %get3A_2373] {strides = array<i32>} : memref<128x32xf32, #tpu.memory_space<vmem>>, vector<1x16xf32>,
      %get3A_2375 = vector.shape_cast %get3A_2374 : vector<1x16xf32> to vector<16xf32>
      %slice3A_2376 = vector.extract_strided_slice %get3A_1965 {offsets = [13], sizes = [1], strides = [1]} : vector<16xf32> to vector<1xf32>
      %squeeze3A_2377 = vector.extract %slice3A_2376[0] : f32 from vector<1xf32>
      %mul3A_2378 = vector.broadcast %squeeze3A_2377 : f32 to vector<16xf32>
      %mul3A_2379 = arith.mulf %get3A_2375, %mul3A_2378 : vector<16xf32>
      %swap3A_2380 = arith.constant 77 : i32
      %swap3A_2381 = arith.index_cast %swap3A_2380 : i32 to index
      %swap3A_2382 = arith.constant 16 : index
      %swap3A_2383 = tpu.vector_load %arg14[%swap3A_2381, %swap3A_2382] {strides = array<i32>} : memref<128x32xf32, #tpu.memory_space<vmem>>, vector<1x16xf32>,
      %swap3A_2384 = vector.shape_cast %swap3A_2383 : vector<1x16xf32> to vector<16xf32>
      %swap3A_2385 = vector.shape_cast %mul3A_2379 : vector<16xf32> to vector<1x16xf32>
      tpu.vector_store %arg14[%swap3A_2381, %swap3A_2382], %swap3A_2385 {strides = array<i32>} : memref<128x32xf32, #tpu.memory_space<vmem>>, vector<1x16xf32>,
      %get3A_2386 = arith.constant 78 : i32
      %get3A_2387 = arith.index_cast %get3A_2386 : i32 to index
      %get3A_2388 = arith.constant 0 : index
      %get3A_2389 = tpu.vector_load %arg14[%get3A_2387, %get3A_2388] {strides = array<i32>} : memref<128x32xf32, #tpu.memory_space<vmem>>, vector<1x16xf32>,
      %get3A_2390 = vector.shape_cast %get3A_2389 : vector<1x16xf32> to vector<16xf32>
      %slice3A_2391 = vector.extract_strided_slice %get3A_1965 {offsets = [14], sizes = [1], strides = [1]} : vector<16xf32> to vector<1xf32>
      %squeeze3A_2392 = vector.extract %slice3A_2391[0] : f32 from vector<1xf32>
      %mul3A_2393 = vector.broadcast %squeeze3A_2392 : f32 to vector<16xf32>
      %mul3A_2394 = arith.mulf %get3A_2390, %mul3A_2393 : vector<16xf32>
      %swap3A_2395 = arith.constant 78 : i32
      %swap3A_2396 = arith.index_cast %swap3A_2395 : i32 to index
      %swap3A_2397 = arith.constant 0 : index
      %swap3A_2398 = tpu.vector_load %arg14[%swap3A_2396, %swap3A_2397] {strides = array<i32>} : memref<128x32xf32, #tpu.memory_space<vmem>>, vector<1x16xf32>,
      %swap3A_2399 = vector.shape_cast %swap3A_2398 : vector<1x16xf32> to vector<16xf32>
      %swap3A_2400 = vector.shape_cast %mul3A_2394 : vector<16xf32> to vector<1x16xf32>
      tpu.vector_store %arg14[%swap3A_2396, %swap3A_2397], %swap3A_2400 {strides = array<i32>} : memref<128x32xf32, #tpu.memory_space<vmem>>, vector<1x16xf32>,
      %get3A_2401 = arith.constant 78 : i32
      %get3A_2402 = arith.index_cast %get3A_2401 : i32 to index
      %get3A_2403 = arith.constant 16 : index
      %get3A_2404 = tpu.vector_load %arg14[%get3A_2402, %get3A_2403] {strides = array<i32>} : memref<128x32xf32, #tpu.memory_space<vmem>>, vector<1x16xf32>,
      %get3A_2405 = vector.shape_cast %get3A_2404 : vector<1x16xf32> to vector<16xf32>
      %slice3A_2406 = vector.extract_strided_slice %get3A_1965 {offsets = [14], sizes = [1], strides = [1]} : vector<16xf32> to vector<1xf32>
      %squeeze3A_2407 = vector.extract %slice3A_2406[0] : f32 from vector<1xf32>
      %mul3A_2408 = vector.broadcast %squeeze3A_2407 : f32 to vector<16xf32>
      %mul3A_2409 = arith.mulf %get3A_2405, %mul3A_2408 : vector<16xf32>
      %swap3A_2410 = arith.constant 78 : i32
      %swap3A_2411 = arith.index_cast %swap3A_2410 : i32 to index
      %swap3A_2412 = arith.constant 16 : index
      %swap3A_2413 = tpu.vector_load %arg14[%swap3A_2411, %swap3A_2412] {strides = array<i32>} : memref<128x32xf32, #tpu.memory_space<vmem>>, vector<1x16xf32>,
      %swap3A_2414 = vector.shape_cast %swap3A_2413 : vector<1x16xf32> to vector<16xf32>
      %swap3A_2415 = vector.shape_cast %mul3A_2409 : vector<16xf32> to vector<1x16xf32>
      tpu.vector_store %arg14[%swap3A_2411, %swap3A_2412], %swap3A_2415 {strides = array<i32>} : memref<128x32xf32, #tpu.memory_space<vmem>>, vector<1x16xf32>,
      %get3A_2416 = arith.constant 79 : i32
      %get3A_2417 = arith.index_cast %get3A_2416 : i32 to index
      %get3A_2418 = arith.constant 0 : index
      %get3A_2419 = tpu.vector_load %arg14[%get3A_2417, %get3A_2418] {strides = array<i32>} : memref<128x32xf32, #tpu.memory_space<vmem>>, vector<1x16xf32>,
      %get3A_2420 = vector.shape_cast %get3A_2419 : vector<1x16xf32> to vector<16xf32>
      %slice3A_2421 = vector.extract_strided_slice %get3A_1965 {offsets = [15], sizes = [1], strides = [1]} : vector<16xf32> to vector<1xf32>
      %squeeze3A_2422 = vector.extract %slice3A_2421[0] : f32 from vector<1xf32>
      %mul3A_2423 = vector.broadcast %squeeze3A_2422 : f32 to vector<16xf32>
      %mul3A_2424 = arith.mulf %get3A_2420, %mul3A_2423 : vector<16xf32>
      %swap3A_2425 = arith.constant 79 : i32
      %swap3A_2426 = arith.index_cast %swap3A_2425 : i32 to index
      %swap3A_2427 = arith.constant 0 : index
      %swap3A_2428 = tpu.vector_load %arg14[%swap3A_2426, %swap3A_2427] {strides = array<i32>} : memref<128x32xf32, #tpu.memory_space<vmem>>, vector<1x16xf32>,
      %swap3A_2429 = vector.shape_cast %swap3A_2428 : vector<1x16xf32> to vector<16xf32>
      %swap3A_2430 = vector.shape_cast %mul3A_2424 : vector<16xf32> to vector<1x16xf32>
      tpu.vector_store %arg14[%swap3A_2426, %swap3A_2427], %swap3A_2430 {strides = array<i32>} : memref<128x32xf32, #tpu.memory_space<vmem>>, vector<1x16xf32>,
      %get3A_2431 = arith.constant 79 : i32
      %get3A_2432 = arith.index_cast %get3A_2431 : i32 to index
      %get3A_2433 = arith.constant 16 : index
      %get3A_2434 = tpu.vector_load %arg14[%get3A_2432, %get3A_2433] {strides = array<i32>} : memref<128x32xf32, #tpu.memory_space<vmem>>, vector<1x16xf32>,
      %get3A_2435 = vector.shape_cast %get3A_2434 : vector<1x16xf32> to vector<16xf32>
      %slice3A_2436 = vector.extract_strided_slice %get3A_1965 {offsets = [15], sizes = [1], strides = [1]} : vector<16xf32> to vector<1xf32>
      %squeeze3A_2437 = vector.extract %slice3A_2436[0] : f32 from vector<1xf32>
      %mul3A_2438 = vector.broadcast %squeeze3A_2437 : f32 to vector<16xf32>
      %mul3A_2439 = arith.mulf %get3A_2435, %mul3A_2438 : vector<16xf32>
      %swap3A_2440 = arith.constant 79 : i32
      %swap3A_2441 = arith.index_cast %swap3A_2440 : i32 to index
      %swap3A_2442 = arith.constant 16 : index
      %swap3A_2443 = tpu.vector_load %arg14[%swap3A_2441, %swap3A_2442] {strides = array<i32>} : memref<128x32xf32, #tpu.memory_space<vmem>>, vector<1x16xf32>,
      %swap3A_2444 = vector.shape_cast %swap3A_2443 : vector<1x16xf32> to vector<16xf32>
      %swap3A_2445 = vector.shape_cast %mul3A_2439 : vector<16xf32> to vector<1x16xf32>
      tpu.vector_store %arg14[%swap3A_2441, %swap3A_2442], %swap3A_2445 {strides = array<i32>} : memref<128x32xf32, #tpu.memory_space<vmem>>, vector<1x16xf32>,
      %get3A_2446 = arith.index_cast %scan3A_19 : i32 to index
      %get3A_2447 = arith.constant 80 : index
      %get3A_2448 = tpu.vector_load %arg13[%get3A_2446, %get3A_2447] {strides = array<i32>} : memref<32x128xf32, #tpu.memory_space<vmem>>, vector<1x16xf32>,
      %get3A_2449 = vector.shape_cast %get3A_2448 : vector<1x16xf32> to vector<16xf32>
      %get3A_2450 = arith.constant 80 : i32
      %get3A_2451 = arith.index_cast %get3A_2450 : i32 to index
      %get3A_2452 = arith.constant 0 : index
      %get3A_2453 = tpu.vector_load %arg14[%get3A_2451, %get3A_2452] {strides = array<i32>} : memref<128x32xf32, #tpu.memory_space<vmem>>, vector<1x16xf32>,
      %get3A_2454 = vector.shape_cast %get3A_2453 : vector<1x16xf32> to vector<16xf32>
      %slice3A_2455 = vector.extract_strided_slice %get3A_2449 {offsets = [0], sizes = [1], strides = [1]} : vector<16xf32> to vector<1xf32>
      %squeeze3A_2456 = vector.extract %slice3A_2455[0] : f32 from vector<1xf32>
      %mul3A_2457 = vector.broadcast %squeeze3A_2456 : f32 to vector<16xf32>
      %mul3A_2458 = arith.mulf %get3A_2454, %mul3A_2457 : vector<16xf32>
      %swap3A_2459 = arith.constant 80 : i32
      %swap3A_2460 = arith.index_cast %swap3A_2459 : i32 to index
      %swap3A_2461 = arith.constant 0 : index
      %swap3A_2462 = tpu.vector_load %arg14[%swap3A_2460, %swap3A_2461] {strides = array<i32>} : memref<128x32xf32, #tpu.memory_space<vmem>>, vector<1x16xf32>,
      %swap3A_2463 = vector.shape_cast %swap3A_2462 : vector<1x16xf32> to vector<16xf32>
      %swap3A_2464 = vector.shape_cast %mul3A_2458 : vector<16xf32> to vector<1x16xf32>
      tpu.vector_store %arg14[%swap3A_2460, %swap3A_2461], %swap3A_2464 {strides = array<i32>} : memref<128x32xf32, #tpu.memory_space<vmem>>, vector<1x16xf32>,
      %get3A_2465 = arith.constant 80 : i32
      %get3A_2466 = arith.index_cast %get3A_2465 : i32 to index
      %get3A_2467 = arith.constant 16 : index
      %get3A_2468 = tpu.vector_load %arg14[%get3A_2466, %get3A_2467] {strides = array<i32>} : memref<128x32xf32, #tpu.memory_space<vmem>>, vector<1x16xf32>,
      %get3A_2469 = vector.shape_cast %get3A_2468 : vector<1x16xf32> to vector<16xf32>
      %slice3A_2470 = vector.extract_strided_slice %get3A_2449 {offsets = [0], sizes = [1], strides = [1]} : vector<16xf32> to vector<1xf32>
      %squeeze3A_2471 = vector.extract %slice3A_2470[0] : f32 from vector<1xf32>
      %mul3A_2472 = vector.broadcast %squeeze3A_2471 : f32 to vector<16xf32>
      %mul3A_2473 = arith.mulf %get3A_2469, %mul3A_2472 : vector<16xf32>
      %swap3A_2474 = arith.constant 80 : i32
      %swap3A_2475 = arith.index_cast %swap3A_2474 : i32 to index
      %swap3A_2476 = arith.constant 16 : index
      %swap3A_2477 = tpu.vector_load %arg14[%swap3A_2475, %swap3A_2476] {strides = array<i32>} : memref<128x32xf32, #tpu.memory_space<vmem>>, vector<1x16xf32>,
      %swap3A_2478 = vector.shape_cast %swap3A_2477 : vector<1x16xf32> to vector<16xf32>
      %swap3A_2479 = vector.shape_cast %mul3A_2473 : vector<16xf32> to vector<1x16xf32>
      tpu.vector_store %arg14[%swap3A_2475, %swap3A_2476], %swap3A_2479 {strides = array<i32>} : memref<128x32xf32, #tpu.memory_space<vmem>>, vector<1x16xf32>,
      %get3A_2480 = arith.constant 81 : i32
      %get3A_2481 = arith.index_cast %get3A_2480 : i32 to index
      %get3A_2482 = arith.constant 0 : index
      %get3A_2483 = tpu.vector_load %arg14[%get3A_2481, %get3A_2482] {strides = array<i32>} : memref<128x32xf32, #tpu.memory_space<vmem>>, vector<1x16xf32>,
      %get3A_2484 = vector.shape_cast %get3A_2483 : vector<1x16xf32> to vector<16xf32>
      %slice3A_2485 = vector.extract_strided_slice %get3A_2449 {offsets = [1], sizes = [1], strides = [1]} : vector<16xf32> to vector<1xf32>
      %squeeze3A_2486 = vector.extract %slice3A_2485[0] : f32 from vector<1xf32>
      %mul3A_2487 = vector.broadcast %squeeze3A_2486 : f32 to vector<16xf32>
      %mul3A_2488 = arith.mulf %get3A_2484, %mul3A_2487 : vector<16xf32>
      %swap3A_2489 = arith.constant 81 : i32
      %swap3A_2490 = arith.index_cast %swap3A_2489 : i32 to index
      %swap3A_2491 = arith.constant 0 : index
      %swap3A_2492 = tpu.vector_load %arg14[%swap3A_2490, %swap3A_2491] {strides = array<i32>} : memref<128x32xf32, #tpu.memory_space<vmem>>, vector<1x16xf32>,
      %swap3A_2493 = vector.shape_cast %swap3A_2492 : vector<1x16xf32> to vector<16xf32>
      %swap3A_2494 = vector.shape_cast %mul3A_2488 : vector<16xf32> to vector<1x16xf32>
      tpu.vector_store %arg14[%swap3A_2490, %swap3A_2491], %swap3A_2494 {strides = array<i32>} : memref<128x32xf32, #tpu.memory_space<vmem>>, vector<1x16xf32>,
      %get3A_2495 = arith.constant 81 : i32
      %get3A_2496 = arith.index_cast %get3A_2495 : i32 to index
      %get3A_2497 = arith.constant 16 : index
      %get3A_2498 = tpu.vector_load %arg14[%get3A_2496, %get3A_2497] {strides = array<i32>} : memref<128x32xf32, #tpu.memory_space<vmem>>, vector<1x16xf32>,
      %get3A_2499 = vector.shape_cast %get3A_2498 : vector<1x16xf32> to vector<16xf32>
      %slice3A_2500 = vector.extract_strided_slice %get3A_2449 {offsets = [1], sizes = [1], strides = [1]} : vector<16xf32> to vector<1xf32>
      %squeeze3A_2501 = vector.extract %slice3A_2500[0] : f32 from vector<1xf32>
      %mul3A_2502 = vector.broadcast %squeeze3A_2501 : f32 to vector<16xf32>
      %mul3A_2503 = arith.mulf %get3A_2499, %mul3A_2502 : vector<16xf32>
      %swap3A_2504 = arith.constant 81 : i32
      %swap3A_2505 = arith.index_cast %swap3A_2504 : i32 to index
      %swap3A_2506 = arith.constant 16 : index
      %swap3A_2507 = tpu.vector_load %arg14[%swap3A_2505, %swap3A_2506] {strides = array<i32>} : memref<128x32xf32, #tpu.memory_space<vmem>>, vector<1x16xf32>,
      %swap3A_2508 = vector.shape_cast %swap3A_2507 : vector<1x16xf32> to vector<16xf32>
      %swap3A_2509 = vector.shape_cast %mul3A_2503 : vector<16xf32> to vector<1x16xf32>
      tpu.vector_store %arg14[%swap3A_2505, %swap3A_2506], %swap3A_2509 {strides = array<i32>} : memref<128x32xf32, #tpu.memory_space<vmem>>, vector<1x16xf32>,
      %get3A_2510 = arith.constant 82 : i32
      %get3A_2511 = arith.index_cast %get3A_2510 : i32 to index
      %get3A_2512 = arith.constant 0 : index
      %get3A_2513 = tpu.vector_load %arg14[%get3A_2511, %get3A_2512] {strides = array<i32>} : memref<128x32xf32, #tpu.memory_space<vmem>>, vector<1x16xf32>,
      %get3A_2514 = vector.shape_cast %get3A_2513 : vector<1x16xf32> to vector<16xf32>
      %slice3A_2515 = vector.extract_strided_slice %get3A_2449 {offsets = [2], sizes = [1], strides = [1]} : vector<16xf32> to vector<1xf32>
      %squeeze3A_2516 = vector.extract %slice3A_2515[0] : f32 from vector<1xf32>
      %mul3A_2517 = vector.broadcast %squeeze3A_2516 : f32 to vector<16xf32>
      %mul3A_2518 = arith.mulf %get3A_2514, %mul3A_2517 : vector<16xf32>
      %swap3A_2519 = arith.constant 82 : i32
      %swap3A_2520 = arith.index_cast %swap3A_2519 : i32 to index
      %swap3A_2521 = arith.constant 0 : index
      %swap3A_2522 = tpu.vector_load %arg14[%swap3A_2520, %swap3A_2521] {strides = array<i32>} : memref<128x32xf32, #tpu.memory_space<vmem>>, vector<1x16xf32>,
      %swap3A_2523 = vector.shape_cast %swap3A_2522 : vector<1x16xf32> to vector<16xf32>
      %swap3A_2524 = vector.shape_cast %mul3A_2518 : vector<16xf32> to vector<1x16xf32>
      tpu.vector_store %arg14[%swap3A_2520, %swap3A_2521], %swap3A_2524 {strides = array<i32>} : memref<128x32xf32, #tpu.memory_space<vmem>>, vector<1x16xf32>,
      %get3A_2525 = arith.constant 82 : i32
      %get3A_2526 = arith.index_cast %get3A_2525 : i32 to index
      %get3A_2527 = arith.constant 16 : index
      %get3A_2528 = tpu.vector_load %arg14[%get3A_2526, %get3A_2527] {strides = array<i32>} : memref<128x32xf32, #tpu.memory_space<vmem>>, vector<1x16xf32>,
      %get3A_2529 = vector.shape_cast %get3A_2528 : vector<1x16xf32> to vector<16xf32>
      %slice3A_2530 = vector.extract_strided_slice %get3A_2449 {offsets = [2], sizes = [1], strides = [1]} : vector<16xf32> to vector<1xf32>
      %squeeze3A_2531 = vector.extract %slice3A_2530[0] : f32 from vector<1xf32>
      %mul3A_2532 = vector.broadcast %squeeze3A_2531 : f32 to vector<16xf32>
      %mul3A_2533 = arith.mulf %get3A_2529, %mul3A_2532 : vector<16xf32>
      %swap3A_2534 = arith.constant 82 : i32
      %swap3A_2535 = arith.index_cast %swap3A_2534 : i32 to index
      %swap3A_2536 = arith.constant 16 : index
      %swap3A_2537 = tpu.vector_load %arg14[%swap3A_2535, %swap3A_2536] {strides = array<i32>} : memref<128x32xf32, #tpu.memory_space<vmem>>, vector<1x16xf32>,
      %swap3A_2538 = vector.shape_cast %swap3A_2537 : vector<1x16xf32> to vector<16xf32>
      %swap3A_2539 = vector.shape_cast %mul3A_2533 : vector<16xf32> to vector<1x16xf32>
      tpu.vector_store %arg14[%swap3A_2535, %swap3A_2536], %swap3A_2539 {strides = array<i32>} : memref<128x32xf32, #tpu.memory_space<vmem>>, vector<1x16xf32>,
      %get3A_2540 = arith.constant 83 : i32
      %get3A_2541 = arith.index_cast %get3A_2540 : i32 to index
      %get3A_2542 = arith.constant 0 : index
      %get3A_2543 = tpu.vector_load %arg14[%get3A_2541, %get3A_2542] {strides = array<i32>} : memref<128x32xf32, #tpu.memory_space<vmem>>, vector<1x16xf32>,
      %get3A_2544 = vector.shape_cast %get3A_2543 : vector<1x16xf32> to vector<16xf32>
      %slice3A_2545 = vector.extract_strided_slice %get3A_2449 {offsets = [3], sizes = [1], strides = [1]} : vector<16xf32> to vector<1xf32>
      %squeeze3A_2546 = vector.extract %slice3A_2545[0] : f32 from vector<1xf32>
      %mul3A_2547 = vector.broadcast %squeeze3A_2546 : f32 to vector<16xf32>
      %mul3A_2548 = arith.mulf %get3A_2544, %mul3A_2547 : vector<16xf32>
      %swap3A_2549 = arith.constant 83 : i32
      %swap3A_2550 = arith.index_cast %swap3A_2549 : i32 to index
      %swap3A_2551 = arith.constant 0 : index
      %swap3A_2552 = tpu.vector_load %arg14[%swap3A_2550, %swap3A_2551] {strides = array<i32>} : memref<128x32xf32, #tpu.memory_space<vmem>>, vector<1x16xf32>,
      %swap3A_2553 = vector.shape_cast %swap3A_2552 : vector<1x16xf32> to vector<16xf32>
      %swap3A_2554 = vector.shape_cast %mul3A_2548 : vector<16xf32> to vector<1x16xf32>
      tpu.vector_store %arg14[%swap3A_2550, %swap3A_2551], %swap3A_2554 {strides = array<i32>} : memref<128x32xf32, #tpu.memory_space<vmem>>, vector<1x16xf32>,
      %get3A_2555 = arith.constant 83 : i32
      %get3A_2556 = arith.index_cast %get3A_2555 : i32 to index
      %get3A_2557 = arith.constant 16 : index
      %get3A_2558 = tpu.vector_load %arg14[%get3A_2556, %get3A_2557] {strides = array<i32>} : memref<128x32xf32, #tpu.memory_space<vmem>>, vector<1x16xf32>,
      %get3A_2559 = vector.shape_cast %get3A_2558 : vector<1x16xf32> to vector<16xf32>
      %slice3A_2560 = vector.extract_strided_slice %get3A_2449 {offsets = [3], sizes = [1], strides = [1]} : vector<16xf32> to vector<1xf32>
      %squeeze3A_2561 = vector.extract %slice3A_2560[0] : f32 from vector<1xf32>
      %mul3A_2562 = vector.broadcast %squeeze3A_2561 : f32 to vector<16xf32>
      %mul3A_2563 = arith.mulf %get3A_2559, %mul3A_2562 : vector<16xf32>
      %swap3A_2564 = arith.constant 83 : i32
      %swap3A_2565 = arith.index_cast %swap3A_2564 : i32 to index
      %swap3A_2566 = arith.constant 16 : index
      %swap3A_2567 = tpu.vector_load %arg14[%swap3A_2565, %swap3A_2566] {strides = array<i32>} : memref<128x32xf32, #tpu.memory_space<vmem>>, vector<1x16xf32>,
      %swap3A_2568 = vector.shape_cast %swap3A_2567 : vector<1x16xf32> to vector<16xf32>
      %swap3A_2569 = vector.shape_cast %mul3A_2563 : vector<16xf32> to vector<1x16xf32>
      tpu.vector_store %arg14[%swap3A_2565, %swap3A_2566], %swap3A_2569 {strides = array<i32>} : memref<128x32xf32, #tpu.memory_space<vmem>>, vector<1x16xf32>,
      %get3A_2570 = arith.constant 84 : i32
      %get3A_2571 = arith.index_cast %get3A_2570 : i32 to index
      %get3A_2572 = arith.constant 0 : index
      %get3A_2573 = tpu.vector_load %arg14[%get3A_2571, %get3A_2572] {strides = array<i32>} : memref<128x32xf32, #tpu.memory_space<vmem>>, vector<1x16xf32>,
      %get3A_2574 = vector.shape_cast %get3A_2573 : vector<1x16xf32> to vector<16xf32>
      %slice3A_2575 = vector.extract_strided_slice %get3A_2449 {offsets = [4], sizes = [1], strides = [1]} : vector<16xf32> to vector<1xf32>
      %squeeze3A_2576 = vector.extract %slice3A_2575[0] : f32 from vector<1xf32>
      %mul3A_2577 = vector.broadcast %squeeze3A_2576 : f32 to vector<16xf32>
      %mul3A_2578 = arith.mulf %get3A_2574, %mul3A_2577 : vector<16xf32>
      %swap3A_2579 = arith.constant 84 : i32
      %swap3A_2580 = arith.index_cast %swap3A_2579 : i32 to index
      %swap3A_2581 = arith.constant 0 : index
      %swap3A_2582 = tpu.vector_load %arg14[%swap3A_2580, %swap3A_2581] {strides = array<i32>} : memref<128x32xf32, #tpu.memory_space<vmem>>, vector<1x16xf32>,
      %swap3A_2583 = vector.shape_cast %swap3A_2582 : vector<1x16xf32> to vector<16xf32>
      %swap3A_2584 = vector.shape_cast %mul3A_2578 : vector<16xf32> to vector<1x16xf32>
      tpu.vector_store %arg14[%swap3A_2580, %swap3A_2581], %swap3A_2584 {strides = array<i32>} : memref<128x32xf32, #tpu.memory_space<vmem>>, vector<1x16xf32>,
      %get3A_2585 = arith.constant 84 : i32
      %get3A_2586 = arith.index_cast %get3A_2585 : i32 to index
      %get3A_2587 = arith.constant 16 : index
      %get3A_2588 = tpu.vector_load %arg14[%get3A_2586, %get3A_2587] {strides = array<i32>} : memref<128x32xf32, #tpu.memory_space<vmem>>, vector<1x16xf32>,
      %get3A_2589 = vector.shape_cast %get3A_2588 : vector<1x16xf32> to vector<16xf32>
      %slice3A_2590 = vector.extract_strided_slice %get3A_2449 {offsets = [4], sizes = [1], strides = [1]} : vector<16xf32> to vector<1xf32>
      %squeeze3A_2591 = vector.extract %slice3A_2590[0] : f32 from vector<1xf32>
      %mul3A_2592 = vector.broadcast %squeeze3A_2591 : f32 to vector<16xf32>
      %mul3A_2593 = arith.mulf %get3A_2589, %mul3A_2592 : vector<16xf32>
      %swap3A_2594 = arith.constant 84 : i32
      %swap3A_2595 = arith.index_cast %swap3A_2594 : i32 to index
      %swap3A_2596 = arith.constant 16 : index
      %swap3A_2597 = tpu.vector_load %arg14[%swap3A_2595, %swap3A_2596] {strides = array<i32>} : memref<128x32xf32, #tpu.memory_space<vmem>>, vector<1x16xf32>,
      %swap3A_2598 = vector.shape_cast %swap3A_2597 : vector<1x16xf32> to vector<16xf32>
      %swap3A_2599 = vector.shape_cast %mul3A_2593 : vector<16xf32> to vector<1x16xf32>
      tpu.vector_store %arg14[%swap3A_2595, %swap3A_2596], %swap3A_2599 {strides = array<i32>} : memref<128x32xf32, #tpu.memory_space<vmem>>, vector<1x16xf32>,
      %get3A_2600 = arith.constant 85 : i32
      %get3A_2601 = arith.index_cast %get3A_2600 : i32 to index
      %get3A_2602 = arith.constant 0 : index
      %get3A_2603 = tpu.vector_load %arg14[%get3A_2601, %get3A_2602] {strides = array<i32>} : memref<128x32xf32, #tpu.memory_space<vmem>>, vector<1x16xf32>,
      %get3A_2604 = vector.shape_cast %get3A_2603 : vector<1x16xf32> to vector<16xf32>
      %slice3A_2605 = vector.extract_strided_slice %get3A_2449 {offsets = [5], sizes = [1], strides = [1]} : vector<16xf32> to vector<1xf32>
      %squeeze3A_2606 = vector.extract %slice3A_2605[0] : f32 from vector<1xf32>
      %mul3A_2607 = vector.broadcast %squeeze3A_2606 : f32 to vector<16xf32>
      %mul3A_2608 = arith.mulf %get3A_2604, %mul3A_2607 : vector<16xf32>
      %swap3A_2609 = arith.constant 85 : i32
      %swap3A_2610 = arith.index_cast %swap3A_2609 : i32 to index
      %swap3A_2611 = arith.constant 0 : index
      %swap3A_2612 = tpu.vector_load %arg14[%swap3A_2610, %swap3A_2611] {strides = array<i32>} : memref<128x32xf32, #tpu.memory_space<vmem>>, vector<1x16xf32>,
      %swap3A_2613 = vector.shape_cast %swap3A_2612 : vector<1x16xf32> to vector<16xf32>
      %swap3A_2614 = vector.shape_cast %mul3A_2608 : vector<16xf32> to vector<1x16xf32>
      tpu.vector_store %arg14[%swap3A_2610, %swap3A_2611], %swap3A_2614 {strides = array<i32>} : memref<128x32xf32, #tpu.memory_space<vmem>>, vector<1x16xf32>,
      %get3A_2615 = arith.constant 85 : i32
      %get3A_2616 = arith.index_cast %get3A_2615 : i32 to index
      %get3A_2617 = arith.constant 16 : index
      %get3A_2618 = tpu.vector_load %arg14[%get3A_2616, %get3A_2617] {strides = array<i32>} : memref<128x32xf32, #tpu.memory_space<vmem>>, vector<1x16xf32>,
      %get3A_2619 = vector.shape_cast %get3A_2618 : vector<1x16xf32> to vector<16xf32>
      %slice3A_2620 = vector.extract_strided_slice %get3A_2449 {offsets = [5], sizes = [1], strides = [1]} : vector<16xf32> to vector<1xf32>
      %squeeze3A_2621 = vector.extract %slice3A_2620[0] : f32 from vector<1xf32>
      %mul3A_2622 = vector.broadcast %squeeze3A_2621 : f32 to vector<16xf32>
      %mul3A_2623 = arith.mulf %get3A_2619, %mul3A_2622 : vector<16xf32>
      %swap3A_2624 = arith.constant 85 : i32
      %swap3A_2625 = arith.index_cast %swap3A_2624 : i32 to index
      %swap3A_2626 = arith.constant 16 : index
      %swap3A_2627 = tpu.vector_load %arg14[%swap3A_2625, %swap3A_2626] {strides = array<i32>} : memref<128x32xf32, #tpu.memory_space<vmem>>, vector<1x16xf32>,
      %swap3A_2628 = vector.shape_cast %swap3A_2627 : vector<1x16xf32> to vector<16xf32>
      %swap3A_2629 = vector.shape_cast %mul3A_2623 : vector<16xf32> to vector<1x16xf32>
      tpu.vector_store %arg14[%swap3A_2625, %swap3A_2626], %swap3A_2629 {strides = array<i32>} : memref<128x32xf32, #tpu.memory_space<vmem>>, vector<1x16xf32>,
      %get3A_2630 = arith.constant 86 : i32
      %get3A_2631 = arith.index_cast %get3A_2630 : i32 to index
      %get3A_2632 = arith.constant 0 : index
      %get3A_2633 = tpu.vector_load %arg14[%get3A_2631, %get3A_2632] {strides = array<i32>} : memref<128x32xf32, #tpu.memory_space<vmem>>, vector<1x16xf32>,
      %get3A_2634 = vector.shape_cast %get3A_2633 : vector<1x16xf32> to vector<16xf32>
      %slice3A_2635 = vector.extract_strided_slice %get3A_2449 {offsets = [6], sizes = [1], strides = [1]} : vector<16xf32> to vector<1xf32>
      %squeeze3A_2636 = vector.extract %slice3A_2635[0] : f32 from vector<1xf32>
      %mul3A_2637 = vector.broadcast %squeeze3A_2636 : f32 to vector<16xf32>
      %mul3A_2638 = arith.mulf %get3A_2634, %mul3A_2637 : vector<16xf32>
      %swap3A_2639 = arith.constant 86 : i32
      %swap3A_2640 = arith.index_cast %swap3A_2639 : i32 to index
      %swap3A_2641 = arith.constant 0 : index
      %swap3A_2642 = tpu.vector_load %arg14[%swap3A_2640, %swap3A_2641] {strides = array<i32>} : memref<128x32xf32, #tpu.memory_space<vmem>>, vector<1x16xf32>,
      %swap3A_2643 = vector.shape_cast %swap3A_2642 : vector<1x16xf32> to vector<16xf32>
      %swap3A_2644 = vector.shape_cast %mul3A_2638 : vector<16xf32> to vector<1x16xf32>
      tpu.vector_store %arg14[%swap3A_2640, %swap3A_2641], %swap3A_2644 {strides = array<i32>} : memref<128x32xf32, #tpu.memory_space<vmem>>, vector<1x16xf32>,
      %get3A_2645 = arith.constant 86 : i32
      %get3A_2646 = arith.index_cast %get3A_2645 : i32 to index
      %get3A_2647 = arith.constant 16 : index
      %get3A_2648 = tpu.vector_load %arg14[%get3A_2646, %get3A_2647] {strides = array<i32>} : memref<128x32xf32, #tpu.memory_space<vmem>>, vector<1x16xf32>,
      %get3A_2649 = vector.shape_cast %get3A_2648 : vector<1x16xf32> to vector<16xf32>
      %slice3A_2650 = vector.extract_strided_slice %get3A_2449 {offsets = [6], sizes = [1], strides = [1]} : vector<16xf32> to vector<1xf32>
      %squeeze3A_2651 = vector.extract %slice3A_2650[0] : f32 from vector<1xf32>
      %mul3A_2652 = vector.broadcast %squeeze3A_2651 : f32 to vector<16xf32>
      %mul3A_2653 = arith.mulf %get3A_2649, %mul3A_2652 : vector<16xf32>
      %swap3A_2654 = arith.constant 86 : i32
      %swap3A_2655 = arith.index_cast %swap3A_2654 : i32 to index
      %swap3A_2656 = arith.constant 16 : index
      %swap3A_2657 = tpu.vector_load %arg14[%swap3A_2655, %swap3A_2656] {strides = array<i32>} : memref<128x32xf32, #tpu.memory_space<vmem>>, vector<1x16xf32>,
      %swap3A_2658 = vector.shape_cast %swap3A_2657 : vector<1x16xf32> to vector<16xf32>
      %swap3A_2659 = vector.shape_cast %mul3A_2653 : vector<16xf32> to vector<1x16xf32>
      tpu.vector_store %arg14[%swap3A_2655, %swap3A_2656], %swap3A_2659 {strides = array<i32>} : memref<128x32xf32, #tpu.memory_space<vmem>>, vector<1x16xf32>,
      %get3A_2660 = arith.constant 87 : i32
      %get3A_2661 = arith.index_cast %get3A_2660 : i32 to index
      %get3A_2662 = arith.constant 0 : index
      %get3A_2663 = tpu.vector_load %arg14[%get3A_2661, %get3A_2662] {strides = array<i32>} : memref<128x32xf32, #tpu.memory_space<vmem>>, vector<1x16xf32>,
      %get3A_2664 = vector.shape_cast %get3A_2663 : vector<1x16xf32> to vector<16xf32>
      %slice3A_2665 = vector.extract_strided_slice %get3A_2449 {offsets = [7], sizes = [1], strides = [1]} : vector<16xf32> to vector<1xf32>
      %squeeze3A_2666 = vector.extract %slice3A_2665[0] : f32 from vector<1xf32>
      %mul3A_2667 = vector.broadcast %squeeze3A_2666 : f32 to vector<16xf32>
      %mul3A_2668 = arith.mulf %get3A_2664, %mul3A_2667 : vector<16xf32>
      %swap3A_2669 = arith.constant 87 : i32
      %swap3A_2670 = arith.index_cast %swap3A_2669 : i32 to index
      %swap3A_2671 = arith.constant 0 : index
      %swap3A_2672 = tpu.vector_load %arg14[%swap3A_2670, %swap3A_2671] {strides = array<i32>} : memref<128x32xf32, #tpu.memory_space<vmem>>, vector<1x16xf32>,
      %swap3A_2673 = vector.shape_cast %swap3A_2672 : vector<1x16xf32> to vector<16xf32>
      %swap3A_2674 = vector.shape_cast %mul3A_2668 : vector<16xf32> to vector<1x16xf32>
      tpu.vector_store %arg14[%swap3A_2670, %swap3A_2671], %swap3A_2674 {strides = array<i32>} : memref<128x32xf32, #tpu.memory_space<vmem>>, vector<1x16xf32>,
      %get3A_2675 = arith.constant 87 : i32
      %get3A_2676 = arith.index_cast %get3A_2675 : i32 to index
      %get3A_2677 = arith.constant 16 : index
      %get3A_2678 = tpu.vector_load %arg14[%get3A_2676, %get3A_2677] {strides = array<i32>} : memref<128x32xf32, #tpu.memory_space<vmem>>, vector<1x16xf32>,
      %get3A_2679 = vector.shape_cast %get3A_2678 : vector<1x16xf32> to vector<16xf32>
      %slice3A_2680 = vector.extract_strided_slice %get3A_2449 {offsets = [7], sizes = [1], strides = [1]} : vector<16xf32> to vector<1xf32>
      %squeeze3A_2681 = vector.extract %slice3A_2680[0] : f32 from vector<1xf32>
      %mul3A_2682 = vector.broadcast %squeeze3A_2681 : f32 to vector<16xf32>
      %mul3A_2683 = arith.mulf %get3A_2679, %mul3A_2682 : vector<16xf32>
      %swap3A_2684 = arith.constant 87 : i32
      %swap3A_2685 = arith.index_cast %swap3A_2684 : i32 to index
      %swap3A_2686 = arith.constant 16 : index
      %swap3A_2687 = tpu.vector_load %arg14[%swap3A_2685, %swap3A_2686] {strides = array<i32>} : memref<128x32xf32, #tpu.memory_space<vmem>>, vector<1x16xf32>,
      %swap3A_2688 = vector.shape_cast %swap3A_2687 : vector<1x16xf32> to vector<16xf32>
      %swap3A_2689 = vector.shape_cast %mul3A_2683 : vector<16xf32> to vector<1x16xf32>
      tpu.vector_store %arg14[%swap3A_2685, %swap3A_2686], %swap3A_2689 {strides = array<i32>} : memref<128x32xf32, #tpu.memory_space<vmem>>, vector<1x16xf32>,
      %get3A_2690 = arith.constant 88 : i32
      %get3A_2691 = arith.index_cast %get3A_2690 : i32 to index
      %get3A_2692 = arith.constant 0 : index
      %get3A_2693 = tpu.vector_load %arg14[%get3A_2691, %get3A_2692] {strides = array<i32>} : memref<128x32xf32, #tpu.memory_space<vmem>>, vector<1x16xf32>,
      %get3A_2694 = vector.shape_cast %get3A_2693 : vector<1x16xf32> to vector<16xf32>
      %slice3A_2695 = vector.extract_strided_slice %get3A_2449 {offsets = [8], sizes = [1], strides = [1]} : vector<16xf32> to vector<1xf32>
      %squeeze3A_2696 = vector.extract %slice3A_2695[0] : f32 from vector<1xf32>
      %mul3A_2697 = vector.broadcast %squeeze3A_2696 : f32 to vector<16xf32>
      %mul3A_2698 = arith.mulf %get3A_2694, %mul3A_2697 : vector<16xf32>
      %swap3A_2699 = arith.constant 88 : i32
      %swap3A_2700 = arith.index_cast %swap3A_2699 : i32 to index
      %swap3A_2701 = arith.constant 0 : index
      %swap3A_2702 = tpu.vector_load %arg14[%swap3A_2700, %swap3A_2701] {strides = array<i32>} : memref<128x32xf32, #tpu.memory_space<vmem>>, vector<1x16xf32>,
      %swap3A_2703 = vector.shape_cast %swap3A_2702 : vector<1x16xf32> to vector<16xf32>
      %swap3A_2704 = vector.shape_cast %mul3A_2698 : vector<16xf32> to vector<1x16xf32>
      tpu.vector_store %arg14[%swap3A_2700, %swap3A_2701], %swap3A_2704 {strides = array<i32>} : memref<128x32xf32, #tpu.memory_space<vmem>>, vector<1x16xf32>,
      %get3A_2705 = arith.constant 88 : i32
      %get3A_2706 = arith.index_cast %get3A_2705 : i32 to index
      %get3A_2707 = arith.constant 16 : index
      %get3A_2708 = tpu.vector_load %arg14[%get3A_2706, %get3A_2707] {strides = array<i32>} : memref<128x32xf32, #tpu.memory_space<vmem>>, vector<1x16xf32>,
      %get3A_2709 = vector.shape_cast %get3A_2708 : vector<1x16xf32> to vector<16xf32>
      %slice3A_2710 = vector.extract_strided_slice %get3A_2449 {offsets = [8], sizes = [1], strides = [1]} : vector<16xf32> to vector<1xf32>
      %squeeze3A_2711 = vector.extract %slice3A_2710[0] : f32 from vector<1xf32>
      %mul3A_2712 = vector.broadcast %squeeze3A_2711 : f32 to vector<16xf32>
      %mul3A_2713 = arith.mulf %get3A_2709, %mul3A_2712 : vector<16xf32>
      %swap3A_2714 = arith.constant 88 : i32
      %swap3A_2715 = arith.index_cast %swap3A_2714 : i32 to index
      %swap3A_2716 = arith.constant 16 : index
      %swap3A_2717 = tpu.vector_load %arg14[%swap3A_2715, %swap3A_2716] {strides = array<i32>} : memref<128x32xf32, #tpu.memory_space<vmem>>, vector<1x16xf32>,
      %swap3A_2718 = vector.shape_cast %swap3A_2717 : vector<1x16xf32> to vector<16xf32>
      %swap3A_2719 = vector.shape_cast %mul3A_2713 : vector<16xf32> to vector<1x16xf32>
      tpu.vector_store %arg14[%swap3A_2715, %swap3A_2716], %swap3A_2719 {strides = array<i32>} : memref<128x32xf32, #tpu.memory_space<vmem>>, vector<1x16xf32>,
      %get3A_2720 = arith.constant 89 : i32
      %get3A_2721 = arith.index_cast %get3A_2720 : i32 to index
      %get3A_2722 = arith.constant 0 : index
      %get3A_2723 = tpu.vector_load %arg14[%get3A_2721, %get3A_2722] {strides = array<i32>} : memref<128x32xf32, #tpu.memory_space<vmem>>, vector<1x16xf32>,
      %get3A_2724 = vector.shape_cast %get3A_2723 : vector<1x16xf32> to vector<16xf32>
      %slice3A_2725 = vector.extract_strided_slice %get3A_2449 {offsets = [9], sizes = [1], strides = [1]} : vector<16xf32> to vector<1xf32>
      %squeeze3A_2726 = vector.extract %slice3A_2725[0] : f32 from vector<1xf32>
      %mul3A_2727 = vector.broadcast %squeeze3A_2726 : f32 to vector<16xf32>
      %mul3A_2728 = arith.mulf %get3A_2724, %mul3A_2727 : vector<16xf32>
      %swap3A_2729 = arith.constant 89 : i32
      %swap3A_2730 = arith.index_cast %swap3A_2729 : i32 to index
      %swap3A_2731 = arith.constant 0 : index
      %swap3A_2732 = tpu.vector_load %arg14[%swap3A_2730, %swap3A_2731] {strides = array<i32>} : memref<128x32xf32, #tpu.memory_space<vmem>>, vector<1x16xf32>,
      %swap3A_2733 = vector.shape_cast %swap3A_2732 : vector<1x16xf32> to vector<16xf32>
      %swap3A_2734 = vector.shape_cast %mul3A_2728 : vector<16xf32> to vector<1x16xf32>
      tpu.vector_store %arg14[%swap3A_2730, %swap3A_2731], %swap3A_2734 {strides = array<i32>} : memref<128x32xf32, #tpu.memory_space<vmem>>, vector<1x16xf32>,
      %get3A_2735 = arith.constant 89 : i32
      %get3A_2736 = arith.index_cast %get3A_2735 : i32 to index
      %get3A_2737 = arith.constant 16 : index
      %get3A_2738 = tpu.vector_load %arg14[%get3A_2736, %get3A_2737] {strides = array<i32>} : memref<128x32xf32, #tpu.memory_space<vmem>>, vector<1x16xf32>,
      %get3A_2739 = vector.shape_cast %get3A_2738 : vector<1x16xf32> to vector<16xf32>
      %slice3A_2740 = vector.extract_strided_slice %get3A_2449 {offsets = [9], sizes = [1], strides = [1]} : vector<16xf32> to vector<1xf32>
      %squeeze3A_2741 = vector.extract %slice3A_2740[0] : f32 from vector<1xf32>
      %mul3A_2742 = vector.broadcast %squeeze3A_2741 : f32 to vector<16xf32>
      %mul3A_2743 = arith.mulf %get3A_2739, %mul3A_2742 : vector<16xf32>
      %swap3A_2744 = arith.constant 89 : i32
      %swap3A_2745 = arith.index_cast %swap3A_2744 : i32 to index
      %swap3A_2746 = arith.constant 16 : index
      %swap3A_2747 = tpu.vector_load %arg14[%swap3A_2745, %swap3A_2746] {strides = array<i32>} : memref<128x32xf32, #tpu.memory_space<vmem>>, vector<1x16xf32>,
      %swap3A_2748 = vector.shape_cast %swap3A_2747 : vector<1x16xf32> to vector<16xf32>
      %swap3A_2749 = vector.shape_cast %mul3A_2743 : vector<16xf32> to vector<1x16xf32>
      tpu.vector_store %arg14[%swap3A_2745, %swap3A_2746], %swap3A_2749 {strides = array<i32>} : memref<128x32xf32, #tpu.memory_space<vmem>>, vector<1x16xf32>,
      %get3A_2750 = arith.constant 90 : i32
      %get3A_2751 = arith.index_cast %get3A_2750 : i32 to index
      %get3A_2752 = arith.constant 0 : index
      %get3A_2753 = tpu.vector_load %arg14[%get3A_2751, %get3A_2752] {strides = array<i32>} : memref<128x32xf32, #tpu.memory_space<vmem>>, vector<1x16xf32>,
      %get3A_2754 = vector.shape_cast %get3A_2753 : vector<1x16xf32> to vector<16xf32>
      %slice3A_2755 = vector.extract_strided_slice %get3A_2449 {offsets = [10], sizes = [1], strides = [1]} : vector<16xf32> to vector<1xf32>
      %squeeze3A_2756 = vector.extract %slice3A_2755[0] : f32 from vector<1xf32>
      %mul3A_2757 = vector.broadcast %squeeze3A_2756 : f32 to vector<16xf32>
      %mul3A_2758 = arith.mulf %get3A_2754, %mul3A_2757 : vector<16xf32>
      %swap3A_2759 = arith.constant 90 : i32
      %swap3A_2760 = arith.index_cast %swap3A_2759 : i32 to index
      %swap3A_2761 = arith.constant 0 : index
      %swap3A_2762 = tpu.vector_load %arg14[%swap3A_2760, %swap3A_2761] {strides = array<i32>} : memref<128x32xf32, #tpu.memory_space<vmem>>, vector<1x16xf32>,
      %swap3A_2763 = vector.shape_cast %swap3A_2762 : vector<1x16xf32> to vector<16xf32>
      %swap3A_2764 = vector.shape_cast %mul3A_2758 : vector<16xf32> to vector<1x16xf32>
      tpu.vector_store %arg14[%swap3A_2760, %swap3A_2761], %swap3A_2764 {strides = array<i32>} : memref<128x32xf32, #tpu.memory_space<vmem>>, vector<1x16xf32>,
      %get3A_2765 = arith.constant 90 : i32
      %get3A_2766 = arith.index_cast %get3A_2765 : i32 to index
      %get3A_2767 = arith.constant 16 : index
      %get3A_2768 = tpu.vector_load %arg14[%get3A_2766, %get3A_2767] {strides = array<i32>} : memref<128x32xf32, #tpu.memory_space<vmem>>, vector<1x16xf32>,
      %get3A_2769 = vector.shape_cast %get3A_2768 : vector<1x16xf32> to vector<16xf32>
      %slice3A_2770 = vector.extract_strided_slice %get3A_2449 {offsets = [10], sizes = [1], strides = [1]} : vector<16xf32> to vector<1xf32>
      %squeeze3A_2771 = vector.extract %slice3A_2770[0] : f32 from vector<1xf32>
      %mul3A_2772 = vector.broadcast %squeeze3A_2771 : f32 to vector<16xf32>
      %mul3A_2773 = arith.mulf %get3A_2769, %mul3A_2772 : vector<16xf32>
      %swap3A_2774 = arith.constant 90 : i32
      %swap3A_2775 = arith.index_cast %swap3A_2774 : i32 to index
      %swap3A_2776 = arith.constant 16 : index
      %swap3A_2777 = tpu.vector_load %arg14[%swap3A_2775, %swap3A_2776] {strides = array<i32>} : memref<128x32xf32, #tpu.memory_space<vmem>>, vector<1x16xf32>,
      %swap3A_2778 = vector.shape_cast %swap3A_2777 : vector<1x16xf32> to vector<16xf32>
      %swap3A_2779 = vector.shape_cast %mul3A_2773 : vector<16xf32> to vector<1x16xf32>
      tpu.vector_store %arg14[%swap3A_2775, %swap3A_2776], %swap3A_2779 {strides = array<i32>} : memref<128x32xf32, #tpu.memory_space<vmem>>, vector<1x16xf32>,
      %get3A_2780 = arith.constant 91 : i32
      %get3A_2781 = arith.index_cast %get3A_2780 : i32 to index
      %get3A_2782 = arith.constant 0 : index
      %get3A_2783 = tpu.vector_load %arg14[%get3A_2781, %get3A_2782] {strides = array<i32>} : memref<128x32xf32, #tpu.memory_space<vmem>>, vector<1x16xf32>,
      %get3A_2784 = vector.shape_cast %get3A_2783 : vector<1x16xf32> to vector<16xf32>
      %slice3A_2785 = vector.extract_strided_slice %get3A_2449 {offsets = [11], sizes = [1], strides = [1]} : vector<16xf32> to vector<1xf32>
      %squeeze3A_2786 = vector.extract %slice3A_2785[0] : f32 from vector<1xf32>
      %mul3A_2787 = vector.broadcast %squeeze3A_2786 : f32 to vector<16xf32>
      %mul3A_2788 = arith.mulf %get3A_2784, %mul3A_2787 : vector<16xf32>
      %swap3A_2789 = arith.constant 91 : i32
      %swap3A_2790 = arith.index_cast %swap3A_2789 : i32 to index
      %swap3A_2791 = arith.constant 0 : index
      %swap3A_2792 = tpu.vector_load %arg14[%swap3A_2790, %swap3A_2791] {strides = array<i32>} : memref<128x32xf32, #tpu.memory_space<vmem>>, vector<1x16xf32>,
      %swap3A_2793 = vector.shape_cast %swap3A_2792 : vector<1x16xf32> to vector<16xf32>
      %swap3A_2794 = vector.shape_cast %mul3A_2788 : vector<16xf32> to vector<1x16xf32>
      tpu.vector_store %arg14[%swap3A_2790, %swap3A_2791], %swap3A_2794 {strides = array<i32>} : memref<128x32xf32, #tpu.memory_space<vmem>>, vector<1x16xf32>,
      %get3A_2795 = arith.constant 91 : i32
      %get3A_2796 = arith.index_cast %get3A_2795 : i32 to index
      %get3A_2797 = arith.constant 16 : index
      %get3A_2798 = tpu.vector_load %arg14[%get3A_2796, %get3A_2797] {strides = array<i32>} : memref<128x32xf32, #tpu.memory_space<vmem>>, vector<1x16xf32>,
      %get3A_2799 = vector.shape_cast %get3A_2798 : vector<1x16xf32> to vector<16xf32>
      %slice3A_2800 = vector.extract_strided_slice %get3A_2449 {offsets = [11], sizes = [1], strides = [1]} : vector<16xf32> to vector<1xf32>
      %squeeze3A_2801 = vector.extract %slice3A_2800[0] : f32 from vector<1xf32>
      %mul3A_2802 = vector.broadcast %squeeze3A_2801 : f32 to vector<16xf32>
      %mul3A_2803 = arith.mulf %get3A_2799, %mul3A_2802 : vector<16xf32>
      %swap3A_2804 = arith.constant 91 : i32
      %swap3A_2805 = arith.index_cast %swap3A_2804 : i32 to index
      %swap3A_2806 = arith.constant 16 : index
      %swap3A_2807 = tpu.vector_load %arg14[%swap3A_2805, %swap3A_2806] {strides = array<i32>} : memref<128x32xf32, #tpu.memory_space<vmem>>, vector<1x16xf32>,
      %swap3A_2808 = vector.shape_cast %swap3A_2807 : vector<1x16xf32> to vector<16xf32>
      %swap3A_2809 = vector.shape_cast %mul3A_2803 : vector<16xf32> to vector<1x16xf32>
      tpu.vector_store %arg14[%swap3A_2805, %swap3A_2806], %swap3A_2809 {strides = array<i32>} : memref<128x32xf32, #tpu.memory_space<vmem>>, vector<1x16xf32>,
      %get3A_2810 = arith.constant 92 : i32
      %get3A_2811 = arith.index_cast %get3A_2810 : i32 to index
      %get3A_2812 = arith.constant 0 : index
      %get3A_2813 = tpu.vector_load %arg14[%get3A_2811, %get3A_2812] {strides = array<i32>} : memref<128x32xf32, #tpu.memory_space<vmem>>, vector<1x16xf32>,
      %get3A_2814 = vector.shape_cast %get3A_2813 : vector<1x16xf32> to vector<16xf32>
      %slice3A_2815 = vector.extract_strided_slice %get3A_2449 {offsets = [12], sizes = [1], strides = [1]} : vector<16xf32> to vector<1xf32>
      %squeeze3A_2816 = vector.extract %slice3A_2815[0] : f32 from vector<1xf32>
      %mul3A_2817 = vector.broadcast %squeeze3A_2816 : f32 to vector<16xf32>
      %mul3A_2818 = arith.mulf %get3A_2814, %mul3A_2817 : vector<16xf32>
      %swap3A_2819 = arith.constant 92 : i32
      %swap3A_2820 = arith.index_cast %swap3A_2819 : i32 to index
      %swap3A_2821 = arith.constant 0 : index
      %swap3A_2822 = tpu.vector_load %arg14[%swap3A_2820, %swap3A_2821] {strides = array<i32>} : memref<128x32xf32, #tpu.memory_space<vmem>>, vector<1x16xf32>,
      %swap3A_2823 = vector.shape_cast %swap3A_2822 : vector<1x16xf32> to vector<16xf32>
      %swap3A_2824 = vector.shape_cast %mul3A_2818 : vector<16xf32> to vector<1x16xf32>
      tpu.vector_store %arg14[%swap3A_2820, %swap3A_2821], %swap3A_2824 {strides = array<i32>} : memref<128x32xf32, #tpu.memory_space<vmem>>, vector<1x16xf32>,
      %get3A_2825 = arith.constant 92 : i32
      %get3A_2826 = arith.index_cast %get3A_2825 : i32 to index
      %get3A_2827 = arith.constant 16 : index
      %get3A_2828 = tpu.vector_load %arg14[%get3A_2826, %get3A_2827] {strides = array<i32>} : memref<128x32xf32, #tpu.memory_space<vmem>>, vector<1x16xf32>,
      %get3A_2829 = vector.shape_cast %get3A_2828 : vector<1x16xf32> to vector<16xf32>
      %slice3A_2830 = vector.extract_strided_slice %get3A_2449 {offsets = [12], sizes = [1], strides = [1]} : vector<16xf32> to vector<1xf32>
      %squeeze3A_2831 = vector.extract %slice3A_2830[0] : f32 from vector<1xf32>
      %mul3A_2832 = vector.broadcast %squeeze3A_2831 : f32 to vector<16xf32>
      %mul3A_2833 = arith.mulf %get3A_2829, %mul3A_2832 : vector<16xf32>
      %swap3A_2834 = arith.constant 92 : i32
      %swap3A_2835 = arith.index_cast %swap3A_2834 : i32 to index
      %swap3A_2836 = arith.constant 16 : index
      %swap3A_2837 = tpu.vector_load %arg14[%swap3A_2835, %swap3A_2836] {strides = array<i32>} : memref<128x32xf32, #tpu.memory_space<vmem>>, vector<1x16xf32>,
      %swap3A_2838 = vector.shape_cast %swap3A_2837 : vector<1x16xf32> to vector<16xf32>
      %swap3A_2839 = vector.shape_cast %mul3A_2833 : vector<16xf32> to vector<1x16xf32>
      tpu.vector_store %arg14[%swap3A_2835, %swap3A_2836], %swap3A_2839 {strides = array<i32>} : memref<128x32xf32, #tpu.memory_space<vmem>>, vector<1x16xf32>,
      %get3A_2840 = arith.constant 93 : i32
      %get3A_2841 = arith.index_cast %get3A_2840 : i32 to index
      %get3A_2842 = arith.constant 0 : index
      %get3A_2843 = tpu.vector_load %arg14[%get3A_2841, %get3A_2842] {strides = array<i32>} : memref<128x32xf32, #tpu.memory_space<vmem>>, vector<1x16xf32>,
      %get3A_2844 = vector.shape_cast %get3A_2843 : vector<1x16xf32> to vector<16xf32>
      %slice3A_2845 = vector.extract_strided_slice %get3A_2449 {offsets = [13], sizes = [1], strides = [1]} : vector<16xf32> to vector<1xf32>
      %squeeze3A_2846 = vector.extract %slice3A_2845[0] : f32 from vector<1xf32>
      %mul3A_2847 = vector.broadcast %squeeze3A_2846 : f32 to vector<16xf32>
      %mul3A_2848 = arith.mulf %get3A_2844, %mul3A_2847 : vector<16xf32>
      %swap3A_2849 = arith.constant 93 : i32
      %swap3A_2850 = arith.index_cast %swap3A_2849 : i32 to index
      %swap3A_2851 = arith.constant 0 : index
      %swap3A_2852 = tpu.vector_load %arg14[%swap3A_2850, %swap3A_2851] {strides = array<i32>} : memref<128x32xf32, #tpu.memory_space<vmem>>, vector<1x16xf32>,
      %swap3A_2853 = vector.shape_cast %swap3A_2852 : vector<1x16xf32> to vector<16xf32>
      %swap3A_2854 = vector.shape_cast %mul3A_2848 : vector<16xf32> to vector<1x16xf32>
      tpu.vector_store %arg14[%swap3A_2850, %swap3A_2851], %swap3A_2854 {strides = array<i32>} : memref<128x32xf32, #tpu.memory_space<vmem>>, vector<1x16xf32>,
      %get3A_2855 = arith.constant 93 : i32
      %get3A_2856 = arith.index_cast %get3A_2855 : i32 to index
      %get3A_2857 = arith.constant 16 : index
      %get3A_2858 = tpu.vector_load %arg14[%get3A_2856, %get3A_2857] {strides = array<i32>} : memref<128x32xf32, #tpu.memory_space<vmem>>, vector<1x16xf32>,
      %get3A_2859 = vector.shape_cast %get3A_2858 : vector<1x16xf32> to vector<16xf32>
      %slice3A_2860 = vector.extract_strided_slice %get3A_2449 {offsets = [13], sizes = [1], strides = [1]} : vector<16xf32> to vector<1xf32>
      %squeeze3A_2861 = vector.extract %slice3A_2860[0] : f32 from vector<1xf32>
      %mul3A_2862 = vector.broadcast %squeeze3A_2861 : f32 to vector<16xf32>
      %mul3A_2863 = arith.mulf %get3A_2859, %mul3A_2862 : vector<16xf32>
      %swap3A_2864 = arith.constant 93 : i32
      %swap3A_2865 = arith.index_cast %swap3A_2864 : i32 to index
      %swap3A_2866 = arith.constant 16 : index
      %swap3A_2867 = tpu.vector_load %arg14[%swap3A_2865, %swap3A_2866] {strides = array<i32>} : memref<128x32xf32, #tpu.memory_space<vmem>>, vector<1x16xf32>,
      %swap3A_2868 = vector.shape_cast %swap3A_2867 : vector<1x16xf32> to vector<16xf32>
      %swap3A_2869 = vector.shape_cast %mul3A_2863 : vector<16xf32> to vector<1x16xf32>
      tpu.vector_store %arg14[%swap3A_2865, %swap3A_2866], %swap3A_2869 {strides = array<i32>} : memref<128x32xf32, #tpu.memory_space<vmem>>, vector<1x16xf32>,
      %get3A_2870 = arith.constant 94 : i32
      %get3A_2871 = arith.index_cast %get3A_2870 : i32 to index
      %get3A_2872 = arith.constant 0 : index
      %get3A_2873 = tpu.vector_load %arg14[%get3A_2871, %get3A_2872] {strides = array<i32>} : memref<128x32xf32, #tpu.memory_space<vmem>>, vector<1x16xf32>,
      %get3A_2874 = vector.shape_cast %get3A_2873 : vector<1x16xf32> to vector<16xf32>
      %slice3A_2875 = vector.extract_strided_slice %get3A_2449 {offsets = [14], sizes = [1], strides = [1]} : vector<16xf32> to vector<1xf32>
      %squeeze3A_2876 = vector.extract %slice3A_2875[0] : f32 from vector<1xf32>
      %mul3A_2877 = vector.broadcast %squeeze3A_2876 : f32 to vector<16xf32>
      %mul3A_2878 = arith.mulf %get3A_2874, %mul3A_2877 : vector<16xf32>
      %swap3A_2879 = arith.constant 94 : i32
      %swap3A_2880 = arith.index_cast %swap3A_2879 : i32 to index
      %swap3A_2881 = arith.constant 0 : index
      %swap3A_2882 = tpu.vector_load %arg14[%swap3A_2880, %swap3A_2881] {strides = array<i32>} : memref<128x32xf32, #tpu.memory_space<vmem>>, vector<1x16xf32>,
      %swap3A_2883 = vector.shape_cast %swap3A_2882 : vector<1x16xf32> to vector<16xf32>
      %swap3A_2884 = vector.shape_cast %mul3A_2878 : vector<16xf32> to vector<1x16xf32>
      tpu.vector_store %arg14[%swap3A_2880, %swap3A_2881], %swap3A_2884 {strides = array<i32>} : memref<128x32xf32, #tpu.memory_space<vmem>>, vector<1x16xf32>,
      %get3A_2885 = arith.constant 94 : i32
      %get3A_2886 = arith.index_cast %get3A_2885 : i32 to index
      %get3A_2887 = arith.constant 16 : index
      %get3A_2888 = tpu.vector_load %arg14[%get3A_2886, %get3A_2887] {strides = array<i32>} : memref<128x32xf32, #tpu.memory_space<vmem>>, vector<1x16xf32>,
      %get3A_2889 = vector.shape_cast %get3A_2888 : vector<1x16xf32> to vector<16xf32>
      %slice3A_2890 = vector.extract_strided_slice %get3A_2449 {offsets = [14], sizes = [1], strides = [1]} : vector<16xf32> to vector<1xf32>
      %squeeze3A_2891 = vector.extract %slice3A_2890[0] : f32 from vector<1xf32>
      %mul3A_2892 = vector.broadcast %squeeze3A_2891 : f32 to vector<16xf32>
      %mul3A_2893 = arith.mulf %get3A_2889, %mul3A_2892 : vector<16xf32>
      %swap3A_2894 = arith.constant 94 : i32
      %swap3A_2895 = arith.index_cast %swap3A_2894 : i32 to index
      %swap3A_2896 = arith.constant 16 : index
      %swap3A_2897 = tpu.vector_load %arg14[%swap3A_2895, %swap3A_2896] {strides = array<i32>} : memref<128x32xf32, #tpu.memory_space<vmem>>, vector<1x16xf32>,
      %swap3A_2898 = vector.shape_cast %swap3A_2897 : vector<1x16xf32> to vector<16xf32>
      %swap3A_2899 = vector.shape_cast %mul3A_2893 : vector<16xf32> to vector<1x16xf32>
      tpu.vector_store %arg14[%swap3A_2895, %swap3A_2896], %swap3A_2899 {strides = array<i32>} : memref<128x32xf32, #tpu.memory_space<vmem>>, vector<1x16xf32>,
      %get3A_2900 = arith.constant 95 : i32
      %get3A_2901 = arith.index_cast %get3A_2900 : i32 to index
      %get3A_2902 = arith.constant 0 : index
      %get3A_2903 = tpu.vector_load %arg14[%get3A_2901, %get3A_2902] {strides = array<i32>} : memref<128x32xf32, #tpu.memory_space<vmem>>, vector<1x16xf32>,
      %get3A_2904 = vector.shape_cast %get3A_2903 : vector<1x16xf32> to vector<16xf32>
      %slice3A_2905 = vector.extract_strided_slice %get3A_2449 {offsets = [15], sizes = [1], strides = [1]} : vector<16xf32> to vector<1xf32>
      %squeeze3A_2906 = vector.extract %slice3A_2905[0] : f32 from vector<1xf32>
      %mul3A_2907 = vector.broadcast %squeeze3A_2906 : f32 to vector<16xf32>
      %mul3A_2908 = arith.mulf %get3A_2904, %mul3A_2907 : vector<16xf32>
      %swap3A_2909 = arith.constant 95 : i32
      %swap3A_2910 = arith.index_cast %swap3A_2909 : i32 to index
      %swap3A_2911 = arith.constant 0 : index
      %swap3A_2912 = tpu.vector_load %arg14[%swap3A_2910, %swap3A_2911] {strides = array<i32>} : memref<128x32xf32, #tpu.memory_space<vmem>>, vector<1x16xf32>,
      %swap3A_2913 = vector.shape_cast %swap3A_2912 : vector<1x16xf32> to vector<16xf32>
      %swap3A_2914 = vector.shape_cast %mul3A_2908 : vector<16xf32> to vector<1x16xf32>
      tpu.vector_store %arg14[%swap3A_2910, %swap3A_2911], %swap3A_2914 {strides = array<i32>} : memref<128x32xf32, #tpu.memory_space<vmem>>, vector<1x16xf32>,
      %get3A_2915 = arith.constant 95 : i32
      %get3A_2916 = arith.index_cast %get3A_2915 : i32 to index
      %get3A_2917 = arith.constant 16 : index
      %get3A_2918 = tpu.vector_load %arg14[%get3A_2916, %get3A_2917] {strides = array<i32>} : memref<128x32xf32, #tpu.memory_space<vmem>>, vector<1x16xf32>,
      %get3A_2919 = vector.shape_cast %get3A_2918 : vector<1x16xf32> to vector<16xf32>
      %slice3A_2920 = vector.extract_strided_slice %get3A_2449 {offsets = [15], sizes = [1], strides = [1]} : vector<16xf32> to vector<1xf32>
      %squeeze3A_2921 = vector.extract %slice3A_2920[0] : f32 from vector<1xf32>
      %mul3A_2922 = vector.broadcast %squeeze3A_2921 : f32 to vector<16xf32>
      %mul3A_2923 = arith.mulf %get3A_2919, %mul3A_2922 : vector<16xf32>
      %swap3A_2924 = arith.constant 95 : i32
      %swap3A_2925 = arith.index_cast %swap3A_2924 : i32 to index
      %swap3A_2926 = arith.constant 16 : index
      %swap3A_2927 = tpu.vector_load %arg14[%swap3A_2925, %swap3A_2926] {strides = array<i32>} : memref<128x32xf32, #tpu.memory_space<vmem>>, vector<1x16xf32>,
      %swap3A_2928 = vector.shape_cast %swap3A_2927 : vector<1x16xf32> to vector<16xf32>
      %swap3A_2929 = vector.shape_cast %mul3A_2923 : vector<16xf32> to vector<1x16xf32>
      tpu.vector_store %arg14[%swap3A_2925, %swap3A_2926], %swap3A_2929 {strides = array<i32>} : memref<128x32xf32, #tpu.memory_space<vmem>>, vector<1x16xf32>,
      %get3A_2930 = arith.index_cast %scan3A_19 : i32 to index
      %get3A_2931 = arith.constant 96 : index
      %get3A_2932 = tpu.vector_load %arg13[%get3A_2930, %get3A_2931] {strides = array<i32>} : memref<32x128xf32, #tpu.memory_space<vmem>>, vector<1x16xf32>,
      %get3A_2933 = vector.shape_cast %get3A_2932 : vector<1x16xf32> to vector<16xf32>
      %get3A_2934 = arith.constant 96 : i32
      %get3A_2935 = arith.index_cast %get3A_2934 : i32 to index
      %get3A_2936 = arith.constant 0 : index
      %get3A_2937 = tpu.vector_load %arg14[%get3A_2935, %get3A_2936] {strides = array<i32>} : memref<128x32xf32, #tpu.memory_space<vmem>>, vector<1x16xf32>,
      %get3A_2938 = vector.shape_cast %get3A_2937 : vector<1x16xf32> to vector<16xf32>
      %slice3A_2939 = vector.extract_strided_slice %get3A_2933 {offsets = [0], sizes = [1], strides = [1]} : vector<16xf32> to vector<1xf32>
      %squeeze3A_2940 = vector.extract %slice3A_2939[0] : f32 from vector<1xf32>
      %mul3A_2941 = vector.broadcast %squeeze3A_2940 : f32 to vector<16xf32>
      %mul3A_2942 = arith.mulf %get3A_2938, %mul3A_2941 : vector<16xf32>
      %swap3A_2943 = arith.constant 96 : i32
      %swap3A_2944 = arith.index_cast %swap3A_2943 : i32 to index
      %swap3A_2945 = arith.constant 0 : index
      %swap3A_2946 = tpu.vector_load %arg14[%swap3A_2944, %swap3A_2945] {strides = array<i32>} : memref<128x32xf32, #tpu.memory_space<vmem>>, vector<1x16xf32>,
      %swap3A_2947 = vector.shape_cast %swap3A_2946 : vector<1x16xf32> to vector<16xf32>
      %swap3A_2948 = vector.shape_cast %mul3A_2942 : vector<16xf32> to vector<1x16xf32>
      tpu.vector_store %arg14[%swap3A_2944, %swap3A_2945], %swap3A_2948 {strides = array<i32>} : memref<128x32xf32, #tpu.memory_space<vmem>>, vector<1x16xf32>,
      %get3A_2949 = arith.constant 96 : i32
      %get3A_2950 = arith.index_cast %get3A_2949 : i32 to index
      %get3A_2951 = arith.constant 16 : index
      %get3A_2952 = tpu.vector_load %arg14[%get3A_2950, %get3A_2951] {strides = array<i32>} : memref<128x32xf32, #tpu.memory_space<vmem>>, vector<1x16xf32>,
      %get3A_2953 = vector.shape_cast %get3A_2952 : vector<1x16xf32> to vector<16xf32>
      %slice3A_2954 = vector.extract_strided_slice %get3A_2933 {offsets = [0], sizes = [1], strides = [1]} : vector<16xf32> to vector<1xf32>
      %squeeze3A_2955 = vector.extract %slice3A_2954[0] : f32 from vector<1xf32>
      %mul3A_2956 = vector.broadcast %squeeze3A_2955 : f32 to vector<16xf32>
      %mul3A_2957 = arith.mulf %get3A_2953, %mul3A_2956 : vector<16xf32>
      %swap3A_2958 = arith.constant 96 : i32
      %swap3A_2959 = arith.index_cast %swap3A_2958 : i32 to index
      %swap3A_2960 = arith.constant 16 : index
      %swap3A_2961 = tpu.vector_load %arg14[%swap3A_2959, %swap3A_2960] {strides = array<i32>} : memref<128x32xf32, #tpu.memory_space<vmem>>, vector<1x16xf32>,
      %swap3A_2962 = vector.shape_cast %swap3A_2961 : vector<1x16xf32> to vector<16xf32>
      %swap3A_2963 = vector.shape_cast %mul3A_2957 : vector<16xf32> to vector<1x16xf32>
      tpu.vector_store %arg14[%swap3A_2959, %swap3A_2960], %swap3A_2963 {strides = array<i32>} : memref<128x32xf32, #tpu.memory_space<vmem>>, vector<1x16xf32>,
      %get3A_2964 = arith.constant 97 : i32
      %get3A_2965 = arith.index_cast %get3A_2964 : i32 to index
      %get3A_2966 = arith.constant 0 : index
      %get3A_2967 = tpu.vector_load %arg14[%get3A_2965, %get3A_2966] {strides = array<i32>} : memref<128x32xf32, #tpu.memory_space<vmem>>, vector<1x16xf32>,
      %get3A_2968 = vector.shape_cast %get3A_2967 : vector<1x16xf32> to vector<16xf32>
      %slice3A_2969 = vector.extract_strided_slice %get3A_2933 {offsets = [1], sizes = [1], strides = [1]} : vector<16xf32> to vector<1xf32>
      %squeeze3A_2970 = vector.extract %slice3A_2969[0] : f32 from vector<1xf32>
      %mul3A_2971 = vector.broadcast %squeeze3A_2970 : f32 to vector<16xf32>
      %mul3A_2972 = arith.mulf %get3A_2968, %mul3A_2971 : vector<16xf32>
      %swap3A_2973 = arith.constant 97 : i32
      %swap3A_2974 = arith.index_cast %swap3A_2973 : i32 to index
      %swap3A_2975 = arith.constant 0 : index
      %swap3A_2976 = tpu.vector_load %arg14[%swap3A_2974, %swap3A_2975] {strides = array<i32>} : memref<128x32xf32, #tpu.memory_space<vmem>>, vector<1x16xf32>,
      %swap3A_2977 = vector.shape_cast %swap3A_2976 : vector<1x16xf32> to vector<16xf32>
      %swap3A_2978 = vector.shape_cast %mul3A_2972 : vector<16xf32> to vector<1x16xf32>
      tpu.vector_store %arg14[%swap3A_2974, %swap3A_2975], %swap3A_2978 {strides = array<i32>} : memref<128x32xf32, #tpu.memory_space<vmem>>, vector<1x16xf32>,
      %get3A_2979 = arith.constant 97 : i32
      %get3A_2980 = arith.index_cast %get3A_2979 : i32 to index
      %get3A_2981 = arith.constant 16 : index
      %get3A_2982 = tpu.vector_load %arg14[%get3A_2980, %get3A_2981] {strides = array<i32>} : memref<128x32xf32, #tpu.memory_space<vmem>>, vector<1x16xf32>,
      %get3A_2983 = vector.shape_cast %get3A_2982 : vector<1x16xf32> to vector<16xf32>
      %slice3A_2984 = vector.extract_strided_slice %get3A_2933 {offsets = [1], sizes = [1], strides = [1]} : vector<16xf32> to vector<1xf32>
      %squeeze3A_2985 = vector.extract %slice3A_2984[0] : f32 from vector<1xf32>
      %mul3A_2986 = vector.broadcast %squeeze3A_2985 : f32 to vector<16xf32>
      %mul3A_2987 = arith.mulf %get3A_2983, %mul3A_2986 : vector<16xf32>
      %swap3A_2988 = arith.constant 97 : i32
      %swap3A_2989 = arith.index_cast %swap3A_2988 : i32 to index
      %swap3A_2990 = arith.constant 16 : index
      %swap3A_2991 = tpu.vector_load %arg14[%swap3A_2989, %swap3A_2990] {strides = array<i32>} : memref<128x32xf32, #tpu.memory_space<vmem>>, vector<1x16xf32>,
      %swap3A_2992 = vector.shape_cast %swap3A_2991 : vector<1x16xf32> to vector<16xf32>
      %swap3A_2993 = vector.shape_cast %mul3A_2987 : vector<16xf32> to vector<1x16xf32>
      tpu.vector_store %arg14[%swap3A_2989, %swap3A_2990], %swap3A_2993 {strides = array<i32>} : memref<128x32xf32, #tpu.memory_space<vmem>>, vector<1x16xf32>,
      %get3A_2994 = arith.constant 98 : i32
      %get3A_2995 = arith.index_cast %get3A_2994 : i32 to index
      %get3A_2996 = arith.constant 0 : index
      %get3A_2997 = tpu.vector_load %arg14[%get3A_2995, %get3A_2996] {strides = array<i32>} : memref<128x32xf32, #tpu.memory_space<vmem>>, vector<1x16xf32>,
      %get3A_2998 = vector.shape_cast %get3A_2997 : vector<1x16xf32> to vector<16xf32>
      %slice3A_2999 = vector.extract_strided_slice %get3A_2933 {offsets = [2], sizes = [1], strides = [1]} : vector<16xf32> to vector<1xf32>
      %squeeze3A_3000 = vector.extract %slice3A_2999[0] : f32 from vector<1xf32>
      %mul3A_3001 = vector.broadcast %squeeze3A_3000 : f32 to vector<16xf32>
      %mul3A_3002 = arith.mulf %get3A_2998, %mul3A_3001 : vector<16xf32>
      %swap3A_3003 = arith.constant 98 : i32
      %swap3A_3004 = arith.index_cast %swap3A_3003 : i32 to index
      %swap3A_3005 = arith.constant 0 : index
      %swap3A_3006 = tpu.vector_load %arg14[%swap3A_3004, %swap3A_3005] {strides = array<i32>} : memref<128x32xf32, #tpu.memory_space<vmem>>, vector<1x16xf32>,
      %swap3A_3007 = vector.shape_cast %swap3A_3006 : vector<1x16xf32> to vector<16xf32>
      %swap3A_3008 = vector.shape_cast %mul3A_3002 : vector<16xf32> to vector<1x16xf32>
      tpu.vector_store %arg14[%swap3A_3004, %swap3A_3005], %swap3A_3008 {strides = array<i32>} : memref<128x32xf32, #tpu.memory_space<vmem>>, vector<1x16xf32>,
      %get3A_3009 = arith.constant 98 : i32
      %get3A_3010 = arith.index_cast %get3A_3009 : i32 to index
      %get3A_3011 = arith.constant 16 : index
      %get3A_3012 = tpu.vector_load %arg14[%get3A_3010, %get3A_3011] {strides = array<i32>} : memref<128x32xf32, #tpu.memory_space<vmem>>, vector<1x16xf32>,
      %get3A_3013 = vector.shape_cast %get3A_3012 : vector<1x16xf32> to vector<16xf32>
      %slice3A_3014 = vector.extract_strided_slice %get3A_2933 {offsets = [2], sizes = [1], strides = [1]} : vector<16xf32> to vector<1xf32>
      %squeeze3A_3015 = vector.extract %slice3A_3014[0] : f32 from vector<1xf32>
      %mul3A_3016 = vector.broadcast %squeeze3A_3015 : f32 to vector<16xf32>
      %mul3A_3017 = arith.mulf %get3A_3013, %mul3A_3016 : vector<16xf32>
      %swap3A_3018 = arith.constant 98 : i32
      %swap3A_3019 = arith.index_cast %swap3A_3018 : i32 to index
      %swap3A_3020 = arith.constant 16 : index
      %swap3A_3021 = tpu.vector_load %arg14[%swap3A_3019, %swap3A_3020] {strides = array<i32>} : memref<128x32xf32, #tpu.memory_space<vmem>>, vector<1x16xf32>,
      %swap3A_3022 = vector.shape_cast %swap3A_3021 : vector<1x16xf32> to vector<16xf32>
      %swap3A_3023 = vector.shape_cast %mul3A_3017 : vector<16xf32> to vector<1x16xf32>
      tpu.vector_store %arg14[%swap3A_3019, %swap3A_3020], %swap3A_3023 {strides = array<i32>} : memref<128x32xf32, #tpu.memory_space<vmem>>, vector<1x16xf32>,
      %get3A_3024 = arith.constant 99 : i32
      %get3A_3025 = arith.index_cast %get3A_3024 : i32 to index
      %get3A_3026 = arith.constant 0 : index
      %get3A_3027 = tpu.vector_load %arg14[%get3A_3025, %get3A_3026] {strides = array<i32>} : memref<128x32xf32, #tpu.memory_space<vmem>>, vector<1x16xf32>,
      %get3A_3028 = vector.shape_cast %get3A_3027 : vector<1x16xf32> to vector<16xf32>
      %slice3A_3029 = vector.extract_strided_slice %get3A_2933 {offsets = [3], sizes = [1], strides = [1]} : vector<16xf32> to vector<1xf32>
      %squeeze3A_3030 = vector.extract %slice3A_3029[0] : f32 from vector<1xf32>
      %mul3A_3031 = vector.broadcast %squeeze3A_3030 : f32 to vector<16xf32>
      %mul3A_3032 = arith.mulf %get3A_3028, %mul3A_3031 : vector<16xf32>
      %swap3A_3033 = arith.constant 99 : i32
      %swap3A_3034 = arith.index_cast %swap3A_3033 : i32 to index
      %swap3A_3035 = arith.constant 0 : index
      %swap3A_3036 = tpu.vector_load %arg14[%swap3A_3034, %swap3A_3035] {strides = array<i32>} : memref<128x32xf32, #tpu.memory_space<vmem>>, vector<1x16xf32>,
      %swap3A_3037 = vector.shape_cast %swap3A_3036 : vector<1x16xf32> to vector<16xf32>
      %swap3A_3038 = vector.shape_cast %mul3A_3032 : vector<16xf32> to vector<1x16xf32>
      tpu.vector_store %arg14[%swap3A_3034, %swap3A_3035], %swap3A_3038 {strides = array<i32>} : memref<128x32xf32, #tpu.memory_space<vmem>>, vector<1x16xf32>,
      %get3A_3039 = arith.constant 99 : i32
      %get3A_3040 = arith.index_cast %get3A_3039 : i32 to index
      %get3A_3041 = arith.constant 16 : index
      %get3A_3042 = tpu.vector_load %arg14[%get3A_3040, %get3A_3041] {strides = array<i32>} : memref<128x32xf32, #tpu.memory_space<vmem>>, vector<1x16xf32>,
      %get3A_3043 = vector.shape_cast %get3A_3042 : vector<1x16xf32> to vector<16xf32>
      %slice3A_3044 = vector.extract_strided_slice %get3A_2933 {offsets = [3], sizes = [1], strides = [1]} : vector<16xf32> to vector<1xf32>
      %squeeze3A_3045 = vector.extract %slice3A_3044[0] : f32 from vector<1xf32>
      %mul3A_3046 = vector.broadcast %squeeze3A_3045 : f32 to vector<16xf32>
      %mul3A_3047 = arith.mulf %get3A_3043, %mul3A_3046 : vector<16xf32>
      %swap3A_3048 = arith.constant 99 : i32
      %swap3A_3049 = arith.index_cast %swap3A_3048 : i32 to index
      %swap3A_3050 = arith.constant 16 : index
      %swap3A_3051 = tpu.vector_load %arg14[%swap3A_3049, %swap3A_3050] {strides = array<i32>} : memref<128x32xf32, #tpu.memory_space<vmem>>, vector<1x16xf32>,
      %swap3A_3052 = vector.shape_cast %swap3A_3051 : vector<1x16xf32> to vector<16xf32>
      %swap3A_3053 = vector.shape_cast %mul3A_3047 : vector<16xf32> to vector<1x16xf32>
      tpu.vector_store %arg14[%swap3A_3049, %swap3A_3050], %swap3A_3053 {strides = array<i32>} : memref<128x32xf32, #tpu.memory_space<vmem>>, vector<1x16xf32>,
      %get3A_3054 = arith.constant 100 : i32
      %get3A_3055 = arith.index_cast %get3A_3054 : i32 to index
      %get3A_3056 = arith.constant 0 : index
      %get3A_3057 = tpu.vector_load %arg14[%get3A_3055, %get3A_3056] {strides = array<i32>} : memref<128x32xf32, #tpu.memory_space<vmem>>, vector<1x16xf32>,
      %get3A_3058 = vector.shape_cast %get3A_3057 : vector<1x16xf32> to vector<16xf32>
      %slice3A_3059 = vector.extract_strided_slice %get3A_2933 {offsets = [4], sizes = [1], strides = [1]} : vector<16xf32> to vector<1xf32>
      %squeeze3A_3060 = vector.extract %slice3A_3059[0] : f32 from vector<1xf32>
      %mul3A_3061 = vector.broadcast %squeeze3A_3060 : f32 to vector<16xf32>
      %mul3A_3062 = arith.mulf %get3A_3058, %mul3A_3061 : vector<16xf32>
      %swap3A_3063 = arith.constant 100 : i32
      %swap3A_3064 = arith.index_cast %swap3A_3063 : i32 to index
      %swap3A_3065 = arith.constant 0 : index
      %swap3A_3066 = tpu.vector_load %arg14[%swap3A_3064, %swap3A_3065] {strides = array<i32>} : memref<128x32xf32, #tpu.memory_space<vmem>>, vector<1x16xf32>,
      %swap3A_3067 = vector.shape_cast %swap3A_3066 : vector<1x16xf32> to vector<16xf32>
      %swap3A_3068 = vector.shape_cast %mul3A_3062 : vector<16xf32> to vector<1x16xf32>
      tpu.vector_store %arg14[%swap3A_3064, %swap3A_3065], %swap3A_3068 {strides = array<i32>} : memref<128x32xf32, #tpu.memory_space<vmem>>, vector<1x16xf32>,
      %get3A_3069 = arith.constant 100 : i32
      %get3A_3070 = arith.index_cast %get3A_3069 : i32 to index
      %get3A_3071 = arith.constant 16 : index
      %get3A_3072 = tpu.vector_load %arg14[%get3A_3070, %get3A_3071] {strides = array<i32>} : memref<128x32xf32, #tpu.memory_space<vmem>>, vector<1x16xf32>,
      %get3A_3073 = vector.shape_cast %get3A_3072 : vector<1x16xf32> to vector<16xf32>
      %slice3A_3074 = vector.extract_strided_slice %get3A_2933 {offsets = [4], sizes = [1], strides = [1]} : vector<16xf32> to vector<1xf32>
      %squeeze3A_3075 = vector.extract %slice3A_3074[0] : f32 from vector<1xf32>
      %mul3A_3076 = vector.broadcast %squeeze3A_3075 : f32 to vector<16xf32>
      %mul3A_3077 = arith.mulf %get3A_3073, %mul3A_3076 : vector<16xf32>
      %swap3A_3078 = arith.constant 100 : i32
      %swap3A_3079 = arith.index_cast %swap3A_3078 : i32 to index
      %swap3A_3080 = arith.constant 16 : index
      %swap3A_3081 = tpu.vector_load %arg14[%swap3A_3079, %swap3A_3080] {strides = array<i32>} : memref<128x32xf32, #tpu.memory_space<vmem>>, vector<1x16xf32>,
      %swap3A_3082 = vector.shape_cast %swap3A_3081 : vector<1x16xf32> to vector<16xf32>
      %swap3A_3083 = vector.shape_cast %mul3A_3077 : vector<16xf32> to vector<1x16xf32>
      tpu.vector_store %arg14[%swap3A_3079, %swap3A_3080], %swap3A_3083 {strides = array<i32>} : memref<128x32xf32, #tpu.memory_space<vmem>>, vector<1x16xf32>,
      %get3A_3084 = arith.constant 101 : i32
      %get3A_3085 = arith.index_cast %get3A_3084 : i32 to index
      %get3A_3086 = arith.constant 0 : index
      %get3A_3087 = tpu.vector_load %arg14[%get3A_3085, %get3A_3086] {strides = array<i32>} : memref<128x32xf32, #tpu.memory_space<vmem>>, vector<1x16xf32>,
      %get3A_3088 = vector.shape_cast %get3A_3087 : vector<1x16xf32> to vector<16xf32>
      %slice3A_3089 = vector.extract_strided_slice %get3A_2933 {offsets = [5], sizes = [1], strides = [1]} : vector<16xf32> to vector<1xf32>
      %squeeze3A_3090 = vector.extract %slice3A_3089[0] : f32 from vector<1xf32>
      %mul3A_3091 = vector.broadcast %squeeze3A_3090 : f32 to vector<16xf32>
      %mul3A_3092 = arith.mulf %get3A_3088, %mul3A_3091 : vector<16xf32>
      %swap3A_3093 = arith.constant 101 : i32
      %swap3A_3094 = arith.index_cast %swap3A_3093 : i32 to index
      %swap3A_3095 = arith.constant 0 : index
      %swap3A_3096 = tpu.vector_load %arg14[%swap3A_3094, %swap3A_3095] {strides = array<i32>} : memref<128x32xf32, #tpu.memory_space<vmem>>, vector<1x16xf32>,
      %swap3A_3097 = vector.shape_cast %swap3A_3096 : vector<1x16xf32> to vector<16xf32>
      %swap3A_3098 = vector.shape_cast %mul3A_3092 : vector<16xf32> to vector<1x16xf32>
      tpu.vector_store %arg14[%swap3A_3094, %swap3A_3095], %swap3A_3098 {strides = array<i32>} : memref<128x32xf32, #tpu.memory_space<vmem>>, vector<1x16xf32>,
      %get3A_3099 = arith.constant 101 : i32
      %get3A_3100 = arith.index_cast %get3A_3099 : i32 to index
      %get3A_3101 = arith.constant 16 : index
      %get3A_3102 = tpu.vector_load %arg14[%get3A_3100, %get3A_3101] {strides = array<i32>} : memref<128x32xf32, #tpu.memory_space<vmem>>, vector<1x16xf32>,
      %get3A_3103 = vector.shape_cast %get3A_3102 : vector<1x16xf32> to vector<16xf32>
      %slice3A_3104 = vector.extract_strided_slice %get3A_2933 {offsets = [5], sizes = [1], strides = [1]} : vector<16xf32> to vector<1xf32>
      %squeeze3A_3105 = vector.extract %slice3A_3104[0] : f32 from vector<1xf32>
      %mul3A_3106 = vector.broadcast %squeeze3A_3105 : f32 to vector<16xf32>
      %mul3A_3107 = arith.mulf %get3A_3103, %mul3A_3106 : vector<16xf32>
      %swap3A_3108 = arith.constant 101 : i32
      %swap3A_3109 = arith.index_cast %swap3A_3108 : i32 to index
      %swap3A_3110 = arith.constant 16 : index
      %swap3A_3111 = tpu.vector_load %arg14[%swap3A_3109, %swap3A_3110] {strides = array<i32>} : memref<128x32xf32, #tpu.memory_space<vmem>>, vector<1x16xf32>,
      %swap3A_3112 = vector.shape_cast %swap3A_3111 : vector<1x16xf32> to vector<16xf32>
      %swap3A_3113 = vector.shape_cast %mul3A_3107 : vector<16xf32> to vector<1x16xf32>
      tpu.vector_store %arg14[%swap3A_3109, %swap3A_3110], %swap3A_3113 {strides = array<i32>} : memref<128x32xf32, #tpu.memory_space<vmem>>, vector<1x16xf32>,
      %get3A_3114 = arith.constant 102 : i32
      %get3A_3115 = arith.index_cast %get3A_3114 : i32 to index
      %get3A_3116 = arith.constant 0 : index
      %get3A_3117 = tpu.vector_load %arg14[%get3A_3115, %get3A_3116] {strides = array<i32>} : memref<128x32xf32, #tpu.memory_space<vmem>>, vector<1x16xf32>,
      %get3A_3118 = vector.shape_cast %get3A_3117 : vector<1x16xf32> to vector<16xf32>
      %slice3A_3119 = vector.extract_strided_slice %get3A_2933 {offsets = [6], sizes = [1], strides = [1]} : vector<16xf32> to vector<1xf32>
      %squeeze3A_3120 = vector.extract %slice3A_3119[0] : f32 from vector<1xf32>
      %mul3A_3121 = vector.broadcast %squeeze3A_3120 : f32 to vector<16xf32>
      %mul3A_3122 = arith.mulf %get3A_3118, %mul3A_3121 : vector<16xf32>
      %swap3A_3123 = arith.constant 102 : i32
      %swap3A_3124 = arith.index_cast %swap3A_3123 : i32 to index
      %swap3A_3125 = arith.constant 0 : index
      %swap3A_3126 = tpu.vector_load %arg14[%swap3A_3124, %swap3A_3125] {strides = array<i32>} : memref<128x32xf32, #tpu.memory_space<vmem>>, vector<1x16xf32>,
      %swap3A_3127 = vector.shape_cast %swap3A_3126 : vector<1x16xf32> to vector<16xf32>
      %swap3A_3128 = vector.shape_cast %mul3A_3122 : vector<16xf32> to vector<1x16xf32>
      tpu.vector_store %arg14[%swap3A_3124, %swap3A_3125], %swap3A_3128 {strides = array<i32>} : memref<128x32xf32, #tpu.memory_space<vmem>>, vector<1x16xf32>,
      %get3A_3129 = arith.constant 102 : i32
      %get3A_3130 = arith.index_cast %get3A_3129 : i32 to index
      %get3A_3131 = arith.constant 16 : index
      %get3A_3132 = tpu.vector_load %arg14[%get3A_3130, %get3A_3131] {strides = array<i32>} : memref<128x32xf32, #tpu.memory_space<vmem>>, vector<1x16xf32>,
      %get3A_3133 = vector.shape_cast %get3A_3132 : vector<1x16xf32> to vector<16xf32>
      %slice3A_3134 = vector.extract_strided_slice %get3A_2933 {offsets = [6], sizes = [1], strides = [1]} : vector<16xf32> to vector<1xf32>
      %squeeze3A_3135 = vector.extract %slice3A_3134[0] : f32 from vector<1xf32>
      %mul3A_3136 = vector.broadcast %squeeze3A_3135 : f32 to vector<16xf32>
      %mul3A_3137 = arith.mulf %get3A_3133, %mul3A_3136 : vector<16xf32>
      %swap3A_3138 = arith.constant 102 : i32
      %swap3A_3139 = arith.index_cast %swap3A_3138 : i32 to index
      %swap3A_3140 = arith.constant 16 : index
      %swap3A_3141 = tpu.vector_load %arg14[%swap3A_3139, %swap3A_3140] {strides = array<i32>} : memref<128x32xf32, #tpu.memory_space<vmem>>, vector<1x16xf32>,
      %swap3A_3142 = vector.shape_cast %swap3A_3141 : vector<1x16xf32> to vector<16xf32>
      %swap3A_3143 = vector.shape_cast %mul3A_3137 : vector<16xf32> to vector<1x16xf32>
      tpu.vector_store %arg14[%swap3A_3139, %swap3A_3140], %swap3A_3143 {strides = array<i32>} : memref<128x32xf32, #tpu.memory_space<vmem>>, vector<1x16xf32>,
      %get3A_3144 = arith.constant 103 : i32
      %get3A_3145 = arith.index_cast %get3A_3144 : i32 to index
      %get3A_3146 = arith.constant 0 : index
      %get3A_3147 = tpu.vector_load %arg14[%get3A_3145, %get3A_3146] {strides = array<i32>} : memref<128x32xf32, #tpu.memory_space<vmem>>, vector<1x16xf32>,
      %get3A_3148 = vector.shape_cast %get3A_3147 : vector<1x16xf32> to vector<16xf32>
      %slice3A_3149 = vector.extract_strided_slice %get3A_2933 {offsets = [7], sizes = [1], strides = [1]} : vector<16xf32> to vector<1xf32>
      %squeeze3A_3150 = vector.extract %slice3A_3149[0] : f32 from vector<1xf32>
      %mul3A_3151 = vector.broadcast %squeeze3A_3150 : f32 to vector<16xf32>
      %mul3A_3152 = arith.mulf %get3A_3148, %mul3A_3151 : vector<16xf32>
      %swap3A_3153 = arith.constant 103 : i32
      %swap3A_3154 = arith.index_cast %swap3A_3153 : i32 to index
      %swap3A_3155 = arith.constant 0 : index
      %swap3A_3156 = tpu.vector_load %arg14[%swap3A_3154, %swap3A_3155] {strides = array<i32>} : memref<128x32xf32, #tpu.memory_space<vmem>>, vector<1x16xf32>,
      %swap3A_3157 = vector.shape_cast %swap3A_3156 : vector<1x16xf32> to vector<16xf32>
      %swap3A_3158 = vector.shape_cast %mul3A_3152 : vector<16xf32> to vector<1x16xf32>
      tpu.vector_store %arg14[%swap3A_3154, %swap3A_3155], %swap3A_3158 {strides = array<i32>} : memref<128x32xf32, #tpu.memory_space<vmem>>, vector<1x16xf32>,
      %get3A_3159 = arith.constant 103 : i32
      %get3A_3160 = arith.index_cast %get3A_3159 : i32 to index
      %get3A_3161 = arith.constant 16 : index
      %get3A_3162 = tpu.vector_load %arg14[%get3A_3160, %get3A_3161] {strides = array<i32>} : memref<128x32xf32, #tpu.memory_space<vmem>>, vector<1x16xf32>,
      %get3A_3163 = vector.shape_cast %get3A_3162 : vector<1x16xf32> to vector<16xf32>
      %slice3A_3164 = vector.extract_strided_slice %get3A_2933 {offsets = [7], sizes = [1], strides = [1]} : vector<16xf32> to vector<1xf32>
      %squeeze3A_3165 = vector.extract %slice3A_3164[0] : f32 from vector<1xf32>
      %mul3A_3166 = vector.broadcast %squeeze3A_3165 : f32 to vector<16xf32>
      %mul3A_3167 = arith.mulf %get3A_3163, %mul3A_3166 : vector<16xf32>
      %swap3A_3168 = arith.constant 103 : i32
      %swap3A_3169 = arith.index_cast %swap3A_3168 : i32 to index
      %swap3A_3170 = arith.constant 16 : index
      %swap3A_3171 = tpu.vector_load %arg14[%swap3A_3169, %swap3A_3170] {strides = array<i32>} : memref<128x32xf32, #tpu.memory_space<vmem>>, vector<1x16xf32>,
      %swap3A_3172 = vector.shape_cast %swap3A_3171 : vector<1x16xf32> to vector<16xf32>
      %swap3A_3173 = vector.shape_cast %mul3A_3167 : vector<16xf32> to vector<1x16xf32>
      tpu.vector_store %arg14[%swap3A_3169, %swap3A_3170], %swap3A_3173 {strides = array<i32>} : memref<128x32xf32, #tpu.memory_space<vmem>>, vector<1x16xf32>,
      %get3A_3174 = arith.constant 104 : i32
      %get3A_3175 = arith.index_cast %get3A_3174 : i32 to index
      %get3A_3176 = arith.constant 0 : index
      %get3A_3177 = tpu.vector_load %arg14[%get3A_3175, %get3A_3176] {strides = array<i32>} : memref<128x32xf32, #tpu.memory_space<vmem>>, vector<1x16xf32>,
      %get3A_3178 = vector.shape_cast %get3A_3177 : vector<1x16xf32> to vector<16xf32>
      %slice3A_3179 = vector.extract_strided_slice %get3A_2933 {offsets = [8], sizes = [1], strides = [1]} : vector<16xf32> to vector<1xf32>
      %squeeze3A_3180 = vector.extract %slice3A_3179[0] : f32 from vector<1xf32>
      %mul3A_3181 = vector.broadcast %squeeze3A_3180 : f32 to vector<16xf32>
      %mul3A_3182 = arith.mulf %get3A_3178, %mul3A_3181 : vector<16xf32>
      %swap3A_3183 = arith.constant 104 : i32
      %swap3A_3184 = arith.index_cast %swap3A_3183 : i32 to index
      %swap3A_3185 = arith.constant 0 : index
      %swap3A_3186 = tpu.vector_load %arg14[%swap3A_3184, %swap3A_3185] {strides = array<i32>} : memref<128x32xf32, #tpu.memory_space<vmem>>, vector<1x16xf32>,
      %swap3A_3187 = vector.shape_cast %swap3A_3186 : vector<1x16xf32> to vector<16xf32>
      %swap3A_3188 = vector.shape_cast %mul3A_3182 : vector<16xf32> to vector<1x16xf32>
      tpu.vector_store %arg14[%swap3A_3184, %swap3A_3185], %swap3A_3188 {strides = array<i32>} : memref<128x32xf32, #tpu.memory_space<vmem>>, vector<1x16xf32>,
      %get3A_3189 = arith.constant 104 : i32
      %get3A_3190 = arith.index_cast %get3A_3189 : i32 to index
      %get3A_3191 = arith.constant 16 : index
      %get3A_3192 = tpu.vector_load %arg14[%get3A_3190, %get3A_3191] {strides = array<i32>} : memref<128x32xf32, #tpu.memory_space<vmem>>, vector<1x16xf32>,
      %get3A_3193 = vector.shape_cast %get3A_3192 : vector<1x16xf32> to vector<16xf32>
      %slice3A_3194 = vector.extract_strided_slice %get3A_2933 {offsets = [8], sizes = [1], strides = [1]} : vector<16xf32> to vector<1xf32>
      %squeeze3A_3195 = vector.extract %slice3A_3194[0] : f32 from vector<1xf32>
      %mul3A_3196 = vector.broadcast %squeeze3A_3195 : f32 to vector<16xf32>
      %mul3A_3197 = arith.mulf %get3A_3193, %mul3A_3196 : vector<16xf32>
      %swap3A_3198 = arith.constant 104 : i32
      %swap3A_3199 = arith.index_cast %swap3A_3198 : i32 to index
      %swap3A_3200 = arith.constant 16 : index
      %swap3A_3201 = tpu.vector_load %arg14[%swap3A_3199, %swap3A_3200] {strides = array<i32>} : memref<128x32xf32, #tpu.memory_space<vmem>>, vector<1x16xf32>,
      %swap3A_3202 = vector.shape_cast %swap3A_3201 : vector<1x16xf32> to vector<16xf32>
      %swap3A_3203 = vector.shape_cast %mul3A_3197 : vector<16xf32> to vector<1x16xf32>
      tpu.vector_store %arg14[%swap3A_3199, %swap3A_3200], %swap3A_3203 {strides = array<i32>} : memref<128x32xf32, #tpu.memory_space<vmem>>, vector<1x16xf32>,
      %get3A_3204 = arith.constant 105 : i32
      %get3A_3205 = arith.index_cast %get3A_3204 : i32 to index
      %get3A_3206 = arith.constant 0 : index
      %get3A_3207 = tpu.vector_load %arg14[%get3A_3205, %get3A_3206] {strides = array<i32>} : memref<128x32xf32, #tpu.memory_space<vmem>>, vector<1x16xf32>,
      %get3A_3208 = vector.shape_cast %get3A_3207 : vector<1x16xf32> to vector<16xf32>
      %slice3A_3209 = vector.extract_strided_slice %get3A_2933 {offsets = [9], sizes = [1], strides = [1]} : vector<16xf32> to vector<1xf32>
      %squeeze3A_3210 = vector.extract %slice3A_3209[0] : f32 from vector<1xf32>
      %mul3A_3211 = vector.broadcast %squeeze3A_3210 : f32 to vector<16xf32>
      %mul3A_3212 = arith.mulf %get3A_3208, %mul3A_3211 : vector<16xf32>
      %swap3A_3213 = arith.constant 105 : i32
      %swap3A_3214 = arith.index_cast %swap3A_3213 : i32 to index
      %swap3A_3215 = arith.constant 0 : index
      %swap3A_3216 = tpu.vector_load %arg14[%swap3A_3214, %swap3A_3215] {strides = array<i32>} : memref<128x32xf32, #tpu.memory_space<vmem>>, vector<1x16xf32>,
      %swap3A_3217 = vector.shape_cast %swap3A_3216 : vector<1x16xf32> to vector<16xf32>
      %swap3A_3218 = vector.shape_cast %mul3A_3212 : vector<16xf32> to vector<1x16xf32>
      tpu.vector_store %arg14[%swap3A_3214, %swap3A_3215], %swap3A_3218 {strides = array<i32>} : memref<128x32xf32, #tpu.memory_space<vmem>>, vector<1x16xf32>,
      %get3A_3219 = arith.constant 105 : i32
      %get3A_3220 = arith.index_cast %get3A_3219 : i32 to index
      %get3A_3221 = arith.constant 16 : index
      %get3A_3222 = tpu.vector_load %arg14[%get3A_3220, %get3A_3221] {strides = array<i32>} : memref<128x32xf32, #tpu.memory_space<vmem>>, vector<1x16xf32>,
      %get3A_3223 = vector.shape_cast %get3A_3222 : vector<1x16xf32> to vector<16xf32>
      %slice3A_3224 = vector.extract_strided_slice %get3A_2933 {offsets = [9], sizes = [1], strides = [1]} : vector<16xf32> to vector<1xf32>
      %squeeze3A_3225 = vector.extract %slice3A_3224[0] : f32 from vector<1xf32>
      %mul3A_3226 = vector.broadcast %squeeze3A_3225 : f32 to vector<16xf32>
      %mul3A_3227 = arith.mulf %get3A_3223, %mul3A_3226 : vector<16xf32>
      %swap3A_3228 = arith.constant 105 : i32
      %swap3A_3229 = arith.index_cast %swap3A_3228 : i32 to index
      %swap3A_3230 = arith.constant 16 : index
      %swap3A_3231 = tpu.vector_load %arg14[%swap3A_3229, %swap3A_3230] {strides = array<i32>} : memref<128x32xf32, #tpu.memory_space<vmem>>, vector<1x16xf32>,
      %swap3A_3232 = vector.shape_cast %swap3A_3231 : vector<1x16xf32> to vector<16xf32>
      %swap3A_3233 = vector.shape_cast %mul3A_3227 : vector<16xf32> to vector<1x16xf32>
      tpu.vector_store %arg14[%swap3A_3229, %swap3A_3230], %swap3A_3233 {strides = array<i32>} : memref<128x32xf32, #tpu.memory_space<vmem>>, vector<1x16xf32>,
      %get3A_3234 = arith.constant 106 : i32
      %get3A_3235 = arith.index_cast %get3A_3234 : i32 to index
      %get3A_3236 = arith.constant 0 : index
      %get3A_3237 = tpu.vector_load %arg14[%get3A_3235, %get3A_3236] {strides = array<i32>} : memref<128x32xf32, #tpu.memory_space<vmem>>, vector<1x16xf32>,
      %get3A_3238 = vector.shape_cast %get3A_3237 : vector<1x16xf32> to vector<16xf32>
      %slice3A_3239 = vector.extract_strided_slice %get3A_2933 {offsets = [10], sizes = [1], strides = [1]} : vector<16xf32> to vector<1xf32>
      %squeeze3A_3240 = vector.extract %slice3A_3239[0] : f32 from vector<1xf32>
      %mul3A_3241 = vector.broadcast %squeeze3A_3240 : f32 to vector<16xf32>
      %mul3A_3242 = arith.mulf %get3A_3238, %mul3A_3241 : vector<16xf32>
      %swap3A_3243 = arith.constant 106 : i32
      %swap3A_3244 = arith.index_cast %swap3A_3243 : i32 to index
      %swap3A_3245 = arith.constant 0 : index
      %swap3A_3246 = tpu.vector_load %arg14[%swap3A_3244, %swap3A_3245] {strides = array<i32>} : memref<128x32xf32, #tpu.memory_space<vmem>>, vector<1x16xf32>,
      %swap3A_3247 = vector.shape_cast %swap3A_3246 : vector<1x16xf32> to vector<16xf32>
      %swap3A_3248 = vector.shape_cast %mul3A_3242 : vector<16xf32> to vector<1x16xf32>
      tpu.vector_store %arg14[%swap3A_3244, %swap3A_3245], %swap3A_3248 {strides = array<i32>} : memref<128x32xf32, #tpu.memory_space<vmem>>, vector<1x16xf32>,
      %get3A_3249 = arith.constant 106 : i32
      %get3A_3250 = arith.index_cast %get3A_3249 : i32 to index
      %get3A_3251 = arith.constant 16 : index
      %get3A_3252 = tpu.vector_load %arg14[%get3A_3250, %get3A_3251] {strides = array<i32>} : memref<128x32xf32, #tpu.memory_space<vmem>>, vector<1x16xf32>,
      %get3A_3253 = vector.shape_cast %get3A_3252 : vector<1x16xf32> to vector<16xf32>
      %slice3A_3254 = vector.extract_strided_slice %get3A_2933 {offsets = [10], sizes = [1], strides = [1]} : vector<16xf32> to vector<1xf32>
      %squeeze3A_3255 = vector.extract %slice3A_3254[0] : f32 from vector<1xf32>
      %mul3A_3256 = vector.broadcast %squeeze3A_3255 : f32 to vector<16xf32>
      %mul3A_3257 = arith.mulf %get3A_3253, %mul3A_3256 : vector<16xf32>
      %swap3A_3258 = arith.constant 106 : i32
      %swap3A_3259 = arith.index_cast %swap3A_3258 : i32 to index
      %swap3A_3260 = arith.constant 16 : index
      %swap3A_3261 = tpu.vector_load %arg14[%swap3A_3259, %swap3A_3260] {strides = array<i32>} : memref<128x32xf32, #tpu.memory_space<vmem>>, vector<1x16xf32>,
      %swap3A_3262 = vector.shape_cast %swap3A_3261 : vector<1x16xf32> to vector<16xf32>
      %swap3A_3263 = vector.shape_cast %mul3A_3257 : vector<16xf32> to vector<1x16xf32>
      tpu.vector_store %arg14[%swap3A_3259, %swap3A_3260], %swap3A_3263 {strides = array<i32>} : memref<128x32xf32, #tpu.memory_space<vmem>>, vector<1x16xf32>,
      %get3A_3264 = arith.constant 107 : i32
      %get3A_3265 = arith.index_cast %get3A_3264 : i32 to index
      %get3A_3266 = arith.constant 0 : index
      %get3A_3267 = tpu.vector_load %arg14[%get3A_3265, %get3A_3266] {strides = array<i32>} : memref<128x32xf32, #tpu.memory_space<vmem>>, vector<1x16xf32>,
      %get3A_3268 = vector.shape_cast %get3A_3267 : vector<1x16xf32> to vector<16xf32>
      %slice3A_3269 = vector.extract_strided_slice %get3A_2933 {offsets = [11], sizes = [1], strides = [1]} : vector<16xf32> to vector<1xf32>
      %squeeze3A_3270 = vector.extract %slice3A_3269[0] : f32 from vector<1xf32>
      %mul3A_3271 = vector.broadcast %squeeze3A_3270 : f32 to vector<16xf32>
      %mul3A_3272 = arith.mulf %get3A_3268, %mul3A_3271 : vector<16xf32>
      %swap3A_3273 = arith.constant 107 : i32
      %swap3A_3274 = arith.index_cast %swap3A_3273 : i32 to index
      %swap3A_3275 = arith.constant 0 : index
      %swap3A_3276 = tpu.vector_load %arg14[%swap3A_3274, %swap3A_3275] {strides = array<i32>} : memref<128x32xf32, #tpu.memory_space<vmem>>, vector<1x16xf32>,
      %swap3A_3277 = vector.shape_cast %swap3A_3276 : vector<1x16xf32> to vector<16xf32>
      %swap3A_3278 = vector.shape_cast %mul3A_3272 : vector<16xf32> to vector<1x16xf32>
      tpu.vector_store %arg14[%swap3A_3274, %swap3A_3275], %swap3A_3278 {strides = array<i32>} : memref<128x32xf32, #tpu.memory_space<vmem>>, vector<1x16xf32>,
      %get3A_3279 = arith.constant 107 : i32
      %get3A_3280 = arith.index_cast %get3A_3279 : i32 to index
      %get3A_3281 = arith.constant 16 : index
      %get3A_3282 = tpu.vector_load %arg14[%get3A_3280, %get3A_3281] {strides = array<i32>} : memref<128x32xf32, #tpu.memory_space<vmem>>, vector<1x16xf32>,
      %get3A_3283 = vector.shape_cast %get3A_3282 : vector<1x16xf32> to vector<16xf32>
      %slice3A_3284 = vector.extract_strided_slice %get3A_2933 {offsets = [11], sizes = [1], strides = [1]} : vector<16xf32> to vector<1xf32>
      %squeeze3A_3285 = vector.extract %slice3A_3284[0] : f32 from vector<1xf32>
      %mul3A_3286 = vector.broadcast %squeeze3A_3285 : f32 to vector<16xf32>
      %mul3A_3287 = arith.mulf %get3A_3283, %mul3A_3286 : vector<16xf32>
      %swap3A_3288 = arith.constant 107 : i32
      %swap3A_3289 = arith.index_cast %swap3A_3288 : i32 to index
      %swap3A_3290 = arith.constant 16 : index
      %swap3A_3291 = tpu.vector_load %arg14[%swap3A_3289, %swap3A_3290] {strides = array<i32>} : memref<128x32xf32, #tpu.memory_space<vmem>>, vector<1x16xf32>,
      %swap3A_3292 = vector.shape_cast %swap3A_3291 : vector<1x16xf32> to vector<16xf32>
      %swap3A_3293 = vector.shape_cast %mul3A_3287 : vector<16xf32> to vector<1x16xf32>
      tpu.vector_store %arg14[%swap3A_3289, %swap3A_3290], %swap3A_3293 {strides = array<i32>} : memref<128x32xf32, #tpu.memory_space<vmem>>, vector<1x16xf32>,
      %get3A_3294 = arith.constant 108 : i32
      %get3A_3295 = arith.index_cast %get3A_3294 : i32 to index
      %get3A_3296 = arith.constant 0 : index
      %get3A_3297 = tpu.vector_load %arg14[%get3A_3295, %get3A_3296] {strides = array<i32>} : memref<128x32xf32, #tpu.memory_space<vmem>>, vector<1x16xf32>,
      %get3A_3298 = vector.shape_cast %get3A_3297 : vector<1x16xf32> to vector<16xf32>
      %slice3A_3299 = vector.extract_strided_slice %get3A_2933 {offsets = [12], sizes = [1], strides = [1]} : vector<16xf32> to vector<1xf32>
      %squeeze3A_3300 = vector.extract %slice3A_3299[0] : f32 from vector<1xf32>
      %mul3A_3301 = vector.broadcast %squeeze3A_3300 : f32 to vector<16xf32>
      %mul3A_3302 = arith.mulf %get3A_3298, %mul3A_3301 : vector<16xf32>
      %swap3A_3303 = arith.constant 108 : i32
      %swap3A_3304 = arith.index_cast %swap3A_3303 : i32 to index
      %swap3A_3305 = arith.constant 0 : index
      %swap3A_3306 = tpu.vector_load %arg14[%swap3A_3304, %swap3A_3305] {strides = array<i32>} : memref<128x32xf32, #tpu.memory_space<vmem>>, vector<1x16xf32>,
      %swap3A_3307 = vector.shape_cast %swap3A_3306 : vector<1x16xf32> to vector<16xf32>
      %swap3A_3308 = vector.shape_cast %mul3A_3302 : vector<16xf32> to vector<1x16xf32>
      tpu.vector_store %arg14[%swap3A_3304, %swap3A_3305], %swap3A_3308 {strides = array<i32>} : memref<128x32xf32, #tpu.memory_space<vmem>>, vector<1x16xf32>,
      %get3A_3309 = arith.constant 108 : i32
      %get3A_3310 = arith.index_cast %get3A_3309 : i32 to index
      %get3A_3311 = arith.constant 16 : index
      %get3A_3312 = tpu.vector_load %arg14[%get3A_3310, %get3A_3311] {strides = array<i32>} : memref<128x32xf32, #tpu.memory_space<vmem>>, vector<1x16xf32>,
      %get3A_3313 = vector.shape_cast %get3A_3312 : vector<1x16xf32> to vector<16xf32>
      %slice3A_3314 = vector.extract_strided_slice %get3A_2933 {offsets = [12], sizes = [1], strides = [1]} : vector<16xf32> to vector<1xf32>
      %squeeze3A_3315 = vector.extract %slice3A_3314[0] : f32 from vector<1xf32>
      %mul3A_3316 = vector.broadcast %squeeze3A_3315 : f32 to vector<16xf32>
      %mul3A_3317 = arith.mulf %get3A_3313, %mul3A_3316 : vector<16xf32>
      %swap3A_3318 = arith.constant 108 : i32
      %swap3A_3319 = arith.index_cast %swap3A_3318 : i32 to index
      %swap3A_3320 = arith.constant 16 : index
      %swap3A_3321 = tpu.vector_load %arg14[%swap3A_3319, %swap3A_3320] {strides = array<i32>} : memref<128x32xf32, #tpu.memory_space<vmem>>, vector<1x16xf32>,
      %swap3A_3322 = vector.shape_cast %swap3A_3321 : vector<1x16xf32> to vector<16xf32>
      %swap3A_3323 = vector.shape_cast %mul3A_3317 : vector<16xf32> to vector<1x16xf32>
      tpu.vector_store %arg14[%swap3A_3319, %swap3A_3320], %swap3A_3323 {strides = array<i32>} : memref<128x32xf32, #tpu.memory_space<vmem>>, vector<1x16xf32>,
      %get3A_3324 = arith.constant 109 : i32
      %get3A_3325 = arith.index_cast %get3A_3324 : i32 to index
      %get3A_3326 = arith.constant 0 : index
      %get3A_3327 = tpu.vector_load %arg14[%get3A_3325, %get3A_3326] {strides = array<i32>} : memref<128x32xf32, #tpu.memory_space<vmem>>, vector<1x16xf32>,
      %get3A_3328 = vector.shape_cast %get3A_3327 : vector<1x16xf32> to vector<16xf32>
      %slice3A_3329 = vector.extract_strided_slice %get3A_2933 {offsets = [13], sizes = [1], strides = [1]} : vector<16xf32> to vector<1xf32>
      %squeeze3A_3330 = vector.extract %slice3A_3329[0] : f32 from vector<1xf32>
      %mul3A_3331 = vector.broadcast %squeeze3A_3330 : f32 to vector<16xf32>
      %mul3A_3332 = arith.mulf %get3A_3328, %mul3A_3331 : vector<16xf32>
      %swap3A_3333 = arith.constant 109 : i32
      %swap3A_3334 = arith.index_cast %swap3A_3333 : i32 to index
      %swap3A_3335 = arith.constant 0 : index
      %swap3A_3336 = tpu.vector_load %arg14[%swap3A_3334, %swap3A_3335] {strides = array<i32>} : memref<128x32xf32, #tpu.memory_space<vmem>>, vector<1x16xf32>,
      %swap3A_3337 = vector.shape_cast %swap3A_3336 : vector<1x16xf32> to vector<16xf32>
      %swap3A_3338 = vector.shape_cast %mul3A_3332 : vector<16xf32> to vector<1x16xf32>
      tpu.vector_store %arg14[%swap3A_3334, %swap3A_3335], %swap3A_3338 {strides = array<i32>} : memref<128x32xf32, #tpu.memory_space<vmem>>, vector<1x16xf32>,
      %get3A_3339 = arith.constant 109 : i32
      %get3A_3340 = arith.index_cast %get3A_3339 : i32 to index
      %get3A_3341 = arith.constant 16 : index
      %get3A_3342 = tpu.vector_load %arg14[%get3A_3340, %get3A_3341] {strides = array<i32>} : memref<128x32xf32, #tpu.memory_space<vmem>>, vector<1x16xf32>,
      %get3A_3343 = vector.shape_cast %get3A_3342 : vector<1x16xf32> to vector<16xf32>
      %slice3A_3344 = vector.extract_strided_slice %get3A_2933 {offsets = [13], sizes = [1], strides = [1]} : vector<16xf32> to vector<1xf32>
      %squeeze3A_3345 = vector.extract %slice3A_3344[0] : f32 from vector<1xf32>
      %mul3A_3346 = vector.broadcast %squeeze3A_3345 : f32 to vector<16xf32>
      %mul3A_3347 = arith.mulf %get3A_3343, %mul3A_3346 : vector<16xf32>
      %swap3A_3348 = arith.constant 109 : i32
      %swap3A_3349 = arith.index_cast %swap3A_3348 : i32 to index
      %swap3A_3350 = arith.constant 16 : index
      %swap3A_3351 = tpu.vector_load %arg14[%swap3A_3349, %swap3A_3350] {strides = array<i32>} : memref<128x32xf32, #tpu.memory_space<vmem>>, vector<1x16xf32>,
      %swap3A_3352 = vector.shape_cast %swap3A_3351 : vector<1x16xf32> to vector<16xf32>
      %swap3A_3353 = vector.shape_cast %mul3A_3347 : vector<16xf32> to vector<1x16xf32>
      tpu.vector_store %arg14[%swap3A_3349, %swap3A_3350], %swap3A_3353 {strides = array<i32>} : memref<128x32xf32, #tpu.memory_space<vmem>>, vector<1x16xf32>,
      %get3A_3354 = arith.constant 110 : i32
      %get3A_3355 = arith.index_cast %get3A_3354 : i32 to index
      %get3A_3356 = arith.constant 0 : index
      %get3A_3357 = tpu.vector_load %arg14[%get3A_3355, %get3A_3356] {strides = array<i32>} : memref<128x32xf32, #tpu.memory_space<vmem>>, vector<1x16xf32>,
      %get3A_3358 = vector.shape_cast %get3A_3357 : vector<1x16xf32> to vector<16xf32>
      %slice3A_3359 = vector.extract_strided_slice %get3A_2933 {offsets = [14], sizes = [1], strides = [1]} : vector<16xf32> to vector<1xf32>
      %squeeze3A_3360 = vector.extract %slice3A_3359[0] : f32 from vector<1xf32>
      %mul3A_3361 = vector.broadcast %squeeze3A_3360 : f32 to vector<16xf32>
      %mul3A_3362 = arith.mulf %get3A_3358, %mul3A_3361 : vector<16xf32>
      %swap3A_3363 = arith.constant 110 : i32
      %swap3A_3364 = arith.index_cast %swap3A_3363 : i32 to index
      %swap3A_3365 = arith.constant 0 : index
      %swap3A_3366 = tpu.vector_load %arg14[%swap3A_3364, %swap3A_3365] {strides = array<i32>} : memref<128x32xf32, #tpu.memory_space<vmem>>, vector<1x16xf32>,
      %swap3A_3367 = vector.shape_cast %swap3A_3366 : vector<1x16xf32> to vector<16xf32>
      %swap3A_3368 = vector.shape_cast %mul3A_3362 : vector<16xf32> to vector<1x16xf32>
      tpu.vector_store %arg14[%swap3A_3364, %swap3A_3365], %swap3A_3368 {strides = array<i32>} : memref<128x32xf32, #tpu.memory_space<vmem>>, vector<1x16xf32>,
      %get3A_3369 = arith.constant 110 : i32
      %get3A_3370 = arith.index_cast %get3A_3369 : i32 to index
      %get3A_3371 = arith.constant 16 : index
      %get3A_3372 = tpu.vector_load %arg14[%get3A_3370, %get3A_3371] {strides = array<i32>} : memref<128x32xf32, #tpu.memory_space<vmem>>, vector<1x16xf32>,
      %get3A_3373 = vector.shape_cast %get3A_3372 : vector<1x16xf32> to vector<16xf32>
      %slice3A_3374 = vector.extract_strided_slice %get3A_2933 {offsets = [14], sizes = [1], strides = [1]} : vector<16xf32> to vector<1xf32>
      %squeeze3A_3375 = vector.extract %slice3A_3374[0] : f32 from vector<1xf32>
      %mul3A_3376 = vector.broadcast %squeeze3A_3375 : f32 to vector<16xf32>
      %mul3A_3377 = arith.mulf %get3A_3373, %mul3A_3376 : vector<16xf32>
      %swap3A_3378 = arith.constant 110 : i32
      %swap3A_3379 = arith.index_cast %swap3A_3378 : i32 to index
      %swap3A_3380 = arith.constant 16 : index
      %swap3A_3381 = tpu.vector_load %arg14[%swap3A_3379, %swap3A_3380] {strides = array<i32>} : memref<128x32xf32, #tpu.memory_space<vmem>>, vector<1x16xf32>,
      %swap3A_3382 = vector.shape_cast %swap3A_3381 : vector<1x16xf32> to vector<16xf32>
      %swap3A_3383 = vector.shape_cast %mul3A_3377 : vector<16xf32> to vector<1x16xf32>
      tpu.vector_store %arg14[%swap3A_3379, %swap3A_3380], %swap3A_3383 {strides = array<i32>} : memref<128x32xf32, #tpu.memory_space<vmem>>, vector<1x16xf32>,
      %get3A_3384 = arith.constant 111 : i32
      %get3A_3385 = arith.index_cast %get3A_3384 : i32 to index
      %get3A_3386 = arith.constant 0 : index
      %get3A_3387 = tpu.vector_load %arg14[%get3A_3385, %get3A_3386] {strides = array<i32>} : memref<128x32xf32, #tpu.memory_space<vmem>>, vector<1x16xf32>,
      %get3A_3388 = vector.shape_cast %get3A_3387 : vector<1x16xf32> to vector<16xf32>
      %slice3A_3389 = vector.extract_strided_slice %get3A_2933 {offsets = [15], sizes = [1], strides = [1]} : vector<16xf32> to vector<1xf32>
      %squeeze3A_3390 = vector.extract %slice3A_3389[0] : f32 from vector<1xf32>
      %mul3A_3391 = vector.broadcast %squeeze3A_3390 : f32 to vector<16xf32>
      %mul3A_3392 = arith.mulf %get3A_3388, %mul3A_3391 : vector<16xf32>
      %swap3A_3393 = arith.constant 111 : i32
      %swap3A_3394 = arith.index_cast %swap3A_3393 : i32 to index
      %swap3A_3395 = arith.constant 0 : index
      %swap3A_3396 = tpu.vector_load %arg14[%swap3A_3394, %swap3A_3395] {strides = array<i32>} : memref<128x32xf32, #tpu.memory_space<vmem>>, vector<1x16xf32>,
      %swap3A_3397 = vector.shape_cast %swap3A_3396 : vector<1x16xf32> to vector<16xf32>
      %swap3A_3398 = vector.shape_cast %mul3A_3392 : vector<16xf32> to vector<1x16xf32>
      tpu.vector_store %arg14[%swap3A_3394, %swap3A_3395], %swap3A_3398 {strides = array<i32>} : memref<128x32xf32, #tpu.memory_space<vmem>>, vector<1x16xf32>,
      %get3A_3399 = arith.constant 111 : i32
      %get3A_3400 = arith.index_cast %get3A_3399 : i32 to index
      %get3A_3401 = arith.constant 16 : index
      %get3A_3402 = tpu.vector_load %arg14[%get3A_3400, %get3A_3401] {strides = array<i32>} : memref<128x32xf32, #tpu.memory_space<vmem>>, vector<1x16xf32>,
      %get3A_3403 = vector.shape_cast %get3A_3402 : vector<1x16xf32> to vector<16xf32>
      %slice3A_3404 = vector.extract_strided_slice %get3A_2933 {offsets = [15], sizes = [1], strides = [1]} : vector<16xf32> to vector<1xf32>
      %squeeze3A_3405 = vector.extract %slice3A_3404[0] : f32 from vector<1xf32>
      %mul3A_3406 = vector.broadcast %squeeze3A_3405 : f32 to vector<16xf32>
      %mul3A_3407 = arith.mulf %get3A_3403, %mul3A_3406 : vector<16xf32>
      %swap3A_3408 = arith.constant 111 : i32
      %swap3A_3409 = arith.index_cast %swap3A_3408 : i32 to index
      %swap3A_3410 = arith.constant 16 : index
      %swap3A_3411 = tpu.vector_load %arg14[%swap3A_3409, %swap3A_3410] {strides = array<i32>} : memref<128x32xf32, #tpu.memory_space<vmem>>, vector<1x16xf32>,
      %swap3A_3412 = vector.shape_cast %swap3A_3411 : vector<1x16xf32> to vector<16xf32>
      %swap3A_3413 = vector.shape_cast %mul3A_3407 : vector<16xf32> to vector<1x16xf32>
      tpu.vector_store %arg14[%swap3A_3409, %swap3A_3410], %swap3A_3413 {strides = array<i32>} : memref<128x32xf32, #tpu.memory_space<vmem>>, vector<1x16xf32>,
      %get3A_3414 = arith.index_cast %scan3A_19 : i32 to index
      %get3A_3415 = arith.constant 112 : index
      %get3A_3416 = tpu.vector_load %arg13[%get3A_3414, %get3A_3415] {strides = array<i32>} : memref<32x128xf32, #tpu.memory_space<vmem>>, vector<1x16xf32>,
      %get3A_3417 = vector.shape_cast %get3A_3416 : vector<1x16xf32> to vector<16xf32>
      %get3A_3418 = arith.constant 112 : i32
      %get3A_3419 = arith.index_cast %get3A_3418 : i32 to index
      %get3A_3420 = arith.constant 0 : index
      %get3A_3421 = tpu.vector_load %arg14[%get3A_3419, %get3A_3420] {strides = array<i32>} : memref<128x32xf32, #tpu.memory_space<vmem>>, vector<1x16xf32>,
      %get3A_3422 = vector.shape_cast %get3A_3421 : vector<1x16xf32> to vector<16xf32>
      %slice3A_3423 = vector.extract_strided_slice %get3A_3417 {offsets = [0], sizes = [1], strides = [1]} : vector<16xf32> to vector<1xf32>
      %squeeze3A_3424 = vector.extract %slice3A_3423[0] : f32 from vector<1xf32>
      %mul3A_3425 = vector.broadcast %squeeze3A_3424 : f32 to vector<16xf32>
      %mul3A_3426 = arith.mulf %get3A_3422, %mul3A_3425 : vector<16xf32>
      %swap3A_3427 = arith.constant 112 : i32
      %swap3A_3428 = arith.index_cast %swap3A_3427 : i32 to index
      %swap3A_3429 = arith.constant 0 : index
      %swap3A_3430 = tpu.vector_load %arg14[%swap3A_3428, %swap3A_3429] {strides = array<i32>} : memref<128x32xf32, #tpu.memory_space<vmem>>, vector<1x16xf32>,
      %swap3A_3431 = vector.shape_cast %swap3A_3430 : vector<1x16xf32> to vector<16xf32>
      %swap3A_3432 = vector.shape_cast %mul3A_3426 : vector<16xf32> to vector<1x16xf32>
      tpu.vector_store %arg14[%swap3A_3428, %swap3A_3429], %swap3A_3432 {strides = array<i32>} : memref<128x32xf32, #tpu.memory_space<vmem>>, vector<1x16xf32>,
      %get3A_3433 = arith.constant 112 : i32
      %get3A_3434 = arith.index_cast %get3A_3433 : i32 to index
      %get3A_3435 = arith.constant 16 : index
      %get3A_3436 = tpu.vector_load %arg14[%get3A_3434, %get3A_3435] {strides = array<i32>} : memref<128x32xf32, #tpu.memory_space<vmem>>, vector<1x16xf32>,
      %get3A_3437 = vector.shape_cast %get3A_3436 : vector<1x16xf32> to vector<16xf32>
      %slice3A_3438 = vector.extract_strided_slice %get3A_3417 {offsets = [0], sizes = [1], strides = [1]} : vector<16xf32> to vector<1xf32>
      %squeeze3A_3439 = vector.extract %slice3A_3438[0] : f32 from vector<1xf32>
      %mul3A_3440 = vector.broadcast %squeeze3A_3439 : f32 to vector<16xf32>
      %mul3A_3441 = arith.mulf %get3A_3437, %mul3A_3440 : vector<16xf32>
      %swap3A_3442 = arith.constant 112 : i32
      %swap3A_3443 = arith.index_cast %swap3A_3442 : i32 to index
      %swap3A_3444 = arith.constant 16 : index
      %swap3A_3445 = tpu.vector_load %arg14[%swap3A_3443, %swap3A_3444] {strides = array<i32>} : memref<128x32xf32, #tpu.memory_space<vmem>>, vector<1x16xf32>,
      %swap3A_3446 = vector.shape_cast %swap3A_3445 : vector<1x16xf32> to vector<16xf32>
      %swap3A_3447 = vector.shape_cast %mul3A_3441 : vector<16xf32> to vector<1x16xf32>
      tpu.vector_store %arg14[%swap3A_3443, %swap3A_3444], %swap3A_3447 {strides = array<i32>} : memref<128x32xf32, #tpu.memory_space<vmem>>, vector<1x16xf32>,
      %get3A_3448 = arith.constant 113 : i32
      %get3A_3449 = arith.index_cast %get3A_3448 : i32 to index
      %get3A_3450 = arith.constant 0 : index
      %get3A_3451 = tpu.vector_load %arg14[%get3A_3449, %get3A_3450] {strides = array<i32>} : memref<128x32xf32, #tpu.memory_space<vmem>>, vector<1x16xf32>,
      %get3A_3452 = vector.shape_cast %get3A_3451 : vector<1x16xf32> to vector<16xf32>
      %slice3A_3453 = vector.extract_strided_slice %get3A_3417 {offsets = [1], sizes = [1], strides = [1]} : vector<16xf32> to vector<1xf32>
      %squeeze3A_3454 = vector.extract %slice3A_3453[0] : f32 from vector<1xf32>
      %mul3A_3455 = vector.broadcast %squeeze3A_3454 : f32 to vector<16xf32>
      %mul3A_3456 = arith.mulf %get3A_3452, %mul3A_3455 : vector<16xf32>
      %swap3A_3457 = arith.constant 113 : i32
      %swap3A_3458 = arith.index_cast %swap3A_3457 : i32 to index
      %swap3A_3459 = arith.constant 0 : index
      %swap3A_3460 = tpu.vector_load %arg14[%swap3A_3458, %swap3A_3459] {strides = array<i32>} : memref<128x32xf32, #tpu.memory_space<vmem>>, vector<1x16xf32>,
      %swap3A_3461 = vector.shape_cast %swap3A_3460 : vector<1x16xf32> to vector<16xf32>
      %swap3A_3462 = vector.shape_cast %mul3A_3456 : vector<16xf32> to vector<1x16xf32>
      tpu.vector_store %arg14[%swap3A_3458, %swap3A_3459], %swap3A_3462 {strides = array<i32>} : memref<128x32xf32, #tpu.memory_space<vmem>>, vector<1x16xf32>,
      %get3A_3463 = arith.constant 113 : i32
      %get3A_3464 = arith.index_cast %get3A_3463 : i32 to index
      %get3A_3465 = arith.constant 16 : index
      %get3A_3466 = tpu.vector_load %arg14[%get3A_3464, %get3A_3465] {strides = array<i32>} : memref<128x32xf32, #tpu.memory_space<vmem>>, vector<1x16xf32>,
      %get3A_3467 = vector.shape_cast %get3A_3466 : vector<1x16xf32> to vector<16xf32>
      %slice3A_3468 = vector.extract_strided_slice %get3A_3417 {offsets = [1], sizes = [1], strides = [1]} : vector<16xf32> to vector<1xf32>
      %squeeze3A_3469 = vector.extract %slice3A_3468[0] : f32 from vector<1xf32>
      %mul3A_3470 = vector.broadcast %squeeze3A_3469 : f32 to vector<16xf32>
      %mul3A_3471 = arith.mulf %get3A_3467, %mul3A_3470 : vector<16xf32>
      %swap3A_3472 = arith.constant 113 : i32
      %swap3A_3473 = arith.index_cast %swap3A_3472 : i32 to index
      %swap3A_3474 = arith.constant 16 : index
      %swap3A_3475 = tpu.vector_load %arg14[%swap3A_3473, %swap3A_3474] {strides = array<i32>} : memref<128x32xf32, #tpu.memory_space<vmem>>, vector<1x16xf32>,
      %swap3A_3476 = vector.shape_cast %swap3A_3475 : vector<1x16xf32> to vector<16xf32>
      %swap3A_3477 = vector.shape_cast %mul3A_3471 : vector<16xf32> to vector<1x16xf32>
      tpu.vector_store %arg14[%swap3A_3473, %swap3A_3474], %swap3A_3477 {strides = array<i32>} : memref<128x32xf32, #tpu.memory_space<vmem>>, vector<1x16xf32>,
      %get3A_3478 = arith.constant 114 : i32
      %get3A_3479 = arith.index_cast %get3A_3478 : i32 to index
      %get3A_3480 = arith.constant 0 : index
      %get3A_3481 = tpu.vector_load %arg14[%get3A_3479, %get3A_3480] {strides = array<i32>} : memref<128x32xf32, #tpu.memory_space<vmem>>, vector<1x16xf32>,
      %get3A_3482 = vector.shape_cast %get3A_3481 : vector<1x16xf32> to vector<16xf32>
      %slice3A_3483 = vector.extract_strided_slice %get3A_3417 {offsets = [2], sizes = [1], strides = [1]} : vector<16xf32> to vector<1xf32>
      %squeeze3A_3484 = vector.extract %slice3A_3483[0] : f32 from vector<1xf32>
      %mul3A_3485 = vector.broadcast %squeeze3A_3484 : f32 to vector<16xf32>
      %mul3A_3486 = arith.mulf %get3A_3482, %mul3A_3485 : vector<16xf32>
      %swap3A_3487 = arith.constant 114 : i32
      %swap3A_3488 = arith.index_cast %swap3A_3487 : i32 to index
      %swap3A_3489 = arith.constant 0 : index
      %swap3A_3490 = tpu.vector_load %arg14[%swap3A_3488, %swap3A_3489] {strides = array<i32>} : memref<128x32xf32, #tpu.memory_space<vmem>>, vector<1x16xf32>,
      %swap3A_3491 = vector.shape_cast %swap3A_3490 : vector<1x16xf32> to vector<16xf32>
      %swap3A_3492 = vector.shape_cast %mul3A_3486 : vector<16xf32> to vector<1x16xf32>
      tpu.vector_store %arg14[%swap3A_3488, %swap3A_3489], %swap3A_3492 {strides = array<i32>} : memref<128x32xf32, #tpu.memory_space<vmem>>, vector<1x16xf32>,
      %get3A_3493 = arith.constant 114 : i32
      %get3A_3494 = arith.index_cast %get3A_3493 : i32 to index
      %get3A_3495 = arith.constant 16 : index
      %get3A_3496 = tpu.vector_load %arg14[%get3A_3494, %get3A_3495] {strides = array<i32>} : memref<128x32xf32, #tpu.memory_space<vmem>>, vector<1x16xf32>,
      %get3A_3497 = vector.shape_cast %get3A_3496 : vector<1x16xf32> to vector<16xf32>
      %slice3A_3498 = vector.extract_strided_slice %get3A_3417 {offsets = [2], sizes = [1], strides = [1]} : vector<16xf32> to vector<1xf32>
      %squeeze3A_3499 = vector.extract %slice3A_3498[0] : f32 from vector<1xf32>
      %mul3A_3500 = vector.broadcast %squeeze3A_3499 : f32 to vector<16xf32>
      %mul3A_3501 = arith.mulf %get3A_3497, %mul3A_3500 : vector<16xf32>
      %swap3A_3502 = arith.constant 114 : i32
      %swap3A_3503 = arith.index_cast %swap3A_3502 : i32 to index
      %swap3A_3504 = arith.constant 16 : index
      %swap3A_3505 = tpu.vector_load %arg14[%swap3A_3503, %swap3A_3504] {strides = array<i32>} : memref<128x32xf32, #tpu.memory_space<vmem>>, vector<1x16xf32>,
      %swap3A_3506 = vector.shape_cast %swap3A_3505 : vector<1x16xf32> to vector<16xf32>
      %swap3A_3507 = vector.shape_cast %mul3A_3501 : vector<16xf32> to vector<1x16xf32>
      tpu.vector_store %arg14[%swap3A_3503, %swap3A_3504], %swap3A_3507 {strides = array<i32>} : memref<128x32xf32, #tpu.memory_space<vmem>>, vector<1x16xf32>,
      %get3A_3508 = arith.constant 115 : i32
      %get3A_3509 = arith.index_cast %get3A_3508 : i32 to index
      %get3A_3510 = arith.constant 0 : index
      %get3A_3511 = tpu.vector_load %arg14[%get3A_3509, %get3A_3510] {strides = array<i32>} : memref<128x32xf32, #tpu.memory_space<vmem>>, vector<1x16xf32>,
      %get3A_3512 = vector.shape_cast %get3A_3511 : vector<1x16xf32> to vector<16xf32>
      %slice3A_3513 = vector.extract_strided_slice %get3A_3417 {offsets = [3], sizes = [1], strides = [1]} : vector<16xf32> to vector<1xf32>
      %squeeze3A_3514 = vector.extract %slice3A_3513[0] : f32 from vector<1xf32>
      %mul3A_3515 = vector.broadcast %squeeze3A_3514 : f32 to vector<16xf32>
      %mul3A_3516 = arith.mulf %get3A_3512, %mul3A_3515 : vector<16xf32>
      %swap3A_3517 = arith.constant 115 : i32
      %swap3A_3518 = arith.index_cast %swap3A_3517 : i32 to index
      %swap3A_3519 = arith.constant 0 : index
      %swap3A_3520 = tpu.vector_load %arg14[%swap3A_3518, %swap3A_3519] {strides = array<i32>} : memref<128x32xf32, #tpu.memory_space<vmem>>, vector<1x16xf32>,
      %swap3A_3521 = vector.shape_cast %swap3A_3520 : vector<1x16xf32> to vector<16xf32>
      %swap3A_3522 = vector.shape_cast %mul3A_3516 : vector<16xf32> to vector<1x16xf32>
      tpu.vector_store %arg14[%swap3A_3518, %swap3A_3519], %swap3A_3522 {strides = array<i32>} : memref<128x32xf32, #tpu.memory_space<vmem>>, vector<1x16xf32>,
      %get3A_3523 = arith.constant 115 : i32
      %get3A_3524 = arith.index_cast %get3A_3523 : i32 to index
      %get3A_3525 = arith.constant 16 : index
      %get3A_3526 = tpu.vector_load %arg14[%get3A_3524, %get3A_3525] {strides = array<i32>} : memref<128x32xf32, #tpu.memory_space<vmem>>, vector<1x16xf32>,
      %get3A_3527 = vector.shape_cast %get3A_3526 : vector<1x16xf32> to vector<16xf32>
      %slice3A_3528 = vector.extract_strided_slice %get3A_3417 {offsets = [3], sizes = [1], strides = [1]} : vector<16xf32> to vector<1xf32>
      %squeeze3A_3529 = vector.extract %slice3A_3528[0] : f32 from vector<1xf32>
      %mul3A_3530 = vector.broadcast %squeeze3A_3529 : f32 to vector<16xf32>
      %mul3A_3531 = arith.mulf %get3A_3527, %mul3A_3530 : vector<16xf32>
      %swap3A_3532 = arith.constant 115 : i32
      %swap3A_3533 = arith.index_cast %swap3A_3532 : i32 to index
      %swap3A_3534 = arith.constant 16 : index
      %swap3A_3535 = tpu.vector_load %arg14[%swap3A_3533, %swap3A_3534] {strides = array<i32>} : memref<128x32xf32, #tpu.memory_space<vmem>>, vector<1x16xf32>,
      %swap3A_3536 = vector.shape_cast %swap3A_3535 : vector<1x16xf32> to vector<16xf32>
      %swap3A_3537 = vector.shape_cast %mul3A_3531 : vector<16xf32> to vector<1x16xf32>
      tpu.vector_store %arg14[%swap3A_3533, %swap3A_3534], %swap3A_3537 {strides = array<i32>} : memref<128x32xf32, #tpu.memory_space<vmem>>, vector<1x16xf32>,
      %get3A_3538 = arith.constant 116 : i32
      %get3A_3539 = arith.index_cast %get3A_3538 : i32 to index
      %get3A_3540 = arith.constant 0 : index
      %get3A_3541 = tpu.vector_load %arg14[%get3A_3539, %get3A_3540] {strides = array<i32>} : memref<128x32xf32, #tpu.memory_space<vmem>>, vector<1x16xf32>,
      %get3A_3542 = vector.shape_cast %get3A_3541 : vector<1x16xf32> to vector<16xf32>
      %slice3A_3543 = vector.extract_strided_slice %get3A_3417 {offsets = [4], sizes = [1], strides = [1]} : vector<16xf32> to vector<1xf32>
      %squeeze3A_3544 = vector.extract %slice3A_3543[0] : f32 from vector<1xf32>
      %mul3A_3545 = vector.broadcast %squeeze3A_3544 : f32 to vector<16xf32>
      %mul3A_3546 = arith.mulf %get3A_3542, %mul3A_3545 : vector<16xf32>
      %swap3A_3547 = arith.constant 116 : i32
      %swap3A_3548 = arith.index_cast %swap3A_3547 : i32 to index
      %swap3A_3549 = arith.constant 0 : index
      %swap3A_3550 = tpu.vector_load %arg14[%swap3A_3548, %swap3A_3549] {strides = array<i32>} : memref<128x32xf32, #tpu.memory_space<vmem>>, vector<1x16xf32>,
      %swap3A_3551 = vector.shape_cast %swap3A_3550 : vector<1x16xf32> to vector<16xf32>
      %swap3A_3552 = vector.shape_cast %mul3A_3546 : vector<16xf32> to vector<1x16xf32>
      tpu.vector_store %arg14[%swap3A_3548, %swap3A_3549], %swap3A_3552 {strides = array<i32>} : memref<128x32xf32, #tpu.memory_space<vmem>>, vector<1x16xf32>,
      %get3A_3553 = arith.constant 116 : i32
      %get3A_3554 = arith.index_cast %get3A_3553 : i32 to index
      %get3A_3555 = arith.constant 16 : index
      %get3A_3556 = tpu.vector_load %arg14[%get3A_3554, %get3A_3555] {strides = array<i32>} : memref<128x32xf32, #tpu.memory_space<vmem>>, vector<1x16xf32>,
      %get3A_3557 = vector.shape_cast %get3A_3556 : vector<1x16xf32> to vector<16xf32>
      %slice3A_3558 = vector.extract_strided_slice %get3A_3417 {offsets = [4], sizes = [1], strides = [1]} : vector<16xf32> to vector<1xf32>
      %squeeze3A_3559 = vector.extract %slice3A_3558[0] : f32 from vector<1xf32>
      %mul3A_3560 = vector.broadcast %squeeze3A_3559 : f32 to vector<16xf32>
      %mul3A_3561 = arith.mulf %get3A_3557, %mul3A_3560 : vector<16xf32>
      %swap3A_3562 = arith.constant 116 : i32
      %swap3A_3563 = arith.index_cast %swap3A_3562 : i32 to index
      %swap3A_3564 = arith.constant 16 : index
      %swap3A_3565 = tpu.vector_load %arg14[%swap3A_3563, %swap3A_3564] {strides = array<i32>} : memref<128x32xf32, #tpu.memory_space<vmem>>, vector<1x16xf32>,
      %swap3A_3566 = vector.shape_cast %swap3A_3565 : vector<1x16xf32> to vector<16xf32>
      %swap3A_3567 = vector.shape_cast %mul3A_3561 : vector<16xf32> to vector<1x16xf32>
      tpu.vector_store %arg14[%swap3A_3563, %swap3A_3564], %swap3A_3567 {strides = array<i32>} : memref<128x32xf32, #tpu.memory_space<vmem>>, vector<1x16xf32>,
      %get3A_3568 = arith.constant 117 : i32
      %get3A_3569 = arith.index_cast %get3A_3568 : i32 to index
      %get3A_3570 = arith.constant 0 : index
      %get3A_3571 = tpu.vector_load %arg14[%get3A_3569, %get3A_3570] {strides = array<i32>} : memref<128x32xf32, #tpu.memory_space<vmem>>, vector<1x16xf32>,
      %get3A_3572 = vector.shape_cast %get3A_3571 : vector<1x16xf32> to vector<16xf32>
      %slice3A_3573 = vector.extract_strided_slice %get3A_3417 {offsets = [5], sizes = [1], strides = [1]} : vector<16xf32> to vector<1xf32>
      %squeeze3A_3574 = vector.extract %slice3A_3573[0] : f32 from vector<1xf32>
      %mul3A_3575 = vector.broadcast %squeeze3A_3574 : f32 to vector<16xf32>
      %mul3A_3576 = arith.mulf %get3A_3572, %mul3A_3575 : vector<16xf32>
      %swap3A_3577 = arith.constant 117 : i32
      %swap3A_3578 = arith.index_cast %swap3A_3577 : i32 to index
      %swap3A_3579 = arith.constant 0 : index
      %swap3A_3580 = tpu.vector_load %arg14[%swap3A_3578, %swap3A_3579] {strides = array<i32>} : memref<128x32xf32, #tpu.memory_space<vmem>>, vector<1x16xf32>,
      %swap3A_3581 = vector.shape_cast %swap3A_3580 : vector<1x16xf32> to vector<16xf32>
      %swap3A_3582 = vector.shape_cast %mul3A_3576 : vector<16xf32> to vector<1x16xf32>
      tpu.vector_store %arg14[%swap3A_3578, %swap3A_3579], %swap3A_3582 {strides = array<i32>} : memref<128x32xf32, #tpu.memory_space<vmem>>, vector<1x16xf32>,
      %get3A_3583 = arith.constant 117 : i32
      %get3A_3584 = arith.index_cast %get3A_3583 : i32 to index
      %get3A_3585 = arith.constant 16 : index
      %get3A_3586 = tpu.vector_load %arg14[%get3A_3584, %get3A_3585] {strides = array<i32>} : memref<128x32xf32, #tpu.memory_space<vmem>>, vector<1x16xf32>,
      %get3A_3587 = vector.shape_cast %get3A_3586 : vector<1x16xf32> to vector<16xf32>
      %slice3A_3588 = vector.extract_strided_slice %get3A_3417 {offsets = [5], sizes = [1], strides = [1]} : vector<16xf32> to vector<1xf32>
      %squeeze3A_3589 = vector.extract %slice3A_3588[0] : f32 from vector<1xf32>
      %mul3A_3590 = vector.broadcast %squeeze3A_3589 : f32 to vector<16xf32>
      %mul3A_3591 = arith.mulf %get3A_3587, %mul3A_3590 : vector<16xf32>
      %swap3A_3592 = arith.constant 117 : i32
      %swap3A_3593 = arith.index_cast %swap3A_3592 : i32 to index
      %swap3A_3594 = arith.constant 16 : index
      %swap3A_3595 = tpu.vector_load %arg14[%swap3A_3593, %swap3A_3594] {strides = array<i32>} : memref<128x32xf32, #tpu.memory_space<vmem>>, vector<1x16xf32>,
      %swap3A_3596 = vector.shape_cast %swap3A_3595 : vector<1x16xf32> to vector<16xf32>
      %swap3A_3597 = vector.shape_cast %mul3A_3591 : vector<16xf32> to vector<1x16xf32>
      tpu.vector_store %arg14[%swap3A_3593, %swap3A_3594], %swap3A_3597 {strides = array<i32>} : memref<128x32xf32, #tpu.memory_space<vmem>>, vector<1x16xf32>,
      %get3A_3598 = arith.constant 118 : i32
      %get3A_3599 = arith.index_cast %get3A_3598 : i32 to index
      %get3A_3600 = arith.constant 0 : index
      %get3A_3601 = tpu.vector_load %arg14[%get3A_3599, %get3A_3600] {strides = array<i32>} : memref<128x32xf32, #tpu.memory_space<vmem>>, vector<1x16xf32>,
      %get3A_3602 = vector.shape_cast %get3A_3601 : vector<1x16xf32> to vector<16xf32>
      %slice3A_3603 = vector.extract_strided_slice %get3A_3417 {offsets = [6], sizes = [1], strides = [1]} : vector<16xf32> to vector<1xf32>
      %squeeze3A_3604 = vector.extract %slice3A_3603[0] : f32 from vector<1xf32>
      %mul3A_3605 = vector.broadcast %squeeze3A_3604 : f32 to vector<16xf32>
      %mul3A_3606 = arith.mulf %get3A_3602, %mul3A_3605 : vector<16xf32>
      %swap3A_3607 = arith.constant 118 : i32
      %swap3A_3608 = arith.index_cast %swap3A_3607 : i32 to index
      %swap3A_3609 = arith.constant 0 : index
      %swap3A_3610 = tpu.vector_load %arg14[%swap3A_3608, %swap3A_3609] {strides = array<i32>} : memref<128x32xf32, #tpu.memory_space<vmem>>, vector<1x16xf32>,
      %swap3A_3611 = vector.shape_cast %swap3A_3610 : vector<1x16xf32> to vector<16xf32>
      %swap3A_3612 = vector.shape_cast %mul3A_3606 : vector<16xf32> to vector<1x16xf32>
      tpu.vector_store %arg14[%swap3A_3608, %swap3A_3609], %swap3A_3612 {strides = array<i32>} : memref<128x32xf32, #tpu.memory_space<vmem>>, vector<1x16xf32>,
      %get3A_3613 = arith.constant 118 : i32
      %get3A_3614 = arith.index_cast %get3A_3613 : i32 to index
      %get3A_3615 = arith.constant 16 : index
      %get3A_3616 = tpu.vector_load %arg14[%get3A_3614, %get3A_3615] {strides = array<i32>} : memref<128x32xf32, #tpu.memory_space<vmem>>, vector<1x16xf32>,
      %get3A_3617 = vector.shape_cast %get3A_3616 : vector<1x16xf32> to vector<16xf32>
      %slice3A_3618 = vector.extract_strided_slice %get3A_3417 {offsets = [6], sizes = [1], strides = [1]} : vector<16xf32> to vector<1xf32>
      %squeeze3A_3619 = vector.extract %slice3A_3618[0] : f32 from vector<1xf32>
      %mul3A_3620 = vector.broadcast %squeeze3A_3619 : f32 to vector<16xf32>
      %mul3A_3621 = arith.mulf %get3A_3617, %mul3A_3620 : vector<16xf32>
      %swap3A_3622 = arith.constant 118 : i32
      %swap3A_3623 = arith.index_cast %swap3A_3622 : i32 to index
      %swap3A_3624 = arith.constant 16 : index
      %swap3A_3625 = tpu.vector_load %arg14[%swap3A_3623, %swap3A_3624] {strides = array<i32>} : memref<128x32xf32, #tpu.memory_space<vmem>>, vector<1x16xf32>,
      %swap3A_3626 = vector.shape_cast %swap3A_3625 : vector<1x16xf32> to vector<16xf32>
      %swap3A_3627 = vector.shape_cast %mul3A_3621 : vector<16xf32> to vector<1x16xf32>
      tpu.vector_store %arg14[%swap3A_3623, %swap3A_3624], %swap3A_3627 {strides = array<i32>} : memref<128x32xf32, #tpu.memory_space<vmem>>, vector<1x16xf32>,
      %get3A_3628 = arith.constant 119 : i32
      %get3A_3629 = arith.index_cast %get3A_3628 : i32 to index
      %get3A_3630 = arith.constant 0 : index
      %get3A_3631 = tpu.vector_load %arg14[%get3A_3629, %get3A_3630] {strides = array<i32>} : memref<128x32xf32, #tpu.memory_space<vmem>>, vector<1x16xf32>,
      %get3A_3632 = vector.shape_cast %get3A_3631 : vector<1x16xf32> to vector<16xf32>
      %slice3A_3633 = vector.extract_strided_slice %get3A_3417 {offsets = [7], sizes = [1], strides = [1]} : vector<16xf32> to vector<1xf32>
      %squeeze3A_3634 = vector.extract %slice3A_3633[0] : f32 from vector<1xf32>
      %mul3A_3635 = vector.broadcast %squeeze3A_3634 : f32 to vector<16xf32>
      %mul3A_3636 = arith.mulf %get3A_3632, %mul3A_3635 : vector<16xf32>
      %swap3A_3637 = arith.constant 119 : i32
      %swap3A_3638 = arith.index_cast %swap3A_3637 : i32 to index
      %swap3A_3639 = arith.constant 0 : index
      %swap3A_3640 = tpu.vector_load %arg14[%swap3A_3638, %swap3A_3639] {strides = array<i32>} : memref<128x32xf32, #tpu.memory_space<vmem>>, vector<1x16xf32>,
      %swap3A_3641 = vector.shape_cast %swap3A_3640 : vector<1x16xf32> to vector<16xf32>
      %swap3A_3642 = vector.shape_cast %mul3A_3636 : vector<16xf32> to vector<1x16xf32>
      tpu.vector_store %arg14[%swap3A_3638, %swap3A_3639], %swap3A_3642 {strides = array<i32>} : memref<128x32xf32, #tpu.memory_space<vmem>>, vector<1x16xf32>,
      %get3A_3643 = arith.constant 119 : i32
      %get3A_3644 = arith.index_cast %get3A_3643 : i32 to index
      %get3A_3645 = arith.constant 16 : index
      %get3A_3646 = tpu.vector_load %arg14[%get3A_3644, %get3A_3645] {strides = array<i32>} : memref<128x32xf32, #tpu.memory_space<vmem>>, vector<1x16xf32>,
      %get3A_3647 = vector.shape_cast %get3A_3646 : vector<1x16xf32> to vector<16xf32>
      %slice3A_3648 = vector.extract_strided_slice %get3A_3417 {offsets = [7], sizes = [1], strides = [1]} : vector<16xf32> to vector<1xf32>
      %squeeze3A_3649 = vector.extract %slice3A_3648[0] : f32 from vector<1xf32>
      %mul3A_3650 = vector.broadcast %squeeze3A_3649 : f32 to vector<16xf32>
      %mul3A_3651 = arith.mulf %get3A_3647, %mul3A_3650 : vector<16xf32>
      %swap3A_3652 = arith.constant 119 : i32
      %swap3A_3653 = arith.index_cast %swap3A_3652 : i32 to index
      %swap3A_3654 = arith.constant 16 : index
      %swap3A_3655 = tpu.vector_load %arg14[%swap3A_3653, %swap3A_3654] {strides = array<i32>} : memref<128x32xf32, #tpu.memory_space<vmem>>, vector<1x16xf32>,
      %swap3A_3656 = vector.shape_cast %swap3A_3655 : vector<1x16xf32> to vector<16xf32>
      %swap3A_3657 = vector.shape_cast %mul3A_3651 : vector<16xf32> to vector<1x16xf32>
      tpu.vector_store %arg14[%swap3A_3653, %swap3A_3654], %swap3A_3657 {strides = array<i32>} : memref<128x32xf32, #tpu.memory_space<vmem>>, vector<1x16xf32>,
      %get3A_3658 = arith.constant 120 : i32
      %get3A_3659 = arith.index_cast %get3A_3658 : i32 to index
      %get3A_3660 = arith.constant 0 : index
      %get3A_3661 = tpu.vector_load %arg14[%get3A_3659, %get3A_3660] {strides = array<i32>} : memref<128x32xf32, #tpu.memory_space<vmem>>, vector<1x16xf32>,
      %get3A_3662 = vector.shape_cast %get3A_3661 : vector<1x16xf32> to vector<16xf32>
      %slice3A_3663 = vector.extract_strided_slice %get3A_3417 {offsets = [8], sizes = [1], strides = [1]} : vector<16xf32> to vector<1xf32>
      %squeeze3A_3664 = vector.extract %slice3A_3663[0] : f32 from vector<1xf32>
      %mul3A_3665 = vector.broadcast %squeeze3A_3664 : f32 to vector<16xf32>
      %mul3A_3666 = arith.mulf %get3A_3662, %mul3A_3665 : vector<16xf32>
      %swap3A_3667 = arith.constant 120 : i32
      %swap3A_3668 = arith.index_cast %swap3A_3667 : i32 to index
      %swap3A_3669 = arith.constant 0 : index
      %swap3A_3670 = tpu.vector_load %arg14[%swap3A_3668, %swap3A_3669] {strides = array<i32>} : memref<128x32xf32, #tpu.memory_space<vmem>>, vector<1x16xf32>,
      %swap3A_3671 = vector.shape_cast %swap3A_3670 : vector<1x16xf32> to vector<16xf32>
      %swap3A_3672 = vector.shape_cast %mul3A_3666 : vector<16xf32> to vector<1x16xf32>
      tpu.vector_store %arg14[%swap3A_3668, %swap3A_3669], %swap3A_3672 {strides = array<i32>} : memref<128x32xf32, #tpu.memory_space<vmem>>, vector<1x16xf32>,
      %get3A_3673 = arith.constant 120 : i32
      %get3A_3674 = arith.index_cast %get3A_3673 : i32 to index
      %get3A_3675 = arith.constant 16 : index
      %get3A_3676 = tpu.vector_load %arg14[%get3A_3674, %get3A_3675] {strides = array<i32>} : memref<128x32xf32, #tpu.memory_space<vmem>>, vector<1x16xf32>,
      %get3A_3677 = vector.shape_cast %get3A_3676 : vector<1x16xf32> to vector<16xf32>
      %slice3A_3678 = vector.extract_strided_slice %get3A_3417 {offsets = [8], sizes = [1], strides = [1]} : vector<16xf32> to vector<1xf32>
      %squeeze3A_3679 = vector.extract %slice3A_3678[0] : f32 from vector<1xf32>
      %mul3A_3680 = vector.broadcast %squeeze3A_3679 : f32 to vector<16xf32>
      %mul3A_3681 = arith.mulf %get3A_3677, %mul3A_3680 : vector<16xf32>
      %swap3A_3682 = arith.constant 120 : i32
      %swap3A_3683 = arith.index_cast %swap3A_3682 : i32 to index
      %swap3A_3684 = arith.constant 16 : index
      %swap3A_3685 = tpu.vector_load %arg14[%swap3A_3683, %swap3A_3684] {strides = array<i32>} : memref<128x32xf32, #tpu.memory_space<vmem>>, vector<1x16xf32>,
      %swap3A_3686 = vector.shape_cast %swap3A_3685 : vector<1x16xf32> to vector<16xf32>
      %swap3A_3687 = vector.shape_cast %mul3A_3681 : vector<16xf32> to vector<1x16xf32>
      tpu.vector_store %arg14[%swap3A_3683, %swap3A_3684], %swap3A_3687 {strides = array<i32>} : memref<128x32xf32, #tpu.memory_space<vmem>>, vector<1x16xf32>,
      %get3A_3688 = arith.constant 121 : i32
      %get3A_3689 = arith.index_cast %get3A_3688 : i32 to index
      %get3A_3690 = arith.constant 0 : index
      %get3A_3691 = tpu.vector_load %arg14[%get3A_3689, %get3A_3690] {strides = array<i32>} : memref<128x32xf32, #tpu.memory_space<vmem>>, vector<1x16xf32>,
      %get3A_3692 = vector.shape_cast %get3A_3691 : vector<1x16xf32> to vector<16xf32>
      %slice3A_3693 = vector.extract_strided_slice %get3A_3417 {offsets = [9], sizes = [1], strides = [1]} : vector<16xf32> to vector<1xf32>
      %squeeze3A_3694 = vector.extract %slice3A_3693[0] : f32 from vector<1xf32>
      %mul3A_3695 = vector.broadcast %squeeze3A_3694 : f32 to vector<16xf32>
      %mul3A_3696 = arith.mulf %get3A_3692, %mul3A_3695 : vector<16xf32>
      %swap3A_3697 = arith.constant 121 : i32
      %swap3A_3698 = arith.index_cast %swap3A_3697 : i32 to index
      %swap3A_3699 = arith.constant 0 : index
      %swap3A_3700 = tpu.vector_load %arg14[%swap3A_3698, %swap3A_3699] {strides = array<i32>} : memref<128x32xf32, #tpu.memory_space<vmem>>, vector<1x16xf32>,
      %swap3A_3701 = vector.shape_cast %swap3A_3700 : vector<1x16xf32> to vector<16xf32>
      %swap3A_3702 = vector.shape_cast %mul3A_3696 : vector<16xf32> to vector<1x16xf32>
      tpu.vector_store %arg14[%swap3A_3698, %swap3A_3699], %swap3A_3702 {strides = array<i32>} : memref<128x32xf32, #tpu.memory_space<vmem>>, vector<1x16xf32>,
      %get3A_3703 = arith.constant 121 : i32
      %get3A_3704 = arith.index_cast %get3A_3703 : i32 to index
      %get3A_3705 = arith.constant 16 : index
      %get3A_3706 = tpu.vector_load %arg14[%get3A_3704, %get3A_3705] {strides = array<i32>} : memref<128x32xf32, #tpu.memory_space<vmem>>, vector<1x16xf32>,
      %get3A_3707 = vector.shape_cast %get3A_3706 : vector<1x16xf32> to vector<16xf32>
      %slice3A_3708 = vector.extract_strided_slice %get3A_3417 {offsets = [9], sizes = [1], strides = [1]} : vector<16xf32> to vector<1xf32>
      %squeeze3A_3709 = vector.extract %slice3A_3708[0] : f32 from vector<1xf32>
      %mul3A_3710 = vector.broadcast %squeeze3A_3709 : f32 to vector<16xf32>
      %mul3A_3711 = arith.mulf %get3A_3707, %mul3A_3710 : vector<16xf32>
      %swap3A_3712 = arith.constant 121 : i32
      %swap3A_3713 = arith.index_cast %swap3A_3712 : i32 to index
      %swap3A_3714 = arith.constant 16 : index
      %swap3A_3715 = tpu.vector_load %arg14[%swap3A_3713, %swap3A_3714] {strides = array<i32>} : memref<128x32xf32, #tpu.memory_space<vmem>>, vector<1x16xf32>,
      %swap3A_3716 = vector.shape_cast %swap3A_3715 : vector<1x16xf32> to vector<16xf32>
      %swap3A_3717 = vector.shape_cast %mul3A_3711 : vector<16xf32> to vector<1x16xf32>
      tpu.vector_store %arg14[%swap3A_3713, %swap3A_3714], %swap3A_3717 {strides = array<i32>} : memref<128x32xf32, #tpu.memory_space<vmem>>, vector<1x16xf32>,
      %get3A_3718 = arith.constant 122 : i32
      %get3A_3719 = arith.index_cast %get3A_3718 : i32 to index
      %get3A_3720 = arith.constant 0 : index
      %get3A_3721 = tpu.vector_load %arg14[%get3A_3719, %get3A_3720] {strides = array<i32>} : memref<128x32xf32, #tpu.memory_space<vmem>>, vector<1x16xf32>,
      %get3A_3722 = vector.shape_cast %get3A_3721 : vector<1x16xf32> to vector<16xf32>
      %slice3A_3723 = vector.extract_strided_slice %get3A_3417 {offsets = [10], sizes = [1], strides = [1]} : vector<16xf32> to vector<1xf32>
      %squeeze3A_3724 = vector.extract %slice3A_3723[0] : f32 from vector<1xf32>
      %mul3A_3725 = vector.broadcast %squeeze3A_3724 : f32 to vector<16xf32>
      %mul3A_3726 = arith.mulf %get3A_3722, %mul3A_3725 : vector<16xf32>
      %swap3A_3727 = arith.constant 122 : i32
      %swap3A_3728 = arith.index_cast %swap3A_3727 : i32 to index
      %swap3A_3729 = arith.constant 0 : index
      %swap3A_3730 = tpu.vector_load %arg14[%swap3A_3728, %swap3A_3729] {strides = array<i32>} : memref<128x32xf32, #tpu.memory_space<vmem>>, vector<1x16xf32>,
      %swap3A_3731 = vector.shape_cast %swap3A_3730 : vector<1x16xf32> to vector<16xf32>
      %swap3A_3732 = vector.shape_cast %mul3A_3726 : vector<16xf32> to vector<1x16xf32>
      tpu.vector_store %arg14[%swap3A_3728, %swap3A_3729], %swap3A_3732 {strides = array<i32>} : memref<128x32xf32, #tpu.memory_space<vmem>>, vector<1x16xf32>,
      %get3A_3733 = arith.constant 122 : i32
      %get3A_3734 = arith.index_cast %get3A_3733 : i32 to index
      %get3A_3735 = arith.constant 16 : index
      %get3A_3736 = tpu.vector_load %arg14[%get3A_3734, %get3A_3735] {strides = array<i32>} : memref<128x32xf32, #tpu.memory_space<vmem>>, vector<1x16xf32>,
      %get3A_3737 = vector.shape_cast %get3A_3736 : vector<1x16xf32> to vector<16xf32>
      %slice3A_3738 = vector.extract_strided_slice %get3A_3417 {offsets = [10], sizes = [1], strides = [1]} : vector<16xf32> to vector<1xf32>
      %squeeze3A_3739 = vector.extract %slice3A_3738[0] : f32 from vector<1xf32>
      %mul3A_3740 = vector.broadcast %squeeze3A_3739 : f32 to vector<16xf32>
      %mul3A_3741 = arith.mulf %get3A_3737, %mul3A_3740 : vector<16xf32>
      %swap3A_3742 = arith.constant 122 : i32
      %swap3A_3743 = arith.index_cast %swap3A_3742 : i32 to index
      %swap3A_3744 = arith.constant 16 : index
      %swap3A_3745 = tpu.vector_load %arg14[%swap3A_3743, %swap3A_3744] {strides = array<i32>} : memref<128x32xf32, #tpu.memory_space<vmem>>, vector<1x16xf32>,
      %swap3A_3746 = vector.shape_cast %swap3A_3745 : vector<1x16xf32> to vector<16xf32>
      %swap3A_3747 = vector.shape_cast %mul3A_3741 : vector<16xf32> to vector<1x16xf32>
      tpu.vector_store %arg14[%swap3A_3743, %swap3A_3744], %swap3A_3747 {strides = array<i32>} : memref<128x32xf32, #tpu.memory_space<vmem>>, vector<1x16xf32>,
      %get3A_3748 = arith.constant 123 : i32
      %get3A_3749 = arith.index_cast %get3A_3748 : i32 to index
      %get3A_3750 = arith.constant 0 : index
      %get3A_3751 = tpu.vector_load %arg14[%get3A_3749, %get3A_3750] {strides = array<i32>} : memref<128x32xf32, #tpu.memory_space<vmem>>, vector<1x16xf32>,
      %get3A_3752 = vector.shape_cast %get3A_3751 : vector<1x16xf32> to vector<16xf32>
      %slice3A_3753 = vector.extract_strided_slice %get3A_3417 {offsets = [11], sizes = [1], strides = [1]} : vector<16xf32> to vector<1xf32>
      %squeeze3A_3754 = vector.extract %slice3A_3753[0] : f32 from vector<1xf32>
      %mul3A_3755 = vector.broadcast %squeeze3A_3754 : f32 to vector<16xf32>
      %mul3A_3756 = arith.mulf %get3A_3752, %mul3A_3755 : vector<16xf32>
      %swap3A_3757 = arith.constant 123 : i32
      %swap3A_3758 = arith.index_cast %swap3A_3757 : i32 to index
      %swap3A_3759 = arith.constant 0 : index
      %swap3A_3760 = tpu.vector_load %arg14[%swap3A_3758, %swap3A_3759] {strides = array<i32>} : memref<128x32xf32, #tpu.memory_space<vmem>>, vector<1x16xf32>,
      %swap3A_3761 = vector.shape_cast %swap3A_3760 : vector<1x16xf32> to vector<16xf32>
      %swap3A_3762 = vector.shape_cast %mul3A_3756 : vector<16xf32> to vector<1x16xf32>
      tpu.vector_store %arg14[%swap3A_3758, %swap3A_3759], %swap3A_3762 {strides = array<i32>} : memref<128x32xf32, #tpu.memory_space<vmem>>, vector<1x16xf32>,
      %get3A_3763 = arith.constant 123 : i32
      %get3A_3764 = arith.index_cast %get3A_3763 : i32 to index
      %get3A_3765 = arith.constant 16 : index
      %get3A_3766 = tpu.vector_load %arg14[%get3A_3764, %get3A_3765] {strides = array<i32>} : memref<128x32xf32, #tpu.memory_space<vmem>>, vector<1x16xf32>,
      %get3A_3767 = vector.shape_cast %get3A_3766 : vector<1x16xf32> to vector<16xf32>
      %slice3A_3768 = vector.extract_strided_slice %get3A_3417 {offsets = [11], sizes = [1], strides = [1]} : vector<16xf32> to vector<1xf32>
      %squeeze3A_3769 = vector.extract %slice3A_3768[0] : f32 from vector<1xf32>
      %mul3A_3770 = vector.broadcast %squeeze3A_3769 : f32 to vector<16xf32>
      %mul3A_3771 = arith.mulf %get3A_3767, %mul3A_3770 : vector<16xf32>
      %swap3A_3772 = arith.constant 123 : i32
      %swap3A_3773 = arith.index_cast %swap3A_3772 : i32 to index
      %swap3A_3774 = arith.constant 16 : index
      %swap3A_3775 = tpu.vector_load %arg14[%swap3A_3773, %swap3A_3774] {strides = array<i32>} : memref<128x32xf32, #tpu.memory_space<vmem>>, vector<1x16xf32>,
      %swap3A_3776 = vector.shape_cast %swap3A_3775 : vector<1x16xf32> to vector<16xf32>
      %swap3A_3777 = vector.shape_cast %mul3A_3771 : vector<16xf32> to vector<1x16xf32>
      tpu.vector_store %arg14[%swap3A_3773, %swap3A_3774], %swap3A_3777 {strides = array<i32>} : memref<128x32xf32, #tpu.memory_space<vmem>>, vector<1x16xf32>,
      %get3A_3778 = arith.constant 124 : i32
      %get3A_3779 = arith.index_cast %get3A_3778 : i32 to index
      %get3A_3780 = arith.constant 0 : index
      %get3A_3781 = tpu.vector_load %arg14[%get3A_3779, %get3A_3780] {strides = array<i32>} : memref<128x32xf32, #tpu.memory_space<vmem>>, vector<1x16xf32>,
      %get3A_3782 = vector.shape_cast %get3A_3781 : vector<1x16xf32> to vector<16xf32>
      %slice3A_3783 = vector.extract_strided_slice %get3A_3417 {offsets = [12], sizes = [1], strides = [1]} : vector<16xf32> to vector<1xf32>
      %squeeze3A_3784 = vector.extract %slice3A_3783[0] : f32 from vector<1xf32>
      %mul3A_3785 = vector.broadcast %squeeze3A_3784 : f32 to vector<16xf32>
      %mul3A_3786 = arith.mulf %get3A_3782, %mul3A_3785 : vector<16xf32>
      %swap3A_3787 = arith.constant 124 : i32
      %swap3A_3788 = arith.index_cast %swap3A_3787 : i32 to index
      %swap3A_3789 = arith.constant 0 : index
      %swap3A_3790 = tpu.vector_load %arg14[%swap3A_3788, %swap3A_3789] {strides = array<i32>} : memref<128x32xf32, #tpu.memory_space<vmem>>, vector<1x16xf32>,
      %swap3A_3791 = vector.shape_cast %swap3A_3790 : vector<1x16xf32> to vector<16xf32>
      %swap3A_3792 = vector.shape_cast %mul3A_3786 : vector<16xf32> to vector<1x16xf32>
      tpu.vector_store %arg14[%swap3A_3788, %swap3A_3789], %swap3A_3792 {strides = array<i32>} : memref<128x32xf32, #tpu.memory_space<vmem>>, vector<1x16xf32>,
      %get3A_3793 = arith.constant 124 : i32
      %get3A_3794 = arith.index_cast %get3A_3793 : i32 to index
      %get3A_3795 = arith.constant 16 : index
      %get3A_3796 = tpu.vector_load %arg14[%get3A_3794, %get3A_3795] {strides = array<i32>} : memref<128x32xf32, #tpu.memory_space<vmem>>, vector<1x16xf32>,
      %get3A_3797 = vector.shape_cast %get3A_3796 : vector<1x16xf32> to vector<16xf32>
      %slice3A_3798 = vector.extract_strided_slice %get3A_3417 {offsets = [12], sizes = [1], strides = [1]} : vector<16xf32> to vector<1xf32>
      %squeeze3A_3799 = vector.extract %slice3A_3798[0] : f32 from vector<1xf32>
      %mul3A_3800 = vector.broadcast %squeeze3A_3799 : f32 to vector<16xf32>
      %mul3A_3801 = arith.mulf %get3A_3797, %mul3A_3800 : vector<16xf32>
      %swap3A_3802 = arith.constant 124 : i32
      %swap3A_3803 = arith.index_cast %swap3A_3802 : i32 to index
      %swap3A_3804 = arith.constant 16 : index
      %swap3A_3805 = tpu.vector_load %arg14[%swap3A_3803, %swap3A_3804] {strides = array<i32>} : memref<128x32xf32, #tpu.memory_space<vmem>>, vector<1x16xf32>,
      %swap3A_3806 = vector.shape_cast %swap3A_3805 : vector<1x16xf32> to vector<16xf32>
      %swap3A_3807 = vector.shape_cast %mul3A_3801 : vector<16xf32> to vector<1x16xf32>
      tpu.vector_store %arg14[%swap3A_3803, %swap3A_3804], %swap3A_3807 {strides = array<i32>} : memref<128x32xf32, #tpu.memory_space<vmem>>, vector<1x16xf32>,
      %get3A_3808 = arith.constant 125 : i32
      %get3A_3809 = arith.index_cast %get3A_3808 : i32 to index
      %get3A_3810 = arith.constant 0 : index
      %get3A_3811 = tpu.vector_load %arg14[%get3A_3809, %get3A_3810] {strides = array<i32>} : memref<128x32xf32, #tpu.memory_space<vmem>>, vector<1x16xf32>,
      %get3A_3812 = vector.shape_cast %get3A_3811 : vector<1x16xf32> to vector<16xf32>
      %slice3A_3813 = vector.extract_strided_slice %get3A_3417 {offsets = [13], sizes = [1], strides = [1]} : vector<16xf32> to vector<1xf32>
      %squeeze3A_3814 = vector.extract %slice3A_3813[0] : f32 from vector<1xf32>
      %mul3A_3815 = vector.broadcast %squeeze3A_3814 : f32 to vector<16xf32>
      %mul3A_3816 = arith.mulf %get3A_3812, %mul3A_3815 : vector<16xf32>
      %swap3A_3817 = arith.constant 125 : i32
      %swap3A_3818 = arith.index_cast %swap3A_3817 : i32 to index
      %swap3A_3819 = arith.constant 0 : index
      %swap3A_3820 = tpu.vector_load %arg14[%swap3A_3818, %swap3A_3819] {strides = array<i32>} : memref<128x32xf32, #tpu.memory_space<vmem>>, vector<1x16xf32>,
      %swap3A_3821 = vector.shape_cast %swap3A_3820 : vector<1x16xf32> to vector<16xf32>
      %swap3A_3822 = vector.shape_cast %mul3A_3816 : vector<16xf32> to vector<1x16xf32>
      tpu.vector_store %arg14[%swap3A_3818, %swap3A_3819], %swap3A_3822 {strides = array<i32>} : memref<128x32xf32, #tpu.memory_space<vmem>>, vector<1x16xf32>,
      %get3A_3823 = arith.constant 125 : i32
      %get3A_3824 = arith.index_cast %get3A_3823 : i32 to index
      %get3A_3825 = arith.constant 16 : index
      %get3A_3826 = tpu.vector_load %arg14[%get3A_3824, %get3A_3825] {strides = array<i32>} : memref<128x32xf32, #tpu.memory_space<vmem>>, vector<1x16xf32>,
      %get3A_3827 = vector.shape_cast %get3A_3826 : vector<1x16xf32> to vector<16xf32>
      %slice3A_3828 = vector.extract_strided_slice %get3A_3417 {offsets = [13], sizes = [1], strides = [1]} : vector<16xf32> to vector<1xf32>
      %squeeze3A_3829 = vector.extract %slice3A_3828[0] : f32 from vector<1xf32>
      %mul3A_3830 = vector.broadcast %squeeze3A_3829 : f32 to vector<16xf32>
      %mul3A_3831 = arith.mulf %get3A_3827, %mul3A_3830 : vector<16xf32>
      %swap3A_3832 = arith.constant 125 : i32
      %swap3A_3833 = arith.index_cast %swap3A_3832 : i32 to index
      %swap3A_3834 = arith.constant 16 : index
      %swap3A_3835 = tpu.vector_load %arg14[%swap3A_3833, %swap3A_3834] {strides = array<i32>} : memref<128x32xf32, #tpu.memory_space<vmem>>, vector<1x16xf32>,
      %swap3A_3836 = vector.shape_cast %swap3A_3835 : vector<1x16xf32> to vector<16xf32>
      %swap3A_3837 = vector.shape_cast %mul3A_3831 : vector<16xf32> to vector<1x16xf32>
      tpu.vector_store %arg14[%swap3A_3833, %swap3A_3834], %swap3A_3837 {strides = array<i32>} : memref<128x32xf32, #tpu.memory_space<vmem>>, vector<1x16xf32>,
      %get3A_3838 = arith.constant 126 : i32
      %get3A_3839 = arith.index_cast %get3A_3838 : i32 to index
      %get3A_3840 = arith.constant 0 : index
      %get3A_3841 = tpu.vector_load %arg14[%get3A_3839, %get3A_3840] {strides = array<i32>} : memref<128x32xf32, #tpu.memory_space<vmem>>, vector<1x16xf32>,
      %get3A_3842 = vector.shape_cast %get3A_3841 : vector<1x16xf32> to vector<16xf32>
      %slice3A_3843 = vector.extract_strided_slice %get3A_3417 {offsets = [14], sizes = [1], strides = [1]} : vector<16xf32> to vector<1xf32>
      %squeeze3A_3844 = vector.extract %slice3A_3843[0] : f32 from vector<1xf32>
      %mul3A_3845 = vector.broadcast %squeeze3A_3844 : f32 to vector<16xf32>
      %mul3A_3846 = arith.mulf %get3A_3842, %mul3A_3845 : vector<16xf32>
      %swap3A_3847 = arith.constant 126 : i32
      %swap3A_3848 = arith.index_cast %swap3A_3847 : i32 to index
      %swap3A_3849 = arith.constant 0 : index
      %swap3A_3850 = tpu.vector_load %arg14[%swap3A_3848, %swap3A_3849] {strides = array<i32>} : memref<128x32xf32, #tpu.memory_space<vmem>>, vector<1x16xf32>,
      %swap3A_3851 = vector.shape_cast %swap3A_3850 : vector<1x16xf32> to vector<16xf32>
      %swap3A_3852 = vector.shape_cast %mul3A_3846 : vector<16xf32> to vector<1x16xf32>
      tpu.vector_store %arg14[%swap3A_3848, %swap3A_3849], %swap3A_3852 {strides = array<i32>} : memref<128x32xf32, #tpu.memory_space<vmem>>, vector<1x16xf32>,
      %get3A_3853 = arith.constant 126 : i32
      %get3A_3854 = arith.index_cast %get3A_3853 : i32 to index
      %get3A_3855 = arith.constant 16 : index
      %get3A_3856 = tpu.vector_load %arg14[%get3A_3854, %get3A_3855] {strides = array<i32>} : memref<128x32xf32, #tpu.memory_space<vmem>>, vector<1x16xf32>,
      %get3A_3857 = vector.shape_cast %get3A_3856 : vector<1x16xf32> to vector<16xf32>
      %slice3A_3858 = vector.extract_strided_slice %get3A_3417 {offsets = [14], sizes = [1], strides = [1]} : vector<16xf32> to vector<1xf32>
      %squeeze3A_3859 = vector.extract %slice3A_3858[0] : f32 from vector<1xf32>
      %mul3A_3860 = vector.broadcast %squeeze3A_3859 : f32 to vector<16xf32>
      %mul3A_3861 = arith.mulf %get3A_3857, %mul3A_3860 : vector<16xf32>
      %swap3A_3862 = arith.constant 126 : i32
      %swap3A_3863 = arith.index_cast %swap3A_3862 : i32 to index
      %swap3A_3864 = arith.constant 16 : index
      %swap3A_3865 = tpu.vector_load %arg14[%swap3A_3863, %swap3A_3864] {strides = array<i32>} : memref<128x32xf32, #tpu.memory_space<vmem>>, vector<1x16xf32>,
      %swap3A_3866 = vector.shape_cast %swap3A_3865 : vector<1x16xf32> to vector<16xf32>
      %swap3A_3867 = vector.shape_cast %mul3A_3861 : vector<16xf32> to vector<1x16xf32>
      tpu.vector_store %arg14[%swap3A_3863, %swap3A_3864], %swap3A_3867 {strides = array<i32>} : memref<128x32xf32, #tpu.memory_space<vmem>>, vector<1x16xf32>,
      %get3A_3868 = arith.constant 127 : i32
      %get3A_3869 = arith.index_cast %get3A_3868 : i32 to index
      %get3A_3870 = arith.constant 0 : index
      %get3A_3871 = tpu.vector_load %arg14[%get3A_3869, %get3A_3870] {strides = array<i32>} : memref<128x32xf32, #tpu.memory_space<vmem>>, vector<1x16xf32>,
      %get3A_3872 = vector.shape_cast %get3A_3871 : vector<1x16xf32> to vector<16xf32>
      %slice3A_3873 = vector.extract_strided_slice %get3A_3417 {offsets = [15], sizes = [1], strides = [1]} : vector<16xf32> to vector<1xf32>
      %squeeze3A_3874 = vector.extract %slice3A_3873[0] : f32 from vector<1xf32>
      %mul3A_3875 = vector.broadcast %squeeze3A_3874 : f32 to vector<16xf32>
      %mul3A_3876 = arith.mulf %get3A_3872, %mul3A_3875 : vector<16xf32>
      %swap3A_3877 = arith.constant 127 : i32
      %swap3A_3878 = arith.index_cast %swap3A_3877 : i32 to index
      %swap3A_3879 = arith.constant 0 : index
      %swap3A_3880 = tpu.vector_load %arg14[%swap3A_3878, %swap3A_3879] {strides = array<i32>} : memref<128x32xf32, #tpu.memory_space<vmem>>, vector<1x16xf32>,
      %swap3A_3881 = vector.shape_cast %swap3A_3880 : vector<1x16xf32> to vector<16xf32>
      %swap3A_3882 = vector.shape_cast %mul3A_3876 : vector<16xf32> to vector<1x16xf32>
      tpu.vector_store %arg14[%swap3A_3878, %swap3A_3879], %swap3A_3882 {strides = array<i32>} : memref<128x32xf32, #tpu.memory_space<vmem>>, vector<1x16xf32>,
      %get3A_3883 = arith.constant 127 : i32
      %get3A_3884 = arith.index_cast %get3A_3883 : i32 to index
      %get3A_3885 = arith.constant 16 : index
      %get3A_3886 = tpu.vector_load %arg14[%get3A_3884, %get3A_3885] {strides = array<i32>} : memref<128x32xf32, #tpu.memory_space<vmem>>, vector<1x16xf32>,
      %get3A_3887 = vector.shape_cast %get3A_3886 : vector<1x16xf32> to vector<16xf32>
      %slice3A_3888 = vector.extract_strided_slice %get3A_3417 {offsets = [15], sizes = [1], strides = [1]} : vector<16xf32> to vector<1xf32>
      %squeeze3A_3889 = vector.extract %slice3A_3888[0] : f32 from vector<1xf32>
      %mul3A_3890 = vector.broadcast %squeeze3A_3889 : f32 to vector<16xf32>
      %mul3A_3891 = arith.mulf %get3A_3887, %mul3A_3890 : vector<16xf32>
      %swap3A_3892 = arith.constant 127 : i32
      %swap3A_3893 = arith.index_cast %swap3A_3892 : i32 to index
      %swap3A_3894 = arith.constant 16 : index
      %swap3A_3895 = tpu.vector_load %arg14[%swap3A_3893, %swap3A_3894] {strides = array<i32>} : memref<128x32xf32, #tpu.memory_space<vmem>>, vector<1x16xf32>,
      %swap3A_3896 = vector.shape_cast %swap3A_3895 : vector<1x16xf32> to vector<16xf32>
      %swap3A_3897 = vector.shape_cast %mul3A_3891 : vector<16xf32> to vector<1x16xf32>
      tpu.vector_store %arg14[%swap3A_3893, %swap3A_3894], %swap3A_3897 {strides = array<i32>} : memref<128x32xf32, #tpu.memory_space<vmem>>, vector<1x16xf32>,
      "tpu.region"() ({
        %run_scoped3A = tpu.sem_alloc : memref<!tpu.dma_semaphore, #tpu.memory_space<semaphore_mem>>
        %dma_start3A_3898 = arith.constant 0 : i32
        %dma_start3A_3899 = tpu.memref_slice %arg12[%scan3A_19, %dma_start3A_3898] : memref<32x128xi32, #tpu.memory_space<vmem>> -> memref<1x128xi32, #tpu.memory_space<vmem>>
        %dma_start3A_3900 = tpu.memref_squeeze %dma_start3A_3899 : memref<1x128xi32, #tpu.memory_space<vmem>> -> memref<128xi32, #tpu.memory_space<vmem>>
        %dma_start3A_3901 = arith.constant 0 : i32
        %dma_start3A_3902 = arith.constant 0 : i32
        %dma_start3A_3903 = tpu.memref_slice %arg17[%dma_start3A_3901, %dma_start3A_3902] : memref<16384x32xf32, #tpu.memory_space<vmem_shared>> -> memref<16384x32xf32, #tpu.memory_space<vmem_shared>>
        tpu.enqueue_indirect_dma source(%arg14 : memref<128x32xf32, #tpu.memory_space<vmem>>) target(%dma_start3A_3903 : memref<16384x32xf32, #tpu.memory_space<vmem_shared>>) offsets(%dma_start3A_3900 : memref<128xi32, #tpu.memory_space<vmem>>) semaphore(%run_scoped3A : memref<!tpu.dma_semaphore, #tpu.memory_space<semaphore_mem>>) {add = true}
        %dma_wait3A_3904 = arith.constant 0 : i32
        %dma_wait3A_3905 = tpu.memref_slice %arg12[%scan3A_19, %dma_wait3A_3904] : memref<32x128xi32, #tpu.memory_space<vmem>> -> memref<1x128xi32, #tpu.memory_space<vmem>>
        %dma_wait3A_3906 = tpu.memref_squeeze %dma_wait3A_3905 : memref<1x128xi32, #tpu.memory_space<vmem>> -> memref<128xi32, #tpu.memory_space<vmem>>
        %dma_wait3A_3907 = arith.constant 0 : i32
        %dma_wait3A_3908 = arith.constant 0 : i32
        %dma_wait3A_3909 = tpu.memref_slice %arg17[%dma_wait3A_3907, %dma_wait3A_3908] : memref<16384x32xf32, #tpu.memory_space<vmem_shared>> -> memref<16384x32xf32, #tpu.memory_space<vmem_shared>>
        tpu.wait_indirect_dma semaphore(%run_scoped3A : memref<!tpu.dma_semaphore, #tpu.memory_space<semaphore_mem>>) src(%arg14 : memref<128x32xf32, #tpu.memory_space<vmem>>) dst(%dma_wait3A_3909 : memref<16384x32xf32, #tpu.memory_space<vmem_shared>>)
        tpu.yield
      }) : () -> ()
    }
    %scan3A_7 = arith.constant 32 : i32
    "tpu.region"() ({
      %run_scoped3A = tpu.sem_alloc : memref<!tpu.dma_semaphore, #tpu.memory_space<semaphore_mem>>
      %dma_start3A = arith.constant 0 : i32
      %dma_start3A_19 = arith.constant 0 : i32
      %dma_start3A_20 = tpu.memref_slice %arg6[%arg0, %arg1, %dma_start3A, %dma_start3A_19] : memref<2x16x8x128xi32, #tpu.memory_space<hbm>> -> memref<1x1x8x128xi32, #tpu.memory_space<hbm>>
      %dma_start3A_21 = tpu.memref_squeeze %dma_start3A_20 : memref<1x1x8x128xi32, #tpu.memory_space<hbm>> -> memref<8x128xi32, #tpu.memory_space<hbm>>
      %dma_start3A_22 = arith.constant 0 : i32
      %dma_start3A_23 = arith.constant 0 : i32
      %dma_start3A_24 = tpu.memref_slice %arg6[%arg0, %arg1, %dma_start3A_22, %dma_start3A_23] : memref<2x16x8x128xi32, #tpu.memory_space<hbm>> -> memref<1x1x8x128xi32, #tpu.memory_space<hbm>>
      %dma_start3A_25 = tpu.memref_squeeze %dma_start3A_24 : memref<1x1x8x128xi32, #tpu.memory_space<hbm>> -> memref<8x128xi32, #tpu.memory_space<hbm>>
      tpu.enqueue_dma source(%dma_start3A_25 : memref<8x128xi32, #tpu.memory_space<hbm>>) target(%arg15 : memref<8x128xi32, #tpu.memory_space<vmem>>) target_semaphore(%run_scoped3A : memref<!tpu.dma_semaphore, #tpu.memory_space<semaphore_mem>>)
      %dma_wait3A = arith.constant 0 : i32
      %dma_wait3A_26 = arith.constant 0 : i32
      %dma_wait3A_27 = tpu.memref_slice %arg6[%arg0, %arg1, %dma_wait3A, %dma_wait3A_26] : memref<2x16x8x128xi32, #tpu.memory_space<hbm>> -> memref<1x1x8x128xi32, #tpu.memory_space<hbm>>
      %dma_wait3A_28 = tpu.memref_squeeze %dma_wait3A_27 : memref<1x1x8x128xi32, #tpu.memory_space<hbm>> -> memref<8x128xi32, #tpu.memory_space<hbm>>
      %dma_wait3A_29 = arith.constant 0 : i32
      %dma_wait3A_30 = arith.constant 0 : i32
      %dma_wait3A_31 = tpu.memref_slice %arg6[%arg0, %arg1, %dma_wait3A_29, %dma_wait3A_30] : memref<2x16x8x128xi32, #tpu.memory_space<hbm>> -> memref<1x1x8x128xi32, #tpu.memory_space<hbm>>
      %dma_wait3A_32 = tpu.memref_squeeze %dma_wait3A_31 : memref<1x1x8x128xi32, #tpu.memory_space<hbm>> -> memref<8x128xi32, #tpu.memory_space<hbm>>
      tpu.wait_dma2 semaphore(%run_scoped3A : memref<!tpu.dma_semaphore, #tpu.memory_space<semaphore_mem>>) src(%dma_wait3A_32 : memref<8x128xi32, #tpu.memory_space<hbm>>) dst(%arg15 : memref<8x128xi32, #tpu.memory_space<vmem>>)
      tpu.yield
    }) : () -> ()
    %scan3A_8 = arith.constant 0 : i32
    %scan3A_9 = arith.constant 0 : i32
    %scan3A_10 = arith.constant 8 : i32
    %scan3A_11 = arith.addi %scan3A_9, %scan3A_10 : i32
    %scan3A_12 = arith.constant 1 : i32
    scf.for %scan3A_19 = %scan3A_9 to %scan3A_11 step %scan3A_12  : i32 {
      %dma_start3A = arith.constant 0 : i32
      %dma_start3A_20 = tpu.memref_slice %arg15[%scan3A_19, %dma_start3A] : memref<8x128xi32, #tpu.memory_space<vmem>> -> memref<1x128xi32, #tpu.memory_space<vmem>>
      %dma_start3A_21 = tpu.memref_squeeze %dma_start3A_20 : memref<1x128xi32, #tpu.memory_space<vmem>> -> memref<128xi32, #tpu.memory_space<vmem>>
      %dma_start3A_22 = arith.constant 0 : i32
      %dma_start3A_23 = arith.constant 0 : i32
      %dma_start3A_24 = tpu.memref_slice %arg7[%dma_start3A_22, %dma_start3A_23] : memref<1000x32xf32, #tpu.memory_space<hbm>> -> memref<1000x32xf32, #tpu.memory_space<hbm>>
      tpu.enqueue_indirect_dma source(%dma_start3A_24 : memref<1000x32xf32, #tpu.memory_space<hbm>>) target(%arg16 : memref<128x32xf32, #tpu.memory_space<vmem>>) offsets(%dma_start3A_21 : memref<128xi32, #tpu.memory_space<vmem>>) semaphore(%arg18 : memref<!tpu.dma_semaphore, #tpu.memory_space<semaphore_mem>>)
      %dma_wait3A = arith.constant 0 : i32
      %dma_wait3A_25 = tpu.memref_slice %arg15[%scan3A_19, %dma_wait3A] : memref<8x128xi32, #tpu.memory_space<vmem>> -> memref<1x128xi32, #tpu.memory_space<vmem>>
      %dma_wait3A_26 = tpu.memref_squeeze %dma_wait3A_25 : memref<1x128xi32, #tpu.memory_space<vmem>> -> memref<128xi32, #tpu.memory_space<vmem>>
      %dma_wait3A_27 = arith.constant 0 : i32
      %dma_wait3A_28 = arith.constant 0 : i32
      %dma_wait3A_29 = tpu.memref_slice %arg7[%dma_wait3A_27, %dma_wait3A_28] : memref<1000x32xf32, #tpu.memory_space<hbm>> -> memref<1000x32xf32, #tpu.memory_space<hbm>>
      tpu.wait_indirect_dma semaphore(%arg18 : memref<!tpu.dma_semaphore, #tpu.memory_space<semaphore_mem>>) src(%dma_wait3A_29 : memref<1000x32xf32, #tpu.memory_space<hbm>>) dst(%arg16 : memref<128x32xf32, #tpu.memory_space<vmem>>)
      %mul3A_30 = arith.constant 1024 : i32
      %mul3A_31 = arith.muli %arg1, %mul3A_30 : i32
      %mul3A_32 = arith.constant 128 : i32
      %mul3A_33 = arith.muli %scan3A_19, %mul3A_32 : i32
      %add3A = arith.addi %mul3A_31, %mul3A_33 : i32
      "tpu.region"() ({
        %run_scoped3A = tpu.sem_alloc : memref<!tpu.dma_semaphore, #tpu.memory_space<semaphore_mem>>
        %dma_start3A_34 = arith.constant 0 : i32
        %dma_start3A_35 = tpu.memref_slice %arg10[%arg0, %add3A, %dma_start3A_34] : memref<2x16384x32xf32, #tpu.memory_space<hbm>> -> memref<1x128x32xf32, #tpu.memory_space<hbm>>
        %dma_start3A_36 = tpu.memref_squeeze %dma_start3A_35 : memref<1x128x32xf32, #tpu.memory_space<hbm>> -> memref<128x32xf32, #tpu.memory_space<hbm>>
        %dma_start3A_37 = arith.constant 0 : i32
        %dma_start3A_38 = tpu.memref_slice %arg10[%arg0, %add3A, %dma_start3A_37] : memref<2x16384x32xf32, #tpu.memory_space<hbm>> -> memref<1x128x32xf32, #tpu.memory_space<hbm>>
        %dma_start3A_39 = tpu.memref_squeeze %dma_start3A_38 : memref<1x128x32xf32, #tpu.memory_space<hbm>> -> memref<128x32xf32, #tpu.memory_space<hbm>>
        tpu.enqueue_dma source(%arg16 : memref<128x32xf32, #tpu.memory_space<vmem>>) target(%dma_start3A_39 : memref<128x32xf32, #tpu.memory_space<hbm>>) target_semaphore(%run_scoped3A : memref<!tpu.dma_semaphore, #tpu.memory_space<semaphore_mem>>)
        %dma_wait3A_40 = arith.constant 0 : i32
        %dma_wait3A_41 = tpu.memref_slice %arg10[%arg0, %add3A, %dma_wait3A_40] : memref<2x16384x32xf32, #tpu.memory_space<hbm>> -> memref<1x128x32xf32, #tpu.memory_space<hbm>>
        %dma_wait3A_42 = tpu.memref_squeeze %dma_wait3A_41 : memref<1x128x32xf32, #tpu.memory_space<hbm>> -> memref<128x32xf32, #tpu.memory_space<hbm>>
        %dma_wait3A_43 = arith.constant 0 : i32
        %dma_wait3A_44 = tpu.memref_slice %arg10[%arg0, %add3A, %dma_wait3A_43] : memref<2x16384x32xf32, #tpu.memory_space<hbm>> -> memref<1x128x32xf32, #tpu.memory_space<hbm>>
        %dma_wait3A_45 = tpu.memref_squeeze %dma_wait3A_44 : memref<1x128x32xf32, #tpu.memory_space<hbm>> -> memref<128x32xf32, #tpu.memory_space<hbm>>
        tpu.wait_dma2 semaphore(%run_scoped3A : memref<!tpu.dma_semaphore, #tpu.memory_space<semaphore_mem>>) src(%arg16 : memref<128x32xf32, #tpu.memory_space<vmem>>) dst(%dma_wait3A_45 : memref<128x32xf32, #tpu.memory_space<hbm>>)
        tpu.yield
      }) : () -> ()
    }
    %scan3A_13 = arith.constant 8 : i32
    %barrier3A_14 = arith.constant 0 : index
    tpu.barrier barrier_id(%barrier3A_14)
    %mul3A_15 = arith.constant 1024 : i32
    %mul3A_16 = arith.muli %arg1, %mul3A_15 : i32
    %mul3A_17 = arith.constant 1024 : i32
    %mul3A_18 = arith.muli %arg1, %mul3A_17 : i32
    "tpu.region"() ({
      %run_scoped3A = tpu.sem_alloc : memref<!tpu.dma_semaphore, #tpu.memory_space<semaphore_mem>>
      %dma_start3A = arith.constant 0 : i32
      %dma_start3A_19 = tpu.memref_slice %arg9[%arg0, %mul3A_18, %dma_start3A] : memref<2x16384x32xf32, #tpu.memory_space<hbm>> -> memref<1x1024x32xf32, #tpu.memory_space<hbm>>
      %dma_start3A_20 = tpu.memref_squeeze %dma_start3A_19 : memref<1x1024x32xf32, #tpu.memory_space<hbm>> -> memref<1024x32xf32, #tpu.memory_space<hbm>>
      %dma_start3A_21 = arith.constant 0 : i32
      %dma_start3A_22 = tpu.memref_slice %arg17[%mul3A_16, %dma_start3A_21] : memref<16384x32xf32, #tpu.memory_space<vmem_shared>> -> memref<1024x32xf32, #tpu.memory_space<vmem_shared>>
      tpu.enqueue_dma source(%dma_start3A_22 : memref<1024x32xf32, #tpu.memory_space<vmem_shared>>) target(%dma_start3A_20 : memref<1024x32xf32, #tpu.memory_space<hbm>>) target_semaphore(%run_scoped3A : memref<!tpu.dma_semaphore, #tpu.memory_space<semaphore_mem>>)
      %dma_wait3A = arith.constant 0 : i32
      %dma_wait3A_23 = tpu.memref_slice %arg9[%arg0, %mul3A_18, %dma_wait3A] : memref<2x16384x32xf32, #tpu.memory_space<hbm>> -> memref<1x1024x32xf32, #tpu.memory_space<hbm>>
      %dma_wait3A_24 = tpu.memref_squeeze %dma_wait3A_23 : memref<1x1024x32xf32, #tpu.memory_space<hbm>> -> memref<1024x32xf32, #tpu.memory_space<hbm>>
      %dma_wait3A_25 = arith.constant 0 : i32
      %dma_wait3A_26 = tpu.memref_slice %arg17[%mul3A_16, %dma_wait3A_25] : memref<16384x32xf32, #tpu.memory_space<vmem_shared>> -> memref<1024x32xf32, #tpu.memory_space<vmem_shared>>
      tpu.wait_dma2 semaphore(%run_scoped3A : memref<!tpu.dma_semaphore, #tpu.memory_space<semaphore_mem>>) src(%dma_wait3A_26 : memref<1024x32xf32, #tpu.memory_space<vmem_shared>>) dst(%dma_wait3A_24 : memref<1024x32xf32, #tpu.memory_space<hbm>>)
      tpu.yield
    }) : () -> ()
    return
  }
}

module attributes {stable_mosaic.version = 14 : i64} {
  func.func @_mlp_body(%arg0: i32, %arg1: memref<2048x32xf32, #tpu.memory_space<vmem>>, %arg2: memref<2048x32xf32, #tpu.memory_space<vmem>>, %arg3: memref<2048x32xf32, #tpu.memory_space<vmem>>, %arg4: memref<2048x32xf32, #tpu.memory_space<vmem>>, %arg5: memref<2048x1xf32, #tpu.memory_space<vmem>>, %arg6: memref<2048x1xf32, #tpu.memory_space<vmem>>, %arg7: memref<2048x1xf32, #tpu.memory_space<vmem>>, %arg8: memref<32x128xf32, #tpu.memory_space<vmem>>, %arg9: memref<32x128xf32, #tpu.memory_space<vmem>>, %arg10: memref<32x128xf32, #tpu.memory_space<vmem>>, %arg11: memref<32x128xf32, #tpu.memory_space<vmem>>, %arg12: memref<3x128xf32, #tpu.memory_space<vmem>>, %arg13: memref<1x128xf32, #tpu.memory_space<vmem>>, %arg14: memref<128x2xf32, #tpu.memory_space<vmem>>, %arg15: memref<1x2xf32, #tpu.memory_space<vmem>>, %arg16: memref<2048x2xf32, #tpu.memory_space<vmem>>) attributes {dimension_semantics = [#tpu.dimension_semantics<arbitrary>], iteration_bounds = array<i64: 8>, scalar_prefetch = 0 : i64, scratch_operands = 0 : i64, tpu.core_type = #tpu.core_type<tc>, window_params = [{transform_indices = @transform_0, window_bounds = array<i64: 2048, 32>}, {transform_indices = @transform_1, window_bounds = array<i64: 2048, 32>}, {transform_indices = @transform_2, window_bounds = array<i64: 2048, 32>}, {transform_indices = @transform_3, window_bounds = array<i64: 2048, 32>}, {transform_indices = @transform_4, window_bounds = array<i64: 2048, 1>}, {transform_indices = @transform_5, window_bounds = array<i64: 2048, 1>}, {transform_indices = @transform_6, window_bounds = array<i64: 2048, 1>}, {pipeline_mode = #tpu.pipeline_mode<synchronous>, transform_indices = @transform_7, window_bounds = array<i64: 32, 128>}, {pipeline_mode = #tpu.pipeline_mode<synchronous>, transform_indices = @transform_8, window_bounds = array<i64: 32, 128>}, {pipeline_mode = #tpu.pipeline_mode<synchronous>, transform_indices = @transform_9, window_bounds = array<i64: 32, 128>}, {pipeline_mode = #tpu.pipeline_mode<synchronous>, transform_indices = @transform_10, window_bounds = array<i64: 32, 128>}, {pipeline_mode = #tpu.pipeline_mode<synchronous>, transform_indices = @transform_11, window_bounds = array<i64: 3, 128>}, {pipeline_mode = #tpu.pipeline_mode<synchronous>, transform_indices = @transform_12, window_bounds = array<i64: 1, 128>}, {pipeline_mode = #tpu.pipeline_mode<synchronous>, transform_indices = @transform_13, window_bounds = array<i64: 128, 2>}, {pipeline_mode = #tpu.pipeline_mode<synchronous>, transform_indices = @transform_14, window_bounds = array<i64: 1, 2>}, {transform_indices = @transform_15, window_bounds = array<i64: 2048, 2>}]} {
    %get3A = arith.constant 0 : index
    %get3A_0 = arith.constant 0 : index
    %get3A_1 = vector.load %arg1[%get3A, %get3A_0] : memref<2048x32xf32, #tpu.memory_space<vmem>>, vector<2048x32xf32>
    %get3A_2 = arith.constant 0 : index
    %get3A_3 = arith.constant 0 : index
    %get3A_4 = vector.load %arg8[%get3A_2, %get3A_3] : memref<32x128xf32, #tpu.memory_space<vmem>>, vector<32x128xf32>
    %dot_general3A = arith.constant dense<0.000000e+00> : vector<2048x128xf32>
    %dot_general3A_5 = tpu.matmul %get3A_1, %get3A_4, %dot_general3A {dimension_numbers = #tpu.dot_dimension_numbers<[1], [0], [0], [1], [0, 0, 1, 1], [], []>, precision = #tpu.contract_precision<fp32>, transpose_lhs_hint = false} : vector<2048x32xf32>, vector<32x128xf32>, vector<2048x128xf32> -> vector<2048x128xf32>
    %get3A_6 = arith.constant 0 : index
    %get3A_7 = arith.constant 0 : index
    %get3A_8 = vector.load %arg2[%get3A_6, %get3A_7] : memref<2048x32xf32, #tpu.memory_space<vmem>>, vector<2048x32xf32>
    %get3A_9 = arith.constant 0 : index
    %get3A_10 = arith.constant 0 : index
    %get3A_11 = vector.load %arg9[%get3A_9, %get3A_10] : memref<32x128xf32, #tpu.memory_space<vmem>>, vector<32x128xf32>
    %dot_general3A_12 = arith.constant dense<0.000000e+00> : vector<2048x128xf32>
    %dot_general3A_13 = tpu.matmul %get3A_8, %get3A_11, %dot_general3A_12 {dimension_numbers = #tpu.dot_dimension_numbers<[1], [0], [0], [1], [0, 0, 1, 1], [], []>, precision = #tpu.contract_precision<fp32>, transpose_lhs_hint = false} : vector<2048x32xf32>, vector<32x128xf32>, vector<2048x128xf32> -> vector<2048x128xf32>
    %add3A = arith.addf %dot_general3A_5, %dot_general3A_13 : vector<2048x128xf32>
    %get3A_14 = arith.constant 0 : index
    %get3A_15 = arith.constant 0 : index
    %get3A_16 = vector.load %arg3[%get3A_14, %get3A_15] : memref<2048x32xf32, #tpu.memory_space<vmem>>, vector<2048x32xf32>
    %get3A_17 = arith.constant 0 : index
    %get3A_18 = arith.constant 0 : index
    %get3A_19 = vector.load %arg10[%get3A_17, %get3A_18] : memref<32x128xf32, #tpu.memory_space<vmem>>, vector<32x128xf32>
    %dot_general3A_20 = arith.constant dense<0.000000e+00> : vector<2048x128xf32>
    %dot_general3A_21 = tpu.matmul %get3A_16, %get3A_19, %dot_general3A_20 {dimension_numbers = #tpu.dot_dimension_numbers<[1], [0], [0], [1], [0, 0, 1, 1], [], []>, precision = #tpu.contract_precision<fp32>, transpose_lhs_hint = false} : vector<2048x32xf32>, vector<32x128xf32>, vector<2048x128xf32> -> vector<2048x128xf32>
    %add3A_22 = arith.addf %add3A, %dot_general3A_21 : vector<2048x128xf32>
    %get3A_23 = arith.constant 0 : index
    %get3A_24 = arith.constant 0 : index
    %get3A_25 = vector.load %arg4[%get3A_23, %get3A_24] : memref<2048x32xf32, #tpu.memory_space<vmem>>, vector<2048x32xf32>
    %get3A_26 = arith.constant 0 : index
    %get3A_27 = arith.constant 0 : index
    %get3A_28 = vector.load %arg11[%get3A_26, %get3A_27] : memref<32x128xf32, #tpu.memory_space<vmem>>, vector<32x128xf32>
    %dot_general3A_29 = arith.constant dense<0.000000e+00> : vector<2048x128xf32>
    %dot_general3A_30 = tpu.matmul %get3A_25, %get3A_28, %dot_general3A_29 {dimension_numbers = #tpu.dot_dimension_numbers<[1], [0], [0], [1], [0, 0, 1, 1], [], []>, precision = #tpu.contract_precision<fp32>, transpose_lhs_hint = false} : vector<2048x32xf32>, vector<32x128xf32>, vector<2048x128xf32> -> vector<2048x128xf32>
    %add3A_31 = arith.addf %add3A_22, %dot_general3A_30 : vector<2048x128xf32>
    %get3A_32 = arith.constant 0 : index
    %get3A_33 = arith.constant 0 : index
    %get3A_34 = vector.load %arg12[%get3A_32, %get3A_33] : memref<3x128xf32, #tpu.memory_space<vmem>>, vector<3x128xf32>
    %get3A_35 = arith.constant 0 : index
    %get3A_36 = arith.constant 0 : index
    %get3A_37 = vector.load %arg5[%get3A_35, %get3A_36] : memref<2048x1xf32, #tpu.memory_space<vmem>>, vector<2048x1xf32>
    %slice3A = vector.extract_strided_slice %get3A_34 {offsets = [0, 0], sizes = [1, 128], strides = [1, 1]} : vector<3x128xf32> to vector<1x128xf32>
    %mul3A = vector.broadcast %get3A_37 : vector<2048x1xf32> to vector<2048x128xf32>
    %mul3A_38 = vector.broadcast %slice3A : vector<1x128xf32> to vector<2048x128xf32>
    %mul3A_39 = arith.mulf %mul3A, %mul3A_38 : vector<2048x128xf32>
    %add3A_40 = arith.addf %add3A_31, %mul3A_39 : vector<2048x128xf32>
    %get3A_41 = arith.constant 0 : index
    %get3A_42 = arith.constant 0 : index
    %get3A_43 = vector.load %arg6[%get3A_41, %get3A_42] : memref<2048x1xf32, #tpu.memory_space<vmem>>, vector<2048x1xf32>
    %slice3A_44 = vector.extract_strided_slice %get3A_34 {offsets = [1, 0], sizes = [1, 128], strides = [1, 1]} : vector<3x128xf32> to vector<1x128xf32>
    %mul3A_45 = vector.broadcast %get3A_43 : vector<2048x1xf32> to vector<2048x128xf32>
    %mul3A_46 = vector.broadcast %slice3A_44 : vector<1x128xf32> to vector<2048x128xf32>
    %mul3A_47 = arith.mulf %mul3A_45, %mul3A_46 : vector<2048x128xf32>
    %add3A_48 = arith.addf %add3A_40, %mul3A_47 : vector<2048x128xf32>
    %get3A_49 = arith.constant 0 : index
    %get3A_50 = arith.constant 0 : index
    %get3A_51 = vector.load %arg7[%get3A_49, %get3A_50] : memref<2048x1xf32, #tpu.memory_space<vmem>>, vector<2048x1xf32>
    %slice3A_52 = vector.extract_strided_slice %get3A_34 {offsets = [2, 0], sizes = [1, 128], strides = [1, 1]} : vector<3x128xf32> to vector<1x128xf32>
    %mul3A_53 = vector.broadcast %get3A_51 : vector<2048x1xf32> to vector<2048x128xf32>
    %mul3A_54 = vector.broadcast %slice3A_52 : vector<1x128xf32> to vector<2048x128xf32>
    %mul3A_55 = arith.mulf %mul3A_53, %mul3A_54 : vector<2048x128xf32>
    %add3A_56 = arith.addf %add3A_48, %mul3A_55 : vector<2048x128xf32>
    %get3A_57 = arith.constant 0 : index
    %get3A_58 = arith.constant 0 : index
    %get3A_59 = vector.load %arg13[%get3A_57, %get3A_58] : memref<1x128xf32, #tpu.memory_space<vmem>>, vector<1x128xf32>
    %add3A_60 = vector.broadcast %get3A_59 : vector<1x128xf32> to vector<2048x128xf32>
    %add3A_61 = arith.addf %add3A_56, %add3A_60 : vector<2048x128xf32>
    %max3A = arith.constant 0.000000e+00 : f32
    %max3A_62 = vector.broadcast %max3A : f32 to vector<2048x128xf32>
    %max3A_63 = arith.maximumf %add3A_61, %max3A_62 : vector<2048x128xf32>
    %get3A_64 = arith.constant 0 : index
    %get3A_65 = arith.constant 0 : index
    %get3A_66 = vector.load %arg14[%get3A_64, %get3A_65] : memref<128x2xf32, #tpu.memory_space<vmem>>, vector<128x2xf32>
    %dot_general3A_67 = arith.constant dense<0.000000e+00> : vector<2048x2xf32>
    %dot_general3A_68 = tpu.matmul %max3A_63, %get3A_66, %dot_general3A_67 {dimension_numbers = #tpu.dot_dimension_numbers<[1], [0], [0], [1], [0, 0, 1, 1], [], []>, precision = #tpu.contract_precision<fp32>, transpose_lhs_hint = false} : vector<2048x128xf32>, vector<128x2xf32>, vector<2048x2xf32> -> vector<2048x2xf32>
    %get3A_69 = arith.constant 0 : index
    %get3A_70 = arith.constant 0 : index
    %get3A_71 = vector.load %arg15[%get3A_69, %get3A_70] : memref<1x2xf32, #tpu.memory_space<vmem>>, vector<1x2xf32>
    %add3A_72 = vector.broadcast %get3A_71 : vector<1x2xf32> to vector<2048x2xf32>
    %add3A_73 = arith.addf %dot_general3A_68, %add3A_72 : vector<2048x2xf32>
    %reduce_max3A = arith.constant dense<0xFF800000> : vector<2048xf32>
    %reduce_max3A_74 = vector.multi_reduction <maximumf>, %add3A_73, %reduce_max3A [1] : vector<2048x2xf32> to vector<2048xf32>
    %broadcast_in_dim3A = vector.shape_cast %reduce_max3A_74 : vector<2048xf32> to vector<2048x1xf32>
    %sub3A = vector.broadcast %broadcast_in_dim3A : vector<2048x1xf32> to vector<2048x2xf32>
    %sub3A_75 = arith.subf %add3A_73, %sub3A : vector<2048x2xf32>
    %exp3A = math.exp %sub3A_75 : vector<2048x2xf32>
    %reduce_sum3A = arith.constant dense<0.000000e+00> : vector<2048xf32>
    %reduce_sum3A_76 = vector.multi_reduction <add>, %exp3A, %reduce_sum3A [1] : vector<2048x2xf32> to vector<2048xf32>
    %broadcast_in_dim3A_77 = vector.shape_cast %reduce_sum3A_76 : vector<2048xf32> to vector<2048x1xf32>
    %log3A = math.log %broadcast_in_dim3A_77 : vector<2048x1xf32>
    %add3A_78 = arith.addf %broadcast_in_dim3A, %log3A : vector<2048x1xf32>
    %sub3A_79 = vector.broadcast %add3A_78 : vector<2048x1xf32> to vector<2048x2xf32>
    %sub3A_80 = arith.subf %add3A_73, %sub3A_79 : vector<2048x2xf32>
    %swap3A = arith.constant 0 : index
    %swap3A_81 = arith.constant 0 : index
    %swap3A_82 = vector.load %arg16[%swap3A, %swap3A_81] : memref<2048x2xf32, #tpu.memory_space<vmem>>, vector<2048x2xf32>
    tpu.vector_store %arg16[%swap3A, %swap3A_81], %sub3A_80 {strides = array<i32>} : memref<2048x2xf32, #tpu.memory_space<vmem>>, vector<2048x2xf32>,
    return
  }
  func.func @transform_0(%arg0: i32) -> (i32, i32) {
    %c0_i32 = arith.constant 0 : i32
    %c0_i32_0 = arith.constant 0 : i32
    return %arg0, %c0_i32 : i32, i32
  }
  func.func @transform_1(%arg0: i32) -> (i32, i32) {
    %c0_i32 = arith.constant 0 : i32
    %c0_i32_0 = arith.constant 0 : i32
    return %arg0, %c0_i32 : i32, i32
  }
  func.func @transform_2(%arg0: i32) -> (i32, i32) {
    %c0_i32 = arith.constant 0 : i32
    %c0_i32_0 = arith.constant 0 : i32
    return %arg0, %c0_i32 : i32, i32
  }
  func.func @transform_3(%arg0: i32) -> (i32, i32) {
    %c0_i32 = arith.constant 0 : i32
    %c0_i32_0 = arith.constant 0 : i32
    return %arg0, %c0_i32 : i32, i32
  }
  func.func @transform_4(%arg0: i32) -> (i32, i32) {
    %c0_i32 = arith.constant 0 : i32
    %c0_i32_0 = arith.constant 0 : i32
    return %arg0, %c0_i32 : i32, i32
  }
  func.func @transform_5(%arg0: i32) -> (i32, i32) {
    %c0_i32 = arith.constant 0 : i32
    %c0_i32_0 = arith.constant 0 : i32
    return %arg0, %c0_i32 : i32, i32
  }
  func.func @transform_6(%arg0: i32) -> (i32, i32) {
    %c0_i32 = arith.constant 0 : i32
    %c0_i32_0 = arith.constant 0 : i32
    return %arg0, %c0_i32 : i32, i32
  }
  func.func @transform_7(%arg0: i32) -> (i32, i32) {
    %c0_i32 = arith.constant 0 : i32
    %c0_i32_0 = arith.constant 0 : i32
    %c0_i32_1 = arith.constant 0 : i32
    return %c0_i32, %c0_i32_0 : i32, i32
  }
  func.func @transform_8(%arg0: i32) -> (i32, i32) {
    %c0_i32 = arith.constant 0 : i32
    %c0_i32_0 = arith.constant 0 : i32
    %c0_i32_1 = arith.constant 0 : i32
    return %c0_i32, %c0_i32_0 : i32, i32
  }
  func.func @transform_9(%arg0: i32) -> (i32, i32) {
    %c0_i32 = arith.constant 0 : i32
    %c0_i32_0 = arith.constant 0 : i32
    %c0_i32_1 = arith.constant 0 : i32
    return %c0_i32, %c0_i32_0 : i32, i32
  }
  func.func @transform_10(%arg0: i32) -> (i32, i32) {
    %c0_i32 = arith.constant 0 : i32
    %c0_i32_0 = arith.constant 0 : i32
    %c0_i32_1 = arith.constant 0 : i32
    return %c0_i32, %c0_i32_0 : i32, i32
  }
  func.func @transform_11(%arg0: i32) -> (i32, i32) {
    %c0_i32 = arith.constant 0 : i32
    %c0_i32_0 = arith.constant 0 : i32
    %c0_i32_1 = arith.constant 0 : i32
    return %c0_i32, %c0_i32_0 : i32, i32
  }
  func.func @transform_12(%arg0: i32) -> (i32, i32) {
    %c0_i32 = arith.constant 0 : i32
    %c0_i32_0 = arith.constant 0 : i32
    %c0_i32_1 = arith.constant 0 : i32
    return %c0_i32, %c0_i32_0 : i32, i32
  }
  func.func @transform_13(%arg0: i32) -> (i32, i32) {
    %c0_i32 = arith.constant 0 : i32
    %c0_i32_0 = arith.constant 0 : i32
    %c0_i32_1 = arith.constant 0 : i32
    return %c0_i32, %c0_i32_0 : i32, i32
  }
  func.func @transform_14(%arg0: i32) -> (i32, i32) {
    %c0_i32 = arith.constant 0 : i32
    %c0_i32_0 = arith.constant 0 : i32
    %c0_i32_1 = arith.constant 0 : i32
    return %c0_i32, %c0_i32_0 : i32, i32
  }
  func.func @transform_15(%arg0: i32) -> (i32, i32) {
    %c0_i32 = arith.constant 0 : i32
    %c0_i32_0 = arith.constant 0 : i32
    return %arg0, %c0_i32 : i32, i32
  }
}

</mosaic_0001>

<sc_bundles>
// kernel: kernel.4.cloned.1.call-start
scs
__scs_entry_jumppad:
0x0: {  	(pc) =	sbr.rel $0x88, $3  }
0x1: {  	(tag) =	ssettag $0x0;
	lr =	simm.s32 $0x1  }
0x2: {  	[smem:$0x3F8E] =	sst lr;
	_ =	strace $0xD0000000  }
0x3: {  	_ = 	snop  }
0x4: {  	_ = 	snop  }
0x5: {  	_ = 	snop  }
0x6: {  	_ = 	snop  }
0x7: {  	_ = 	snop  }
__scs_overlays_trampoline_lowered:
0x8: {  	[smem:$0x3F9D] =	sst s0  }
0x9: {  	[smem:$0x3F9E] =	sst s1  }
0xa: {  	[smem:$0x3F9F] =	sst s2  }
0xb: {  	[smem:$0x3FA0] =	sst s3  }
0xc: {  	[smem:$0x3FA1] =	sst s4  }
0xd: {  	[smem:$0x3FA2] =	sst s5  }
0xe: {  	[smem:$0x3FA3] =	sst s6  }
0xf: {  	[smem:$0x3FA4] =	sst s7  }
0x10: {  	[smem:$0x3FA5] =	sst s8  }
0x11: {  	[smem:$0x3FA6] =	sst s9;
	s0 =	simm.s32 @!p0 $0x0  }
0x12: {  	s1 =	sld [smem:$0x3F8C];
	s0 =	simm.s32 @p0 $0x1  }
0x13: {  	[smem:$0x3FA7] =	sst s0;
	s0 =	simm.s32 @!p1 $0x0  }
0x14: {  	s2 =	sld [smem:$0x3F8B];
	s0 =	simm.s32 @p1 $0x1  }
0x15: {  	[smem:$0x3FA8] =	sst s0;
	s0 =	simm.s32 @!p2 $0x0  }
0x16: {  	s3 =	sld [smem:$0x3FDB];
	s0 =	simm.s32 @p2 $0x1  }
0x17: {  	s4 =	simm.s32 $0x1BF5;
	[smem:$0x3FAA] =	sst s0  }
0x18: {  	s0 =	sld [smem:$0x3F8D];
	_ =	swait.ge [sflag:s4], $0x0  }
0x19: {  	s7 =	sld [smem:$0x3F8E]  }
0x1a: {  	s8 =	sadd.s32 $0xFFFFE003, lr  }
0x1b: {  	s9 =	sadd.s32 $0xFFFFFEF7, lr;
	s5 =	simm.s32 $0xFFFFFFFF;
	p2 =	slt.u32 s8, $0xFFFFF086  }
0x1c: {  	p1 =	slt.u32 s9, $0xF7A;
	s5 =	simm.s32 @!p2 $0x0  }
0x1d: {  	s5 =	simm.s32 @p1 $0x1;
	p0 =	seq.s32 s7, s2  }
0x1e: {  	s7 =	smul.u32 @!p0 $0xF7A, s2;
	p2 =	seq.s32 @!p0 s5, $0x0  }
0x1f: {  	s9 =	smul.u32 $0xF7A, s1;
	s8 =	simm.s32 @!p0 $0x1BF5;
	p2 =	por !p2, p0  }
0x20: {  	[sflag:s8] =	ssyncset.s32 @!p0 $0xFFFFF086;
	s6 =	sadd.s32 @!p0 s3, s7;
	s7 =	simm.s32 @!p0 $0x108  }
0x21: {  	s3 =	sadd.s32 s3, s9;
	s6 =	sadd.s32 @!p0 $0x88, s6;
	s7 =	simm.s32 @p2 $0x1082  }
0x22: {  	[simem:s7], [sflag:s8] =	dma.local @!p0 [hbm:s6], $0xF7A  }
0x23: {  	s9 =	sor.u32 $0xD0000000, s2;
	s6 =	simm.s32 $0x108;
	_ =	swait.ge @!p0 [sflag:s8], $0x0  }
0x24: {  	s3 =	sadd.s32 $0x88, s3;
	s6 =	simm.s32 @!p1 $0x1082;
	[sflag:s4] =	ssyncset.s32 $0xFFFFF086  }
0x25: {  	[simem:s6], [sflag:s4] =	dma.local [hbm:s3], $0xF7A  }
0x26: {  	[smem:$0x3F8E] =	sst s1;
	(tag) =	ssettag s2;
	_ =	strace s9  }
0x27: {  	s1 =	sld [smem:$0x3F9E]  }
0x28: {  	s2 =	sld [smem:$0x3F9F]  }
0x29: {  	s4 =	sld [smem:$0x3FA1]  }
0x2a: {  	p0 =	seq.s32 s5, $0x0;
	s5 =	sld [smem:$0x3FA2]  }
0x2b: {  	s6 =	sld [smem:$0x3FA3]  }
0x2c: {  	s7 =	sld [smem:$0x3FA4]  }
0x2d: {  	s3 =	simm.s32 $0x108;
	s8 =	sld [smem:$0x3FA5]  }
0x2e: {  	s3 =	simm.s32 @!p0 $0x1082;
	s9 =	sld [smem:$0x3FA6]  }
0x2f: {  	lr =	sadd.s32 s0, s3;
	s0 =	sld [smem:$0x3F9D]  }
0x30: {  	s3 =	sld [smem:$0x3FA0]  }
0x31: {  	[smem:$0x3FA9] =	sst s10  }
0x32: {  	s10 =	sld [smem:$0x3FA7];
	_ =	sdelay $0x3  }
0x33: {  	p0 =	seq.s32 s10, $0x1;
	s10 =	sld [smem:$0x3FA9];
	_ =	sdelay $0x3  }
0x34: {  	[smem:$0x3FA9] =	sst s10  }
0x35: {  	s10 =	sld [smem:$0x3FA8];
	_ =	sdelay $0x3  }
0x36: {  	p1 =	seq.s32 s10, $0x1;
	s10 =	sld [smem:$0x3FA9];
	_ =	sdelay $0x3  }
0x37: {  	[smem:$0x3FA9] =	sst s10  }
0x38: {  	s10 =	sld [smem:$0x3FAA]  }
0x39: {  	_ = 	snop;
	(pc) =	sbr.ind lr, $3  }
0x3a: {  	_ = 	snop  }
0x3b: {  	_ = 	snop  }
0x3c: {  	p2 =	seq.s32 s10, $0x1;
	s10 =	sld [smem:$0x3FA9]  }
0x3d: {  	_ =	shalt  }
0x3e: {  	_ =	shalt  }
0x3f: {  	_ =	shalt  }
0x40: {  	_ =	shalt  }
0x41: {  	_ =	shalt  }
0x42: {  	_ =	shalt  }
0x43: {  	_ =	shalt  }
0x44: {  	_ =	shalt  }
0x45: {  	_ =	shalt  }
0x46: {  	_ =	shalt  }
0x47: {  	_ =	shalt  }
0x48: {  	_ =	shalt  }
0x49: {  	_ =	shalt  }
0x4a: {  	_ =	shalt  }
0x4b: {  	_ =	shalt  }
0x4c: {  	_ =	shalt  }
0x4d: {  	_ =	shalt  }
0x4e: {  	_ =	shalt  }
0x4f: {  	_ =	shalt  }
0x50: {  	_ =	shalt  }
0x51: {  	_ =	shalt  }
0x52: {  	_ =	shalt  }
0x53: {  	_ =	shalt  }
0x54: {  	_ =	shalt  }
0x55: {  	_ =	shalt  }
0x56: {  	_ =	shalt  }
0x57: {  	_ =	shalt  }
0x58: {  	_ =	shalt  }
0x59: {  	_ =	shalt  }
0x5a: {  	_ =	shalt  }
0x5b: {  	_ =	shalt  }
0x5c: {  	_ =	shalt  }
0x5d: {  	_ =	shalt  }
0x5e: {  	_ =	shalt  }
0x5f: {  	_ =	shalt  }
0x60: {  	_ =	shalt  }
0x61: {  	_ =	shalt  }
0x62: {  	_ =	shalt  }
0x63: {  	_ =	shalt  }
0x64: {  	_ =	shalt  }
0x65: {  	_ =	shalt  }
0x66: {  	_ =	shalt  }
0x67: {  	_ =	shalt  }
0x68: {  	_ =	shalt  }
0x69: {  	_ =	shalt  }
0x6a: {  	_ =	shalt  }
0x6b: {  	_ =	shalt  }
0x6c: {  	_ =	shalt  }
0x6d: {  	_ =	shalt  }
0x6e: {  	_ =	shalt  }
0x6f: {  	_ =	shalt  }
0x70: {  	_ =	shalt  }
0x71: {  	_ =	shalt  }
0x72: {  	_ =	shalt  }
0x73: {  	_ =	shalt  }
0x74: {  	_ =	shalt  }
0x75: {  	_ =	shalt  }
0x76: {  	_ =	shalt  }
0x77: {  	_ =	shalt  }
0x78: {  	_ =	shalt  }
0x79: {  	_ =	shalt  }
0x7a: {  	_ =	shalt  }
0x7b: {  	_ =	shalt  }
0x7c: {  	_ =	shalt  }
0x7d: {  	_ =	shalt  }
0x7e: {  	_ =	shalt  }
0x7f: {  	_ =	shalt  }
0x80: {  	_ =	shalt  }
0x81: {  	_ =	shalt  }
0x82: {  	_ =	shalt  }
0x83: {  	_ =	shalt  }
0x84: {  	_ =	shalt  }
0x85: {  	_ =	shalt  }
0x86: {  	_ =	shalt  }
0x87: {  	_ =	shalt  }
.Lfunc_end0:
.L_simem_size_0:
called_computation_lowered:
.L_overlay_start_0:
0x88: {  	s2 =	sld [smem:$0x3FD9]  }
0x89: {  	s3 =	sld [smem:$0x3FFE];
	_ =	sdelay $0x1  }
0x8a: {  	s1 =	srdreg.scid  }
0x8b: {  	s0 =	sand.u32 $0x1, s1  }
0x8c: {  	s17 =	sshll.u32 s0, $0xA;
	s2 =	sadd.s32 s3, s2  }
0x8d: {  	s2 =	sadd.s32 s2, s17  }
0x8e: {  	[smem:$0x3FB5] =	sst s2  }
0x8f: {  	_ = 	snop  }
0x90: {  	s2 =	sld [smem:$0x3FD0];
	(tm) =	ssettm $0x1  }
0x91: {  	s18 =	sld [smem:$0x3FFB];
	_ =	sdelay $0x3  }
0x92: {  	_ =	strace s18  }
0x93: {  	s3 =	sld [smem:$0x3FFC];
	_ =	sdelay $0x3  }
0x94: {  	_ =	strace s3  }
0x95: {  	s3 =	sld [smem:$0x3FFD];
	_ =	sdelay $0x3  }
0x96: {  	_ =	strace s3  }
0x97: {  	_ =	strace $0x8FFFFFFF  }
0x98: {  	s19 =	sld [smem:$0x3FDB];
	_ =	sdelay $0x1  }
0x99: {  	s4 =	simm.s32 $_scs_section_size  }
0x9a: {  	s5 =	simm.s32 $_size__tile_overlayer_lowered;
	s6 =	simm.s32 $_tile_overlayer_lowered  }
0x9b: {  	s22 =	simm.s32 $0x1BFF;
	s21 =	sshll.u32 s6, $0x1;
	s3 =	sadd.s32 s4, s19  }
0x9c: {  	s7 =	simm.s32 $0x0;
	s20 =	sshll.u32 s5, $0x1;
	s5 =	sadd.s32 s21, s3  }
0x9d: {  	[timem:s7], [sflag:s22] =	dma.local [hbm:s5], s20  }
0x9e: {  	_ =	swait.ge [sflag:s22], s20  }
0x9f: {  	s4 =	ssub.s32 $0x0, s20;
	[sflag:s22] =	ssyncset.done $0x0  }
0xa0: {  	[sflag:s22] =	ssyncadd.s32 s4;
	_ =	sdelay $0x1  }
0xa1: {  	s23 =	simm.s32 $0x1B8B  }
0xa2: {  	_ =	swait.ge [sflag:s23], $0x1  }
0xa3: {  	[sflag:s23] =	ssyncset.done $0x0  }
0xa4: {  	s25 =	simm.s32 $0x1B8E;
	s24 =	sld [smem:$0x3FFE];
	[sflag:s23] =	ssyncadd.s32 $0xFFFFFFFF  }
0xa5: {  	s26 =	simm.s32 $execute0_lowered;
	[smem:$0x3FD2] =	sst s25  }
0xa6: {  	s5 =	sshll.u32 s26, $0x1;
	_ =	strace $0x80000046;
	[dreg:$0x1] =	wrdreg $0xFFFFFFFF  }
0xa7: {  	s28 =	simm.s32 $_size_execute0_lowered;
	s3 =	sadd.s32 s3, s5;
	[dreg:$0x0] =	wrdreg $0x0  }
0xa8: {  	s5 =	sshll.u32 s28, $0x1;
	[dreg:$0x2] =	wrdreg s3  }
0xa9: {  	[dreg:$0x3] =	wrdreg s5  }
0xaa: {  	[dreg:$0x4] =	wrdreg $0xC0  }
0xab: {  	_ =	task [dreg:s7], $0x5FFFF  }
0xac: {  	[dreg:$0x1] =	wrdreg $0xFFFFFFFF  }
0xad: {  	[dreg:$0x0] =	wrdreg $0x60  }
0xae: {  	[dreg:$0x2] =	wrdreg s24  }
0xaf: {  	[dreg:$0x3] =	wrdreg s2  }
0xb0: {  	[dreg:$0x4] =	wrdreg $0x54000  }
0xb1: {  	[dreg:$0x5] =	wrdreg $0x9  }
0xb2: {  	_ =	task.clear_ibuf [dreg:s7], $0x6FFFF;
	_ =	strace $0x90000046  }
0xb3: {  	s29 =	simm.s32 $0x9;
	_ =	strace $0x80000048  }
0xb4: {  	_ =	swait.ge [sflag:s29], $0x1  }
0xb5: {  	[sflag:s29] =	ssyncadd.s32 $0xFFFFFFFF  }
0xb6: {  	_ =	strace $0x90000048  }
0xb7: {  	_ =	sfence  }
0xb8: {  	s30 =	sld [smem:$0x0];
	_ =	sdelay $0x2  }
0xb9: {  	s31 =	sshll.u32 s1, $0xD;
	s1 =	sshrl.u32 s1, $0x2  }
0xba: {  	s3 =	sand.u32 $0x4000, s31;
	s1 =	sadd.s32 s1, s30  }
0xbb: {  	s0 =	sor.u32 s3, s0;
	s1 =	sshll.u32 s1, $0x11  }
0xbc: {  	s0 =	sor.u32 s1, s0  }
0xbd: {  	s0 =	sadd.s32 $0x8F2B, s0  }
0xbe: {  	[sflag:s0] =	ssyncadd.remote.s32 $0x1  }
0xbf: {  	_ =	sfence.sel $0xFFFF  }
0xc0: {  	[dreg:$0x0] =	wrdreg $0xFFFFFFFF;
	(pc) =	sbr.abs _section_cstart, $3  }
0xc1: {  	[dreg:$0x1] =	wrdreg $0xFFFFFFFF  }
0xc2: {  	_ =	task.clear_ibuf [dreg:s7], $0x2FFFF;
	_ =	strace $0x9FFFFFFF  }
0xc3: {  	(tm) =	ssettm $0x7FFFFFFF  }
tec
execute0_lowered:
.L_overlay_start_1:
0x0: {  	(tag) =	ssettag $0x1  }
0x1: {  	s0 =	rddreg [dreg:$0x0]  }
0x2: {  	s1 =	rddreg [dreg:$0x1]  }
0x3: {  	s2 =	rddreg [dreg:$0x2];
	s4 =	srdreg.scid;
	s3 =	simm.s32 $0x0  }
0x4: {  	s11 =	stileid.u32;
	s28 =	simm.s32 $0x3000;
	s29 =	simm.s32 $0x1  }
0x5: {  	s30 =	simm.s32 $0x4000;
	s31 =	simm.s32 $0x4400;
	s7 =	sand.u32 $0x1, s4  }
0x6: {  	[smem:$0x7FF] =	sst s3;
	s5 =	sshll.u32 s11, $0x9;
	s6 =	sshll.u32 s11, $0xF  }
0x7: {  	s24 =	sshll.u32 s11, $0x7;
	s25 =	sshll.u32 s11, $0x6;
	s4 =	sshll.u32 s7, $0xD  }
0x8: {  	s22 =	sshll.u32 s7, $0x13;
	_ =	strace $0x80000047;
	s9 =	ssub.s32 $0x2, s7  }
0x9: {  	s26 =	sshll.u32 s7, $0xB;
	s7 =	sor.u32 $0x1C02, s25;
	s25 =	simm.s32 $0x0  }
0xa: {  	s4 =	sor.u32 s5, s4;
	s5 =	sor.u32 s6, s22;
	s23 =	sshrl.u32 s9, $0x1  }
0xb: {  	s22 =	sadd.s32 s6, s2;
	s11 =	sor.u32 s24, s26;
	s26 =	simm.s32 $0x80  }
0xc: {  	s24 =	simm.s32 $0x4380;
	s10 =	sadd.s32 s4, s0;
	s4 =	sadd.s32 $0x23200, s0  }
0xd: {  	s8 =	sshrl.u32 s5, $0x3;
	s5 =	sadd.s32 $0x189C00, s0;
	s13 =	ssub.s32 s9, s23  }
0xe: {  	s11 =	sadd.s32 s1, s11;
	s22 =	sshrl.u32 s22, $0x3;
	s23 =	simm.s32 $0x2  }
0xf: {  	s0 =	sadd.s32 s8, s0;
	s8 =	sadd.s32 $0x2C200, s10;
	s9 =	sadd.s32 $0x28200, s10  }
0x10: {  	s10 =	sadd.s32 $0x24200, s10;
	s13 =	smax.u32 s13, $0x1;
	s6 =	sadd.s32 $0x3200, s0  }
0x11: {  	s12 =	sadd.s32 $0x30200, s0;
	s14 =	sadd.s32 $0x50200, s0;
	s15 =	sadd.s32 $0x50400, s0  }
0x12: {  	s16 =	sadd.s32 $0x50600, s0;
	s17 =	sadd.s32 $0x50800, s0;
	s18 =	sadd.s32 $0x50A00, s0  }
0x13: {  	s19 =	sadd.s32 $0x50C00, s0;
	s20 =	sadd.s32 $0x50E00, s0;
	s21 =	sadd.s32 $0x51000, s0  }
.LBB2_1:
0x14: {  	[spmem:s22], [sflag:s7] =	dma.local [hbm:s6], $0x1000  }
0x15: {  	_ =	swait.ge [sflag:s23], $0x1000  }
0x16: {  	[sflag:s23] =	ssyncset.done $0x0  }
0x17: {  	[sflag:s23] =	ssyncadd.s32 $0xFFFFF000  }
0x18: {  	[tilespmem:s3], [sflag:$0x2] =	stream.linear.gather [hbm4b:s8+s3], $0x1000, $0x38;
	[tilespmem:$0xD400] =	vst v63  }
0x19: {  	_ =	swait.ge [sflag:s23], $0x1000  }
0x1a: {  	[sflag:s23] =	ssyncset.done $0x0  }
0x1b: {  	s0 =	simm.s32 $0x1000;
	[sflag:s23] =	ssyncadd.s32 $0xFFFFF000  }
0x1c: {  	[tilespmem:s0], [sflag:$0x2] =	stream.linear.gather [hbm4b:s9+s3], $0x1000, $0x38;
	[tilespmem:$0xD400] =	vst v63  }
0x1d: {  	_ =	swait.ge [sflag:s23], $0x1000  }
0x1e: {  	[sflag:s23] =	ssyncset.done $0x0  }
0x1f: {  	s1 =	simm.s32 $0x2000;
	[sflag:s23] =	ssyncadd.s32 $0xFFFFF000  }
0x20: {  	[tilespmem:s1], [sflag:$0x2] =	stream.linear.gather [hbm4b:s10+s3], $0x1000, $0x38;
	[tilespmem:$0xD400] =	vst v63  }
0x21: {  	_ =	swait.ge [sflag:s23], $0x1000  }
0x22: {  	[sflag:s23] =	ssyncset.done $0x0  }
0x23: {  	[sflag:s23] =	ssyncadd.s32 $0xFFFFF000  }
0x24: {  	s0 =	simm.s32 $0x0;
	[bflag:$0x0] =	sbarrier.arrive $0xFFFF  }
.LBB2_2:
0x25: {  	s1 =	sshra.s32 s0, $0x2  }
0x26: {  	[tilespmem:s28], [sflag:$0x1] =	stream.indirect.gather [hbm4b:s5+s26], $0x20, s1, s26, $0xb8;
	[tilespmem:$0xD400] =	vst v63  }
0x27: {  	_ =	swait.ge [sflag:s29], $0x1000  }
0x28: {  	[sflag:s29] =	ssyncset.done $0x0  }
0x29: {  	[sflag:s29] =	ssyncadd.s32 $0xFFFFF000  }
0x2a: {  	v0 =	vld [tilespmem:s1+$0x2000];
	_ =	sdelay $0x1  }
0x2b: {  	v1 =	vld [tilespmem:$0x3000]  }
0x2c: {  	v2 =	vld [tilespmem:$0x3010]  }
0x2d: {  	v3 =	vld [tilespmem:$0x3020]  }
0x2e: {  	v5 =	vld [tilespmem:$0x3030];
	v4 =	vbroadcast v0, $0x0  }
0x2f: {  	v6 =	vld [tilespmem:$0x3040]  }
0x30: {  	v8 =	vld [tilespmem:$0x3050];
	v7 =	vbroadcast v0, $0x1;
	v1 =	vmul.f32 v4, v1  }
0x31: {  	v40 =	vld [tilespmem:$0x3060];
	v2 =	vmul.f32 v2, v4  }
0x32: {  	v9 =	vld [tilespmem:$0x3070];
	v42 =	vbroadcast v0, $0x2;
	v41 =	vmul.f32 v3, v7;
	[tilespmem:$0x3000] =	vst v1  }
0x33: {  	v44 =	vld [tilespmem:$0x3080];
	v43 =	vmul.f32 v5, v7;
	[tilespmem:$0x3010] =	vst v2  }
0x34: {  	v47 =	vld [tilespmem:$0x3090];
	v46 =	vbroadcast v0, $0x3;
	v45 =	vmul.f32 v6, v42;
	[tilespmem:$0x3020] =	vst v41  }
0x35: {  	v49 =	vld [tilespmem:$0x30A0];
	v48 =	vmul.f32 v8, v42;
	[tilespmem:$0x3030] =	vst v43  }
0x36: {  	v51 =	vbroadcast v0, $0x4;
	v50 =	vmul.f32 v40, v46;
	[tilespmem:$0x3040] =	vst v45  }
0x37: {  	v52 =	vmul.f32 v9, v46;
	[tilespmem:$0x3050] =	vst v48  }
0x38: {  	v54 =	vbroadcast v0, $0x5;
	v53 =	vmul.f32 v44, v51;
	[tilespmem:$0x3060] =	vst v50  }
0x39: {  	v55 =	vmul.f32 v47, v51;
	[tilespmem:$0x3070] =	vst v52  }
0x3a: {  	v56 =	vmul.f32 v49, v54;
	[tilespmem:$0x3080] =	vst v53  }
0x3b: {  	[tilespmem:$0x3090] =	vst v55  }
0x3c: {  	[tilespmem:$0x30A0] =	vst v56  }
0x3d: {  	v1 =	vld [tilespmem:$0x30B0]  }
0x3e: {  	v57 =	vld [tilespmem:$0x30C0]  }
0x3f: {  	v58 =	vld [tilespmem:$0x30D0]  }
0x40: {  	v59 =	vld [tilespmem:$0x30E0]  }
0x41: {  	v60 =	vbroadcast v0, $0x6;
	v61 =	vld [tilespmem:$0x30F0]  }
0x42: {  	v62 =	vld [tilespmem:$0x3100];
	v1 =	vmul.f32 v1, v54  }
0x43: {  	v63 =	vbroadcast v0, $0x7;
	v12 =	vld [tilespmem:$0x3110];
	v2 =	vmul.f32 v57, v60  }
0x44: {  	v14 =	vld [tilespmem:$0x3120];
	v13 =	vmul.f32 v58, v60;
	[tilespmem:$0x30B0] =	vst v1  }
0x45: {  	v16 =	vbroadcast v0, $0x8;
	v17 =	vld [tilespmem:$0x3130];
	v15 =	vmul.f32 v59, v63;
	[tilespmem:$0x30C0] =	vst v2  }
0x46: {  	v19 =	vld [tilespmem:$0x3140];
	v18 =	vmul.f32 v61, v63;
	[tilespmem:$0x30D0] =	vst v13  }
0x47: {  	v21 =	vbroadcast v0, $0x9;
	v22 =	vld [tilespmem:$0x3150];
	v20 =	vmul.f32 v62, v16;
	[tilespmem:$0x30E0] =	vst v15  }
0x48: {  	v24 =	vld [tilespmem:$0x3160];
	v23 =	vmul.f32 v12, v16;
	[tilespmem:$0x30F0] =	vst v18  }
0x49: {  	v26 =	vbroadcast v0, $0xA;
	v27 =	vld [tilespmem:$0x3170];
	v25 =	vmul.f32 v14, v21;
	[tilespmem:$0x3100] =	vst v20  }
0x4a: {  	v29 =	vld [tilespmem:$0x3180];
	v28 =	vmul.f32 v17, v21;
	[tilespmem:$0x3110] =	vst v23  }
0x4b: {  	v31 =	vbroadcast v0, $0xB;
	v32 =	vld [tilespmem:$0x3190];
	v30 =	vmul.f32 v19, v26;
	[tilespmem:$0x3120] =	vst v25  }
0x4c: {  	v34 =	vld [tilespmem:$0x31A0];
	v33 =	vmul.f32 v22, v26;
	[tilespmem:$0x3130] =	vst v28  }
0x4d: {  	v36 =	vbroadcast v0, $0xC;
	v37 =	vld [tilespmem:$0x31B0];
	v35 =	vmul.f32 v24, v31;
	[tilespmem:$0x3140] =	vst v30  }
0x4e: {  	v39 =	vld [tilespmem:$0x31C0];
	v38 =	vmul.f32 v27, v31;
	[tilespmem:$0x3150] =	vst v33  }
0x4f: {  	v41 =	vbroadcast v0, $0xD;
	v42 =	vld [tilespmem:$0x31D0];
	v40 =	vmul.f32 v29, v36;
	[tilespmem:$0x3160] =	vst v35  }
0x50: {  	v44 =	vld [tilespmem:$0x31E0];
	v43 =	vmul.f32 v32, v36;
	[tilespmem:$0x3170] =	vst v38  }
0x51: {  	v46 =	vbroadcast v0, $0xE;
	v47 =	vld [tilespmem:$0x31F0];
	v45 =	vmul.f32 v34, v41;
	[tilespmem:$0x3180] =	vst v40  }
0x52: {  	v48 =	vmul.f32 v37, v41;
	[tilespmem:$0x3190] =	vst v43  }
0x53: {  	v0 =	vbroadcast v0, $0xF;
	v49 =	vmul.f32 v39, v46;
	[tilespmem:$0x31A0] =	vst v45  }
0x54: {  	v50 =	vmul.f32 v42, v46;
	[tilespmem:$0x31B0] =	vst v48  }
0x55: {  	v51 =	vmul.f32 v44, v0;
	[tilespmem:$0x31C0] =	vst v49  }
0x56: {  	v0 =	vmul.f32 v47, v0;
	[tilespmem:$0x31D0] =	vst v50  }
0x57: {  	[tilespmem:$0x31E0] =	vst v51  }
0x58: {  	[tilespmem:$0x31F0] =	vst v0  }
0x59: {  	v0 =	vld [tilespmem:s1+$0x2010];
	_ =	sdelay $0x1  }
0x5a: {  	v52 =	vld [tilespmem:$0x3200]  }
0x5b: {  	v53 =	vld [tilespmem:$0x3210]  }
0x5c: {  	v54 =	vld [tilespmem:$0x3220]  }
0x5d: {  	v56 =	vld [tilespmem:$0x3230];
	v55 =	vbroadcast v0, $0x0  }
0x5e: {  	v57 =	vld [tilespmem:$0x3240]  }
0x5f: {  	v59 =	vld [tilespmem:$0x3250];
	v58 =	vbroadcast v0, $0x1;
	v1 =	vmul.f32 v55, v52  }
0x60: {  	v60 =	vld [tilespmem:$0x3260];
	v2 =	vmul.f32 v53, v55  }
0x61: {  	v63 =	vld [tilespmem:$0x3270];
	v62 =	vbroadcast v0, $0x2;
	v61 =	vmul.f32 v54, v58;
	[tilespmem:$0x3200] =	vst v1  }
0x62: {  	v13 =	vld [tilespmem:$0x3280];
	v12 =	vmul.f32 v56, v58;
	[tilespmem:$0x3210] =	vst v2  }
0x63: {  	v16 =	vld [tilespmem:$0x3290];
	v15 =	vbroadcast v0, $0x3;
	v14 =	vmul.f32 v57, v62;
	[tilespmem:$0x3220] =	vst v61  }
0x64: {  	v18 =	vld [tilespmem:$0x32A0];
	v17 =	vmul.f32 v59, v62;
	[tilespmem:$0x3230] =	vst v12  }
0x65: {  	v21 =	vld [tilespmem:$0x32B0];
	v20 =	vbroadcast v0, $0x4;
	v19 =	vmul.f32 v60, v15;
	[tilespmem:$0x3240] =	vst v14  }
0x66: {  	v23 =	vld [tilespmem:$0x32C0];
	v22 =	vmul.f32 v63, v15;
	[tilespmem:$0x3250] =	vst v17  }
0x67: {  	v26 =	vld [tilespmem:$0x32D0];
	v25 =	vbroadcast v0, $0x5;
	v24 =	vmul.f32 v13, v20;
	[tilespmem:$0x3260] =	vst v19  }
0x68: {  	v28 =	vld [tilespmem:$0x32E0];
	v27 =	vmul.f32 v16, v20;
	[tilespmem:$0x3270] =	vst v22  }
0x69: {  	v31 =	vld [tilespmem:$0x32F0];
	v30 =	vbroadcast v0, $0x6;
	v29 =	vmul.f32 v18, v25;
	[tilespmem:$0x3280] =	vst v24  }
0x6a: {  	v33 =	vld [tilespmem:$0x3300];
	v32 =	vmul.f32 v21, v25;
	[tilespmem:$0x3290] =	vst v27  }
0x6b: {  	v36 =	vld [tilespmem:$0x3310];
	v35 =	vbroadcast v0, $0x7;
	v34 =	vmul.f32 v23, v30;
	[tilespmem:$0x32A0] =	vst v29  }
0x6c: {  	v38 =	vld [tilespmem:$0x3320];
	v37 =	vmul.f32 v26, v30;
	[tilespmem:$0x32B0] =	vst v32  }
0x6d: {  	v41 =	vld [tilespmem:$0x3330];
	v40 =	vbroadcast v0, $0x8;
	v39 =	vmul.f32 v28, v35;
	[tilespmem:$0x32C0] =	vst v34  }
0x6e: {  	v43 =	vld [tilespmem:$0x3340];
	v42 =	vmul.f32 v31, v35;
	[tilespmem:$0x32D0] =	vst v37  }
0x6f: {  	v46 =	vld [tilespmem:$0x3350];
	v45 =	vbroadcast v0, $0x9;
	v44 =	vmul.f32 v33, v40;
	[tilespmem:$0x32E0] =	vst v39  }
0x70: {  	v48 =	vld [tilespmem:$0x3360];
	v47 =	vmul.f32 v36, v40;
	[tilespmem:$0x32F0] =	vst v42  }
0x71: {  	v51 =	vld [tilespmem:$0x3370];
	v50 =	vbroadcast v0, $0xA;
	v49 =	vmul.f32 v38, v45;
	[tilespmem:$0x3300] =	vst v44  }
0x72: {  	v52 =	vmul.f32 v41, v45;
	v53 =	vld [tilespmem:$0x3380];
	[tilespmem:$0x3310] =	vst v47  }
0x73: {  	v54 =	vmul.f32 v43, v50;
	v55 =	vbroadcast v0, $0xB;
	v56 =	vld [tilespmem:$0x3390];
	[tilespmem:$0x3320] =	vst v49  }
0x74: {  	v57 =	vmul.f32 v46, v50;
	v58 =	vld [tilespmem:$0x33A0];
	[tilespmem:$0x3330] =	vst v52  }
0x75: {  	v60 =	vbroadcast v0, $0xC;
	v63 =	vld [tilespmem:$0x33C0];
	[tilespmem:$0x3340] =	vst v54;
	v59 =	vmul.f32 v48, v55  }
0x76: {  	v16 =	vld [tilespmem:$0x33E0];
	[tilespmem:$0x3350] =	vst v57;
	v62 =	vmul.f32 v51, v55  }
0x77: {  	v13 =	vbroadcast v0, $0xD;
	v61 =	vld [tilespmem:$0x33B0];
	[tilespmem:$0x3360] =	vst v59;
	v12 =	vmul.f32 v53, v60  }
0x78: {  	v18 =	vbroadcast v0, $0xE;
	v14 =	vld [tilespmem:$0x33D0];
	[tilespmem:$0x3370] =	vst v62;
	v15 =	vmul.f32 v56, v60  }
0x79: {  	v0 =	vbroadcast v0, $0xF;
	v19 =	vld [tilespmem:$0x33F0];
	v17 =	vmul.f32 v58, v13;
	[tilespmem:$0x3380] =	vst v12  }
0x7a: {  	v21 =	vmul.f32 v63, v18;
	[tilespmem:$0x3390] =	vst v15  }
0x7b: {  	v23 =	vmul.f32 v16, v0;
	[tilespmem:$0x33A0] =	vst v17  }
0x7c: {  	v20 =	vmul.f32 v61, v13;
	[tilespmem:$0x33C0] =	vst v21  }
0x7d: {  	v22 =	vmul.f32 v14, v18;
	[tilespmem:$0x33E0] =	vst v23  }
0x7e: {  	v0 =	vmul.f32 v19, v0;
	[tilespmem:$0x33B0] =	vst v20  }
0x7f: {  	[tilespmem:$0x33D0] =	vst v22  }
0x80: {  	[tilespmem:$0x33F0] =	vst v0  }
0x81: {  	v0 =	vld [tilespmem:s1+$0x2020];
	_ =	sdelay $0x1  }
0x82: {  	v24 =	vld [tilespmem:$0x3400]  }
0x83: {  	v25 =	vld [tilespmem:$0x3410]  }
0x84: {  	v26 =	vld [tilespmem:$0x3420]  }
0x85: {  	v28 =	vld [tilespmem:$0x3430];
	v27 =	vbroadcast v0, $0x0  }
0x86: {  	v29 =	vld [tilespmem:$0x3440]  }
0x87: {  	v31 =	vld [tilespmem:$0x3450];
	v30 =	vbroadcast v0, $0x1;
	v1 =	vmul.f32 v27, v24  }
0x88: {  	v32 =	vld [tilespmem:$0x3460];
	v2 =	vmul.f32 v25, v27  }
0x89: {  	v35 =	vld [tilespmem:$0x3470];
	v34 =	vbroadcast v0, $0x2;
	v33 =	vmul.f32 v26, v30;
	[tilespmem:$0x3400] =	vst v1  }
0x8a: {  	v37 =	vld [tilespmem:$0x3480];
	v36 =	vmul.f32 v28, v30;
	[tilespmem:$0x3410] =	vst v2  }
0x8b: {  	v40 =	vld [tilespmem:$0x3490];
	v39 =	vbroadcast v0, $0x3;
	v38 =	vmul.f32 v29, v34;
	[tilespmem:$0x3420] =	vst v33  }
0x8c: {  	v42 =	vld [tilespmem:$0x34A0];
	v41 =	vmul.f32 v31, v34;
	[tilespmem:$0x3430] =	vst v36  }
0x8d: {  	v45 =	vld [tilespmem:$0x34B0];
	v44 =	vbroadcast v0, $0x4;
	v43 =	vmul.f32 v32, v39;
	[tilespmem:$0x3440] =	vst v38  }
0x8e: {  	v47 =	vld [tilespmem:$0x34C0];
	v46 =	vmul.f32 v35, v39;
	[tilespmem:$0x3450] =	vst v41  }
0x8f: {  	v50 =	vld [tilespmem:$0x34D0];
	v49 =	vbroadcast v0, $0x5;
	v48 =	vmul.f32 v37, v44;
	[tilespmem:$0x3460] =	vst v43  }
0x90: {  	v52 =	vld [tilespmem:$0x34E0];
	v51 =	vmul.f32 v40, v44;
	[tilespmem:$0x3470] =	vst v46  }
0x91: {  	v55 =	vld [tilespmem:$0x34F0];
	v54 =	vbroadcast v0, $0x6;
	v53 =	vmul.f32 v42, v49;
	[tilespmem:$0x3480] =	vst v48  }
0x92: {  	v57 =	vld [tilespmem:$0x3500];
	v56 =	vmul.f32 v45, v49;
	[tilespmem:$0x3490] =	vst v51  }
0x93: {  	v60 =	vld [tilespmem:$0x3510];
	v59 =	vbroadcast v0, $0x7;
	v58 =	vmul.f32 v47, v54;
	[tilespmem:$0x34A0] =	vst v53  }
0x94: {  	v62 =	vld [tilespmem:$0x3520];
	v61 =	vmul.f32 v50, v54;
	[tilespmem:$0x34B0] =	vst v56  }
0x95: {  	v13 =	vld [tilespmem:$0x3530];
	v12 =	vbroadcast v0, $0x8;
	v63 =	vmul.f32 v52, v59;
	[tilespmem:$0x34C0] =	vst v58  }
0x96: {  	v15 =	vld [tilespmem:$0x3540];
	v14 =	vmul.f32 v55, v59;
	[tilespmem:$0x34D0] =	vst v61  }
0x97: {  	v18 =	vld [tilespmem:$0x3550];
	v17 =	vbroadcast v0, $0x9;
	v16 =	vmul.f32 v57, v12;
	[tilespmem:$0x34E0] =	vst v63  }
0x98: {  	v20 =	vld [tilespmem:$0x3560];
	v19 =	vmul.f32 v60, v12;
	[tilespmem:$0x34F0] =	vst v14  }
0x99: {  	v23 =	vld [tilespmem:$0x3570];
	v22 =	vbroadcast v0, $0xA;
	v21 =	vmul.f32 v62, v17;
	[tilespmem:$0x3500] =	vst v16  }
0x9a: {  	v24 =	vmul.f32 v13, v17;
	v25 =	vld [tilespmem:$0x3580];
	[tilespmem:$0x3510] =	vst v19  }
0x9b: {  	v26 =	vmul.f32 v15, v22;
	v27 =	vbroadcast v0, $0xB;
	v28 =	vld [tilespmem:$0x3590];
	[tilespmem:$0x3520] =	vst v21  }
0x9c: {  	v29 =	vmul.f32 v18, v22;
	v30 =	vld [tilespmem:$0x35A0];
	[tilespmem:$0x3530] =	vst v24  }
0x9d: {  	v32 =	vbroadcast v0, $0xC;
	v35 =	vld [tilespmem:$0x35C0];
	[tilespmem:$0x3540] =	vst v26;
	v31 =	vmul.f32 v20, v27  }
0x9e: {  	v40 =	vld [tilespmem:$0x35E0];
	[tilespmem:$0x3550] =	vst v29;
	v34 =	vmul.f32 v23, v27  }
0x9f: {  	v37 =	vbroadcast v0, $0xD;
	v33 =	vld [tilespmem:$0x35B0];
	[tilespmem:$0x3560] =	vst v31;
	v36 =	vmul.f32 v25, v32  }
0xa0: {  	v42 =	vbroadcast v0, $0xE;
	v38 =	vld [tilespmem:$0x35D0];
	[tilespmem:$0x3570] =	vst v34;
	v39 =	vmul.f32 v28, v32  }
0xa1: {  	v0 =	vbroadcast v0, $0xF;
	v43 =	vld [tilespmem:$0x35F0];
	v41 =	vmul.f32 v30, v37;
	[tilespmem:$0x3580] =	vst v36  }
0xa2: {  	v45 =	vmul.f32 v35, v42;
	[tilespmem:$0x3590] =	vst v39  }
0xa3: {  	v47 =	vmul.f32 v40, v0;
	[tilespmem:$0x35A0] =	vst v41  }
0xa4: {  	v44 =	vmul.f32 v33, v37;
	[tilespmem:$0x35C0] =	vst v45  }
0xa5: {  	v46 =	vmul.f32 v38, v42;
	[tilespmem:$0x35E0] =	vst v47  }
0xa6: {  	v0 =	vmul.f32 v43, v0;
	[tilespmem:$0x35B0] =	vst v44  }
0xa7: {  	[tilespmem:$0x35D0] =	vst v46  }
0xa8: {  	[tilespmem:$0x35F0] =	vst v0  }
0xa9: {  	v0 =	vld [tilespmem:s1+$0x2030];
	_ =	sdelay $0x1  }
0xaa: {  	v48 =	vld [tilespmem:$0x3600]  }
0xab: {  	v49 =	vld [tilespmem:$0x3610]  }
0xac: {  	v50 =	vld [tilespmem:$0x3620]  }
0xad: {  	v52 =	vld [tilespmem:$0x3630];
	v51 =	vbroadcast v0, $0x0  }
0xae: {  	v53 =	vld [tilespmem:$0x3640]  }
0xaf: {  	v55 =	vld [tilespmem:$0x3650];
	v54 =	vbroadcast v0, $0x1;
	v1 =	vmul.f32 v51, v48  }
0xb0: {  	v56 =	vld [tilespmem:$0x3660];
	v2 =	vmul.f32 v49, v51  }
0xb1: {  	v59 =	vld [tilespmem:$0x3670];
	v58 =	vbroadcast v0, $0x2;
	v57 =	vmul.f32 v50, v54;
	[tilespmem:$0x3600] =	vst v1  }
0xb2: {  	v61 =	vld [tilespmem:$0x3680];
	v60 =	vmul.f32 v52, v54;
	[tilespmem:$0x3610] =	vst v2  }
0xb3: {  	v12 =	vld [tilespmem:$0x3690];
	v63 =	vbroadcast v0, $0x3;
	v62 =	vmul.f32 v53, v58;
	[tilespmem:$0x3620] =	vst v57  }
0xb4: {  	v14 =	vld [tilespmem:$0x36A0];
	v13 =	vmul.f32 v55, v58;
	[tilespmem:$0x3630] =	vst v60  }
0xb5: {  	v17 =	vld [tilespmem:$0x36B0];
	v16 =	vbroadcast v0, $0x4;
	v15 =	vmul.f32 v56, v63;
	[tilespmem:$0x3640] =	vst v62  }
0xb6: {  	v19 =	vld [tilespmem:$0x36C0];
	v18 =	vmul.f32 v59, v63;
	[tilespmem:$0x3650] =	vst v13  }
0xb7: {  	v22 =	vld [tilespmem:$0x36D0];
	v21 =	vbroadcast v0, $0x5;
	v20 =	vmul.f32 v61, v16;
	[tilespmem:$0x3660] =	vst v15  }
0xb8: {  	v24 =	vld [tilespmem:$0x36E0];
	v23 =	vmul.f32 v12, v16;
	[tilespmem:$0x3670] =	vst v18  }
0xb9: {  	v27 =	vld [tilespmem:$0x36F0];
	v26 =	vbroadcast v0, $0x6;
	v25 =	vmul.f32 v14, v21;
	[tilespmem:$0x3680] =	vst v20  }
0xba: {  	v29 =	vld [tilespmem:$0x3700];
	v28 =	vmul.f32 v17, v21;
	[tilespmem:$0x3690] =	vst v23  }
0xbb: {  	v32 =	vld [tilespmem:$0x3710];
	v31 =	vbroadcast v0, $0x7;
	v30 =	vmul.f32 v19, v26;
	[tilespmem:$0x36A0] =	vst v25  }
0xbc: {  	v34 =	vld [tilespmem:$0x3720];
	v33 =	vmul.f32 v22, v26;
	[tilespmem:$0x36B0] =	vst v28  }
0xbd: {  	v37 =	vld [tilespmem:$0x3730];
	v36 =	vbroadcast v0, $0x8;
	v35 =	vmul.f32 v24, v31;
	[tilespmem:$0x36C0] =	vst v30  }
0xbe: {  	v39 =	vld [tilespmem:$0x3740];
	v38 =	vmul.f32 v27, v31;
	[tilespmem:$0x36D0] =	vst v33  }
0xbf: {  	v42 =	vld [tilespmem:$0x3750];
	v41 =	vbroadcast v0, $0x9;
	v40 =	vmul.f32 v29, v36;
	[tilespmem:$0x36E0] =	vst v35  }
0xc0: {  	v44 =	vld [tilespmem:$0x3760];
	v43 =	vmul.f32 v32, v36;
	[tilespmem:$0x36F0] =	vst v38  }
0xc1: {  	v47 =	vld [tilespmem:$0x3770];
	v46 =	vbroadcast v0, $0xA;
	v45 =	vmul.f32 v34, v41;
	[tilespmem:$0x3700] =	vst v40  }
0xc2: {  	v48 =	vmul.f32 v37, v41;
	v49 =	vld [tilespmem:$0x3780];
	[tilespmem:$0x3710] =	vst v43  }
0xc3: {  	v50 =	vmul.f32 v39, v46;
	v51 =	vbroadcast v0, $0xB;
	v52 =	vld [tilespmem:$0x3790];
	[tilespmem:$0x3720] =	vst v45  }
0xc4: {  	v53 =	vmul.f32 v42, v46;
	v54 =	vld [tilespmem:$0x37A0];
	[tilespmem:$0x3730] =	vst v48  }
0xc5: {  	v56 =	vbroadcast v0, $0xC;
	v59 =	vld [tilespmem:$0x37C0];
	[tilespmem:$0x3740] =	vst v50;
	v55 =	vmul.f32 v44, v51  }
0xc6: {  	v12 =	vld [tilespmem:$0x37E0];
	[tilespmem:$0x3750] =	vst v53;
	v58 =	vmul.f32 v47, v51  }
0xc7: {  	v61 =	vbroadcast v0, $0xD;
	v57 =	vld [tilespmem:$0x37B0];
	[tilespmem:$0x3760] =	vst v55;
	v60 =	vmul.f32 v49, v56  }
0xc8: {  	v14 =	vbroadcast v0, $0xE;
	v62 =	vld [tilespmem:$0x37D0];
	[tilespmem:$0x3770] =	vst v58;
	v63 =	vmul.f32 v52, v56  }
0xc9: {  	v0 =	vbroadcast v0, $0xF;
	v15 =	vld [tilespmem:$0x37F0];
	v13 =	vmul.f32 v54, v61;
	[tilespmem:$0x3780] =	vst v60  }
0xca: {  	v17 =	vmul.f32 v59, v14;
	[tilespmem:$0x3790] =	vst v63  }
0xcb: {  	v19 =	vmul.f32 v12, v0;
	[tilespmem:$0x37A0] =	vst v13  }
0xcc: {  	v16 =	vmul.f32 v57, v61;
	[tilespmem:$0x37C0] =	vst v17  }
0xcd: {  	v18 =	vmul.f32 v62, v14;
	[tilespmem:$0x37E0] =	vst v19  }
0xce: {  	v0 =	vmul.f32 v15, v0;
	[tilespmem:$0x37B0] =	vst v16  }
0xcf: {  	[tilespmem:$0x37D0] =	vst v18  }
0xd0: {  	[tilespmem:$0x37F0] =	vst v0  }
0xd1: {  	v0 =	vld [tilespmem:s1+$0x2040];
	_ =	sdelay $0x1  }
0xd2: {  	v20 =	vld [tilespmem:$0x3800]  }
0xd3: {  	v21 =	vld [tilespmem:$0x3810]  }
0xd4: {  	v22 =	vld [tilespmem:$0x3820]  }
0xd5: {  	v24 =	vld [tilespmem:$0x3830];
	v23 =	vbroadcast v0, $0x0  }
0xd6: {  	v25 =	vld [tilespmem:$0x3840]  }
0xd7: {  	v27 =	vld [tilespmem:$0x3850];
	v26 =	vbroadcast v0, $0x1;
	v1 =	vmul.f32 v23, v20  }
0xd8: {  	v28 =	vld [tilespmem:$0x3860];
	v2 =	vmul.f32 v21, v23  }
0xd9: {  	v31 =	vld [tilespmem:$0x3870];
	v30 =	vbroadcast v0, $0x2;
	v29 =	vmul.f32 v22, v26;
	[tilespmem:$0x3800] =	vst v1  }
0xda: {  	v33 =	vld [tilespmem:$0x3880];
	v32 =	vmul.f32 v24, v26;
	[tilespmem:$0x3810] =	vst v2  }
0xdb: {  	v36 =	vld [tilespmem:$0x3890];
	v35 =	vbroadcast v0, $0x3;
	v34 =	vmul.f32 v25, v30;
	[tilespmem:$0x3820] =	vst v29  }
0xdc: {  	v38 =	vld [tilespmem:$0x38A0];
	v37 =	vmul.f32 v27, v30;
	[tilespmem:$0x3830] =	vst v32  }
0xdd: {  	v41 =	vld [tilespmem:$0x38B0];
	v40 =	vbroadcast v0, $0x4;
	v39 =	vmul.f32 v28, v35;
	[tilespmem:$0x3840] =	vst v34  }
0xde: {  	v43 =	vld [tilespmem:$0x38C0];
	v42 =	vmul.f32 v31, v35;
	[tilespmem:$0x3850] =	vst v37  }
0xdf: {  	v46 =	vld [tilespmem:$0x38D0];
	v45 =	vbroadcast v0, $0x5;
	v44 =	vmul.f32 v33, v40;
	[tilespmem:$0x3860] =	vst v39  }
0xe0: {  	v48 =	vld [tilespmem:$0x38E0];
	v47 =	vmul.f32 v36, v40;
	[tilespmem:$0x3870] =	vst v42  }
0xe1: {  	v51 =	vld [tilespmem:$0x38F0];
	v50 =	vbroadcast v0, $0x6;
	v49 =	vmul.f32 v38, v45;
	[tilespmem:$0x3880] =	vst v44  }
0xe2: {  	v53 =	vld [tilespmem:$0x3900];
	v52 =	vmul.f32 v41, v45;
	[tilespmem:$0x3890] =	vst v47  }
0xe3: {  	v56 =	vld [tilespmem:$0x3910];
	v55 =	vbroadcast v0, $0x7;
	v54 =	vmul.f32 v43, v50;
	[tilespmem:$0x38A0] =	vst v49  }
0xe4: {  	v58 =	vld [tilespmem:$0x3920];
	v57 =	vmul.f32 v46, v50;
	[tilespmem:$0x38B0] =	vst v52  }
0xe5: {  	v61 =	vld [tilespmem:$0x3930];
	v60 =	vbroadcast v0, $0x8;
	v59 =	vmul.f32 v48, v55;
	[tilespmem:$0x38C0] =	vst v54  }
0xe6: {  	v63 =	vld [tilespmem:$0x3940];
	v62 =	vmul.f32 v51, v55;
	[tilespmem:$0x38D0] =	vst v57  }
0xe7: {  	v14 =	vld [tilespmem:$0x3950];
	v13 =	vbroadcast v0, $0x9;
	v12 =	vmul.f32 v53, v60;
	[tilespmem:$0x38E0] =	vst v59  }
0xe8: {  	v16 =	vld [tilespmem:$0x3960];
	v15 =	vmul.f32 v56, v60;
	[tilespmem:$0x38F0] =	vst v62  }
0xe9: {  	v19 =	vld [tilespmem:$0x3970];
	v18 =	vbroadcast v0, $0xA;
	v17 =	vmul.f32 v58, v13;
	[tilespmem:$0x3900] =	vst v12  }
0xea: {  	v20 =	vmul.f32 v61, v13;
	v21 =	vld [tilespmem:$0x3980];
	[tilespmem:$0x3910] =	vst v15  }
0xeb: {  	v22 =	vmul.f32 v63, v18;
	v23 =	vbroadcast v0, $0xB;
	v24 =	vld [tilespmem:$0x3990];
	[tilespmem:$0x3920] =	vst v17  }
0xec: {  	v25 =	vmul.f32 v14, v18;
	v26 =	vld [tilespmem:$0x39A0];
	[tilespmem:$0x3930] =	vst v20  }
0xed: {  	v28 =	vbroadcast v0, $0xC;
	v31 =	vld [tilespmem:$0x39C0];
	[tilespmem:$0x3940] =	vst v22;
	v27 =	vmul.f32 v16, v23  }
0xee: {  	v36 =	vld [tilespmem:$0x39E0];
	[tilespmem:$0x3950] =	vst v25;
	v30 =	vmul.f32 v19, v23  }
0xef: {  	v33 =	vbroadcast v0, $0xD;
	v29 =	vld [tilespmem:$0x39B0];
	[tilespmem:$0x3960] =	vst v27;
	v32 =	vmul.f32 v21, v28  }
0xf0: {  	v38 =	vbroadcast v0, $0xE;
	v34 =	vld [tilespmem:$0x39D0];
	[tilespmem:$0x3970] =	vst v30;
	v35 =	vmul.f32 v24, v28  }
0xf1: {  	v0 =	vbroadcast v0, $0xF;
	v39 =	vld [tilespmem:$0x39F0];
	v37 =	vmul.f32 v26, v33;
	[tilespmem:$0x3980] =	vst v32  }
0xf2: {  	v41 =	vmul.f32 v31, v38;
	[tilespmem:$0x3990] =	vst v35  }
0xf3: {  	v43 =	vmul.f32 v36, v0;
	[tilespmem:$0x39A0] =	vst v37  }
0xf4: {  	v40 =	vmul.f32 v29, v33;
	[tilespmem:$0x39C0] =	vst v41  }
0xf5: {  	v42 =	vmul.f32 v34, v38;
	[tilespmem:$0x39E0] =	vst v43  }
0xf6: {  	v0 =	vmul.f32 v39, v0;
	[tilespmem:$0x39B0] =	vst v40  }
0xf7: {  	[tilespmem:$0x39D0] =	vst v42  }
0xf8: {  	[tilespmem:$0x39F0] =	vst v0  }
0xf9: {  	v0 =	vld [tilespmem:s1+$0x2050];
	_ =	sdelay $0x1  }
0xfa: {  	v44 =	vld [tilespmem:$0x3A00]  }
0xfb: {  	v45 =	vld [tilespmem:$0x3A10]  }
0xfc: {  	v46 =	vld [tilespmem:$0x3A20]  }
0xfd: {  	v48 =	vld [tilespmem:$0x3A30];
	v47 =	vbroadcast v0, $0x0  }
0xfe: {  	v49 =	vld [tilespmem:$0x3A40]  }
0xff: {  	v51 =	vld [tilespmem:$0x3A50];
	v50 =	vbroadcast v0, $0x1;
	v1 =	vmul.f32 v47, v44  }
0x100: {  	v52 =	vld [tilespmem:$0x3A60];
	v2 =	vmul.f32 v45, v47  }
0x101: {  	v55 =	vld [tilespmem:$0x3A70];
	v54 =	vbroadcast v0, $0x2;
	v53 =	vmul.f32 v46, v50;
	[tilespmem:$0x3A00] =	vst v1  }
0x102: {  	v57 =	vld [tilespmem:$0x3A80];
	v56 =	vmul.f32 v48, v50;
	[tilespmem:$0x3A10] =	vst v2  }
0x103: {  	v60 =	vld [tilespmem:$0x3A90];
	v59 =	vbroadcast v0, $0x3;
	v58 =	vmul.f32 v49, v54;
	[tilespmem:$0x3A20] =	vst v53  }
0x104: {  	v62 =	vld [tilespmem:$0x3AA0];
	v61 =	vmul.f32 v51, v54;
	[tilespmem:$0x3A30] =	vst v56  }
0x105: {  	v13 =	vld [tilespmem:$0x3AB0];
	v12 =	vbroadcast v0, $0x4;
	v63 =	vmul.f32 v52, v59;
	[tilespmem:$0x3A40] =	vst v58  }
0x106: {  	v15 =	vld [tilespmem:$0x3AC0];
	v14 =	vmul.f32 v55, v59;
	[tilespmem:$0x3A50] =	vst v61  }
0x107: {  	v18 =	vld [tilespmem:$0x3AD0];
	v17 =	vbroadcast v0, $0x5;
	v16 =	vmul.f32 v57, v12;
	[tilespmem:$0x3A60] =	vst v63  }
0x108: {  	v20 =	vld [tilespmem:$0x3AE0];
	v19 =	vmul.f32 v60, v12;
	[tilespmem:$0x3A70] =	vst v14  }
0x109: {  	v23 =	vld [tilespmem:$0x3AF0];
	v22 =	vbroadcast v0, $0x6;
	v21 =	vmul.f32 v62, v17;
	[tilespmem:$0x3A80] =	vst v16  }
0x10a: {  	v25 =	vld [tilespmem:$0x3B00];
	v24 =	vmul.f32 v13, v17;
	[tilespmem:$0x3A90] =	vst v19  }
0x10b: {  	v28 =	vld [tilespmem:$0x3B10];
	v27 =	vbroadcast v0, $0x7;
	v26 =	vmul.f32 v15, v22;
	[tilespmem:$0x3AA0] =	vst v21  }
0x10c: {  	v30 =	vld [tilespmem:$0x3B20];
	v29 =	vmul.f32 v18, v22;
	[tilespmem:$0x3AB0] =	vst v24  }
0x10d: {  	v33 =	vld [tilespmem:$0x3B30];
	v32 =	vbroadcast v0, $0x8;
	v31 =	vmul.f32 v20, v27;
	[tilespmem:$0x3AC0] =	vst v26  }
0x10e: {  	v35 =	vld [tilespmem:$0x3B40];
	v34 =	vmul.f32 v23, v27;
	[tilespmem:$0x3AD0] =	vst v29  }
0x10f: {  	v38 =	vld [tilespmem:$0x3B50];
	v37 =	vbroadcast v0, $0x9;
	v36 =	vmul.f32 v25, v32;
	[tilespmem:$0x3AE0] =	vst v31  }
0x110: {  	v40 =	vld [tilespmem:$0x3B60];
	v39 =	vmul.f32 v28, v32;
	[tilespmem:$0x3AF0] =	vst v34  }
0x111: {  	v43 =	vld [tilespmem:$0x3B70];
	v42 =	vbroadcast v0, $0xA;
	v41 =	vmul.f32 v30, v37;
	[tilespmem:$0x3B00] =	vst v36  }
0x112: {  	v44 =	vmul.f32 v33, v37;
	v45 =	vld [tilespmem:$0x3B80];
	[tilespmem:$0x3B10] =	vst v39  }
0x113: {  	v46 =	vmul.f32 v35, v42;
	v47 =	vbroadcast v0, $0xB;
	v48 =	vld [tilespmem:$0x3B90];
	[tilespmem:$0x3B20] =	vst v41  }
0x114: {  	v49 =	vmul.f32 v38, v42;
	v50 =	vld [tilespmem:$0x3BA0];
	[tilespmem:$0x3B30] =	vst v44  }
0x115: {  	v52 =	vbroadcast v0, $0xC;
	v55 =	vld [tilespmem:$0x3BC0];
	[tilespmem:$0x3B40] =	vst v46;
	v51 =	vmul.f32 v40, v47  }
0x116: {  	v60 =	vld [tilespmem:$0x3BE0];
	[tilespmem:$0x3B50] =	vst v49;
	v54 =	vmul.f32 v43, v47  }
0x117: {  	v57 =	vbroadcast v0, $0xD;
	v53 =	vld [tilespmem:$0x3BB0];
	[tilespmem:$0x3B60] =	vst v51;
	v56 =	vmul.f32 v45, v52  }
0x118: {  	v62 =	vbroadcast v0, $0xE;
	v58 =	vld [tilespmem:$0x3BD0];
	[tilespmem:$0x3B70] =	vst v54;
	v59 =	vmul.f32 v48, v52  }
0x119: {  	v0 =	vbroadcast v0, $0xF;
	v63 =	vld [tilespmem:$0x3BF0];
	v61 =	vmul.f32 v50, v57;
	[tilespmem:$0x3B80] =	vst v56  }
0x11a: {  	v13 =	vmul.f32 v55, v62;
	[tilespmem:$0x3B90] =	vst v59  }
0x11b: {  	v15 =	vmul.f32 v60, v0;
	[tilespmem:$0x3BA0] =	vst v61  }
0x11c: {  	v12 =	vmul.f32 v53, v57;
	[tilespmem:$0x3BC0] =	vst v13  }
0x11d: {  	v14 =	vmul.f32 v58, v62;
	[tilespmem:$0x3BE0] =	vst v15  }
0x11e: {  	v0 =	vmul.f32 v63, v0;
	[tilespmem:$0x3BB0] =	vst v12  }
0x11f: {  	[tilespmem:$0x3BD0] =	vst v14  }
0x120: {  	[tilespmem:$0x3BF0] =	vst v0  }
0x121: {  	v0 =	vld [tilespmem:s1+$0x2060];
	_ =	sdelay $0x1  }
0x122: {  	v16 =	vld [tilespmem:$0x3C00]  }
0x123: {  	v17 =	vld [tilespmem:$0x3C10]  }
0x124: {  	v18 =	vld [tilespmem:$0x3C20]  }
0x125: {  	v20 =	vld [tilespmem:$0x3C30];
	v19 =	vbroadcast v0, $0x0  }
0x126: {  	v21 =	vld [tilespmem:$0x3C40]  }
0x127: {  	v23 =	vld [tilespmem:$0x3C50];
	v22 =	vbroadcast v0, $0x1;
	v1 =	vmul.f32 v19, v16  }
0x128: {  	v24 =	vld [tilespmem:$0x3C60];
	v2 =	vmul.f32 v17, v19  }
0x129: {  	v27 =	vld [tilespmem:$0x3C70];
	v26 =	vbroadcast v0, $0x2;
	v25 =	vmul.f32 v18, v22;
	[tilespmem:$0x3C00] =	vst v1  }
0x12a: {  	v29 =	vld [tilespmem:$0x3C80];
	v28 =	vmul.f32 v20, v22;
	[tilespmem:$0x3C10] =	vst v2  }
0x12b: {  	v32 =	vld [tilespmem:$0x3C90];
	v31 =	vbroadcast v0, $0x3;
	v30 =	vmul.f32 v21, v26;
	[tilespmem:$0x3C20] =	vst v25  }
0x12c: {  	v34 =	vld [tilespmem:$0x3CA0];
	v33 =	vmul.f32 v23, v26;
	[tilespmem:$0x3C30] =	vst v28  }
0x12d: {  	v37 =	vld [tilespmem:$0x3CB0];
	v36 =	vbroadcast v0, $0x4;
	v35 =	vmul.f32 v24, v31;
	[tilespmem:$0x3C40] =	vst v30  }
0x12e: {  	v39 =	vld [tilespmem:$0x3CC0];
	v38 =	vmul.f32 v27, v31;
	[tilespmem:$0x3C50] =	vst v33  }
0x12f: {  	v42 =	vld [tilespmem:$0x3CD0];
	v41 =	vbroadcast v0, $0x5;
	v40 =	vmul.f32 v29, v36;
	[tilespmem:$0x3C60] =	vst v35  }
0x130: {  	v44 =	vld [tilespmem:$0x3CE0];
	v43 =	vmul.f32 v32, v36;
	[tilespmem:$0x3C70] =	vst v38  }
0x131: {  	v47 =	vld [tilespmem:$0x3CF0];
	v46 =	vbroadcast v0, $0x6;
	v45 =	vmul.f32 v34, v41;
	[tilespmem:$0x3C80] =	vst v40  }
0x132: {  	v49 =	vld [tilespmem:$0x3D00];
	v48 =	vmul.f32 v37, v41;
	[tilespmem:$0x3C90] =	vst v43  }
0x133: {  	v52 =	vld [tilespmem:$0x3D10];
	v51 =	vbroadcast v0, $0x7;
	v50 =	vmul.f32 v39, v46;
	[tilespmem:$0x3CA0] =	vst v45  }
0x134: {  	v54 =	vld [tilespmem:$0x3D20];
	v53 =	vmul.f32 v42, v46;
	[tilespmem:$0x3CB0] =	vst v48  }
0x135: {  	v57 =	vld [tilespmem:$0x3D30];
	v56 =	vbroadcast v0, $0x8;
	v55 =	vmul.f32 v44, v51;
	[tilespmem:$0x3CC0] =	vst v50  }
0x136: {  	v59 =	vld [tilespmem:$0x3D40];
	v58 =	vmul.f32 v47, v51;
	[tilespmem:$0x3CD0] =	vst v53  }
0x137: {  	v62 =	vld [tilespmem:$0x3D50];
	v61 =	vbroadcast v0, $0x9;
	v60 =	vmul.f32 v49, v56;
	[tilespmem:$0x3CE0] =	vst v55  }
0x138: {  	v12 =	vld [tilespmem:$0x3D60];
	v63 =	vmul.f32 v52, v56;
	[tilespmem:$0x3CF0] =	vst v58  }
0x139: {  	v15 =	vld [tilespmem:$0x3D70];
	v14 =	vbroadcast v0, $0xA;
	v13 =	vmul.f32 v54, v61;
	[tilespmem:$0x3D00] =	vst v60  }
0x13a: {  	v16 =	vmul.f32 v57, v61;
	v17 =	vld [tilespmem:$0x3D80];
	[tilespmem:$0x3D10] =	vst v63  }
0x13b: {  	v18 =	vmul.f32 v59, v14;
	v19 =	vbroadcast v0, $0xB;
	v20 =	vld [tilespmem:$0x3D90];
	[tilespmem:$0x3D20] =	vst v13  }
0x13c: {  	v21 =	vmul.f32 v62, v14;
	v22 =	vld [tilespmem:$0x3DA0];
	[tilespmem:$0x3D30] =	vst v16  }
0x13d: {  	v24 =	vbroadcast v0, $0xC;
	v27 =	vld [tilespmem:$0x3DC0];
	[tilespmem:$0x3D40] =	vst v18;
	v23 =	vmul.f32 v12, v19  }
0x13e: {  	v32 =	vld [tilespmem:$0x3DE0];
	[tilespmem:$0x3D50] =	vst v21;
	v26 =	vmul.f32 v15, v19  }
0x13f: {  	v29 =	vbroadcast v0, $0xD;
	v25 =	vld [tilespmem:$0x3DB0];
	[tilespmem:$0x3D60] =	vst v23;
	v28 =	vmul.f32 v17, v24  }
0x140: {  	v34 =	vbroadcast v0, $0xE;
	v30 =	vld [tilespmem:$0x3DD0];
	[tilespmem:$0x3D70] =	vst v26;
	v31 =	vmul.f32 v20, v24  }
0x141: {  	v0 =	vbroadcast v0, $0xF;
	v35 =	vld [tilespmem:$0x3DF0];
	v33 =	vmul.f32 v22, v29;
	[tilespmem:$0x3D80] =	vst v28  }
0x142: {  	v37 =	vmul.f32 v27, v34;
	[tilespmem:$0x3D90] =	vst v31  }
0x143: {  	v39 =	vmul.f32 v32, v0;
	[tilespmem:$0x3DA0] =	vst v33  }
0x144: {  	v36 =	vmul.f32 v25, v29;
	[tilespmem:$0x3DC0] =	vst v37  }
0x145: {  	v38 =	vmul.f32 v30, v34;
	[tilespmem:$0x3DE0] =	vst v39  }
0x146: {  	v0 =	vmul.f32 v35, v0;
	[tilespmem:$0x3DB0] =	vst v36  }
0x147: {  	[tilespmem:$0x3DD0] =	vst v38  }
0x148: {  	[tilespmem:$0x3DF0] =	vst v0  }
0x149: {  	v0 =	vld [tilespmem:s1+$0x2070];
	_ =	sdelay $0x1  }
0x14a: {  	v40 =	vld [tilespmem:$0x3E00]  }
0x14b: {  	v41 =	vld [tilespmem:$0x3E10]  }
0x14c: {  	v42 =	vld [tilespmem:$0x3E20]  }
0x14d: {  	v44 =	vld [tilespmem:$0x3E30];
	v43 =	vbroadcast v0, $0x0  }
0x14e: {  	v45 =	vld [tilespmem:$0x3E40]  }
0x14f: {  	v47 =	vld [tilespmem:$0x3E50];
	v46 =	vbroadcast v0, $0x1;
	v1 =	vmul.f32 v43, v40  }
0x150: {  	v48 =	vld [tilespmem:$0x3E60];
	v2 =	vmul.f32 v41, v43  }
0x151: {  	v51 =	vld [tilespmem:$0x3E70];
	v50 =	vbroadcast v0, $0x2;
	v49 =	vmul.f32 v42, v46;
	[tilespmem:$0x3E00] =	vst v1  }
0x152: {  	v53 =	vld [tilespmem:$0x3E80];
	v52 =	vmul.f32 v44, v46;
	[tilespmem:$0x3E10] =	vst v2  }
0x153: {  	v56 =	vld [tilespmem:$0x3E90];
	v55 =	vbroadcast v0, $0x3;
	v54 =	vmul.f32 v45, v50;
	[tilespmem:$0x3E20] =	vst v49  }
0x154: {  	v58 =	vld [tilespmem:$0x3EA0];
	v57 =	vmul.f32 v47, v50;
	[tilespmem:$0x3E30] =	vst v52  }
0x155: {  	v61 =	vld [tilespmem:$0x3EB0];
	v60 =	vbroadcast v0, $0x4;
	v59 =	vmul.f32 v48, v55;
	[tilespmem:$0x3E40] =	vst v54  }
0x156: {  	v63 =	vld [tilespmem:$0x3EC0];
	v62 =	vmul.f32 v51, v55;
	[tilespmem:$0x3E50] =	vst v57  }
0x157: {  	v14 =	vld [tilespmem:$0x3ED0];
	v13 =	vbroadcast v0, $0x5;
	v12 =	vmul.f32 v53, v60;
	[tilespmem:$0x3E60] =	vst v59  }
0x158: {  	v16 =	vld [tilespmem:$0x3EE0];
	v15 =	vmul.f32 v56, v60;
	[tilespmem:$0x3E70] =	vst v62  }
0x159: {  	v19 =	vld [tilespmem:$0x3EF0];
	v18 =	vbroadcast v0, $0x6;
	v17 =	vmul.f32 v58, v13;
	[tilespmem:$0x3E80] =	vst v12  }
0x15a: {  	v21 =	vld [tilespmem:$0x3F00];
	v20 =	vmul.f32 v61, v13;
	[tilespmem:$0x3E90] =	vst v15  }
0x15b: {  	v24 =	vld [tilespmem:$0x3F10];
	v23 =	vbroadcast v0, $0x7;
	v22 =	vmul.f32 v63, v18;
	[tilespmem:$0x3EA0] =	vst v17  }
0x15c: {  	v26 =	vld [tilespmem:$0x3F20];
	v25 =	vmul.f32 v14, v18;
	[tilespmem:$0x3EB0] =	vst v20  }
0x15d: {  	v29 =	vld [tilespmem:$0x3F30];
	v28 =	vbroadcast v0, $0x8;
	v27 =	vmul.f32 v16, v23;
	[tilespmem:$0x3EC0] =	vst v22  }
0x15e: {  	v31 =	vld [tilespmem:$0x3F40];
	v30 =	vmul.f32 v19, v23;
	[tilespmem:$0x3ED0] =	vst v25  }
0x15f: {  	v34 =	vld [tilespmem:$0x3F50];
	v33 =	vbroadcast v0, $0x9;
	v32 =	vmul.f32 v21, v28;
	[tilespmem:$0x3EE0] =	vst v27  }
0x160: {  	v36 =	vld [tilespmem:$0x3F60];
	v35 =	vmul.f32 v24, v28;
	[tilespmem:$0x3EF0] =	vst v30  }
0x161: {  	v39 =	vld [tilespmem:$0x3F70];
	v38 =	vbroadcast v0, $0xA;
	v37 =	vmul.f32 v26, v33;
	[tilespmem:$0x3F00] =	vst v32  }
0x162: {  	v40 =	vmul.f32 v29, v33;
	v41 =	vld [tilespmem:$0x3F80];
	[tilespmem:$0x3F10] =	vst v35  }
0x163: {  	v42 =	vmul.f32 v31, v38;
	v43 =	vbroadcast v0, $0xB;
	v44 =	vld [tilespmem:$0x3F90];
	[tilespmem:$0x3F20] =	vst v37  }
0x164: {  	v45 =	vmul.f32 v34, v38;
	v46 =	vld [tilespmem:$0x3FA0];
	[tilespmem:$0x3F30] =	vst v40  }
0x165: {  	v48 =	vbroadcast v0, $0xC;
	v51 =	vld [tilespmem:$0x3FC0];
	[tilespmem:$0x3F40] =	vst v42;
	v47 =	vmul.f32 v36, v43  }
0x166: {  	v56 =	vld [tilespmem:$0x3FE0];
	[tilespmem:$0x3F50] =	vst v45;
	v50 =	vmul.f32 v39, v43  }
0x167: {  	v53 =	vbroadcast v0, $0xD;
	v49 =	vld [tilespmem:$0x3FB0];
	[tilespmem:$0x3F60] =	vst v47;
	v52 =	vmul.f32 v41, v48  }
0x168: {  	v58 =	vbroadcast v0, $0xE;
	v54 =	vld [tilespmem:$0x3FD0];
	[tilespmem:$0x3F70] =	vst v50;
	v55 =	vmul.f32 v44, v48  }
0x169: {  	v0 =	vbroadcast v0, $0xF;
	v59 =	vld [tilespmem:$0x3FF0];
	v57 =	vmul.f32 v46, v53;
	[tilespmem:$0x3F80] =	vst v52  }
0x16a: {  	v61 =	vmul.f32 v51, v58;
	[tilespmem:$0x3F90] =	vst v55  }
0x16b: {  	v63 =	vmul.f32 v56, v0;
	[tilespmem:$0x3FA0] =	vst v57  }
0x16c: {  	v60 =	vmul.f32 v49, v53;
	[tilespmem:$0x3FC0] =	vst v61  }
0x16d: {  	v62 =	vmul.f32 v54, v58;
	[tilespmem:$0x3FE0] =	vst v63  }
0x16e: {  	v0 =	vmul.f32 v59, v0;
	[tilespmem:$0x3FB0] =	vst v60  }
0x16f: {  	p0 =	sne.s32 s0, $0x3E00;
	[tilespmem:$0x3FD0] =	vst v62  }
.Ltmp0:
0x170: {  	s1 =	sadd.s32 $0x1000, s1;
	[tilespmem:$0x3FF0] =	vst v0;
	(pc) =	sbr.rel @p0 .LBB2_2-.Ltmp0, $4  }
0x171: {  	[spmem:s2] =	stream.indirect.scatter.add.f32 [tilespmem:s28], [sflag:$0x2], $0x20, s1, s26, $0xb8;
	[tilespmem:$0xD400] =	vst v63  }
0x172: {  	_ =	swait.ge [sflag:s23], $0x1000  }
0x173: {  	[sflag:s23] =	ssyncset.done $0x0  }
0x174: {  	s0 =	sadd.s32 $0x200, s0;
	[sflag:s23] =	ssyncadd.s32 $0xFFFFF000  }
0x175: {  	[tilespmem:s30], [sflag:$0x2] =	stream.linear.gather [hbm4b:s11+s3], $0x400, $0x38;
	[tilespmem:$0xD400] =	vst v63  }
0x176: {  	_ =	swait.ge [sflag:s23], $0x400  }
0x177: {  	[sflag:s23] =	ssyncset.done $0x0  }
0x178: {  	[sflag:s23] =	ssyncadd.s32 $0xFFFFFC00  }
0x179: {  	[tilespmem:s31], [sflag:$0x1] =	stream.indirect.gather [hbm4b:s4+s26], $0x20, s30, s26, $0xb8;
	[tilespmem:$0xD400] =	vst v63  }
0x17a: {  	_ =	swait.ge [sflag:s29], $0x1000  }
0x17b: {  	[sflag:s29] =	ssyncset.done $0x0  }
0x17c: {  	[sflag:s29] =	ssyncadd.s32 $0xFFFFF000  }
0x17d: {  	[hbm4b:s14+s3] =	stream.linear.scatter [tilespmem:s31], [sflag:$0x2], $0x1000, $0x38;
	[tilespmem:$0xD400] =	vst v63  }
0x17e: {  	_ =	swait.ge [sflag:s23], $0x1000  }
0x17f: {  	[sflag:s23] =	ssyncset.done $0x0  }
0x180: {  	s0 =	simm.s32 $0x4080;
	[sflag:s23] =	ssyncadd.s32 $0xFFFFF000  }
0x181: {  	[tilespmem:s31], [sflag:$0x1] =	stream.indirect.gather [hbm4b:s4+s26], $0x20, s0, s26, $0xb8;
	[tilespmem:$0xD400] =	vst v63  }
0x182: {  	_ =	swait.ge [sflag:s29], $0x1000  }
0x183: {  	[sflag:s29] =	ssyncset.done $0x0  }
0x184: {  	[sflag:s29] =	ssyncadd.s32 $0xFFFFF000  }
0x185: {  	[hbm4b:s15+s3] =	stream.linear.scatter [tilespmem:s31], [sflag:$0x2], $0x1000, $0x38;
	[tilespmem:$0xD400] =	vst v63  }
0x186: {  	_ =	swait.ge [sflag:s23], $0x1000  }
0x187: {  	[sflag:s23] =	ssyncset.done $0x0  }
0x188: {  	s1 =	simm.s32 $0x4100;
	[sflag:s23] =	ssyncadd.s32 $0xFFFFF000  }
0x189: {  	[tilespmem:s31], [sflag:$0x1] =	stream.indirect.gather [hbm4b:s4+s26], $0x20, s1, s26, $0xb8;
	[tilespmem:$0xD400] =	vst v63  }
0x18a: {  	_ =	swait.ge [sflag:s29], $0x1000  }
0x18b: {  	[sflag:s29] =	ssyncset.done $0x0  }
0x18c: {  	[sflag:s29] =	ssyncadd.s32 $0xFFFFF000  }
0x18d: {  	[hbm4b:s16+s3] =	stream.linear.scatter [tilespmem:s31], [sflag:$0x2], $0x1000, $0x38;
	[tilespmem:$0xD400] =	vst v63  }
0x18e: {  	_ =	swait.ge [sflag:s23], $0x1000  }
0x18f: {  	[sflag:s23] =	ssyncset.done $0x0  }
0x190: {  	s1 =	simm.s32 $0x4180;
	[sflag:s23] =	ssyncadd.s32 $0xFFFFF000  }
0x191: {  	[tilespmem:s31], [sflag:$0x1] =	stream.indirect.gather [hbm4b:s4+s26], $0x20, s1, s26, $0xb8;
	[tilespmem:$0xD400] =	vst v63  }
0x192: {  	_ =	swait.ge [sflag:s29], $0x1000  }
0x193: {  	[sflag:s29] =	ssyncset.done $0x0  }
0x194: {  	[sflag:s29] =	ssyncadd.s32 $0xFFFFF000  }
0x195: {  	[hbm4b:s17+s3] =	stream.linear.scatter [tilespmem:s31], [sflag:$0x2], $0x1000, $0x38;
	[tilespmem:$0xD400] =	vst v63  }
0x196: {  	_ =	swait.ge [sflag:s23], $0x1000  }
0x197: {  	[sflag:s23] =	ssyncset.done $0x0  }
0x198: {  	s1 =	simm.s32 $0x4200;
	[sflag:s23] =	ssyncadd.s32 $0xFFFFF000  }
0x199: {  	[tilespmem:s31], [sflag:$0x1] =	stream.indirect.gather [hbm4b:s4+s26], $0x20, s1, s26, $0xb8;
	[tilespmem:$0xD400] =	vst v63  }
0x19a: {  	_ =	swait.ge [sflag:s29], $0x1000  }
0x19b: {  	[sflag:s29] =	ssyncset.done $0x0  }
0x19c: {  	[sflag:s29] =	ssyncadd.s32 $0xFFFFF000  }
0x19d: {  	[hbm4b:s18+s3] =	stream.linear.scatter [tilespmem:s31], [sflag:$0x2], $0x1000, $0x38;
	[tilespmem:$0xD400] =	vst v63  }
0x19e: {  	_ =	swait.ge [sflag:s23], $0x1000  }
0x19f: {  	[sflag:s23] =	ssyncset.done $0x0  }
0x1a0: {  	s1 =	simm.s32 $0x4280;
	[sflag:s23] =	ssyncadd.s32 $0xFFFFF000  }
0x1a1: {  	[tilespmem:s31], [sflag:$0x1] =	stream.indirect.gather [hbm4b:s4+s26], $0x20, s1, s26, $0xb8;
	[tilespmem:$0xD400] =	vst v63  }
0x1a2: {  	_ =	swait.ge [sflag:s29], $0x1000  }
0x1a3: {  	[sflag:s29] =	ssyncset.done $0x0  }
0x1a4: {  	[sflag:s29] =	ssyncadd.s32 $0xFFFFF000  }
0x1a5: {  	[hbm4b:s19+s3] =	stream.linear.scatter [tilespmem:s31], [sflag:$0x2], $0x1000, $0x38;
	[tilespmem:$0xD400] =	vst v63  }
0x1a6: {  	_ =	swait.ge [sflag:s23], $0x1000  }
0x1a7: {  	[sflag:s23] =	ssyncset.done $0x0  }
0x1a8: {  	s1 =	simm.s32 $0x4300;
	[sflag:s23] =	ssyncadd.s32 $0xFFFFF000  }
0x1a9: {  	[tilespmem:s31], [sflag:$0x1] =	stream.indirect.gather [hbm4b:s4+s26], $0x20, s1, s26, $0xb8;
	[tilespmem:$0xD400] =	vst v63  }
0x1aa: {  	_ =	swait.ge [sflag:s29], $0x1000  }
0x1ab: {  	[sflag:s29] =	ssyncset.done $0x0  }
0x1ac: {  	[sflag:s29] =	ssyncadd.s32 $0xFFFFF000  }
0x1ad: {  	[hbm4b:s20+s3] =	stream.linear.scatter [tilespmem:s31], [sflag:$0x2], $0x1000, $0x38;
	[tilespmem:$0xD400] =	vst v63  }
0x1ae: {  	_ =	swait.ge [sflag:s23], $0x1000  }
0x1af: {  	[sflag:s23] =	ssyncset.done $0x0  }
0x1b0: {  	[sflag:s23] =	ssyncadd.s32 $0xFFFFF000  }
0x1b1: {  	[tilespmem:s31], [sflag:$0x1] =	stream.indirect.gather [hbm4b:s4+s26], $0x20, s24, s26, $0xb8;
	[tilespmem:$0xD400] =	vst v63  }
0x1b2: {  	_ =	swait.ge [sflag:s29], $0x1000  }
0x1b3: {  	[sflag:s29] =	ssyncset.done $0x0  }
0x1b4: {  	[sflag:s29] =	ssyncadd.s32 $0xFFFFF000  }
0x1b5: {  	[hbm4b:s21+s3] =	stream.linear.scatter [tilespmem:s31], [sflag:$0x2], $0x1000, $0x38;
	[tilespmem:$0xD400] =	vst v63  }
0x1b6: {  	_ =	swait.ge [sflag:s23], $0x1000  }
0x1b7: {  	s25 =	sadd.s32 $0x1, s25;
	[sflag:s23] =	ssyncset.done $0x0  }
0x1b8: {  	p0 =	sne.s32 s25, s13;
	[sflag:s23] =	ssyncadd.s32 $0xFFFFF000  }
.Ltmp1:
0x1b9: {  	[bflag:$0x0] =	sbarrier.arrive $0xFFFF;
	(pc) =	sbr.rel @p0 .LBB2_1-.Ltmp1, $4  }
0x1ba: {  	[hbm:s12], [sflag:s7] =	dma.local [spmem:s22], $0x1000  }
0x1bb: {  	_ =	swait.ge [sflag:s23], $0x1000  }
0x1bc: {  	[sflag:s23] =	ssyncset.done $0x0  }
0x1bd: {  	[sflag:s23] =	ssyncadd.s32 $0xFFFFF000  }
0x1be: {  	_ =	sfence.sel $0x180000  }
0x1bf: {  	[bflag:$0x0] =	sbarrier.arrive $0xFFFF  }
0x1c0: {  	_ =	strace $0x90000047  }
0x1c1: {  	s0 =	stileid.u32;
	[bflag:$0x2] =	sbarrier.arrive $0xFFFF  }
0x1c2: {  	p0 =	sne.s32 s0, $0x0;
	s0 =	rddreg [dreg:$0x3]  }
0x1c3: {  	s0 =	sadd.s32 @!p0 $0x100000, s0  }
0x1c4: {  	[sflag:s0] =	ssyncadd.tile.s32 @!p0 $0x1;
	_ =	shalt  }
.Lfunc_end2:
_tile_overlayer_lowered:
.L_overlay_start_2:
0x1c5: {  	(tag) =	ssettag $0x2  }
0x1c6: {  	s0 =	rddreg [dreg:$0x0];
	s2 =	stileid.u32  }
0x1c7: {  	s1 =	rddreg [dreg:$0x1];
	p0 =	sne.s32 s2, $0x0  }
0x1c8: {  	s3 =	rddreg [dreg:$0x2];
	[bflag:$0x3] =	sbarrier.arrive $0xFFFF;
	s2 =	simm.s32 @!p0 $0x1C02  }
0x1c9: {  	[timem:s3], [sflag:s2] =	dma.local @!p0 [hbm:s0], s1  }
0x1ca: {  	s0 =	simm.s32 @!p0 $0x2  }
0x1cb: {  	_ =	swait.ge @!p0 [sflag:s0], s1  }
0x1cc: {  	s1 =	ssub.s32 @!p0 $0x0, s1;
	[sflag:s0] =	ssyncset.done @!p0 $0x0  }
0x1cd: {  	[sflag:s0] =	ssyncadd.s32 @!p0 s1  }
0x1ce: {  	[bflag:$0x3] =	sbarrier.arrive $0xFFFF  }
0x1cf: {  	_ =	shalt  }

</sc_bundles>
